<compile_context>
chip_gen: v7x
topology: tpu7x:2x2x1
jax: 0.10.2.dev20260603
libtpu: 0.0.44.dev20260713+nightly
codegen_flags: <defaults>
</compile_context>

<pallas_src>
import functools

import jax
import jax.numpy as jnp
from jax import lax
from jax.experimental import pallas as pl
from jax.experimental.pallas import tpu as pltpu
from jax.experimental.pallas import tpu_sc as plsc

N_BINS = 15
NC = 2
NS = 16
NW = NC * NS
LANES = 16
HSLOTS = N_BINS * LANES
NCOPY = 16
HPAD = (N_BINS + 1) * LANES

TC_COLS = 1024
TC_ROWS = 512
TC_ACC_ROWS = N_BINS * 8


def _sc_hist_call(n_sc):
    per_w = n_sc // NW
    ch = 16384
    assert per_w % (2 * ch) == 0
    n_chunks = per_w // ch
    n_vecs = ch // LANES

    mesh = plsc.VectorSubcoreMesh(
        core_axis_name="c", subcore_axis_name="s",
        num_cores=NC, num_subcores=NS)

    @functools.partial(
        pl.kernel,
        out_type=jax.ShapeDtypeStruct((NW, HSLOTS), jnp.float32),
        mesh=mesh,
        scratch_types=[
            pltpu.VMEM((ch,), jnp.float32),
            pltpu.VMEM((ch,), jnp.float32),
            pltpu.VMEM((ch,), jnp.int32),
            pltpu.VMEM((ch,), jnp.int32),
            pltpu.VMEM((NCOPY * HPAD,), jnp.float32),
            pltpu.VMEM((HSLOTS,), jnp.float32),
            pltpu.SemaphoreType.DMA,
            pltpu.SemaphoreType.DMA,
        ],
        compiler_params=pltpu.CompilerParams(
            needs_layout_passes=False, disable_bounds_checks=True),
    )
    def sc_hist(log_hbm, lab_hbm, outf_hbm,
                lb0, lb1, ab0, ab1, hist_f, hout_f, sem0, sem1):
        wid = lax.axis_index("s") * NC + lax.axis_index("c")
        base = wid * per_w
        lane = lax.iota(jnp.int32, 16)
        lanes_k = [lane + k * HPAD for k in range(NCOPY)]
        lbufs, abufs, sems = (lb0, lb1), (ab0, ab1), (sem0, sem1)

        for r in range((N_BINS + 1) * NCOPY):
            hist_f[pl.ds(r * LANES, LANES)] = jnp.zeros((LANES,), jnp.float32)

        def start(g, b):
            pltpu.async_copy(log_hbm.at[pl.ds(base + g * ch, ch)], lbufs[b], sems[b])
            pltpu.async_copy(lab_hbm.at[pl.ds(base + g * ch, ch)], abufs[b], sems[b])

        def wait(b):
            pltpu.make_async_copy(log_hbm.at[pl.ds(0, ch)], lbufs[b], sems[b]).wait()
            pltpu.make_async_copy(lab_hbm.at[pl.ds(0, ch)], abufs[b], sems[b]).wait()

        def compute(b):
            lbuf, abuf = lbufs[b], abufs[b]

            def group_body(i, carry):
                for k in range(NCOPY):
                    off = i * (LANES * NCOPY) + k * LANES
                    x = lbuf[pl.ds(off, LANES)]
                    lab = abuf[pl.ds(off, LANES)]
                    conf = 1.0 / (1.0 + jnp.exp(-x))
                    idx = jnp.minimum((conf * 15.0).astype(jnp.int32), 14)
                    idx = jnp.where(conf > 0.0, idx, N_BINS)
                    addr = idx * LANES + lanes_k[k]
                    plsc.addupdate_scatter(hist_f, [addr],
                                           conf - lab.astype(jnp.float32))
                return carry

            lax.fori_loop(0, n_vecs // NCOPY, group_body, None)

        start(0, 0)
        start(1, 1)

        def pair_body(p, carry):
            for b in range(2):
                g = p * 2 + b
                wait(b)
                compute(b)

                @pl.when(g + 2 < n_chunks)
                def _():
                    start(g + 2, b)
            return carry

        lax.fori_loop(0, n_chunks // 2, pair_body, None)

        for r in range(N_BINS):
            acc_f = hist_f[pl.ds(r * LANES, LANES)]
            for k in range(1, NCOPY):
                acc_f = acc_f + hist_f[pl.ds(k * HPAD + r * LANES, LANES)]
            hout_f[pl.ds(r * LANES, LANES)] = acc_f
        pltpu.sync_copy(hout_f, outf_hbm.at[wid])

    return sc_hist


def _tc_hist_body(x_ref, l_ref, o_ref):
    g = pl.program_id(0)

    @pl.when(g == 0)
    def _():
        o_ref[...] = jnp.zeros((TC_ACC_ROWS, TC_COLS), jnp.float32)

    x = x_ref[...]
    conf = 1.0 / (1.0 + jnp.exp(-x))
    idx = jnp.minimum((conf * 15.0).astype(jnp.int32), 14)
    idx = jnp.where(conf > 0.0, idx, N_BINS)
    v = conf - l_ref[...].astype(jnp.float32)
    for b in range(N_BINS):
        mv = jnp.where(idx == b, v, 0.0)
        acc = mv.reshape(TC_ROWS // 8, 8, TC_COLS).sum(axis=0)
        o_ref[pl.ds(b * 8, 8), :] += acc


def _finalize_body(n, ff_ref, tc_ref, o_ref):
    d = jnp.sum(ff_ref[...], axis=0, keepdims=True)
    r = lax.broadcasted_iota(jnp.int32, (HSLOTS, N_BINS), 0) // LANES
    c = lax.broadcasted_iota(jnp.int32, (HSLOTS, N_BINS), 1)
    m = (r == c).astype(jnp.float32)
    dot = functools.partial(jnp.dot, precision=lax.Precision.HIGHEST)
    d_b = dot(d, m)

    tc = tc_ref[...]
    tc_s = dot(tc, jnp.ones((TC_COLS, 1), jnp.float32))
    rr = lax.broadcasted_iota(jnp.int32, (N_BINS, TC_ACC_ROWS), 1) // 8
    bb = lax.broadcasted_iota(jnp.int32, (N_BINS, TC_ACC_ROWS), 0)
    eye = (lax.broadcasted_iota(jnp.int32, (N_BINS, N_BINS), 0)
           == lax.broadcasted_iota(jnp.int32, (N_BINS, N_BINS), 1)).astype(jnp.float32)
    sel = (rr == bb).astype(jnp.float32)
    col = lax.dot_general(
        sel, tc_s, (((1,), (0,)), ((), ())),
        precision=lax.Precision.HIGHEST)
    d_b = d_b + lax.dot_general(
        col, eye, (((0,), (0,)), ((), ())),
        precision=lax.Precision.HIGHEST)

    o_ref[...] = jnp.sum(jnp.abs(d_b), axis=1, keepdims=True) / n


def kernel(logits, labels):
    n = logits.shape[0]
    labels = labels.astype(jnp.int32)

    n_sc = 3 * 1048576
    n_tc = n - n_sc
    assert n_tc % (TC_ROWS * TC_COLS) == 0
    grid = n_tc // (TC_ROWS * TC_COLS)
    off = n_sc // (TC_ROWS * TC_COLS)

    outf = _sc_hist_call(n_sc)(logits, labels)

    x2 = logits.reshape(n // TC_COLS, TC_COLS)
    l2 = labels.reshape(n // TC_COLS, TC_COLS)
    tc_part = pl.pallas_call(
        _tc_hist_body,
        grid=(grid,),
        in_specs=[
            pl.BlockSpec((TC_ROWS, TC_COLS), lambda i: (i + off, 0)),
            pl.BlockSpec((TC_ROWS, TC_COLS), lambda i: (i + off, 0)),
        ],
        out_specs=pl.BlockSpec((TC_ACC_ROWS, TC_COLS), lambda i: (0, 0)),
        out_shape=jax.ShapeDtypeStruct((TC_ACC_ROWS, TC_COLS), jnp.float32),
    )(x2, l2)

    ece = pl.pallas_call(
        functools.partial(_finalize_body, n),
        out_shape=jax.ShapeDtypeStruct((1, 1), jnp.float32),
    )(outf, tc_part)
    return ece.reshape(1)

# --- scband reference (transcript-rebuilt; emitter-appended) ---
"""Pipeline reference for scband-eceloss-88493506167218 (READ-ONLY COPY).

The authoritative reference and input builder live on the scoring server;
editing this copy changes nothing except your own understanding.
"""

import jax, jax.numpy as jnp
import numpy as np

N_BINS = 15

def setup_inputs(seed: int = 0) -> dict:
    key = jax.random.key(seed)
    k1, k2 = jax.random.split(key)
    logits = jax.random.normal(k1, (16777216,), dtype=jnp.float32)
    labels = jax.random.randint(k2, (16777216,), 0, 2, dtype=jnp.int64)
    return {"logits": logits, "labels": labels}

def reference(logits, labels):
    confidences = jax.nn.sigmoid(logits)
    accuracies = labels.astype(jnp.float32)
    bin_boundaries = jnp.linspace(0.0, 1.0, N_BINS + 1)
    ece = jnp.zeros(1, dtype=jnp.float32)
    n = confidences.size
    for i in range(N_BINS):
        bin_lower = bin_boundaries[i]
        bin_upper = bin_boundaries[i + 1]
        in_bin = (confidences > bin_lower) & (confidences <= bin_upper)
        cnt = jnp.sum(in_bin.astype(jnp.float32))
        prop_in_bin = cnt / n
        safe_cnt = jnp.maximum(cnt, 1.0)
        accuracy_in_bin = jnp.sum(jnp.where(in_bin, accuracies, 0.0)) / safe_cnt
        avg_confidence_in_bin = jnp.sum(jnp.where(in_bin, confidences, 0.0)) / safe_cnt
        gap = jnp.abs(avg_confidence_in_bin - accuracy_in_bin) * prop_in_bin
        ece = ece + jnp.where(cnt > 0, gap, 0.0)
    return ece

if __name__ == "__main__":
    import jax
    _d = setup_inputs()
    print(jax.jit(kernel)(*tuple(_d.values())))

</pallas_src>

<mosaic_0001>
#map = affine_map<(d0, d1) -> (0)>
#map1 = affine_map<(d0, d1) -> (0, 0)>
module attributes {stable_mosaic.version = 14 : i64} {
  func.func @sc_hist(%arg0: i32, %arg1: i32, %arg2: memref<16777216xf32, #tpu.memory_space<hbm>>, %arg3: memref<16777216xi32, #tpu.memory_space<hbm>>, %arg4: memref<32x240xf32, #tpu.memory_space<hbm>>, %arg5: memref<16384xf32, #tpu.memory_space<vmem>>, %arg6: memref<16384xf32, #tpu.memory_space<vmem>>, %arg7: memref<16384xi32, #tpu.memory_space<vmem>>, %arg8: memref<16384xi32, #tpu.memory_space<vmem>>, %arg9: memref<4096xf32, #tpu.memory_space<vmem>>, %arg10: memref<240xf32, #tpu.memory_space<vmem>>, %arg11: memref<!tpu.dma_semaphore, #tpu.memory_space<semaphore_mem>>, %arg12: memref<!tpu.dma_semaphore, #tpu.memory_space<semaphore_mem>>) attributes {dimension_semantics = [#tpu.dimension_semantics<core_parallel>, #tpu.dimension_semantics<subcore_parallel>], iteration_bounds = array<i64: 2, 16>, scalar_prefetch = 0 : i64, scratch_operands = 8 : i64, tpu.core_type = #tpu.core_type<sc_vector_subcore>, window_params = [{transform_indices = #map}, {transform_indices = #map}, {transform_indices = #map1}]} {
    %mul3A = arith.constant 2 : i32
    %mul3A_0 = arith.muli %arg1, %mul3A : i32
    %add3A = arith.addi %mul3A_0, %arg0 : i32
    %mul3A_1 = arith.constant 98304 : i32
    %mul3A_2 = arith.muli %add3A, %mul3A_1 : i32
    %iota3A = tpu.iota {dimensions = array<i32: 0>} : vector<16xi32>
    %add3A_3 = arith.constant 0 : i32
    %add3A_4 = vector.broadcast %add3A_3 : i32 to vector<16xi32>
    %add3A_5 = arith.addi %iota3A, %add3A_4 : vector<16xi32>
    %add3A_6 = arith.constant 256 : i32
    %add3A_7 = vector.broadcast %add3A_6 : i32 to vector<16xi32>
    %add3A_8 = arith.addi %iota3A, %add3A_7 : vector<16xi32>
    %add3A_9 = arith.constant 512 : i32
    %add3A_10 = vector.broadcast %add3A_9 : i32 to vector<16xi32>
    %add3A_11 = arith.addi %iota3A, %add3A_10 : vector<16xi32>
    %add3A_12 = arith.constant 768 : i32
    %add3A_13 = vector.broadcast %add3A_12 : i32 to vector<16xi32>
    %add3A_14 = arith.addi %iota3A, %add3A_13 : vector<16xi32>
    %add3A_15 = arith.constant 1024 : i32
    %add3A_16 = vector.broadcast %add3A_15 : i32 to vector<16xi32>
    %add3A_17 = arith.addi %iota3A, %add3A_16 : vector<16xi32>
    %add3A_18 = arith.constant 1280 : i32
    %add3A_19 = vector.broadcast %add3A_18 : i32 to vector<16xi32>
    %add3A_20 = arith.addi %iota3A, %add3A_19 : vector<16xi32>
    %add3A_21 = arith.constant 1536 : i32
    %add3A_22 = vector.broadcast %add3A_21 : i32 to vector<16xi32>
    %add3A_23 = arith.addi %iota3A, %add3A_22 : vector<16xi32>
    %add3A_24 = arith.constant 1792 : i32
    %add3A_25 = vector.broadcast %add3A_24 : i32 to vector<16xi32>
    %add3A_26 = arith.addi %iota3A, %add3A_25 : vector<16xi32>
    %add3A_27 = arith.constant 2048 : i32
    %add3A_28 = vector.broadcast %add3A_27 : i32 to vector<16xi32>
    %add3A_29 = arith.addi %iota3A, %add3A_28 : vector<16xi32>
    %add3A_30 = arith.constant 2304 : i32
    %add3A_31 = vector.broadcast %add3A_30 : i32 to vector<16xi32>
    %add3A_32 = arith.addi %iota3A, %add3A_31 : vector<16xi32>
    %add3A_33 = arith.constant 2560 : i32
    %add3A_34 = vector.broadcast %add3A_33 : i32 to vector<16xi32>
    %add3A_35 = arith.addi %iota3A, %add3A_34 : vector<16xi32>
    %add3A_36 = arith.constant 2816 : i32
    %add3A_37 = vector.broadcast %add3A_36 : i32 to vector<16xi32>
    %add3A_38 = arith.addi %iota3A, %add3A_37 : vector<16xi32>
    %add3A_39 = arith.constant 3072 : i32
    %add3A_40 = vector.broadcast %add3A_39 : i32 to vector<16xi32>
    %add3A_41 = arith.addi %iota3A, %add3A_40 : vector<16xi32>
    %add3A_42 = arith.constant 3328 : i32
    %add3A_43 = vector.broadcast %add3A_42 : i32 to vector<16xi32>
    %add3A_44 = arith.addi %iota3A, %add3A_43 : vector<16xi32>
    %add3A_45 = arith.constant 3584 : i32
    %add3A_46 = vector.broadcast %add3A_45 : i32 to vector<16xi32>
    %add3A_47 = arith.addi %iota3A, %add3A_46 : vector<16xi32>
    %add3A_48 = arith.constant 3840 : i32
    %add3A_49 = vector.broadcast %add3A_48 : i32 to vector<16xi32>
    %add3A_50 = arith.addi %iota3A, %add3A_49 : vector<16xi32>
    %broadcast_in_dim3A = arith.constant 0.000000e+00 : f32
    %broadcast_in_dim3A_51 = vector.broadcast %broadcast_in_dim3A : f32 to vector<16xf32>
    %swap3A = arith.constant 0 : index
    %swap3A_52 = tpu.vector_load %arg9[%swap3A] {strides = array<i32>} : memref<4096xf32, #tpu.memory_space<vmem>>, vector<16xf32>,
    tpu.vector_store %arg9[%swap3A], %broadcast_in_dim3A_51 {strides = array<i32>} : memref<4096xf32, #tpu.memory_space<vmem>>, vector<16xf32>,
    %broadcast_in_dim3A_53 = arith.constant 0.000000e+00 : f32
    %broadcast_in_dim3A_54 = vector.broadcast %broadcast_in_dim3A_53 : f32 to vector<16xf32>
    %swap3A_55 = arith.constant 16 : index
    %swap3A_56 = tpu.vector_load %arg9[%swap3A_55] {strides = array<i32>} : memref<4096xf32, #tpu.memory_space<vmem>>, vector<16xf32>,
    tpu.vector_store %arg9[%swap3A_55], %broadcast_in_dim3A_54 {strides = array<i32>} : memref<4096xf32, #tpu.memory_space<vmem>>, vector<16xf32>,
    %broadcast_in_dim3A_57 = arith.constant 0.000000e+00 : f32
    %broadcast_in_dim3A_58 = vector.broadcast %broadcast_in_dim3A_57 : f32 to vector<16xf32>
    %swap3A_59 = arith.constant 32 : index
    %swap3A_60 = tpu.vector_load %arg9[%swap3A_59] {strides = array<i32>} : memref<4096xf32, #tpu.memory_space<vmem>>, vector<16xf32>,
    tpu.vector_store %arg9[%swap3A_59], %broadcast_in_dim3A_58 {strides = array<i32>} : memref<4096xf32, #tpu.memory_space<vmem>>, vector<16xf32>,
    %broadcast_in_dim3A_61 = arith.constant 0.000000e+00 : f32
    %broadcast_in_dim3A_62 = vector.broadcast %broadcast_in_dim3A_61 : f32 to vector<16xf32>
    %swap3A_63 = arith.constant 48 : index
    %swap3A_64 = tpu.vector_load %arg9[%swap3A_63] {strides = array<i32>} : memref<4096xf32, #tpu.memory_space<vmem>>, vector<16xf32>,
    tpu.vector_store %arg9[%swap3A_63], %broadcast_in_dim3A_62 {strides = array<i32>} : memref<4096xf32, #tpu.memory_space<vmem>>, vector<16xf32>,
    %broadcast_in_dim3A_65 = arith.constant 0.000000e+00 : f32
    %broadcast_in_dim3A_66 = vector.broadcast %broadcast_in_dim3A_65 : f32 to vector<16xf32>
    %swap3A_67 = arith.constant 64 : index
    %swap3A_68 = tpu.vector_load %arg9[%swap3A_67] {strides = array<i32>} : memref<4096xf32, #tpu.memory_space<vmem>>, vector<16xf32>,
    tpu.vector_store %arg9[%swap3A_67], %broadcast_in_dim3A_66 {strides = array<i32>} : memref<4096xf32, #tpu.memory_space<vmem>>, vector<16xf32>,
    %broadcast_in_dim3A_69 = arith.constant 0.000000e+00 : f32
    %broadcast_in_dim3A_70 = vector.broadcast %broadcast_in_dim3A_69 : f32 to vector<16xf32>
    %swap3A_71 = arith.constant 80 : index
    %swap3A_72 = tpu.vector_load %arg9[%swap3A_71] {strides = array<i32>} : memref<4096xf32, #tpu.memory_space<vmem>>, vector<16xf32>,
    tpu.vector_store %arg9[%swap3A_71], %broadcast_in_dim3A_70 {strides = array<i32>} : memref<4096xf32, #tpu.memory_space<vmem>>, vector<16xf32>,
    %broadcast_in_dim3A_73 = arith.constant 0.000000e+00 : f32
    %broadcast_in_dim3A_74 = vector.broadcast %broadcast_in_dim3A_73 : f32 to vector<16xf32>
    %swap3A_75 = arith.constant 96 : index
    %swap3A_76 = tpu.vector_load %arg9[%swap3A_75] {strides = array<i32>} : memref<4096xf32, #tpu.memory_space<vmem>>, vector<16xf32>,
    tpu.vector_store %arg9[%swap3A_75], %broadcast_in_dim3A_74 {strides = array<i32>} : memref<4096xf32, #tpu.memory_space<vmem>>, vector<16xf32>,
    %broadcast_in_dim3A_77 = arith.constant 0.000000e+00 : f32
    %broadcast_in_dim3A_78 = vector.broadcast %broadcast_in_dim3A_77 : f32 to vector<16xf32>
    %swap3A_79 = arith.constant 112 : index
    %swap3A_80 = tpu.vector_load %arg9[%swap3A_79] {strides = array<i32>} : memref<4096xf32, #tpu.memory_space<vmem>>, vector<16xf32>,
    tpu.vector_store %arg9[%swap3A_79], %broadcast_in_dim3A_78 {strides = array<i32>} : memref<4096xf32, #tpu.memory_space<vmem>>, vector<16xf32>,
    %broadcast_in_dim3A_81 = arith.constant 0.000000e+00 : f32
    %broadcast_in_dim3A_82 = vector.broadcast %broadcast_in_dim3A_81 : f32 to vector<16xf32>
    %swap3A_83 = arith.constant 128 : index
    %swap3A_84 = tpu.vector_load %arg9[%swap3A_83] {strides = array<i32>} : memref<4096xf32, #tpu.memory_space<vmem>>, vector<16xf32>,
    tpu.vector_store %arg9[%swap3A_83], %broadcast_in_dim3A_82 {strides = array<i32>} : memref<4096xf32, #tpu.memory_space<vmem>>, vector<16xf32>,
    %broadcast_in_dim3A_85 = arith.constant 0.000000e+00 : f32
    %broadcast_in_dim3A_86 = vector.broadcast %broadcast_in_dim3A_85 : f32 to vector<16xf32>
    %swap3A_87 = arith.constant 144 : index
    %swap3A_88 = tpu.vector_load %arg9[%swap3A_87] {strides = array<i32>} : memref<4096xf32, #tpu.memory_space<vmem>>, vector<16xf32>,
    tpu.vector_store %arg9[%swap3A_87], %broadcast_in_dim3A_86 {strides = array<i32>} : memref<4096xf32, #tpu.memory_space<vmem>>, vector<16xf32>,
    %broadcast_in_dim3A_89 = arith.constant 0.000000e+00 : f32
    %broadcast_in_dim3A_90 = vector.broadcast %broadcast_in_dim3A_89 : f32 to vector<16xf32>
    %swap3A_91 = arith.constant 160 : index
    %swap3A_92 = tpu.vector_load %arg9[%swap3A_91] {strides = array<i32>} : memref<4096xf32, #tpu.memory_space<vmem>>, vector<16xf32>,
    tpu.vector_store %arg9[%swap3A_91], %broadcast_in_dim3A_90 {strides = array<i32>} : memref<4096xf32, #tpu.memory_space<vmem>>, vector<16xf32>,
    %broadcast_in_dim3A_93 = arith.constant 0.000000e+00 : f32
    %broadcast_in_dim3A_94 = vector.broadcast %broadcast_in_dim3A_93 : f32 to vector<16xf32>
    %swap3A_95 = arith.constant 176 : index
    %swap3A_96 = tpu.vector_load %arg9[%swap3A_95] {strides = array<i32>} : memref<4096xf32, #tpu.memory_space<vmem>>, vector<16xf32>,
    tpu.vector_store %arg9[%swap3A_95], %broadcast_in_dim3A_94 {strides = array<i32>} : memref<4096xf32, #tpu.memory_space<vmem>>, vector<16xf32>,
    %broadcast_in_dim3A_97 = arith.constant 0.000000e+00 : f32
    %broadcast_in_dim3A_98 = vector.broadcast %broadcast_in_dim3A_97 : f32 to vector<16xf32>
    %swap3A_99 = arith.constant 192 : index
    %swap3A_100 = tpu.vector_load %arg9[%swap3A_99] {strides = array<i32>} : memref<4096xf32, #tpu.memory_space<vmem>>, vector<16xf32>,
    tpu.vector_store %arg9[%swap3A_99], %broadcast_in_dim3A_98 {strides = array<i32>} : memref<4096xf32, #tpu.memory_space<vmem>>, vector<16xf32>,
    %broadcast_in_dim3A_101 = arith.constant 0.000000e+00 : f32
    %broadcast_in_dim3A_102 = vector.broadcast %broadcast_in_dim3A_101 : f32 to vector<16xf32>
    %swap3A_103 = arith.constant 208 : index
    %swap3A_104 = tpu.vector_load %arg9[%swap3A_103] {strides = array<i32>} : memref<4096xf32, #tpu.memory_space<vmem>>, vector<16xf32>,
    tpu.vector_store %arg9[%swap3A_103], %broadcast_in_dim3A_102 {strides = array<i32>} : memref<4096xf32, #tpu.memory_space<vmem>>, vector<16xf32>,
    %broadcast_in_dim3A_105 = arith.constant 0.000000e+00 : f32
    %broadcast_in_dim3A_106 = vector.broadcast %broadcast_in_dim3A_105 : f32 to vector<16xf32>
    %swap3A_107 = arith.constant 224 : index
    %swap3A_108 = tpu.vector_load %arg9[%swap3A_107] {strides = array<i32>} : memref<4096xf32, #tpu.memory_space<vmem>>, vector<16xf32>,
    tpu.vector_store %arg9[%swap3A_107], %broadcast_in_dim3A_106 {strides = array<i32>} : memref<4096xf32, #tpu.memory_space<vmem>>, vector<16xf32>,
    %broadcast_in_dim3A_109 = arith.constant 0.000000e+00 : f32
    %broadcast_in_dim3A_110 = vector.broadcast %broadcast_in_dim3A_109 : f32 to vector<16xf32>
    %swap3A_111 = arith.constant 240 : index
    %swap3A_112 = tpu.vector_load %arg9[%swap3A_111] {strides = array<i32>} : memref<4096xf32, #tpu.memory_space<vmem>>, vector<16xf32>,
    tpu.vector_store %arg9[%swap3A_111], %broadcast_in_dim3A_110 {strides = array<i32>} : memref<4096xf32, #tpu.memory_space<vmem>>, vector<16xf32>,
    %broadcast_in_dim3A_113 = arith.constant 0.000000e+00 : f32
    %broadcast_in_dim3A_114 = vector.broadcast %broadcast_in_dim3A_113 : f32 to vector<16xf32>
    %swap3A_115 = arith.constant 256 : index
    %swap3A_116 = tpu.vector_load %arg9[%swap3A_115] {strides = array<i32>} : memref<4096xf32, #tpu.memory_space<vmem>>, vector<16xf32>,
    tpu.vector_store %arg9[%swap3A_115], %broadcast_in_dim3A_114 {strides = array<i32>} : memref<4096xf32, #tpu.memory_space<vmem>>, vector<16xf32>,
    %broadcast_in_dim3A_117 = arith.constant 0.000000e+00 : f32
    %broadcast_in_dim3A_118 = vector.broadcast %broadcast_in_dim3A_117 : f32 to vector<16xf32>
    %swap3A_119 = arith.constant 272 : index
    %swap3A_120 = tpu.vector_load %arg9[%swap3A_119] {strides = array<i32>} : memref<4096xf32, #tpu.memory_space<vmem>>, vector<16xf32>,
    tpu.vector_store %arg9[%swap3A_119], %broadcast_in_dim3A_118 {strides = array<i32>} : memref<4096xf32, #tpu.memory_space<vmem>>, vector<16xf32>,
    %broadcast_in_dim3A_121 = arith.constant 0.000000e+00 : f32
    %broadcast_in_dim3A_122 = vector.broadcast %broadcast_in_dim3A_121 : f32 to vector<16xf32>
    %swap3A_123 = arith.constant 288 : index
    %swap3A_124 = tpu.vector_load %arg9[%swap3A_123] {strides = array<i32>} : memref<4096xf32, #tpu.memory_space<vmem>>, vector<16xf32>,
    tpu.vector_store %arg9[%swap3A_123], %broadcast_in_dim3A_122 {strides = array<i32>} : memref<4096xf32, #tpu.memory_space<vmem>>, vector<16xf32>,
    %broadcast_in_dim3A_125 = arith.constant 0.000000e+00 : f32
    %broadcast_in_dim3A_126 = vector.broadcast %broadcast_in_dim3A_125 : f32 to vector<16xf32>
    %swap3A_127 = arith.constant 304 : index
    %swap3A_128 = tpu.vector_load %arg9[%swap3A_127] {strides = array<i32>} : memref<4096xf32, #tpu.memory_space<vmem>>, vector<16xf32>,
    tpu.vector_store %arg9[%swap3A_127], %broadcast_in_dim3A_126 {strides = array<i32>} : memref<4096xf32, #tpu.memory_space<vmem>>, vector<16xf32>,
    %broadcast_in_dim3A_129 = arith.constant 0.000000e+00 : f32
    %broadcast_in_dim3A_130 = vector.broadcast %broadcast_in_dim3A_129 : f32 to vector<16xf32>
    %swap3A_131 = arith.constant 320 : index
    %swap3A_132 = tpu.vector_load %arg9[%swap3A_131] {strides = array<i32>} : memref<4096xf32, #tpu.memory_space<vmem>>, vector<16xf32>,
    tpu.vector_store %arg9[%swap3A_131], %broadcast_in_dim3A_130 {strides = array<i32>} : memref<4096xf32, #tpu.memory_space<vmem>>, vector<16xf32>,
    %broadcast_in_dim3A_133 = arith.constant 0.000000e+00 : f32
    %broadcast_in_dim3A_134 = vector.broadcast %broadcast_in_dim3A_133 : f32 to vector<16xf32>
    %swap3A_135 = arith.constant 336 : index
    %swap3A_136 = tpu.vector_load %arg9[%swap3A_135] {strides = array<i32>} : memref<4096xf32, #tpu.memory_space<vmem>>, vector<16xf32>,
    tpu.vector_store %arg9[%swap3A_135], %broadcast_in_dim3A_134 {strides = array<i32>} : memref<4096xf32, #tpu.memory_space<vmem>>, vector<16xf32>,
    %broadcast_in_dim3A_137 = arith.constant 0.000000e+00 : f32
    %broadcast_in_dim3A_138 = vector.broadcast %broadcast_in_dim3A_137 : f32 to vector<16xf32>
    %swap3A_139 = arith.constant 352 : index
    %swap3A_140 = tpu.vector_load %arg9[%swap3A_139] {strides = array<i32>} : memref<4096xf32, #tpu.memory_space<vmem>>, vector<16xf32>,
    tpu.vector_store %arg9[%swap3A_139], %broadcast_in_dim3A_138 {strides = array<i32>} : memref<4096xf32, #tpu.memory_space<vmem>>, vector<16xf32>,
    %broadcast_in_dim3A_141 = arith.constant 0.000000e+00 : f32
    %broadcast_in_dim3A_142 = vector.broadcast %broadcast_in_dim3A_141 : f32 to vector<16xf32>
    %swap3A_143 = arith.constant 368 : index
    %swap3A_144 = tpu.vector_load %arg9[%swap3A_143] {strides = array<i32>} : memref<4096xf32, #tpu.memory_space<vmem>>, vector<16xf32>,
    tpu.vector_store %arg9[%swap3A_143], %broadcast_in_dim3A_142 {strides = array<i32>} : memref<4096xf32, #tpu.memory_space<vmem>>, vector<16xf32>,
    %broadcast_in_dim3A_145 = arith.constant 0.000000e+00 : f32
    %broadcast_in_dim3A_146 = vector.broadcast %broadcast_in_dim3A_145 : f32 to vector<16xf32>
    %swap3A_147 = arith.constant 384 : index
    %swap3A_148 = tpu.vector_load %arg9[%swap3A_147] {strides = array<i32>} : memref<4096xf32, #tpu.memory_space<vmem>>, vector<16xf32>,
    tpu.vector_store %arg9[%swap3A_147], %broadcast_in_dim3A_146 {strides = array<i32>} : memref<4096xf32, #tpu.memory_space<vmem>>, vector<16xf32>,
    %broadcast_in_dim3A_149 = arith.constant 0.000000e+00 : f32
    %broadcast_in_dim3A_150 = vector.broadcast %broadcast_in_dim3A_149 : f32 to vector<16xf32>
    %swap3A_151 = arith.constant 400 : index
    %swap3A_152 = tpu.vector_load %arg9[%swap3A_151] {strides = array<i32>} : memref<4096xf32, #tpu.memory_space<vmem>>, vector<16xf32>,
    tpu.vector_store %arg9[%swap3A_151], %broadcast_in_dim3A_150 {strides = array<i32>} : memref<4096xf32, #tpu.memory_space<vmem>>, vector<16xf32>,
    %broadcast_in_dim3A_153 = arith.constant 0.000000e+00 : f32
    %broadcast_in_dim3A_154 = vector.broadcast %broadcast_in_dim3A_153 : f32 to vector<16xf32>
    %swap3A_155 = arith.constant 416 : index
    %swap3A_156 = tpu.vector_load %arg9[%swap3A_155] {strides = array<i32>} : memref<4096xf32, #tpu.memory_space<vmem>>, vector<16xf32>,
    tpu.vector_store %arg9[%swap3A_155], %broadcast_in_dim3A_154 {strides = array<i32>} : memref<4096xf32, #tpu.memory_space<vmem>>, vector<16xf32>,
    %broadcast_in_dim3A_157 = arith.constant 0.000000e+00 : f32
    %broadcast_in_dim3A_158 = vector.broadcast %broadcast_in_dim3A_157 : f32 to vector<16xf32>
    %swap3A_159 = arith.constant 432 : index
    %swap3A_160 = tpu.vector_load %arg9[%swap3A_159] {strides = array<i32>} : memref<4096xf32, #tpu.memory_space<vmem>>, vector<16xf32>,
    tpu.vector_store %arg9[%swap3A_159], %broadcast_in_dim3A_158 {strides = array<i32>} : memref<4096xf32, #tpu.memory_space<vmem>>, vector<16xf32>,
    %broadcast_in_dim3A_161 = arith.constant 0.000000e+00 : f32
    %broadcast_in_dim3A_162 = vector.broadcast %broadcast_in_dim3A_161 : f32 to vector<16xf32>
    %swap3A_163 = arith.constant 448 : index
    %swap3A_164 = tpu.vector_load %arg9[%swap3A_163] {strides = array<i32>} : memref<4096xf32, #tpu.memory_space<vmem>>, vector<16xf32>,
    tpu.vector_store %arg9[%swap3A_163], %broadcast_in_dim3A_162 {strides = array<i32>} : memref<4096xf32, #tpu.memory_space<vmem>>, vector<16xf32>,
    %broadcast_in_dim3A_165 = arith.constant 0.000000e+00 : f32
    %broadcast_in_dim3A_166 = vector.broadcast %broadcast_in_dim3A_165 : f32 to vector<16xf32>
    %swap3A_167 = arith.constant 464 : index
    %swap3A_168 = tpu.vector_load %arg9[%swap3A_167] {strides = array<i32>} : memref<4096xf32, #tpu.memory_space<vmem>>, vector<16xf32>,
    tpu.vector_store %arg9[%swap3A_167], %broadcast_in_dim3A_166 {strides = array<i32>} : memref<4096xf32, #tpu.memory_space<vmem>>, vector<16xf32>,
    %broadcast_in_dim3A_169 = arith.constant 0.000000e+00 : f32
    %broadcast_in_dim3A_170 = vector.broadcast %broadcast_in_dim3A_169 : f32 to vector<16xf32>
    %swap3A_171 = arith.constant 480 : index
    %swap3A_172 = tpu.vector_load %arg9[%swap3A_171] {strides = array<i32>} : memref<4096xf32, #tpu.memory_space<vmem>>, vector<16xf32>,
    tpu.vector_store %arg9[%swap3A_171], %broadcast_in_dim3A_170 {strides = array<i32>} : memref<4096xf32, #tpu.memory_space<vmem>>, vector<16xf32>,
    %broadcast_in_dim3A_173 = arith.constant 0.000000e+00 : f32
    %broadcast_in_dim3A_174 = vector.broadcast %broadcast_in_dim3A_173 : f32 to vector<16xf32>
    %swap3A_175 = arith.constant 496 : index
    %swap3A_176 = tpu.vector_load %arg9[%swap3A_175] {strides = array<i32>} : memref<4096xf32, #tpu.memory_space<vmem>>, vector<16xf32>,
    tpu.vector_store %arg9[%swap3A_175], %broadcast_in_dim3A_174 {strides = array<i32>} : memref<4096xf32, #tpu.memory_space<vmem>>, vector<16xf32>,
    %broadcast_in_dim3A_177 = arith.constant 0.000000e+00 : f32
    %broadcast_in_dim3A_178 = vector.broadcast %broadcast_in_dim3A_177 : f32 to vector<16xf32>
    %swap3A_179 = arith.constant 512 : index
    %swap3A_180 = tpu.vector_load %arg9[%swap3A_179] {strides = array<i32>} : memref<4096xf32, #tpu.memory_space<vmem>>, vector<16xf32>,
    tpu.vector_store %arg9[%swap3A_179], %broadcast_in_dim3A_178 {strides = array<i32>} : memref<4096xf32, #tpu.memory_space<vmem>>, vector<16xf32>,
    %broadcast_in_dim3A_181 = arith.constant 0.000000e+00 : f32
    %broadcast_in_dim3A_182 = vector.broadcast %broadcast_in_dim3A_181 : f32 to vector<16xf32>
    %swap3A_183 = arith.constant 528 : index
    %swap3A_184 = tpu.vector_load %arg9[%swap3A_183] {strides = array<i32>} : memref<4096xf32, #tpu.memory_space<vmem>>, vector<16xf32>,
    tpu.vector_store %arg9[%swap3A_183], %broadcast_in_dim3A_182 {strides = array<i32>} : memref<4096xf32, #tpu.memory_space<vmem>>, vector<16xf32>,
    %broadcast_in_dim3A_185 = arith.constant 0.000000e+00 : f32
    %broadcast_in_dim3A_186 = vector.broadcast %broadcast_in_dim3A_185 : f32 to vector<16xf32>
    %swap3A_187 = arith.constant 544 : index
    %swap3A_188 = tpu.vector_load %arg9[%swap3A_187] {strides = array<i32>} : memref<4096xf32, #tpu.memory_space<vmem>>, vector<16xf32>,
    tpu.vector_store %arg9[%swap3A_187], %broadcast_in_dim3A_186 {strides = array<i32>} : memref<4096xf32, #tpu.memory_space<vmem>>, vector<16xf32>,
    %broadcast_in_dim3A_189 = arith.constant 0.000000e+00 : f32
    %broadcast_in_dim3A_190 = vector.broadcast %broadcast_in_dim3A_189 : f32 to vector<16xf32>
    %swap3A_191 = arith.constant 560 : index
    %swap3A_192 = tpu.vector_load %arg9[%swap3A_191] {strides = array<i32>} : memref<4096xf32, #tpu.memory_space<vmem>>, vector<16xf32>,
    tpu.vector_store %arg9[%swap3A_191], %broadcast_in_dim3A_190 {strides = array<i32>} : memref<4096xf32, #tpu.memory_space<vmem>>, vector<16xf32>,
    %broadcast_in_dim3A_193 = arith.constant 0.000000e+00 : f32
    %broadcast_in_dim3A_194 = vector.broadcast %broadcast_in_dim3A_193 : f32 to vector<16xf32>
    %swap3A_195 = arith.constant 576 : index
    %swap3A_196 = tpu.vector_load %arg9[%swap3A_195] {strides = array<i32>} : memref<4096xf32, #tpu.memory_space<vmem>>, vector<16xf32>,
    tpu.vector_store %arg9[%swap3A_195], %broadcast_in_dim3A_194 {strides = array<i32>} : memref<4096xf32, #tpu.memory_space<vmem>>, vector<16xf32>,
    %broadcast_in_dim3A_197 = arith.constant 0.000000e+00 : f32
    %broadcast_in_dim3A_198 = vector.broadcast %broadcast_in_dim3A_197 : f32 to vector<16xf32>
    %swap3A_199 = arith.constant 592 : index
    %swap3A_200 = tpu.vector_load %arg9[%swap3A_199] {strides = array<i32>} : memref<4096xf32, #tpu.memory_space<vmem>>, vector<16xf32>,
    tpu.vector_store %arg9[%swap3A_199], %broadcast_in_dim3A_198 {strides = array<i32>} : memref<4096xf32, #tpu.memory_space<vmem>>, vector<16xf32>,
    %broadcast_in_dim3A_201 = arith.constant 0.000000e+00 : f32
    %broadcast_in_dim3A_202 = vector.broadcast %broadcast_in_dim3A_201 : f32 to vector<16xf32>
    %swap3A_203 = arith.constant 608 : index
    %swap3A_204 = tpu.vector_load %arg9[%swap3A_203] {strides = array<i32>} : memref<4096xf32, #tpu.memory_space<vmem>>, vector<16xf32>,
    tpu.vector_store %arg9[%swap3A_203], %broadcast_in_dim3A_202 {strides = array<i32>} : memref<4096xf32, #tpu.memory_space<vmem>>, vector<16xf32>,
    %broadcast_in_dim3A_205 = arith.constant 0.000000e+00 : f32
    %broadcast_in_dim3A_206 = vector.broadcast %broadcast_in_dim3A_205 : f32 to vector<16xf32>
    %swap3A_207 = arith.constant 624 : index
    %swap3A_208 = tpu.vector_load %arg9[%swap3A_207] {strides = array<i32>} : memref<4096xf32, #tpu.memory_space<vmem>>, vector<16xf32>,
    tpu.vector_store %arg9[%swap3A_207], %broadcast_in_dim3A_206 {strides = array<i32>} : memref<4096xf32, #tpu.memory_space<vmem>>, vector<16xf32>,
    %broadcast_in_dim3A_209 = arith.constant 0.000000e+00 : f32
    %broadcast_in_dim3A_210 = vector.broadcast %broadcast_in_dim3A_209 : f32 to vector<16xf32>
    %swap3A_211 = arith.constant 640 : index
    %swap3A_212 = tpu.vector_load %arg9[%swap3A_211] {strides = array<i32>} : memref<4096xf32, #tpu.memory_space<vmem>>, vector<16xf32>,
    tpu.vector_store %arg9[%swap3A_211], %broadcast_in_dim3A_210 {strides = array<i32>} : memref<4096xf32, #tpu.memory_space<vmem>>, vector<16xf32>,
    %broadcast_in_dim3A_213 = arith.constant 0.000000e+00 : f32
    %broadcast_in_dim3A_214 = vector.broadcast %broadcast_in_dim3A_213 : f32 to vector<16xf32>
    %swap3A_215 = arith.constant 656 : index
    %swap3A_216 = tpu.vector_load %arg9[%swap3A_215] {strides = array<i32>} : memref<4096xf32, #tpu.memory_space<vmem>>, vector<16xf32>,
    tpu.vector_store %arg9[%swap3A_215], %broadcast_in_dim3A_214 {strides = array<i32>} : memref<4096xf32, #tpu.memory_space<vmem>>, vector<16xf32>,
    %broadcast_in_dim3A_217 = arith.constant 0.000000e+00 : f32
    %broadcast_in_dim3A_218 = vector.broadcast %broadcast_in_dim3A_217 : f32 to vector<16xf32>
    %swap3A_219 = arith.constant 672 : index
    %swap3A_220 = tpu.vector_load %arg9[%swap3A_219] {strides = array<i32>} : memref<4096xf32, #tpu.memory_space<vmem>>, vector<16xf32>,
    tpu.vector_store %arg9[%swap3A_219], %broadcast_in_dim3A_218 {strides = array<i32>} : memref<4096xf32, #tpu.memory_space<vmem>>, vector<16xf32>,
    %broadcast_in_dim3A_221 = arith.constant 0.000000e+00 : f32
    %broadcast_in_dim3A_222 = vector.broadcast %broadcast_in_dim3A_221 : f32 to vector<16xf32>
    %swap3A_223 = arith.constant 688 : index
    %swap3A_224 = tpu.vector_load %arg9[%swap3A_223] {strides = array<i32>} : memref<4096xf32, #tpu.memory_space<vmem>>, vector<16xf32>,
    tpu.vector_store %arg9[%swap3A_223], %broadcast_in_dim3A_222 {strides = array<i32>} : memref<4096xf32, #tpu.memory_space<vmem>>, vector<16xf32>,
    %broadcast_in_dim3A_225 = arith.constant 0.000000e+00 : f32
    %broadcast_in_dim3A_226 = vector.broadcast %broadcast_in_dim3A_225 : f32 to vector<16xf32>
    %swap3A_227 = arith.constant 704 : index
    %swap3A_228 = tpu.vector_load %arg9[%swap3A_227] {strides = array<i32>} : memref<4096xf32, #tpu.memory_space<vmem>>, vector<16xf32>,
    tpu.vector_store %arg9[%swap3A_227], %broadcast_in_dim3A_226 {strides = array<i32>} : memref<4096xf32, #tpu.memory_space<vmem>>, vector<16xf32>,
    %broadcast_in_dim3A_229 = arith.constant 0.000000e+00 : f32
    %broadcast_in_dim3A_230 = vector.broadcast %broadcast_in_dim3A_229 : f32 to vector<16xf32>
    %swap3A_231 = arith.constant 720 : index
    %swap3A_232 = tpu.vector_load %arg9[%swap3A_231] {strides = array<i32>} : memref<4096xf32, #tpu.memory_space<vmem>>, vector<16xf32>,
    tpu.vector_store %arg9[%swap3A_231], %broadcast_in_dim3A_230 {strides = array<i32>} : memref<4096xf32, #tpu.memory_space<vmem>>, vector<16xf32>,
    %broadcast_in_dim3A_233 = arith.constant 0.000000e+00 : f32
    %broadcast_in_dim3A_234 = vector.broadcast %broadcast_in_dim3A_233 : f32 to vector<16xf32>
    %swap3A_235 = arith.constant 736 : index
    %swap3A_236 = tpu.vector_load %arg9[%swap3A_235] {strides = array<i32>} : memref<4096xf32, #tpu.memory_space<vmem>>, vector<16xf32>,
    tpu.vector_store %arg9[%swap3A_235], %broadcast_in_dim3A_234 {strides = array<i32>} : memref<4096xf32, #tpu.memory_space<vmem>>, vector<16xf32>,
    %broadcast_in_dim3A_237 = arith.constant 0.000000e+00 : f32
    %broadcast_in_dim3A_238 = vector.broadcast %broadcast_in_dim3A_237 : f32 to vector<16xf32>
    %swap3A_239 = arith.constant 752 : index
    %swap3A_240 = tpu.vector_load %arg9[%swap3A_239] {strides = array<i32>} : memref<4096xf32, #tpu.memory_space<vmem>>, vector<16xf32>,
    tpu.vector_store %arg9[%swap3A_239], %broadcast_in_dim3A_238 {strides = array<i32>} : memref<4096xf32, #tpu.memory_space<vmem>>, vector<16xf32>,
    %broadcast_in_dim3A_241 = arith.constant 0.000000e+00 : f32
    %broadcast_in_dim3A_242 = vector.broadcast %broadcast_in_dim3A_241 : f32 to vector<16xf32>
    %swap3A_243 = arith.constant 768 : index
    %swap3A_244 = tpu.vector_load %arg9[%swap3A_243] {strides = array<i32>} : memref<4096xf32, #tpu.memory_space<vmem>>, vector<16xf32>,
    tpu.vector_store %arg9[%swap3A_243], %broadcast_in_dim3A_242 {strides = array<i32>} : memref<4096xf32, #tpu.memory_space<vmem>>, vector<16xf32>,
    %broadcast_in_dim3A_245 = arith.constant 0.000000e+00 : f32
    %broadcast_in_dim3A_246 = vector.broadcast %broadcast_in_dim3A_245 : f32 to vector<16xf32>
    %swap3A_247 = arith.constant 784 : index
    %swap3A_248 = tpu.vector_load %arg9[%swap3A_247] {strides = array<i32>} : memref<4096xf32, #tpu.memory_space<vmem>>, vector<16xf32>,
    tpu.vector_store %arg9[%swap3A_247], %broadcast_in_dim3A_246 {strides = array<i32>} : memref<4096xf32, #tpu.memory_space<vmem>>, vector<16xf32>,
    %broadcast_in_dim3A_249 = arith.constant 0.000000e+00 : f32
    %broadcast_in_dim3A_250 = vector.broadcast %broadcast_in_dim3A_249 : f32 to vector<16xf32>
    %swap3A_251 = arith.constant 800 : index
    %swap3A_252 = tpu.vector_load %arg9[%swap3A_251] {strides = array<i32>} : memref<4096xf32, #tpu.memory_space<vmem>>, vector<16xf32>,
    tpu.vector_store %arg9[%swap3A_251], %broadcast_in_dim3A_250 {strides = array<i32>} : memref<4096xf32, #tpu.memory_space<vmem>>, vector<16xf32>,
    %broadcast_in_dim3A_253 = arith.constant 0.000000e+00 : f32
    %broadcast_in_dim3A_254 = vector.broadcast %broadcast_in_dim3A_253 : f32 to vector<16xf32>
    %swap3A_255 = arith.constant 816 : index
    %swap3A_256 = tpu.vector_load %arg9[%swap3A_255] {strides = array<i32>} : memref<4096xf32, #tpu.memory_space<vmem>>, vector<16xf32>,
    tpu.vector_store %arg9[%swap3A_255], %broadcast_in_dim3A_254 {strides = array<i32>} : memref<4096xf32, #tpu.memory_space<vmem>>, vector<16xf32>,
    %broadcast_in_dim3A_257 = arith.constant 0.000000e+00 : f32
    %broadcast_in_dim3A_258 = vector.broadcast %broadcast_in_dim3A_257 : f32 to vector<16xf32>
    %swap3A_259 = arith.constant 832 : index
    %swap3A_260 = tpu.vector_load %arg9[%swap3A_259] {strides = array<i32>} : memref<4096xf32, #tpu.memory_space<vmem>>, vector<16xf32>,
    tpu.vector_store %arg9[%swap3A_259], %broadcast_in_dim3A_258 {strides = array<i32>} : memref<4096xf32, #tpu.memory_space<vmem>>, vector<16xf32>,
    %broadcast_in_dim3A_261 = arith.constant 0.000000e+00 : f32
    %broadcast_in_dim3A_262 = vector.broadcast %broadcast_in_dim3A_261 : f32 to vector<16xf32>
    %swap3A_263 = arith.constant 848 : index
    %swap3A_264 = tpu.vector_load %arg9[%swap3A_263] {strides = array<i32>} : memref<4096xf32, #tpu.memory_space<vmem>>, vector<16xf32>,
    tpu.vector_store %arg9[%swap3A_263], %broadcast_in_dim3A_262 {strides = array<i32>} : memref<4096xf32, #tpu.memory_space<vmem>>, vector<16xf32>,
    %broadcast_in_dim3A_265 = arith.constant 0.000000e+00 : f32
    %broadcast_in_dim3A_266 = vector.broadcast %broadcast_in_dim3A_265 : f32 to vector<16xf32>
    %swap3A_267 = arith.constant 864 : index
    %swap3A_268 = tpu.vector_load %arg9[%swap3A_267] {strides = array<i32>} : memref<4096xf32, #tpu.memory_space<vmem>>, vector<16xf32>,
    tpu.vector_store %arg9[%swap3A_267], %broadcast_in_dim3A_266 {strides = array<i32>} : memref<4096xf32, #tpu.memory_space<vmem>>, vector<16xf32>,
    %broadcast_in_dim3A_269 = arith.constant 0.000000e+00 : f32
    %broadcast_in_dim3A_270 = vector.broadcast %broadcast_in_dim3A_269 : f32 to vector<16xf32>
    %swap3A_271 = arith.constant 880 : index
    %swap3A_272 = tpu.vector_load %arg9[%swap3A_271] {strides = array<i32>} : memref<4096xf32, #tpu.memory_space<vmem>>, vector<16xf32>,
    tpu.vector_store %arg9[%swap3A_271], %broadcast_in_dim3A_270 {strides = array<i32>} : memref<4096xf32, #tpu.memory_space<vmem>>, vector<16xf32>,
    %broadcast_in_dim3A_273 = arith.constant 0.000000e+00 : f32
    %broadcast_in_dim3A_274 = vector.broadcast %broadcast_in_dim3A_273 : f32 to vector<16xf32>
    %swap3A_275 = arith.constant 896 : index
    %swap3A_276 = tpu.vector_load %arg9[%swap3A_275] {strides = array<i32>} : memref<4096xf32, #tpu.memory_space<vmem>>, vector<16xf32>,
    tpu.vector_store %arg9[%swap3A_275], %broadcast_in_dim3A_274 {strides = array<i32>} : memref<4096xf32, #tpu.memory_space<vmem>>, vector<16xf32>,
    %broadcast_in_dim3A_277 = arith.constant 0.000000e+00 : f32
    %broadcast_in_dim3A_278 = vector.broadcast %broadcast_in_dim3A_277 : f32 to vector<16xf32>
    %swap3A_279 = arith.constant 912 : index
    %swap3A_280 = tpu.vector_load %arg9[%swap3A_279] {strides = array<i32>} : memref<4096xf32, #tpu.memory_space<vmem>>, vector<16xf32>,
    tpu.vector_store %arg9[%swap3A_279], %broadcast_in_dim3A_278 {strides = array<i32>} : memref<4096xf32, #tpu.memory_space<vmem>>, vector<16xf32>,
    %broadcast_in_dim3A_281 = arith.constant 0.000000e+00 : f32
    %broadcast_in_dim3A_282 = vector.broadcast %broadcast_in_dim3A_281 : f32 to vector<16xf32>
    %swap3A_283 = arith.constant 928 : index
    %swap3A_284 = tpu.vector_load %arg9[%swap3A_283] {strides = array<i32>} : memref<4096xf32, #tpu.memory_space<vmem>>, vector<16xf32>,
    tpu.vector_store %arg9[%swap3A_283], %broadcast_in_dim3A_282 {strides = array<i32>} : memref<4096xf32, #tpu.memory_space<vmem>>, vector<16xf32>,
    %broadcast_in_dim3A_285 = arith.constant 0.000000e+00 : f32
    %broadcast_in_dim3A_286 = vector.broadcast %broadcast_in_dim3A_285 : f32 to vector<16xf32>
    %swap3A_287 = arith.constant 944 : index
    %swap3A_288 = tpu.vector_load %arg9[%swap3A_287] {strides = array<i32>} : memref<4096xf32, #tpu.memory_space<vmem>>, vector<16xf32>,
    tpu.vector_store %arg9[%swap3A_287], %broadcast_in_dim3A_286 {strides = array<i32>} : memref<4096xf32, #tpu.memory_space<vmem>>, vector<16xf32>,
    %broadcast_in_dim3A_289 = arith.constant 0.000000e+00 : f32
    %broadcast_in_dim3A_290 = vector.broadcast %broadcast_in_dim3A_289 : f32 to vector<16xf32>
    %swap3A_291 = arith.constant 960 : index
    %swap3A_292 = tpu.vector_load %arg9[%swap3A_291] {strides = array<i32>} : memref<4096xf32, #tpu.memory_space<vmem>>, vector<16xf32>,
    tpu.vector_store %arg9[%swap3A_291], %broadcast_in_dim3A_290 {strides = array<i32>} : memref<4096xf32, #tpu.memory_space<vmem>>, vector<16xf32>,
    %broadcast_in_dim3A_293 = arith.constant 0.000000e+00 : f32
    %broadcast_in_dim3A_294 = vector.broadcast %broadcast_in_dim3A_293 : f32 to vector<16xf32>
    %swap3A_295 = arith.constant 976 : index
    %swap3A_296 = tpu.vector_load %arg9[%swap3A_295] {strides = array<i32>} : memref<4096xf32, #tpu.memory_space<vmem>>, vector<16xf32>,
    tpu.vector_store %arg9[%swap3A_295], %broadcast_in_dim3A_294 {strides = array<i32>} : memref<4096xf32, #tpu.memory_space<vmem>>, vector<16xf32>,
    %broadcast_in_dim3A_297 = arith.constant 0.000000e+00 : f32
    %broadcast_in_dim3A_298 = vector.broadcast %broadcast_in_dim3A_297 : f32 to vector<16xf32>
    %swap3A_299 = arith.constant 992 : index
    %swap3A_300 = tpu.vector_load %arg9[%swap3A_299] {strides = array<i32>} : memref<4096xf32, #tpu.memory_space<vmem>>, vector<16xf32>,
    tpu.vector_store %arg9[%swap3A_299], %broadcast_in_dim3A_298 {strides = array<i32>} : memref<4096xf32, #tpu.memory_space<vmem>>, vector<16xf32>,
    %broadcast_in_dim3A_301 = arith.constant 0.000000e+00 : f32
    %broadcast_in_dim3A_302 = vector.broadcast %broadcast_in_dim3A_301 : f32 to vector<16xf32>
    %swap3A_303 = arith.constant 1008 : index
    %swap3A_304 = tpu.vector_load %arg9[%swap3A_303] {strides = array<i32>} : memref<4096xf32, #tpu.memory_space<vmem>>, vector<16xf32>,
    tpu.vector_store %arg9[%swap3A_303], %broadcast_in_dim3A_302 {strides = array<i32>} : memref<4096xf32, #tpu.memory_space<vmem>>, vector<16xf32>,
    %broadcast_in_dim3A_305 = arith.constant 0.000000e+00 : f32
    %broadcast_in_dim3A_306 = vector.broadcast %broadcast_in_dim3A_305 : f32 to vector<16xf32>
    %swap3A_307 = arith.constant 1024 : index
    %swap3A_308 = tpu.vector_load %arg9[%swap3A_307] {strides = array<i32>} : memref<4096xf32, #tpu.memory_space<vmem>>, vector<16xf32>,
    tpu.vector_store %arg9[%swap3A_307], %broadcast_in_dim3A_306 {strides = array<i32>} : memref<4096xf32, #tpu.memory_space<vmem>>, vector<16xf32>,
    %broadcast_in_dim3A_309 = arith.constant 0.000000e+00 : f32
    %broadcast_in_dim3A_310 = vector.broadcast %broadcast_in_dim3A_309 : f32 to vector<16xf32>
    %swap3A_311 = arith.constant 1040 : index
    %swap3A_312 = tpu.vector_load %arg9[%swap3A_311] {strides = array<i32>} : memref<4096xf32, #tpu.memory_space<vmem>>, vector<16xf32>,
    tpu.vector_store %arg9[%swap3A_311], %broadcast_in_dim3A_310 {strides = array<i32>} : memref<4096xf32, #tpu.memory_space<vmem>>, vector<16xf32>,
    %broadcast_in_dim3A_313 = arith.constant 0.000000e+00 : f32
    %broadcast_in_dim3A_314 = vector.broadcast %broadcast_in_dim3A_313 : f32 to vector<16xf32>
    %swap3A_315 = arith.constant 1056 : index
    %swap3A_316 = tpu.vector_load %arg9[%swap3A_315] {strides = array<i32>} : memref<4096xf32, #tpu.memory_space<vmem>>, vector<16xf32>,
    tpu.vector_store %arg9[%swap3A_315], %broadcast_in_dim3A_314 {strides = array<i32>} : memref<4096xf32, #tpu.memory_space<vmem>>, vector<16xf32>,
    %broadcast_in_dim3A_317 = arith.constant 0.000000e+00 : f32
    %broadcast_in_dim3A_318 = vector.broadcast %broadcast_in_dim3A_317 : f32 to vector<16xf32>
    %swap3A_319 = arith.constant 1072 : index
    %swap3A_320 = tpu.vector_load %arg9[%swap3A_319] {strides = array<i32>} : memref<4096xf32, #tpu.memory_space<vmem>>, vector<16xf32>,
    tpu.vector_store %arg9[%swap3A_319], %broadcast_in_dim3A_318 {strides = array<i32>} : memref<4096xf32, #tpu.memory_space<vmem>>, vector<16xf32>,
    %broadcast_in_dim3A_321 = arith.constant 0.000000e+00 : f32
    %broadcast_in_dim3A_322 = vector.broadcast %broadcast_in_dim3A_321 : f32 to vector<16xf32>
    %swap3A_323 = arith.constant 1088 : index
    %swap3A_324 = tpu.vector_load %arg9[%swap3A_323] {strides = array<i32>} : memref<4096xf32, #tpu.memory_space<vmem>>, vector<16xf32>,
    tpu.vector_store %arg9[%swap3A_323], %broadcast_in_dim3A_322 {strides = array<i32>} : memref<4096xf32, #tpu.memory_space<vmem>>, vector<16xf32>,
    %broadcast_in_dim3A_325 = arith.constant 0.000000e+00 : f32
    %broadcast_in_dim3A_326 = vector.broadcast %broadcast_in_dim3A_325 : f32 to vector<16xf32>
    %swap3A_327 = arith.constant 1104 : index
    %swap3A_328 = tpu.vector_load %arg9[%swap3A_327] {strides = array<i32>} : memref<4096xf32, #tpu.memory_space<vmem>>, vector<16xf32>,
    tpu.vector_store %arg9[%swap3A_327], %broadcast_in_dim3A_326 {strides = array<i32>} : memref<4096xf32, #tpu.memory_space<vmem>>, vector<16xf32>,
    %broadcast_in_dim3A_329 = arith.constant 0.000000e+00 : f32
    %broadcast_in_dim3A_330 = vector.broadcast %broadcast_in_dim3A_329 : f32 to vector<16xf32>
    %swap3A_331 = arith.constant 1120 : index
    %swap3A_332 = tpu.vector_load %arg9[%swap3A_331] {strides = array<i32>} : memref<4096xf32, #tpu.memory_space<vmem>>, vector<16xf32>,
    tpu.vector_store %arg9[%swap3A_331], %broadcast_in_dim3A_330 {strides = array<i32>} : memref<4096xf32, #tpu.memory_space<vmem>>, vector<16xf32>,
    %broadcast_in_dim3A_333 = arith.constant 0.000000e+00 : f32
    %broadcast_in_dim3A_334 = vector.broadcast %broadcast_in_dim3A_333 : f32 to vector<16xf32>
    %swap3A_335 = arith.constant 1136 : index
    %swap3A_336 = tpu.vector_load %arg9[%swap3A_335] {strides = array<i32>} : memref<4096xf32, #tpu.memory_space<vmem>>, vector<16xf32>,
    tpu.vector_store %arg9[%swap3A_335], %broadcast_in_dim3A_334 {strides = array<i32>} : memref<4096xf32, #tpu.memory_space<vmem>>, vector<16xf32>,
    %broadcast_in_dim3A_337 = arith.constant 0.000000e+00 : f32
    %broadcast_in_dim3A_338 = vector.broadcast %broadcast_in_dim3A_337 : f32 to vector<16xf32>
    %swap3A_339 = arith.constant 1152 : index
    %swap3A_340 = tpu.vector_load %arg9[%swap3A_339] {strides = array<i32>} : memref<4096xf32, #tpu.memory_space<vmem>>, vector<16xf32>,
    tpu.vector_store %arg9[%swap3A_339], %broadcast_in_dim3A_338 {strides = array<i32>} : memref<4096xf32, #tpu.memory_space<vmem>>, vector<16xf32>,
    %broadcast_in_dim3A_341 = arith.constant 0.000000e+00 : f32
    %broadcast_in_dim3A_342 = vector.broadcast %broadcast_in_dim3A_341 : f32 to vector<16xf32>
    %swap3A_343 = arith.constant 1168 : index
    %swap3A_344 = tpu.vector_load %arg9[%swap3A_343] {strides = array<i32>} : memref<4096xf32, #tpu.memory_space<vmem>>, vector<16xf32>,
    tpu.vector_store %arg9[%swap3A_343], %broadcast_in_dim3A_342 {strides = array<i32>} : memref<4096xf32, #tpu.memory_space<vmem>>, vector<16xf32>,
    %broadcast_in_dim3A_345 = arith.constant 0.000000e+00 : f32
    %broadcast_in_dim3A_346 = vector.broadcast %broadcast_in_dim3A_345 : f32 to vector<16xf32>
    %swap3A_347 = arith.constant 1184 : index
    %swap3A_348 = tpu.vector_load %arg9[%swap3A_347] {strides = array<i32>} : memref<4096xf32, #tpu.memory_space<vmem>>, vector<16xf32>,
    tpu.vector_store %arg9[%swap3A_347], %broadcast_in_dim3A_346 {strides = array<i32>} : memref<4096xf32, #tpu.memory_space<vmem>>, vector<16xf32>,
    %broadcast_in_dim3A_349 = arith.constant 0.000000e+00 : f32
    %broadcast_in_dim3A_350 = vector.broadcast %broadcast_in_dim3A_349 : f32 to vector<16xf32>
    %swap3A_351 = arith.constant 1200 : index
    %swap3A_352 = tpu.vector_load %arg9[%swap3A_351] {strides = array<i32>} : memref<4096xf32, #tpu.memory_space<vmem>>, vector<16xf32>,
    tpu.vector_store %arg9[%swap3A_351], %broadcast_in_dim3A_350 {strides = array<i32>} : memref<4096xf32, #tpu.memory_space<vmem>>, vector<16xf32>,
    %broadcast_in_dim3A_353 = arith.constant 0.000000e+00 : f32
    %broadcast_in_dim3A_354 = vector.broadcast %broadcast_in_dim3A_353 : f32 to vector<16xf32>
    %swap3A_355 = arith.constant 1216 : index
    %swap3A_356 = tpu.vector_load %arg9[%swap3A_355] {strides = array<i32>} : memref<4096xf32, #tpu.memory_space<vmem>>, vector<16xf32>,
    tpu.vector_store %arg9[%swap3A_355], %broadcast_in_dim3A_354 {strides = array<i32>} : memref<4096xf32, #tpu.memory_space<vmem>>, vector<16xf32>,
    %broadcast_in_dim3A_357 = arith.constant 0.000000e+00 : f32
    %broadcast_in_dim3A_358 = vector.broadcast %broadcast_in_dim3A_357 : f32 to vector<16xf32>
    %swap3A_359 = arith.constant 1232 : index
    %swap3A_360 = tpu.vector_load %arg9[%swap3A_359] {strides = array<i32>} : memref<4096xf32, #tpu.memory_space<vmem>>, vector<16xf32>,
    tpu.vector_store %arg9[%swap3A_359], %broadcast_in_dim3A_358 {strides = array<i32>} : memref<4096xf32, #tpu.memory_space<vmem>>, vector<16xf32>,
    %broadcast_in_dim3A_361 = arith.constant 0.000000e+00 : f32
    %broadcast_in_dim3A_362 = vector.broadcast %broadcast_in_dim3A_361 : f32 to vector<16xf32>
    %swap3A_363 = arith.constant 1248 : index
    %swap3A_364 = tpu.vector_load %arg9[%swap3A_363] {strides = array<i32>} : memref<4096xf32, #tpu.memory_space<vmem>>, vector<16xf32>,
    tpu.vector_store %arg9[%swap3A_363], %broadcast_in_dim3A_362 {strides = array<i32>} : memref<4096xf32, #tpu.memory_space<vmem>>, vector<16xf32>,
    %broadcast_in_dim3A_365 = arith.constant 0.000000e+00 : f32
    %broadcast_in_dim3A_366 = vector.broadcast %broadcast_in_dim3A_365 : f32 to vector<16xf32>
    %swap3A_367 = arith.constant 1264 : index
    %swap3A_368 = tpu.vector_load %arg9[%swap3A_367] {strides = array<i32>} : memref<4096xf32, #tpu.memory_space<vmem>>, vector<16xf32>,
    tpu.vector_store %arg9[%swap3A_367], %broadcast_in_dim3A_366 {strides = array<i32>} : memref<4096xf32, #tpu.memory_space<vmem>>, vector<16xf32>,
    %broadcast_in_dim3A_369 = arith.constant 0.000000e+00 : f32
    %broadcast_in_dim3A_370 = vector.broadcast %broadcast_in_dim3A_369 : f32 to vector<16xf32>
    %swap3A_371 = arith.constant 1280 : index
    %swap3A_372 = tpu.vector_load %arg9[%swap3A_371] {strides = array<i32>} : memref<4096xf32, #tpu.memory_space<vmem>>, vector<16xf32>,
    tpu.vector_store %arg9[%swap3A_371], %broadcast_in_dim3A_370 {strides = array<i32>} : memref<4096xf32, #tpu.memory_space<vmem>>, vector<16xf32>,
    %broadcast_in_dim3A_373 = arith.constant 0.000000e+00 : f32
    %broadcast_in_dim3A_374 = vector.broadcast %broadcast_in_dim3A_373 : f32 to vector<16xf32>
    %swap3A_375 = arith.constant 1296 : index
    %swap3A_376 = tpu.vector_load %arg9[%swap3A_375] {strides = array<i32>} : memref<4096xf32, #tpu.memory_space<vmem>>, vector<16xf32>,
    tpu.vector_store %arg9[%swap3A_375], %broadcast_in_dim3A_374 {strides = array<i32>} : memref<4096xf32, #tpu.memory_space<vmem>>, vector<16xf32>,
    %broadcast_in_dim3A_377 = arith.constant 0.000000e+00 : f32
    %broadcast_in_dim3A_378 = vector.broadcast %broadcast_in_dim3A_377 : f32 to vector<16xf32>
    %swap3A_379 = arith.constant 1312 : index
    %swap3A_380 = tpu.vector_load %arg9[%swap3A_379] {strides = array<i32>} : memref<4096xf32, #tpu.memory_space<vmem>>, vector<16xf32>,
    tpu.vector_store %arg9[%swap3A_379], %broadcast_in_dim3A_378 {strides = array<i32>} : memref<4096xf32, #tpu.memory_space<vmem>>, vector<16xf32>,
    %broadcast_in_dim3A_381 = arith.constant 0.000000e+00 : f32
    %broadcast_in_dim3A_382 = vector.broadcast %broadcast_in_dim3A_381 : f32 to vector<16xf32>
    %swap3A_383 = arith.constant 1328 : index
    %swap3A_384 = tpu.vector_load %arg9[%swap3A_383] {strides = array<i32>} : memref<4096xf32, #tpu.memory_space<vmem>>, vector<16xf32>,
    tpu.vector_store %arg9[%swap3A_383], %broadcast_in_dim3A_382 {strides = array<i32>} : memref<4096xf32, #tpu.memory_space<vmem>>, vector<16xf32>,
    %broadcast_in_dim3A_385 = arith.constant 0.000000e+00 : f32
    %broadcast_in_dim3A_386 = vector.broadcast %broadcast_in_dim3A_385 : f32 to vector<16xf32>
    %swap3A_387 = arith.constant 1344 : index
    %swap3A_388 = tpu.vector_load %arg9[%swap3A_387] {strides = array<i32>} : memref<4096xf32, #tpu.memory_space<vmem>>, vector<16xf32>,
    tpu.vector_store %arg9[%swap3A_387], %broadcast_in_dim3A_386 {strides = array<i32>} : memref<4096xf32, #tpu.memory_space<vmem>>, vector<16xf32>,
    %broadcast_in_dim3A_389 = arith.constant 0.000000e+00 : f32
    %broadcast_in_dim3A_390 = vector.broadcast %broadcast_in_dim3A_389 : f32 to vector<16xf32>
    %swap3A_391 = arith.constant 1360 : index
    %swap3A_392 = tpu.vector_load %arg9[%swap3A_391] {strides = array<i32>} : memref<4096xf32, #tpu.memory_space<vmem>>, vector<16xf32>,
    tpu.vector_store %arg9[%swap3A_391], %broadcast_in_dim3A_390 {strides = array<i32>} : memref<4096xf32, #tpu.memory_space<vmem>>, vector<16xf32>,
    %broadcast_in_dim3A_393 = arith.constant 0.000000e+00 : f32
    %broadcast_in_dim3A_394 = vector.broadcast %broadcast_in_dim3A_393 : f32 to vector<16xf32>
    %swap3A_395 = arith.constant 1376 : index
    %swap3A_396 = tpu.vector_load %arg9[%swap3A_395] {strides = array<i32>} : memref<4096xf32, #tpu.memory_space<vmem>>, vector<16xf32>,
    tpu.vector_store %arg9[%swap3A_395], %broadcast_in_dim3A_394 {strides = array<i32>} : memref<4096xf32, #tpu.memory_space<vmem>>, vector<16xf32>,
    %broadcast_in_dim3A_397 = arith.constant 0.000000e+00 : f32
    %broadcast_in_dim3A_398 = vector.broadcast %broadcast_in_dim3A_397 : f32 to vector<16xf32>
    %swap3A_399 = arith.constant 1392 : index
    %swap3A_400 = tpu.vector_load %arg9[%swap3A_399] {strides = array<i32>} : memref<4096xf32, #tpu.memory_space<vmem>>, vector<16xf32>,
    tpu.vector_store %arg9[%swap3A_399], %broadcast_in_dim3A_398 {strides = array<i32>} : memref<4096xf32, #tpu.memory_space<vmem>>, vector<16xf32>,
    %broadcast_in_dim3A_401 = arith.constant 0.000000e+00 : f32
    %broadcast_in_dim3A_402 = vector.broadcast %broadcast_in_dim3A_401 : f32 to vector<16xf32>
    %swap3A_403 = arith.constant 1408 : index
    %swap3A_404 = tpu.vector_load %arg9[%swap3A_403] {strides = array<i32>} : memref<4096xf32, #tpu.memory_space<vmem>>, vector<16xf32>,
    tpu.vector_store %arg9[%swap3A_403], %broadcast_in_dim3A_402 {strides = array<i32>} : memref<4096xf32, #tpu.memory_space<vmem>>, vector<16xf32>,
    %broadcast_in_dim3A_405 = arith.constant 0.000000e+00 : f32
    %broadcast_in_dim3A_406 = vector.broadcast %broadcast_in_dim3A_405 : f32 to vector<16xf32>
    %swap3A_407 = arith.constant 1424 : index
    %swap3A_408 = tpu.vector_load %arg9[%swap3A_407] {strides = array<i32>} : memref<4096xf32, #tpu.memory_space<vmem>>, vector<16xf32>,
    tpu.vector_store %arg9[%swap3A_407], %broadcast_in_dim3A_406 {strides = array<i32>} : memref<4096xf32, #tpu.memory_space<vmem>>, vector<16xf32>,
    %broadcast_in_dim3A_409 = arith.constant 0.000000e+00 : f32
    %broadcast_in_dim3A_410 = vector.broadcast %broadcast_in_dim3A_409 : f32 to vector<16xf32>
    %swap3A_411 = arith.constant 1440 : index
    %swap3A_412 = tpu.vector_load %arg9[%swap3A_411] {strides = array<i32>} : memref<4096xf32, #tpu.memory_space<vmem>>, vector<16xf32>,
    tpu.vector_store %arg9[%swap3A_411], %broadcast_in_dim3A_410 {strides = array<i32>} : memref<4096xf32, #tpu.memory_space<vmem>>, vector<16xf32>,
    %broadcast_in_dim3A_413 = arith.constant 0.000000e+00 : f32
    %broadcast_in_dim3A_414 = vector.broadcast %broadcast_in_dim3A_413 : f32 to vector<16xf32>
    %swap3A_415 = arith.constant 1456 : index
    %swap3A_416 = tpu.vector_load %arg9[%swap3A_415] {strides = array<i32>} : memref<4096xf32, #tpu.memory_space<vmem>>, vector<16xf32>,
    tpu.vector_store %arg9[%swap3A_415], %broadcast_in_dim3A_414 {strides = array<i32>} : memref<4096xf32, #tpu.memory_space<vmem>>, vector<16xf32>,
    %broadcast_in_dim3A_417 = arith.constant 0.000000e+00 : f32
    %broadcast_in_dim3A_418 = vector.broadcast %broadcast_in_dim3A_417 : f32 to vector<16xf32>
    %swap3A_419 = arith.constant 1472 : index
    %swap3A_420 = tpu.vector_load %arg9[%swap3A_419] {strides = array<i32>} : memref<4096xf32, #tpu.memory_space<vmem>>, vector<16xf32>,
    tpu.vector_store %arg9[%swap3A_419], %broadcast_in_dim3A_418 {strides = array<i32>} : memref<4096xf32, #tpu.memory_space<vmem>>, vector<16xf32>,
    %broadcast_in_dim3A_421 = arith.constant 0.000000e+00 : f32
    %broadcast_in_dim3A_422 = vector.broadcast %broadcast_in_dim3A_421 : f32 to vector<16xf32>
    %swap3A_423 = arith.constant 1488 : index
    %swap3A_424 = tpu.vector_load %arg9[%swap3A_423] {strides = array<i32>} : memref<4096xf32, #tpu.memory_space<vmem>>, vector<16xf32>,
    tpu.vector_store %arg9[%swap3A_423], %broadcast_in_dim3A_422 {strides = array<i32>} : memref<4096xf32, #tpu.memory_space<vmem>>, vector<16xf32>,
    %broadcast_in_dim3A_425 = arith.constant 0.000000e+00 : f32
    %broadcast_in_dim3A_426 = vector.broadcast %broadcast_in_dim3A_425 : f32 to vector<16xf32>
    %swap3A_427 = arith.constant 1504 : index
    %swap3A_428 = tpu.vector_load %arg9[%swap3A_427] {strides = array<i32>} : memref<4096xf32, #tpu.memory_space<vmem>>, vector<16xf32>,
    tpu.vector_store %arg9[%swap3A_427], %broadcast_in_dim3A_426 {strides = array<i32>} : memref<4096xf32, #tpu.memory_space<vmem>>, vector<16xf32>,
    %broadcast_in_dim3A_429 = arith.constant 0.000000e+00 : f32
    %broadcast_in_dim3A_430 = vector.broadcast %broadcast_in_dim3A_429 : f32 to vector<16xf32>
    %swap3A_431 = arith.constant 1520 : index
    %swap3A_432 = tpu.vector_load %arg9[%swap3A_431] {strides = array<i32>} : memref<4096xf32, #tpu.memory_space<vmem>>, vector<16xf32>,
    tpu.vector_store %arg9[%swap3A_431], %broadcast_in_dim3A_430 {strides = array<i32>} : memref<4096xf32, #tpu.memory_space<vmem>>, vector<16xf32>,
    %broadcast_in_dim3A_433 = arith.constant 0.000000e+00 : f32
    %broadcast_in_dim3A_434 = vector.broadcast %broadcast_in_dim3A_433 : f32 to vector<16xf32>
    %swap3A_435 = arith.constant 1536 : index
    %swap3A_436 = tpu.vector_load %arg9[%swap3A_435] {strides = array<i32>} : memref<4096xf32, #tpu.memory_space<vmem>>, vector<16xf32>,
    tpu.vector_store %arg9[%swap3A_435], %broadcast_in_dim3A_434 {strides = array<i32>} : memref<4096xf32, #tpu.memory_space<vmem>>, vector<16xf32>,
    %broadcast_in_dim3A_437 = arith.constant 0.000000e+00 : f32
    %broadcast_in_dim3A_438 = vector.broadcast %broadcast_in_dim3A_437 : f32 to vector<16xf32>
    %swap3A_439 = arith.constant 1552 : index
    %swap3A_440 = tpu.vector_load %arg9[%swap3A_439] {strides = array<i32>} : memref<4096xf32, #tpu.memory_space<vmem>>, vector<16xf32>,
    tpu.vector_store %arg9[%swap3A_439], %broadcast_in_dim3A_438 {strides = array<i32>} : memref<4096xf32, #tpu.memory_space<vmem>>, vector<16xf32>,
    %broadcast_in_dim3A_441 = arith.constant 0.000000e+00 : f32
    %broadcast_in_dim3A_442 = vector.broadcast %broadcast_in_dim3A_441 : f32 to vector<16xf32>
    %swap3A_443 = arith.constant 1568 : index
    %swap3A_444 = tpu.vector_load %arg9[%swap3A_443] {strides = array<i32>} : memref<4096xf32, #tpu.memory_space<vmem>>, vector<16xf32>,
    tpu.vector_store %arg9[%swap3A_443], %broadcast_in_dim3A_442 {strides = array<i32>} : memref<4096xf32, #tpu.memory_space<vmem>>, vector<16xf32>,
    %broadcast_in_dim3A_445 = arith.constant 0.000000e+00 : f32
    %broadcast_in_dim3A_446 = vector.broadcast %broadcast_in_dim3A_445 : f32 to vector<16xf32>
    %swap3A_447 = arith.constant 1584 : index
    %swap3A_448 = tpu.vector_load %arg9[%swap3A_447] {strides = array<i32>} : memref<4096xf32, #tpu.memory_space<vmem>>, vector<16xf32>,
    tpu.vector_store %arg9[%swap3A_447], %broadcast_in_dim3A_446 {strides = array<i32>} : memref<4096xf32, #tpu.memory_space<vmem>>, vector<16xf32>,
    %broadcast_in_dim3A_449 = arith.constant 0.000000e+00 : f32
    %broadcast_in_dim3A_450 = vector.broadcast %broadcast_in_dim3A_449 : f32 to vector<16xf32>
    %swap3A_451 = arith.constant 1600 : index
    %swap3A_452 = tpu.vector_load %arg9[%swap3A_451] {strides = array<i32>} : memref<4096xf32, #tpu.memory_space<vmem>>, vector<16xf32>,
    tpu.vector_store %arg9[%swap3A_451], %broadcast_in_dim3A_450 {strides = array<i32>} : memref<4096xf32, #tpu.memory_space<vmem>>, vector<16xf32>,
    %broadcast_in_dim3A_453 = arith.constant 0.000000e+00 : f32
    %broadcast_in_dim3A_454 = vector.broadcast %broadcast_in_dim3A_453 : f32 to vector<16xf32>
    %swap3A_455 = arith.constant 1616 : index
    %swap3A_456 = tpu.vector_load %arg9[%swap3A_455] {strides = array<i32>} : memref<4096xf32, #tpu.memory_space<vmem>>, vector<16xf32>,
    tpu.vector_store %arg9[%swap3A_455], %broadcast_in_dim3A_454 {strides = array<i32>} : memref<4096xf32, #tpu.memory_space<vmem>>, vector<16xf32>,
    %broadcast_in_dim3A_457 = arith.constant 0.000000e+00 : f32
    %broadcast_in_dim3A_458 = vector.broadcast %broadcast_in_dim3A_457 : f32 to vector<16xf32>
    %swap3A_459 = arith.constant 1632 : index
    %swap3A_460 = tpu.vector_load %arg9[%swap3A_459] {strides = array<i32>} : memref<4096xf32, #tpu.memory_space<vmem>>, vector<16xf32>,
    tpu.vector_store %arg9[%swap3A_459], %broadcast_in_dim3A_458 {strides = array<i32>} : memref<4096xf32, #tpu.memory_space<vmem>>, vector<16xf32>,
    %broadcast_in_dim3A_461 = arith.constant 0.000000e+00 : f32
    %broadcast_in_dim3A_462 = vector.broadcast %broadcast_in_dim3A_461 : f32 to vector<16xf32>
    %swap3A_463 = arith.constant 1648 : index
    %swap3A_464 = tpu.vector_load %arg9[%swap3A_463] {strides = array<i32>} : memref<4096xf32, #tpu.memory_space<vmem>>, vector<16xf32>,
    tpu.vector_store %arg9[%swap3A_463], %broadcast_in_dim3A_462 {strides = array<i32>} : memref<4096xf32, #tpu.memory_space<vmem>>, vector<16xf32>,
    %broadcast_in_dim3A_465 = arith.constant 0.000000e+00 : f32
    %broadcast_in_dim3A_466 = vector.broadcast %broadcast_in_dim3A_465 : f32 to vector<16xf32>
    %swap3A_467 = arith.constant 1664 : index
    %swap3A_468 = tpu.vector_load %arg9[%swap3A_467] {strides = array<i32>} : memref<4096xf32, #tpu.memory_space<vmem>>, vector<16xf32>,
    tpu.vector_store %arg9[%swap3A_467], %broadcast_in_dim3A_466 {strides = array<i32>} : memref<4096xf32, #tpu.memory_space<vmem>>, vector<16xf32>,
    %broadcast_in_dim3A_469 = arith.constant 0.000000e+00 : f32
    %broadcast_in_dim3A_470 = vector.broadcast %broadcast_in_dim3A_469 : f32 to vector<16xf32>
    %swap3A_471 = arith.constant 1680 : index
    %swap3A_472 = tpu.vector_load %arg9[%swap3A_471] {strides = array<i32>} : memref<4096xf32, #tpu.memory_space<vmem>>, vector<16xf32>,
    tpu.vector_store %arg9[%swap3A_471], %broadcast_in_dim3A_470 {strides = array<i32>} : memref<4096xf32, #tpu.memory_space<vmem>>, vector<16xf32>,
    %broadcast_in_dim3A_473 = arith.constant 0.000000e+00 : f32
    %broadcast_in_dim3A_474 = vector.broadcast %broadcast_in_dim3A_473 : f32 to vector<16xf32>
    %swap3A_475 = arith.constant 1696 : index
    %swap3A_476 = tpu.vector_load %arg9[%swap3A_475] {strides = array<i32>} : memref<4096xf32, #tpu.memory_space<vmem>>, vector<16xf32>,
    tpu.vector_store %arg9[%swap3A_475], %broadcast_in_dim3A_474 {strides = array<i32>} : memref<4096xf32, #tpu.memory_space<vmem>>, vector<16xf32>,
    %broadcast_in_dim3A_477 = arith.constant 0.000000e+00 : f32
    %broadcast_in_dim3A_478 = vector.broadcast %broadcast_in_dim3A_477 : f32 to vector<16xf32>
    %swap3A_479 = arith.constant 1712 : index
    %swap3A_480 = tpu.vector_load %arg9[%swap3A_479] {strides = array<i32>} : memref<4096xf32, #tpu.memory_space<vmem>>, vector<16xf32>,
    tpu.vector_store %arg9[%swap3A_479], %broadcast_in_dim3A_478 {strides = array<i32>} : memref<4096xf32, #tpu.memory_space<vmem>>, vector<16xf32>,
    %broadcast_in_dim3A_481 = arith.constant 0.000000e+00 : f32
    %broadcast_in_dim3A_482 = vector.broadcast %broadcast_in_dim3A_481 : f32 to vector<16xf32>
    %swap3A_483 = arith.constant 1728 : index
    %swap3A_484 = tpu.vector_load %arg9[%swap3A_483] {strides = array<i32>} : memref<4096xf32, #tpu.memory_space<vmem>>, vector<16xf32>,
    tpu.vector_store %arg9[%swap3A_483], %broadcast_in_dim3A_482 {strides = array<i32>} : memref<4096xf32, #tpu.memory_space<vmem>>, vector<16xf32>,
    %broadcast_in_dim3A_485 = arith.constant 0.000000e+00 : f32
    %broadcast_in_dim3A_486 = vector.broadcast %broadcast_in_dim3A_485 : f32 to vector<16xf32>
    %swap3A_487 = arith.constant 1744 : index
    %swap3A_488 = tpu.vector_load %arg9[%swap3A_487] {strides = array<i32>} : memref<4096xf32, #tpu.memory_space<vmem>>, vector<16xf32>,
    tpu.vector_store %arg9[%swap3A_487], %broadcast_in_dim3A_486 {strides = array<i32>} : memref<4096xf32, #tpu.memory_space<vmem>>, vector<16xf32>,
    %broadcast_in_dim3A_489 = arith.constant 0.000000e+00 : f32
    %broadcast_in_dim3A_490 = vector.broadcast %broadcast_in_dim3A_489 : f32 to vector<16xf32>
    %swap3A_491 = arith.constant 1760 : index
    %swap3A_492 = tpu.vector_load %arg9[%swap3A_491] {strides = array<i32>} : memref<4096xf32, #tpu.memory_space<vmem>>, vector<16xf32>,
    tpu.vector_store %arg9[%swap3A_491], %broadcast_in_dim3A_490 {strides = array<i32>} : memref<4096xf32, #tpu.memory_space<vmem>>, vector<16xf32>,
    %broadcast_in_dim3A_493 = arith.constant 0.000000e+00 : f32
    %broadcast_in_dim3A_494 = vector.broadcast %broadcast_in_dim3A_493 : f32 to vector<16xf32>
    %swap3A_495 = arith.constant 1776 : index
    %swap3A_496 = tpu.vector_load %arg9[%swap3A_495] {strides = array<i32>} : memref<4096xf32, #tpu.memory_space<vmem>>, vector<16xf32>,
    tpu.vector_store %arg9[%swap3A_495], %broadcast_in_dim3A_494 {strides = array<i32>} : memref<4096xf32, #tpu.memory_space<vmem>>, vector<16xf32>,
    %broadcast_in_dim3A_497 = arith.constant 0.000000e+00 : f32
    %broadcast_in_dim3A_498 = vector.broadcast %broadcast_in_dim3A_497 : f32 to vector<16xf32>
    %swap3A_499 = arith.constant 1792 : index
    %swap3A_500 = tpu.vector_load %arg9[%swap3A_499] {strides = array<i32>} : memref<4096xf32, #tpu.memory_space<vmem>>, vector<16xf32>,
    tpu.vector_store %arg9[%swap3A_499], %broadcast_in_dim3A_498 {strides = array<i32>} : memref<4096xf32, #tpu.memory_space<vmem>>, vector<16xf32>,
    %broadcast_in_dim3A_501 = arith.constant 0.000000e+00 : f32
    %broadcast_in_dim3A_502 = vector.broadcast %broadcast_in_dim3A_501 : f32 to vector<16xf32>
    %swap3A_503 = arith.constant 1808 : index
    %swap3A_504 = tpu.vector_load %arg9[%swap3A_503] {strides = array<i32>} : memref<4096xf32, #tpu.memory_space<vmem>>, vector<16xf32>,
    tpu.vector_store %arg9[%swap3A_503], %broadcast_in_dim3A_502 {strides = array<i32>} : memref<4096xf32, #tpu.memory_space<vmem>>, vector<16xf32>,
    %broadcast_in_dim3A_505 = arith.constant 0.000000e+00 : f32
    %broadcast_in_dim3A_506 = vector.broadcast %broadcast_in_dim3A_505 : f32 to vector<16xf32>
    %swap3A_507 = arith.constant 1824 : index
    %swap3A_508 = tpu.vector_load %arg9[%swap3A_507] {strides = array<i32>} : memref<4096xf32, #tpu.memory_space<vmem>>, vector<16xf32>,
    tpu.vector_store %arg9[%swap3A_507], %broadcast_in_dim3A_506 {strides = array<i32>} : memref<4096xf32, #tpu.memory_space<vmem>>, vector<16xf32>,
    %broadcast_in_dim3A_509 = arith.constant 0.000000e+00 : f32
    %broadcast_in_dim3A_510 = vector.broadcast %broadcast_in_dim3A_509 : f32 to vector<16xf32>
    %swap3A_511 = arith.constant 1840 : index
    %swap3A_512 = tpu.vector_load %arg9[%swap3A_511] {strides = array<i32>} : memref<4096xf32, #tpu.memory_space<vmem>>, vector<16xf32>,
    tpu.vector_store %arg9[%swap3A_511], %broadcast_in_dim3A_510 {strides = array<i32>} : memref<4096xf32, #tpu.memory_space<vmem>>, vector<16xf32>,
    %broadcast_in_dim3A_513 = arith.constant 0.000000e+00 : f32
    %broadcast_in_dim3A_514 = vector.broadcast %broadcast_in_dim3A_513 : f32 to vector<16xf32>
    %swap3A_515 = arith.constant 1856 : index
    %swap3A_516 = tpu.vector_load %arg9[%swap3A_515] {strides = array<i32>} : memref<4096xf32, #tpu.memory_space<vmem>>, vector<16xf32>,
    tpu.vector_store %arg9[%swap3A_515], %broadcast_in_dim3A_514 {strides = array<i32>} : memref<4096xf32, #tpu.memory_space<vmem>>, vector<16xf32>,
    %broadcast_in_dim3A_517 = arith.constant 0.000000e+00 : f32
    %broadcast_in_dim3A_518 = vector.broadcast %broadcast_in_dim3A_517 : f32 to vector<16xf32>
    %swap3A_519 = arith.constant 1872 : index
    %swap3A_520 = tpu.vector_load %arg9[%swap3A_519] {strides = array<i32>} : memref<4096xf32, #tpu.memory_space<vmem>>, vector<16xf32>,
    tpu.vector_store %arg9[%swap3A_519], %broadcast_in_dim3A_518 {strides = array<i32>} : memref<4096xf32, #tpu.memory_space<vmem>>, vector<16xf32>,
    %broadcast_in_dim3A_521 = arith.constant 0.000000e+00 : f32
    %broadcast_in_dim3A_522 = vector.broadcast %broadcast_in_dim3A_521 : f32 to vector<16xf32>
    %swap3A_523 = arith.constant 1888 : index
    %swap3A_524 = tpu.vector_load %arg9[%swap3A_523] {strides = array<i32>} : memref<4096xf32, #tpu.memory_space<vmem>>, vector<16xf32>,
    tpu.vector_store %arg9[%swap3A_523], %broadcast_in_dim3A_522 {strides = array<i32>} : memref<4096xf32, #tpu.memory_space<vmem>>, vector<16xf32>,
    %broadcast_in_dim3A_525 = arith.constant 0.000000e+00 : f32
    %broadcast_in_dim3A_526 = vector.broadcast %broadcast_in_dim3A_525 : f32 to vector<16xf32>
    %swap3A_527 = arith.constant 1904 : index
    %swap3A_528 = tpu.vector_load %arg9[%swap3A_527] {strides = array<i32>} : memref<4096xf32, #tpu.memory_space<vmem>>, vector<16xf32>,
    tpu.vector_store %arg9[%swap3A_527], %broadcast_in_dim3A_526 {strides = array<i32>} : memref<4096xf32, #tpu.memory_space<vmem>>, vector<16xf32>,
    %broadcast_in_dim3A_529 = arith.constant 0.000000e+00 : f32
    %broadcast_in_dim3A_530 = vector.broadcast %broadcast_in_dim3A_529 : f32 to vector<16xf32>
    %swap3A_531 = arith.constant 1920 : index
    %swap3A_532 = tpu.vector_load %arg9[%swap3A_531] {strides = array<i32>} : memref<4096xf32, #tpu.memory_space<vmem>>, vector<16xf32>,
    tpu.vector_store %arg9[%swap3A_531], %broadcast_in_dim3A_530 {strides = array<i32>} : memref<4096xf32, #tpu.memory_space<vmem>>, vector<16xf32>,
    %broadcast_in_dim3A_533 = arith.constant 0.000000e+00 : f32
    %broadcast_in_dim3A_534 = vector.broadcast %broadcast_in_dim3A_533 : f32 to vector<16xf32>
    %swap3A_535 = arith.constant 1936 : index
    %swap3A_536 = tpu.vector_load %arg9[%swap3A_535] {strides = array<i32>} : memref<4096xf32, #tpu.memory_space<vmem>>, vector<16xf32>,
    tpu.vector_store %arg9[%swap3A_535], %broadcast_in_dim3A_534 {strides = array<i32>} : memref<4096xf32, #tpu.memory_space<vmem>>, vector<16xf32>,
    %broadcast_in_dim3A_537 = arith.constant 0.000000e+00 : f32
    %broadcast_in_dim3A_538 = vector.broadcast %broadcast_in_dim3A_537 : f32 to vector<16xf32>
    %swap3A_539 = arith.constant 1952 : index
    %swap3A_540 = tpu.vector_load %arg9[%swap3A_539] {strides = array<i32>} : memref<4096xf32, #tpu.memory_space<vmem>>, vector<16xf32>,
    tpu.vector_store %arg9[%swap3A_539], %broadcast_in_dim3A_538 {strides = array<i32>} : memref<4096xf32, #tpu.memory_space<vmem>>, vector<16xf32>,
    %broadcast_in_dim3A_541 = arith.constant 0.000000e+00 : f32
    %broadcast_in_dim3A_542 = vector.broadcast %broadcast_in_dim3A_541 : f32 to vector<16xf32>
    %swap3A_543 = arith.constant 1968 : index
    %swap3A_544 = tpu.vector_load %arg9[%swap3A_543] {strides = array<i32>} : memref<4096xf32, #tpu.memory_space<vmem>>, vector<16xf32>,
    tpu.vector_store %arg9[%swap3A_543], %broadcast_in_dim3A_542 {strides = array<i32>} : memref<4096xf32, #tpu.memory_space<vmem>>, vector<16xf32>,
    %broadcast_in_dim3A_545 = arith.constant 0.000000e+00 : f32
    %broadcast_in_dim3A_546 = vector.broadcast %broadcast_in_dim3A_545 : f32 to vector<16xf32>
    %swap3A_547 = arith.constant 1984 : index
    %swap3A_548 = tpu.vector_load %arg9[%swap3A_547] {strides = array<i32>} : memref<4096xf32, #tpu.memory_space<vmem>>, vector<16xf32>,
    tpu.vector_store %arg9[%swap3A_547], %broadcast_in_dim3A_546 {strides = array<i32>} : memref<4096xf32, #tpu.memory_space<vmem>>, vector<16xf32>,
    %broadcast_in_dim3A_549 = arith.constant 0.000000e+00 : f32
    %broadcast_in_dim3A_550 = vector.broadcast %broadcast_in_dim3A_549 : f32 to vector<16xf32>
    %swap3A_551 = arith.constant 2000 : index
    %swap3A_552 = tpu.vector_load %arg9[%swap3A_551] {strides = array<i32>} : memref<4096xf32, #tpu.memory_space<vmem>>, vector<16xf32>,
    tpu.vector_store %arg9[%swap3A_551], %broadcast_in_dim3A_550 {strides = array<i32>} : memref<4096xf32, #tpu.memory_space<vmem>>, vector<16xf32>,
    %broadcast_in_dim3A_553 = arith.constant 0.000000e+00 : f32
    %broadcast_in_dim3A_554 = vector.broadcast %broadcast_in_dim3A_553 : f32 to vector<16xf32>
    %swap3A_555 = arith.constant 2016 : index
    %swap3A_556 = tpu.vector_load %arg9[%swap3A_555] {strides = array<i32>} : memref<4096xf32, #tpu.memory_space<vmem>>, vector<16xf32>,
    tpu.vector_store %arg9[%swap3A_555], %broadcast_in_dim3A_554 {strides = array<i32>} : memref<4096xf32, #tpu.memory_space<vmem>>, vector<16xf32>,
    %broadcast_in_dim3A_557 = arith.constant 0.000000e+00 : f32
    %broadcast_in_dim3A_558 = vector.broadcast %broadcast_in_dim3A_557 : f32 to vector<16xf32>
    %swap3A_559 = arith.constant 2032 : index
    %swap3A_560 = tpu.vector_load %arg9[%swap3A_559] {strides = array<i32>} : memref<4096xf32, #tpu.memory_space<vmem>>, vector<16xf32>,
    tpu.vector_store %arg9[%swap3A_559], %broadcast_in_dim3A_558 {strides = array<i32>} : memref<4096xf32, #tpu.memory_space<vmem>>, vector<16xf32>,
    %broadcast_in_dim3A_561 = arith.constant 0.000000e+00 : f32
    %broadcast_in_dim3A_562 = vector.broadcast %broadcast_in_dim3A_561 : f32 to vector<16xf32>
    %swap3A_563 = arith.constant 2048 : index
    %swap3A_564 = tpu.vector_load %arg9[%swap3A_563] {strides = array<i32>} : memref<4096xf32, #tpu.memory_space<vmem>>, vector<16xf32>,
    tpu.vector_store %arg9[%swap3A_563], %broadcast_in_dim3A_562 {strides = array<i32>} : memref<4096xf32, #tpu.memory_space<vmem>>, vector<16xf32>,
    %broadcast_in_dim3A_565 = arith.constant 0.000000e+00 : f32
    %broadcast_in_dim3A_566 = vector.broadcast %broadcast_in_dim3A_565 : f32 to vector<16xf32>
    %swap3A_567 = arith.constant 2064 : index
    %swap3A_568 = tpu.vector_load %arg9[%swap3A_567] {strides = array<i32>} : memref<4096xf32, #tpu.memory_space<vmem>>, vector<16xf32>,
    tpu.vector_store %arg9[%swap3A_567], %broadcast_in_dim3A_566 {strides = array<i32>} : memref<4096xf32, #tpu.memory_space<vmem>>, vector<16xf32>,
    %broadcast_in_dim3A_569 = arith.constant 0.000000e+00 : f32
    %broadcast_in_dim3A_570 = vector.broadcast %broadcast_in_dim3A_569 : f32 to vector<16xf32>
    %swap3A_571 = arith.constant 2080 : index
    %swap3A_572 = tpu.vector_load %arg9[%swap3A_571] {strides = array<i32>} : memref<4096xf32, #tpu.memory_space<vmem>>, vector<16xf32>,
    tpu.vector_store %arg9[%swap3A_571], %broadcast_in_dim3A_570 {strides = array<i32>} : memref<4096xf32, #tpu.memory_space<vmem>>, vector<16xf32>,
    %broadcast_in_dim3A_573 = arith.constant 0.000000e+00 : f32
    %broadcast_in_dim3A_574 = vector.broadcast %broadcast_in_dim3A_573 : f32 to vector<16xf32>
    %swap3A_575 = arith.constant 2096 : index
    %swap3A_576 = tpu.vector_load %arg9[%swap3A_575] {strides = array<i32>} : memref<4096xf32, #tpu.memory_space<vmem>>, vector<16xf32>,
    tpu.vector_store %arg9[%swap3A_575], %broadcast_in_dim3A_574 {strides = array<i32>} : memref<4096xf32, #tpu.memory_space<vmem>>, vector<16xf32>,
    %broadcast_in_dim3A_577 = arith.constant 0.000000e+00 : f32
    %broadcast_in_dim3A_578 = vector.broadcast %broadcast_in_dim3A_577 : f32 to vector<16xf32>
    %swap3A_579 = arith.constant 2112 : index
    %swap3A_580 = tpu.vector_load %arg9[%swap3A_579] {strides = array<i32>} : memref<4096xf32, #tpu.memory_space<vmem>>, vector<16xf32>,
    tpu.vector_store %arg9[%swap3A_579], %broadcast_in_dim3A_578 {strides = array<i32>} : memref<4096xf32, #tpu.memory_space<vmem>>, vector<16xf32>,
    %broadcast_in_dim3A_581 = arith.constant 0.000000e+00 : f32
    %broadcast_in_dim3A_582 = vector.broadcast %broadcast_in_dim3A_581 : f32 to vector<16xf32>
    %swap3A_583 = arith.constant 2128 : index
    %swap3A_584 = tpu.vector_load %arg9[%swap3A_583] {strides = array<i32>} : memref<4096xf32, #tpu.memory_space<vmem>>, vector<16xf32>,
    tpu.vector_store %arg9[%swap3A_583], %broadcast_in_dim3A_582 {strides = array<i32>} : memref<4096xf32, #tpu.memory_space<vmem>>, vector<16xf32>,
    %broadcast_in_dim3A_585 = arith.constant 0.000000e+00 : f32
    %broadcast_in_dim3A_586 = vector.broadcast %broadcast_in_dim3A_585 : f32 to vector<16xf32>
    %swap3A_587 = arith.constant 2144 : index
    %swap3A_588 = tpu.vector_load %arg9[%swap3A_587] {strides = array<i32>} : memref<4096xf32, #tpu.memory_space<vmem>>, vector<16xf32>,
    tpu.vector_store %arg9[%swap3A_587], %broadcast_in_dim3A_586 {strides = array<i32>} : memref<4096xf32, #tpu.memory_space<vmem>>, vector<16xf32>,
    %broadcast_in_dim3A_589 = arith.constant 0.000000e+00 : f32
    %broadcast_in_dim3A_590 = vector.broadcast %broadcast_in_dim3A_589 : f32 to vector<16xf32>
    %swap3A_591 = arith.constant 2160 : index
    %swap3A_592 = tpu.vector_load %arg9[%swap3A_591] {strides = array<i32>} : memref<4096xf32, #tpu.memory_space<vmem>>, vector<16xf32>,
    tpu.vector_store %arg9[%swap3A_591], %broadcast_in_dim3A_590 {strides = array<i32>} : memref<4096xf32, #tpu.memory_space<vmem>>, vector<16xf32>,
    %broadcast_in_dim3A_593 = arith.constant 0.000000e+00 : f32
    %broadcast_in_dim3A_594 = vector.broadcast %broadcast_in_dim3A_593 : f32 to vector<16xf32>
    %swap3A_595 = arith.constant 2176 : index
    %swap3A_596 = tpu.vector_load %arg9[%swap3A_595] {strides = array<i32>} : memref<4096xf32, #tpu.memory_space<vmem>>, vector<16xf32>,
    tpu.vector_store %arg9[%swap3A_595], %broadcast_in_dim3A_594 {strides = array<i32>} : memref<4096xf32, #tpu.memory_space<vmem>>, vector<16xf32>,
    %broadcast_in_dim3A_597 = arith.constant 0.000000e+00 : f32
    %broadcast_in_dim3A_598 = vector.broadcast %broadcast_in_dim3A_597 : f32 to vector<16xf32>
    %swap3A_599 = arith.constant 2192 : index
    %swap3A_600 = tpu.vector_load %arg9[%swap3A_599] {strides = array<i32>} : memref<4096xf32, #tpu.memory_space<vmem>>, vector<16xf32>,
    tpu.vector_store %arg9[%swap3A_599], %broadcast_in_dim3A_598 {strides = array<i32>} : memref<4096xf32, #tpu.memory_space<vmem>>, vector<16xf32>,
    %broadcast_in_dim3A_601 = arith.constant 0.000000e+00 : f32
    %broadcast_in_dim3A_602 = vector.broadcast %broadcast_in_dim3A_601 : f32 to vector<16xf32>
    %swap3A_603 = arith.constant 2208 : index
    %swap3A_604 = tpu.vector_load %arg9[%swap3A_603] {strides = array<i32>} : memref<4096xf32, #tpu.memory_space<vmem>>, vector<16xf32>,
    tpu.vector_store %arg9[%swap3A_603], %broadcast_in_dim3A_602 {strides = array<i32>} : memref<4096xf32, #tpu.memory_space<vmem>>, vector<16xf32>,
    %broadcast_in_dim3A_605 = arith.constant 0.000000e+00 : f32
    %broadcast_in_dim3A_606 = vector.broadcast %broadcast_in_dim3A_605 : f32 to vector<16xf32>
    %swap3A_607 = arith.constant 2224 : index
    %swap3A_608 = tpu.vector_load %arg9[%swap3A_607] {strides = array<i32>} : memref<4096xf32, #tpu.memory_space<vmem>>, vector<16xf32>,
    tpu.vector_store %arg9[%swap3A_607], %broadcast_in_dim3A_606 {strides = array<i32>} : memref<4096xf32, #tpu.memory_space<vmem>>, vector<16xf32>,
    %broadcast_in_dim3A_609 = arith.constant 0.000000e+00 : f32
    %broadcast_in_dim3A_610 = vector.broadcast %broadcast_in_dim3A_609 : f32 to vector<16xf32>
    %swap3A_611 = arith.constant 2240 : index
    %swap3A_612 = tpu.vector_load %arg9[%swap3A_611] {strides = array<i32>} : memref<4096xf32, #tpu.memory_space<vmem>>, vector<16xf32>,
    tpu.vector_store %arg9[%swap3A_611], %broadcast_in_dim3A_610 {strides = array<i32>} : memref<4096xf32, #tpu.memory_space<vmem>>, vector<16xf32>,
    %broadcast_in_dim3A_613 = arith.constant 0.000000e+00 : f32
    %broadcast_in_dim3A_614 = vector.broadcast %broadcast_in_dim3A_613 : f32 to vector<16xf32>
    %swap3A_615 = arith.constant 2256 : index
    %swap3A_616 = tpu.vector_load %arg9[%swap3A_615] {strides = array<i32>} : memref<4096xf32, #tpu.memory_space<vmem>>, vector<16xf32>,
    tpu.vector_store %arg9[%swap3A_615], %broadcast_in_dim3A_614 {strides = array<i32>} : memref<4096xf32, #tpu.memory_space<vmem>>, vector<16xf32>,
    %broadcast_in_dim3A_617 = arith.constant 0.000000e+00 : f32
    %broadcast_in_dim3A_618 = vector.broadcast %broadcast_in_dim3A_617 : f32 to vector<16xf32>
    %swap3A_619 = arith.constant 2272 : index
    %swap3A_620 = tpu.vector_load %arg9[%swap3A_619] {strides = array<i32>} : memref<4096xf32, #tpu.memory_space<vmem>>, vector<16xf32>,
    tpu.vector_store %arg9[%swap3A_619], %broadcast_in_dim3A_618 {strides = array<i32>} : memref<4096xf32, #tpu.memory_space<vmem>>, vector<16xf32>,
    %broadcast_in_dim3A_621 = arith.constant 0.000000e+00 : f32
    %broadcast_in_dim3A_622 = vector.broadcast %broadcast_in_dim3A_621 : f32 to vector<16xf32>
    %swap3A_623 = arith.constant 2288 : index
    %swap3A_624 = tpu.vector_load %arg9[%swap3A_623] {strides = array<i32>} : memref<4096xf32, #tpu.memory_space<vmem>>, vector<16xf32>,
    tpu.vector_store %arg9[%swap3A_623], %broadcast_in_dim3A_622 {strides = array<i32>} : memref<4096xf32, #tpu.memory_space<vmem>>, vector<16xf32>,
    %broadcast_in_dim3A_625 = arith.constant 0.000000e+00 : f32
    %broadcast_in_dim3A_626 = vector.broadcast %broadcast_in_dim3A_625 : f32 to vector<16xf32>
    %swap3A_627 = arith.constant 2304 : index
    %swap3A_628 = tpu.vector_load %arg9[%swap3A_627] {strides = array<i32>} : memref<4096xf32, #tpu.memory_space<vmem>>, vector<16xf32>,
    tpu.vector_store %arg9[%swap3A_627], %broadcast_in_dim3A_626 {strides = array<i32>} : memref<4096xf32, #tpu.memory_space<vmem>>, vector<16xf32>,
    %broadcast_in_dim3A_629 = arith.constant 0.000000e+00 : f32
    %broadcast_in_dim3A_630 = vector.broadcast %broadcast_in_dim3A_629 : f32 to vector<16xf32>
    %swap3A_631 = arith.constant 2320 : index
    %swap3A_632 = tpu.vector_load %arg9[%swap3A_631] {strides = array<i32>} : memref<4096xf32, #tpu.memory_space<vmem>>, vector<16xf32>,
    tpu.vector_store %arg9[%swap3A_631], %broadcast_in_dim3A_630 {strides = array<i32>} : memref<4096xf32, #tpu.memory_space<vmem>>, vector<16xf32>,
    %broadcast_in_dim3A_633 = arith.constant 0.000000e+00 : f32
    %broadcast_in_dim3A_634 = vector.broadcast %broadcast_in_dim3A_633 : f32 to vector<16xf32>
    %swap3A_635 = arith.constant 2336 : index
    %swap3A_636 = tpu.vector_load %arg9[%swap3A_635] {strides = array<i32>} : memref<4096xf32, #tpu.memory_space<vmem>>, vector<16xf32>,
    tpu.vector_store %arg9[%swap3A_635], %broadcast_in_dim3A_634 {strides = array<i32>} : memref<4096xf32, #tpu.memory_space<vmem>>, vector<16xf32>,
    %broadcast_in_dim3A_637 = arith.constant 0.000000e+00 : f32
    %broadcast_in_dim3A_638 = vector.broadcast %broadcast_in_dim3A_637 : f32 to vector<16xf32>
    %swap3A_639 = arith.constant 2352 : index
    %swap3A_640 = tpu.vector_load %arg9[%swap3A_639] {strides = array<i32>} : memref<4096xf32, #tpu.memory_space<vmem>>, vector<16xf32>,
    tpu.vector_store %arg9[%swap3A_639], %broadcast_in_dim3A_638 {strides = array<i32>} : memref<4096xf32, #tpu.memory_space<vmem>>, vector<16xf32>,
    %broadcast_in_dim3A_641 = arith.constant 0.000000e+00 : f32
    %broadcast_in_dim3A_642 = vector.broadcast %broadcast_in_dim3A_641 : f32 to vector<16xf32>
    %swap3A_643 = arith.constant 2368 : index
    %swap3A_644 = tpu.vector_load %arg9[%swap3A_643] {strides = array<i32>} : memref<4096xf32, #tpu.memory_space<vmem>>, vector<16xf32>,
    tpu.vector_store %arg9[%swap3A_643], %broadcast_in_dim3A_642 {strides = array<i32>} : memref<4096xf32, #tpu.memory_space<vmem>>, vector<16xf32>,
    %broadcast_in_dim3A_645 = arith.constant 0.000000e+00 : f32
    %broadcast_in_dim3A_646 = vector.broadcast %broadcast_in_dim3A_645 : f32 to vector<16xf32>
    %swap3A_647 = arith.constant 2384 : index
    %swap3A_648 = tpu.vector_load %arg9[%swap3A_647] {strides = array<i32>} : memref<4096xf32, #tpu.memory_space<vmem>>, vector<16xf32>,
    tpu.vector_store %arg9[%swap3A_647], %broadcast_in_dim3A_646 {strides = array<i32>} : memref<4096xf32, #tpu.memory_space<vmem>>, vector<16xf32>,
    %broadcast_in_dim3A_649 = arith.constant 0.000000e+00 : f32
    %broadcast_in_dim3A_650 = vector.broadcast %broadcast_in_dim3A_649 : f32 to vector<16xf32>
    %swap3A_651 = arith.constant 2400 : index
    %swap3A_652 = tpu.vector_load %arg9[%swap3A_651] {strides = array<i32>} : memref<4096xf32, #tpu.memory_space<vmem>>, vector<16xf32>,
    tpu.vector_store %arg9[%swap3A_651], %broadcast_in_dim3A_650 {strides = array<i32>} : memref<4096xf32, #tpu.memory_space<vmem>>, vector<16xf32>,
    %broadcast_in_dim3A_653 = arith.constant 0.000000e+00 : f32
    %broadcast_in_dim3A_654 = vector.broadcast %broadcast_in_dim3A_653 : f32 to vector<16xf32>
    %swap3A_655 = arith.constant 2416 : index
    %swap3A_656 = tpu.vector_load %arg9[%swap3A_655] {strides = array<i32>} : memref<4096xf32, #tpu.memory_space<vmem>>, vector<16xf32>,
    tpu.vector_store %arg9[%swap3A_655], %broadcast_in_dim3A_654 {strides = array<i32>} : memref<4096xf32, #tpu.memory_space<vmem>>, vector<16xf32>,
    %broadcast_in_dim3A_657 = arith.constant 0.000000e+00 : f32
    %broadcast_in_dim3A_658 = vector.broadcast %broadcast_in_dim3A_657 : f32 to vector<16xf32>
    %swap3A_659 = arith.constant 2432 : index
    %swap3A_660 = tpu.vector_load %arg9[%swap3A_659] {strides = array<i32>} : memref<4096xf32, #tpu.memory_space<vmem>>, vector<16xf32>,
    tpu.vector_store %arg9[%swap3A_659], %broadcast_in_dim3A_658 {strides = array<i32>} : memref<4096xf32, #tpu.memory_space<vmem>>, vector<16xf32>,
    %broadcast_in_dim3A_661 = arith.constant 0.000000e+00 : f32
    %broadcast_in_dim3A_662 = vector.broadcast %broadcast_in_dim3A_661 : f32 to vector<16xf32>
    %swap3A_663 = arith.constant 2448 : index
    %swap3A_664 = tpu.vector_load %arg9[%swap3A_663] {strides = array<i32>} : memref<4096xf32, #tpu.memory_space<vmem>>, vector<16xf32>,
    tpu.vector_store %arg9[%swap3A_663], %broadcast_in_dim3A_662 {strides = array<i32>} : memref<4096xf32, #tpu.memory_space<vmem>>, vector<16xf32>,
    %broadcast_in_dim3A_665 = arith.constant 0.000000e+00 : f32
    %broadcast_in_dim3A_666 = vector.broadcast %broadcast_in_dim3A_665 : f32 to vector<16xf32>
    %swap3A_667 = arith.constant 2464 : index
    %swap3A_668 = tpu.vector_load %arg9[%swap3A_667] {strides = array<i32>} : memref<4096xf32, #tpu.memory_space<vmem>>, vector<16xf32>,
    tpu.vector_store %arg9[%swap3A_667], %broadcast_in_dim3A_666 {strides = array<i32>} : memref<4096xf32, #tpu.memory_space<vmem>>, vector<16xf32>,
    %broadcast_in_dim3A_669 = arith.constant 0.000000e+00 : f32
    %broadcast_in_dim3A_670 = vector.broadcast %broadcast_in_dim3A_669 : f32 to vector<16xf32>
    %swap3A_671 = arith.constant 2480 : index
    %swap3A_672 = tpu.vector_load %arg9[%swap3A_671] {strides = array<i32>} : memref<4096xf32, #tpu.memory_space<vmem>>, vector<16xf32>,
    tpu.vector_store %arg9[%swap3A_671], %broadcast_in_dim3A_670 {strides = array<i32>} : memref<4096xf32, #tpu.memory_space<vmem>>, vector<16xf32>,
    %broadcast_in_dim3A_673 = arith.constant 0.000000e+00 : f32
    %broadcast_in_dim3A_674 = vector.broadcast %broadcast_in_dim3A_673 : f32 to vector<16xf32>
    %swap3A_675 = arith.constant 2496 : index
    %swap3A_676 = tpu.vector_load %arg9[%swap3A_675] {strides = array<i32>} : memref<4096xf32, #tpu.memory_space<vmem>>, vector<16xf32>,
    tpu.vector_store %arg9[%swap3A_675], %broadcast_in_dim3A_674 {strides = array<i32>} : memref<4096xf32, #tpu.memory_space<vmem>>, vector<16xf32>,
    %broadcast_in_dim3A_677 = arith.constant 0.000000e+00 : f32
    %broadcast_in_dim3A_678 = vector.broadcast %broadcast_in_dim3A_677 : f32 to vector<16xf32>
    %swap3A_679 = arith.constant 2512 : index
    %swap3A_680 = tpu.vector_load %arg9[%swap3A_679] {strides = array<i32>} : memref<4096xf32, #tpu.memory_space<vmem>>, vector<16xf32>,
    tpu.vector_store %arg9[%swap3A_679], %broadcast_in_dim3A_678 {strides = array<i32>} : memref<4096xf32, #tpu.memory_space<vmem>>, vector<16xf32>,
    %broadcast_in_dim3A_681 = arith.constant 0.000000e+00 : f32
    %broadcast_in_dim3A_682 = vector.broadcast %broadcast_in_dim3A_681 : f32 to vector<16xf32>
    %swap3A_683 = arith.constant 2528 : index
    %swap3A_684 = tpu.vector_load %arg9[%swap3A_683] {strides = array<i32>} : memref<4096xf32, #tpu.memory_space<vmem>>, vector<16xf32>,
    tpu.vector_store %arg9[%swap3A_683], %broadcast_in_dim3A_682 {strides = array<i32>} : memref<4096xf32, #tpu.memory_space<vmem>>, vector<16xf32>,
    %broadcast_in_dim3A_685 = arith.constant 0.000000e+00 : f32
    %broadcast_in_dim3A_686 = vector.broadcast %broadcast_in_dim3A_685 : f32 to vector<16xf32>
    %swap3A_687 = arith.constant 2544 : index
    %swap3A_688 = tpu.vector_load %arg9[%swap3A_687] {strides = array<i32>} : memref<4096xf32, #tpu.memory_space<vmem>>, vector<16xf32>,
    tpu.vector_store %arg9[%swap3A_687], %broadcast_in_dim3A_686 {strides = array<i32>} : memref<4096xf32, #tpu.memory_space<vmem>>, vector<16xf32>,
    %broadcast_in_dim3A_689 = arith.constant 0.000000e+00 : f32
    %broadcast_in_dim3A_690 = vector.broadcast %broadcast_in_dim3A_689 : f32 to vector<16xf32>
    %swap3A_691 = arith.constant 2560 : index
    %swap3A_692 = tpu.vector_load %arg9[%swap3A_691] {strides = array<i32>} : memref<4096xf32, #tpu.memory_space<vmem>>, vector<16xf32>,
    tpu.vector_store %arg9[%swap3A_691], %broadcast_in_dim3A_690 {strides = array<i32>} : memref<4096xf32, #tpu.memory_space<vmem>>, vector<16xf32>,
    %broadcast_in_dim3A_693 = arith.constant 0.000000e+00 : f32
    %broadcast_in_dim3A_694 = vector.broadcast %broadcast_in_dim3A_693 : f32 to vector<16xf32>
    %swap3A_695 = arith.constant 2576 : index
    %swap3A_696 = tpu.vector_load %arg9[%swap3A_695] {strides = array<i32>} : memref<4096xf32, #tpu.memory_space<vmem>>, vector<16xf32>,
    tpu.vector_store %arg9[%swap3A_695], %broadcast_in_dim3A_694 {strides = array<i32>} : memref<4096xf32, #tpu.memory_space<vmem>>, vector<16xf32>,
    %broadcast_in_dim3A_697 = arith.constant 0.000000e+00 : f32
    %broadcast_in_dim3A_698 = vector.broadcast %broadcast_in_dim3A_697 : f32 to vector<16xf32>
    %swap3A_699 = arith.constant 2592 : index
    %swap3A_700 = tpu.vector_load %arg9[%swap3A_699] {strides = array<i32>} : memref<4096xf32, #tpu.memory_space<vmem>>, vector<16xf32>,
    tpu.vector_store %arg9[%swap3A_699], %broadcast_in_dim3A_698 {strides = array<i32>} : memref<4096xf32, #tpu.memory_space<vmem>>, vector<16xf32>,
    %broadcast_in_dim3A_701 = arith.constant 0.000000e+00 : f32
    %broadcast_in_dim3A_702 = vector.broadcast %broadcast_in_dim3A_701 : f32 to vector<16xf32>
    %swap3A_703 = arith.constant 2608 : index
    %swap3A_704 = tpu.vector_load %arg9[%swap3A_703] {strides = array<i32>} : memref<4096xf32, #tpu.memory_space<vmem>>, vector<16xf32>,
    tpu.vector_store %arg9[%swap3A_703], %broadcast_in_dim3A_702 {strides = array<i32>} : memref<4096xf32, #tpu.memory_space<vmem>>, vector<16xf32>,
    %broadcast_in_dim3A_705 = arith.constant 0.000000e+00 : f32
    %broadcast_in_dim3A_706 = vector.broadcast %broadcast_in_dim3A_705 : f32 to vector<16xf32>
    %swap3A_707 = arith.constant 2624 : index
    %swap3A_708 = tpu.vector_load %arg9[%swap3A_707] {strides = array<i32>} : memref<4096xf32, #tpu.memory_space<vmem>>, vector<16xf32>,
    tpu.vector_store %arg9[%swap3A_707], %broadcast_in_dim3A_706 {strides = array<i32>} : memref<4096xf32, #tpu.memory_space<vmem>>, vector<16xf32>,
    %broadcast_in_dim3A_709 = arith.constant 0.000000e+00 : f32
    %broadcast_in_dim3A_710 = vector.broadcast %broadcast_in_dim3A_709 : f32 to vector<16xf32>
    %swap3A_711 = arith.constant 2640 : index
    %swap3A_712 = tpu.vector_load %arg9[%swap3A_711] {strides = array<i32>} : memref<4096xf32, #tpu.memory_space<vmem>>, vector<16xf32>,
    tpu.vector_store %arg9[%swap3A_711], %broadcast_in_dim3A_710 {strides = array<i32>} : memref<4096xf32, #tpu.memory_space<vmem>>, vector<16xf32>,
    %broadcast_in_dim3A_713 = arith.constant 0.000000e+00 : f32
    %broadcast_in_dim3A_714 = vector.broadcast %broadcast_in_dim3A_713 : f32 to vector<16xf32>
    %swap3A_715 = arith.constant 2656 : index
    %swap3A_716 = tpu.vector_load %arg9[%swap3A_715] {strides = array<i32>} : memref<4096xf32, #tpu.memory_space<vmem>>, vector<16xf32>,
    tpu.vector_store %arg9[%swap3A_715], %broadcast_in_dim3A_714 {strides = array<i32>} : memref<4096xf32, #tpu.memory_space<vmem>>, vector<16xf32>,
    %broadcast_in_dim3A_717 = arith.constant 0.000000e+00 : f32
    %broadcast_in_dim3A_718 = vector.broadcast %broadcast_in_dim3A_717 : f32 to vector<16xf32>
    %swap3A_719 = arith.constant 2672 : index
    %swap3A_720 = tpu.vector_load %arg9[%swap3A_719] {strides = array<i32>} : memref<4096xf32, #tpu.memory_space<vmem>>, vector<16xf32>,
    tpu.vector_store %arg9[%swap3A_719], %broadcast_in_dim3A_718 {strides = array<i32>} : memref<4096xf32, #tpu.memory_space<vmem>>, vector<16xf32>,
    %broadcast_in_dim3A_721 = arith.constant 0.000000e+00 : f32
    %broadcast_in_dim3A_722 = vector.broadcast %broadcast_in_dim3A_721 : f32 to vector<16xf32>
    %swap3A_723 = arith.constant 2688 : index
    %swap3A_724 = tpu.vector_load %arg9[%swap3A_723] {strides = array<i32>} : memref<4096xf32, #tpu.memory_space<vmem>>, vector<16xf32>,
    tpu.vector_store %arg9[%swap3A_723], %broadcast_in_dim3A_722 {strides = array<i32>} : memref<4096xf32, #tpu.memory_space<vmem>>, vector<16xf32>,
    %broadcast_in_dim3A_725 = arith.constant 0.000000e+00 : f32
    %broadcast_in_dim3A_726 = vector.broadcast %broadcast_in_dim3A_725 : f32 to vector<16xf32>
    %swap3A_727 = arith.constant 2704 : index
    %swap3A_728 = tpu.vector_load %arg9[%swap3A_727] {strides = array<i32>} : memref<4096xf32, #tpu.memory_space<vmem>>, vector<16xf32>,
    tpu.vector_store %arg9[%swap3A_727], %broadcast_in_dim3A_726 {strides = array<i32>} : memref<4096xf32, #tpu.memory_space<vmem>>, vector<16xf32>,
    %broadcast_in_dim3A_729 = arith.constant 0.000000e+00 : f32
    %broadcast_in_dim3A_730 = vector.broadcast %broadcast_in_dim3A_729 : f32 to vector<16xf32>
    %swap3A_731 = arith.constant 2720 : index
    %swap3A_732 = tpu.vector_load %arg9[%swap3A_731] {strides = array<i32>} : memref<4096xf32, #tpu.memory_space<vmem>>, vector<16xf32>,
    tpu.vector_store %arg9[%swap3A_731], %broadcast_in_dim3A_730 {strides = array<i32>} : memref<4096xf32, #tpu.memory_space<vmem>>, vector<16xf32>,
    %broadcast_in_dim3A_733 = arith.constant 0.000000e+00 : f32
    %broadcast_in_dim3A_734 = vector.broadcast %broadcast_in_dim3A_733 : f32 to vector<16xf32>
    %swap3A_735 = arith.constant 2736 : index
    %swap3A_736 = tpu.vector_load %arg9[%swap3A_735] {strides = array<i32>} : memref<4096xf32, #tpu.memory_space<vmem>>, vector<16xf32>,
    tpu.vector_store %arg9[%swap3A_735], %broadcast_in_dim3A_734 {strides = array<i32>} : memref<4096xf32, #tpu.memory_space<vmem>>, vector<16xf32>,
    %broadcast_in_dim3A_737 = arith.constant 0.000000e+00 : f32
    %broadcast_in_dim3A_738 = vector.broadcast %broadcast_in_dim3A_737 : f32 to vector<16xf32>
    %swap3A_739 = arith.constant 2752 : index
    %swap3A_740 = tpu.vector_load %arg9[%swap3A_739] {strides = array<i32>} : memref<4096xf32, #tpu.memory_space<vmem>>, vector<16xf32>,
    tpu.vector_store %arg9[%swap3A_739], %broadcast_in_dim3A_738 {strides = array<i32>} : memref<4096xf32, #tpu.memory_space<vmem>>, vector<16xf32>,
    %broadcast_in_dim3A_741 = arith.constant 0.000000e+00 : f32
    %broadcast_in_dim3A_742 = vector.broadcast %broadcast_in_dim3A_741 : f32 to vector<16xf32>
    %swap3A_743 = arith.constant 2768 : index
    %swap3A_744 = tpu.vector_load %arg9[%swap3A_743] {strides = array<i32>} : memref<4096xf32, #tpu.memory_space<vmem>>, vector<16xf32>,
    tpu.vector_store %arg9[%swap3A_743], %broadcast_in_dim3A_742 {strides = array<i32>} : memref<4096xf32, #tpu.memory_space<vmem>>, vector<16xf32>,
    %broadcast_in_dim3A_745 = arith.constant 0.000000e+00 : f32
    %broadcast_in_dim3A_746 = vector.broadcast %broadcast_in_dim3A_745 : f32 to vector<16xf32>
    %swap3A_747 = arith.constant 2784 : index
    %swap3A_748 = tpu.vector_load %arg9[%swap3A_747] {strides = array<i32>} : memref<4096xf32, #tpu.memory_space<vmem>>, vector<16xf32>,
    tpu.vector_store %arg9[%swap3A_747], %broadcast_in_dim3A_746 {strides = array<i32>} : memref<4096xf32, #tpu.memory_space<vmem>>, vector<16xf32>,
    %broadcast_in_dim3A_749 = arith.constant 0.000000e+00 : f32
    %broadcast_in_dim3A_750 = vector.broadcast %broadcast_in_dim3A_749 : f32 to vector<16xf32>
    %swap3A_751 = arith.constant 2800 : index
    %swap3A_752 = tpu.vector_load %arg9[%swap3A_751] {strides = array<i32>} : memref<4096xf32, #tpu.memory_space<vmem>>, vector<16xf32>,
    tpu.vector_store %arg9[%swap3A_751], %broadcast_in_dim3A_750 {strides = array<i32>} : memref<4096xf32, #tpu.memory_space<vmem>>, vector<16xf32>,
    %broadcast_in_dim3A_753 = arith.constant 0.000000e+00 : f32
    %broadcast_in_dim3A_754 = vector.broadcast %broadcast_in_dim3A_753 : f32 to vector<16xf32>
    %swap3A_755 = arith.constant 2816 : index
    %swap3A_756 = tpu.vector_load %arg9[%swap3A_755] {strides = array<i32>} : memref<4096xf32, #tpu.memory_space<vmem>>, vector<16xf32>,
    tpu.vector_store %arg9[%swap3A_755], %broadcast_in_dim3A_754 {strides = array<i32>} : memref<4096xf32, #tpu.memory_space<vmem>>, vector<16xf32>,
    %broadcast_in_dim3A_757 = arith.constant 0.000000e+00 : f32
    %broadcast_in_dim3A_758 = vector.broadcast %broadcast_in_dim3A_757 : f32 to vector<16xf32>
    %swap3A_759 = arith.constant 2832 : index
    %swap3A_760 = tpu.vector_load %arg9[%swap3A_759] {strides = array<i32>} : memref<4096xf32, #tpu.memory_space<vmem>>, vector<16xf32>,
    tpu.vector_store %arg9[%swap3A_759], %broadcast_in_dim3A_758 {strides = array<i32>} : memref<4096xf32, #tpu.memory_space<vmem>>, vector<16xf32>,
    %broadcast_in_dim3A_761 = arith.constant 0.000000e+00 : f32
    %broadcast_in_dim3A_762 = vector.broadcast %broadcast_in_dim3A_761 : f32 to vector<16xf32>
    %swap3A_763 = arith.constant 2848 : index
    %swap3A_764 = tpu.vector_load %arg9[%swap3A_763] {strides = array<i32>} : memref<4096xf32, #tpu.memory_space<vmem>>, vector<16xf32>,
    tpu.vector_store %arg9[%swap3A_763], %broadcast_in_dim3A_762 {strides = array<i32>} : memref<4096xf32, #tpu.memory_space<vmem>>, vector<16xf32>,
    %broadcast_in_dim3A_765 = arith.constant 0.000000e+00 : f32
    %broadcast_in_dim3A_766 = vector.broadcast %broadcast_in_dim3A_765 : f32 to vector<16xf32>
    %swap3A_767 = arith.constant 2864 : index
    %swap3A_768 = tpu.vector_load %arg9[%swap3A_767] {strides = array<i32>} : memref<4096xf32, #tpu.memory_space<vmem>>, vector<16xf32>,
    tpu.vector_store %arg9[%swap3A_767], %broadcast_in_dim3A_766 {strides = array<i32>} : memref<4096xf32, #tpu.memory_space<vmem>>, vector<16xf32>,
    %broadcast_in_dim3A_769 = arith.constant 0.000000e+00 : f32
    %broadcast_in_dim3A_770 = vector.broadcast %broadcast_in_dim3A_769 : f32 to vector<16xf32>
    %swap3A_771 = arith.constant 2880 : index
    %swap3A_772 = tpu.vector_load %arg9[%swap3A_771] {strides = array<i32>} : memref<4096xf32, #tpu.memory_space<vmem>>, vector<16xf32>,
    tpu.vector_store %arg9[%swap3A_771], %broadcast_in_dim3A_770 {strides = array<i32>} : memref<4096xf32, #tpu.memory_space<vmem>>, vector<16xf32>,
    %broadcast_in_dim3A_773 = arith.constant 0.000000e+00 : f32
    %broadcast_in_dim3A_774 = vector.broadcast %broadcast_in_dim3A_773 : f32 to vector<16xf32>
    %swap3A_775 = arith.constant 2896 : index
    %swap3A_776 = tpu.vector_load %arg9[%swap3A_775] {strides = array<i32>} : memref<4096xf32, #tpu.memory_space<vmem>>, vector<16xf32>,
    tpu.vector_store %arg9[%swap3A_775], %broadcast_in_dim3A_774 {strides = array<i32>} : memref<4096xf32, #tpu.memory_space<vmem>>, vector<16xf32>,
    %broadcast_in_dim3A_777 = arith.constant 0.000000e+00 : f32
    %broadcast_in_dim3A_778 = vector.broadcast %broadcast_in_dim3A_777 : f32 to vector<16xf32>
    %swap3A_779 = arith.constant 2912 : index
    %swap3A_780 = tpu.vector_load %arg9[%swap3A_779] {strides = array<i32>} : memref<4096xf32, #tpu.memory_space<vmem>>, vector<16xf32>,
    tpu.vector_store %arg9[%swap3A_779], %broadcast_in_dim3A_778 {strides = array<i32>} : memref<4096xf32, #tpu.memory_space<vmem>>, vector<16xf32>,
    %broadcast_in_dim3A_781 = arith.constant 0.000000e+00 : f32
    %broadcast_in_dim3A_782 = vector.broadcast %broadcast_in_dim3A_781 : f32 to vector<16xf32>
    %swap3A_783 = arith.constant 2928 : index
    %swap3A_784 = tpu.vector_load %arg9[%swap3A_783] {strides = array<i32>} : memref<4096xf32, #tpu.memory_space<vmem>>, vector<16xf32>,
    tpu.vector_store %arg9[%swap3A_783], %broadcast_in_dim3A_782 {strides = array<i32>} : memref<4096xf32, #tpu.memory_space<vmem>>, vector<16xf32>,
    %broadcast_in_dim3A_785 = arith.constant 0.000000e+00 : f32
    %broadcast_in_dim3A_786 = vector.broadcast %broadcast_in_dim3A_785 : f32 to vector<16xf32>
    %swap3A_787 = arith.constant 2944 : index
    %swap3A_788 = tpu.vector_load %arg9[%swap3A_787] {strides = array<i32>} : memref<4096xf32, #tpu.memory_space<vmem>>, vector<16xf32>,
    tpu.vector_store %arg9[%swap3A_787], %broadcast_in_dim3A_786 {strides = array<i32>} : memref<4096xf32, #tpu.memory_space<vmem>>, vector<16xf32>,
    %broadcast_in_dim3A_789 = arith.constant 0.000000e+00 : f32
    %broadcast_in_dim3A_790 = vector.broadcast %broadcast_in_dim3A_789 : f32 to vector<16xf32>
    %swap3A_791 = arith.constant 2960 : index
    %swap3A_792 = tpu.vector_load %arg9[%swap3A_791] {strides = array<i32>} : memref<4096xf32, #tpu.memory_space<vmem>>, vector<16xf32>,
    tpu.vector_store %arg9[%swap3A_791], %broadcast_in_dim3A_790 {strides = array<i32>} : memref<4096xf32, #tpu.memory_space<vmem>>, vector<16xf32>,
    %broadcast_in_dim3A_793 = arith.constant 0.000000e+00 : f32
    %broadcast_in_dim3A_794 = vector.broadcast %broadcast_in_dim3A_793 : f32 to vector<16xf32>
    %swap3A_795 = arith.constant 2976 : index
    %swap3A_796 = tpu.vector_load %arg9[%swap3A_795] {strides = array<i32>} : memref<4096xf32, #tpu.memory_space<vmem>>, vector<16xf32>,
    tpu.vector_store %arg9[%swap3A_795], %broadcast_in_dim3A_794 {strides = array<i32>} : memref<4096xf32, #tpu.memory_space<vmem>>, vector<16xf32>,
    %broadcast_in_dim3A_797 = arith.constant 0.000000e+00 : f32
    %broadcast_in_dim3A_798 = vector.broadcast %broadcast_in_dim3A_797 : f32 to vector<16xf32>
    %swap3A_799 = arith.constant 2992 : index
    %swap3A_800 = tpu.vector_load %arg9[%swap3A_799] {strides = array<i32>} : memref<4096xf32, #tpu.memory_space<vmem>>, vector<16xf32>,
    tpu.vector_store %arg9[%swap3A_799], %broadcast_in_dim3A_798 {strides = array<i32>} : memref<4096xf32, #tpu.memory_space<vmem>>, vector<16xf32>,
    %broadcast_in_dim3A_801 = arith.constant 0.000000e+00 : f32
    %broadcast_in_dim3A_802 = vector.broadcast %broadcast_in_dim3A_801 : f32 to vector<16xf32>
    %swap3A_803 = arith.constant 3008 : index
    %swap3A_804 = tpu.vector_load %arg9[%swap3A_803] {strides = array<i32>} : memref<4096xf32, #tpu.memory_space<vmem>>, vector<16xf32>,
    tpu.vector_store %arg9[%swap3A_803], %broadcast_in_dim3A_802 {strides = array<i32>} : memref<4096xf32, #tpu.memory_space<vmem>>, vector<16xf32>,
    %broadcast_in_dim3A_805 = arith.constant 0.000000e+00 : f32
    %broadcast_in_dim3A_806 = vector.broadcast %broadcast_in_dim3A_805 : f32 to vector<16xf32>
    %swap3A_807 = arith.constant 3024 : index
    %swap3A_808 = tpu.vector_load %arg9[%swap3A_807] {strides = array<i32>} : memref<4096xf32, #tpu.memory_space<vmem>>, vector<16xf32>,
    tpu.vector_store %arg9[%swap3A_807], %broadcast_in_dim3A_806 {strides = array<i32>} : memref<4096xf32, #tpu.memory_space<vmem>>, vector<16xf32>,
    %broadcast_in_dim3A_809 = arith.constant 0.000000e+00 : f32
    %broadcast_in_dim3A_810 = vector.broadcast %broadcast_in_dim3A_809 : f32 to vector<16xf32>
    %swap3A_811 = arith.constant 3040 : index
    %swap3A_812 = tpu.vector_load %arg9[%swap3A_811] {strides = array<i32>} : memref<4096xf32, #tpu.memory_space<vmem>>, vector<16xf32>,
    tpu.vector_store %arg9[%swap3A_811], %broadcast_in_dim3A_810 {strides = array<i32>} : memref<4096xf32, #tpu.memory_space<vmem>>, vector<16xf32>,
    %broadcast_in_dim3A_813 = arith.constant 0.000000e+00 : f32
    %broadcast_in_dim3A_814 = vector.broadcast %broadcast_in_dim3A_813 : f32 to vector<16xf32>
    %swap3A_815 = arith.constant 3056 : index
    %swap3A_816 = tpu.vector_load %arg9[%swap3A_815] {strides = array<i32>} : memref<4096xf32, #tpu.memory_space<vmem>>, vector<16xf32>,
    tpu.vector_store %arg9[%swap3A_815], %broadcast_in_dim3A_814 {strides = array<i32>} : memref<4096xf32, #tpu.memory_space<vmem>>, vector<16xf32>,
    %broadcast_in_dim3A_817 = arith.constant 0.000000e+00 : f32
    %broadcast_in_dim3A_818 = vector.broadcast %broadcast_in_dim3A_817 : f32 to vector<16xf32>
    %swap3A_819 = arith.constant 3072 : index
    %swap3A_820 = tpu.vector_load %arg9[%swap3A_819] {strides = array<i32>} : memref<4096xf32, #tpu.memory_space<vmem>>, vector<16xf32>,
    tpu.vector_store %arg9[%swap3A_819], %broadcast_in_dim3A_818 {strides = array<i32>} : memref<4096xf32, #tpu.memory_space<vmem>>, vector<16xf32>,
    %broadcast_in_dim3A_821 = arith.constant 0.000000e+00 : f32
    %broadcast_in_dim3A_822 = vector.broadcast %broadcast_in_dim3A_821 : f32 to vector<16xf32>
    %swap3A_823 = arith.constant 3088 : index
    %swap3A_824 = tpu.vector_load %arg9[%swap3A_823] {strides = array<i32>} : memref<4096xf32, #tpu.memory_space<vmem>>, vector<16xf32>,
    tpu.vector_store %arg9[%swap3A_823], %broadcast_in_dim3A_822 {strides = array<i32>} : memref<4096xf32, #tpu.memory_space<vmem>>, vector<16xf32>,
    %broadcast_in_dim3A_825 = arith.constant 0.000000e+00 : f32
    %broadcast_in_dim3A_826 = vector.broadcast %broadcast_in_dim3A_825 : f32 to vector<16xf32>
    %swap3A_827 = arith.constant 3104 : index
    %swap3A_828 = tpu.vector_load %arg9[%swap3A_827] {strides = array<i32>} : memref<4096xf32, #tpu.memory_space<vmem>>, vector<16xf32>,
    tpu.vector_store %arg9[%swap3A_827], %broadcast_in_dim3A_826 {strides = array<i32>} : memref<4096xf32, #tpu.memory_space<vmem>>, vector<16xf32>,
    %broadcast_in_dim3A_829 = arith.constant 0.000000e+00 : f32
    %broadcast_in_dim3A_830 = vector.broadcast %broadcast_in_dim3A_829 : f32 to vector<16xf32>
    %swap3A_831 = arith.constant 3120 : index
    %swap3A_832 = tpu.vector_load %arg9[%swap3A_831] {strides = array<i32>} : memref<4096xf32, #tpu.memory_space<vmem>>, vector<16xf32>,
    tpu.vector_store %arg9[%swap3A_831], %broadcast_in_dim3A_830 {strides = array<i32>} : memref<4096xf32, #tpu.memory_space<vmem>>, vector<16xf32>,
    %broadcast_in_dim3A_833 = arith.constant 0.000000e+00 : f32
    %broadcast_in_dim3A_834 = vector.broadcast %broadcast_in_dim3A_833 : f32 to vector<16xf32>
    %swap3A_835 = arith.constant 3136 : index
    %swap3A_836 = tpu.vector_load %arg9[%swap3A_835] {strides = array<i32>} : memref<4096xf32, #tpu.memory_space<vmem>>, vector<16xf32>,
    tpu.vector_store %arg9[%swap3A_835], %broadcast_in_dim3A_834 {strides = array<i32>} : memref<4096xf32, #tpu.memory_space<vmem>>, vector<16xf32>,
    %broadcast_in_dim3A_837 = arith.constant 0.000000e+00 : f32
    %broadcast_in_dim3A_838 = vector.broadcast %broadcast_in_dim3A_837 : f32 to vector<16xf32>
    %swap3A_839 = arith.constant 3152 : index
    %swap3A_840 = tpu.vector_load %arg9[%swap3A_839] {strides = array<i32>} : memref<4096xf32, #tpu.memory_space<vmem>>, vector<16xf32>,
    tpu.vector_store %arg9[%swap3A_839], %broadcast_in_dim3A_838 {strides = array<i32>} : memref<4096xf32, #tpu.memory_space<vmem>>, vector<16xf32>,
    %broadcast_in_dim3A_841 = arith.constant 0.000000e+00 : f32
    %broadcast_in_dim3A_842 = vector.broadcast %broadcast_in_dim3A_841 : f32 to vector<16xf32>
    %swap3A_843 = arith.constant 3168 : index
    %swap3A_844 = tpu.vector_load %arg9[%swap3A_843] {strides = array<i32>} : memref<4096xf32, #tpu.memory_space<vmem>>, vector<16xf32>,
    tpu.vector_store %arg9[%swap3A_843], %broadcast_in_dim3A_842 {strides = array<i32>} : memref<4096xf32, #tpu.memory_space<vmem>>, vector<16xf32>,
    %broadcast_in_dim3A_845 = arith.constant 0.000000e+00 : f32
    %broadcast_in_dim3A_846 = vector.broadcast %broadcast_in_dim3A_845 : f32 to vector<16xf32>
    %swap3A_847 = arith.constant 3184 : index
    %swap3A_848 = tpu.vector_load %arg9[%swap3A_847] {strides = array<i32>} : memref<4096xf32, #tpu.memory_space<vmem>>, vector<16xf32>,
    tpu.vector_store %arg9[%swap3A_847], %broadcast_in_dim3A_846 {strides = array<i32>} : memref<4096xf32, #tpu.memory_space<vmem>>, vector<16xf32>,
    %broadcast_in_dim3A_849 = arith.constant 0.000000e+00 : f32
    %broadcast_in_dim3A_850 = vector.broadcast %broadcast_in_dim3A_849 : f32 to vector<16xf32>
    %swap3A_851 = arith.constant 3200 : index
    %swap3A_852 = tpu.vector_load %arg9[%swap3A_851] {strides = array<i32>} : memref<4096xf32, #tpu.memory_space<vmem>>, vector<16xf32>,
    tpu.vector_store %arg9[%swap3A_851], %broadcast_in_dim3A_850 {strides = array<i32>} : memref<4096xf32, #tpu.memory_space<vmem>>, vector<16xf32>,
    %broadcast_in_dim3A_853 = arith.constant 0.000000e+00 : f32
    %broadcast_in_dim3A_854 = vector.broadcast %broadcast_in_dim3A_853 : f32 to vector<16xf32>
    %swap3A_855 = arith.constant 3216 : index
    %swap3A_856 = tpu.vector_load %arg9[%swap3A_855] {strides = array<i32>} : memref<4096xf32, #tpu.memory_space<vmem>>, vector<16xf32>,
    tpu.vector_store %arg9[%swap3A_855], %broadcast_in_dim3A_854 {strides = array<i32>} : memref<4096xf32, #tpu.memory_space<vmem>>, vector<16xf32>,
    %broadcast_in_dim3A_857 = arith.constant 0.000000e+00 : f32
    %broadcast_in_dim3A_858 = vector.broadcast %broadcast_in_dim3A_857 : f32 to vector<16xf32>
    %swap3A_859 = arith.constant 3232 : index
    %swap3A_860 = tpu.vector_load %arg9[%swap3A_859] {strides = array<i32>} : memref<4096xf32, #tpu.memory_space<vmem>>, vector<16xf32>,
    tpu.vector_store %arg9[%swap3A_859], %broadcast_in_dim3A_858 {strides = array<i32>} : memref<4096xf32, #tpu.memory_space<vmem>>, vector<16xf32>,
    %broadcast_in_dim3A_861 = arith.constant 0.000000e+00 : f32
    %broadcast_in_dim3A_862 = vector.broadcast %broadcast_in_dim3A_861 : f32 to vector<16xf32>
    %swap3A_863 = arith.constant 3248 : index
    %swap3A_864 = tpu.vector_load %arg9[%swap3A_863] {strides = array<i32>} : memref<4096xf32, #tpu.memory_space<vmem>>, vector<16xf32>,
    tpu.vector_store %arg9[%swap3A_863], %broadcast_in_dim3A_862 {strides = array<i32>} : memref<4096xf32, #tpu.memory_space<vmem>>, vector<16xf32>,
    %broadcast_in_dim3A_865 = arith.constant 0.000000e+00 : f32
    %broadcast_in_dim3A_866 = vector.broadcast %broadcast_in_dim3A_865 : f32 to vector<16xf32>
    %swap3A_867 = arith.constant 3264 : index
    %swap3A_868 = tpu.vector_load %arg9[%swap3A_867] {strides = array<i32>} : memref<4096xf32, #tpu.memory_space<vmem>>, vector<16xf32>,
    tpu.vector_store %arg9[%swap3A_867], %broadcast_in_dim3A_866 {strides = array<i32>} : memref<4096xf32, #tpu.memory_space<vmem>>, vector<16xf32>,
    %broadcast_in_dim3A_869 = arith.constant 0.000000e+00 : f32
    %broadcast_in_dim3A_870 = vector.broadcast %broadcast_in_dim3A_869 : f32 to vector<16xf32>
    %swap3A_871 = arith.constant 3280 : index
    %swap3A_872 = tpu.vector_load %arg9[%swap3A_871] {strides = array<i32>} : memref<4096xf32, #tpu.memory_space<vmem>>, vector<16xf32>,
    tpu.vector_store %arg9[%swap3A_871], %broadcast_in_dim3A_870 {strides = array<i32>} : memref<4096xf32, #tpu.memory_space<vmem>>, vector<16xf32>,
    %broadcast_in_dim3A_873 = arith.constant 0.000000e+00 : f32
    %broadcast_in_dim3A_874 = vector.broadcast %broadcast_in_dim3A_873 : f32 to vector<16xf32>
    %swap3A_875 = arith.constant 3296 : index
    %swap3A_876 = tpu.vector_load %arg9[%swap3A_875] {strides = array<i32>} : memref<4096xf32, #tpu.memory_space<vmem>>, vector<16xf32>,
    tpu.vector_store %arg9[%swap3A_875], %broadcast_in_dim3A_874 {strides = array<i32>} : memref<4096xf32, #tpu.memory_space<vmem>>, vector<16xf32>,
    %broadcast_in_dim3A_877 = arith.constant 0.000000e+00 : f32
    %broadcast_in_dim3A_878 = vector.broadcast %broadcast_in_dim3A_877 : f32 to vector<16xf32>
    %swap3A_879 = arith.constant 3312 : index
    %swap3A_880 = tpu.vector_load %arg9[%swap3A_879] {strides = array<i32>} : memref<4096xf32, #tpu.memory_space<vmem>>, vector<16xf32>,
    tpu.vector_store %arg9[%swap3A_879], %broadcast_in_dim3A_878 {strides = array<i32>} : memref<4096xf32, #tpu.memory_space<vmem>>, vector<16xf32>,
    %broadcast_in_dim3A_881 = arith.constant 0.000000e+00 : f32
    %broadcast_in_dim3A_882 = vector.broadcast %broadcast_in_dim3A_881 : f32 to vector<16xf32>
    %swap3A_883 = arith.constant 3328 : index
    %swap3A_884 = tpu.vector_load %arg9[%swap3A_883] {strides = array<i32>} : memref<4096xf32, #tpu.memory_space<vmem>>, vector<16xf32>,
    tpu.vector_store %arg9[%swap3A_883], %broadcast_in_dim3A_882 {strides = array<i32>} : memref<4096xf32, #tpu.memory_space<vmem>>, vector<16xf32>,
    %broadcast_in_dim3A_885 = arith.constant 0.000000e+00 : f32
    %broadcast_in_dim3A_886 = vector.broadcast %broadcast_in_dim3A_885 : f32 to vector<16xf32>
    %swap3A_887 = arith.constant 3344 : index
    %swap3A_888 = tpu.vector_load %arg9[%swap3A_887] {strides = array<i32>} : memref<4096xf32, #tpu.memory_space<vmem>>, vector<16xf32>,
    tpu.vector_store %arg9[%swap3A_887], %broadcast_in_dim3A_886 {strides = array<i32>} : memref<4096xf32, #tpu.memory_space<vmem>>, vector<16xf32>,
    %broadcast_in_dim3A_889 = arith.constant 0.000000e+00 : f32
    %broadcast_in_dim3A_890 = vector.broadcast %broadcast_in_dim3A_889 : f32 to vector<16xf32>
    %swap3A_891 = arith.constant 3360 : index
    %swap3A_892 = tpu.vector_load %arg9[%swap3A_891] {strides = array<i32>} : memref<4096xf32, #tpu.memory_space<vmem>>, vector<16xf32>,
    tpu.vector_store %arg9[%swap3A_891], %broadcast_in_dim3A_890 {strides = array<i32>} : memref<4096xf32, #tpu.memory_space<vmem>>, vector<16xf32>,
    %broadcast_in_dim3A_893 = arith.constant 0.000000e+00 : f32
    %broadcast_in_dim3A_894 = vector.broadcast %broadcast_in_dim3A_893 : f32 to vector<16xf32>
    %swap3A_895 = arith.constant 3376 : index
    %swap3A_896 = tpu.vector_load %arg9[%swap3A_895] {strides = array<i32>} : memref<4096xf32, #tpu.memory_space<vmem>>, vector<16xf32>,
    tpu.vector_store %arg9[%swap3A_895], %broadcast_in_dim3A_894 {strides = array<i32>} : memref<4096xf32, #tpu.memory_space<vmem>>, vector<16xf32>,
    %broadcast_in_dim3A_897 = arith.constant 0.000000e+00 : f32
    %broadcast_in_dim3A_898 = vector.broadcast %broadcast_in_dim3A_897 : f32 to vector<16xf32>
    %swap3A_899 = arith.constant 3392 : index
    %swap3A_900 = tpu.vector_load %arg9[%swap3A_899] {strides = array<i32>} : memref<4096xf32, #tpu.memory_space<vmem>>, vector<16xf32>,
    tpu.vector_store %arg9[%swap3A_899], %broadcast_in_dim3A_898 {strides = array<i32>} : memref<4096xf32, #tpu.memory_space<vmem>>, vector<16xf32>,
    %broadcast_in_dim3A_901 = arith.constant 0.000000e+00 : f32
    %broadcast_in_dim3A_902 = vector.broadcast %broadcast_in_dim3A_901 : f32 to vector<16xf32>
    %swap3A_903 = arith.constant 3408 : index
    %swap3A_904 = tpu.vector_load %arg9[%swap3A_903] {strides = array<i32>} : memref<4096xf32, #tpu.memory_space<vmem>>, vector<16xf32>,
    tpu.vector_store %arg9[%swap3A_903], %broadcast_in_dim3A_902 {strides = array<i32>} : memref<4096xf32, #tpu.memory_space<vmem>>, vector<16xf32>,
    %broadcast_in_dim3A_905 = arith.constant 0.000000e+00 : f32
    %broadcast_in_dim3A_906 = vector.broadcast %broadcast_in_dim3A_905 : f32 to vector<16xf32>
    %swap3A_907 = arith.constant 3424 : index
    %swap3A_908 = tpu.vector_load %arg9[%swap3A_907] {strides = array<i32>} : memref<4096xf32, #tpu.memory_space<vmem>>, vector<16xf32>,
    tpu.vector_store %arg9[%swap3A_907], %broadcast_in_dim3A_906 {strides = array<i32>} : memref<4096xf32, #tpu.memory_space<vmem>>, vector<16xf32>,
    %broadcast_in_dim3A_909 = arith.constant 0.000000e+00 : f32
    %broadcast_in_dim3A_910 = vector.broadcast %broadcast_in_dim3A_909 : f32 to vector<16xf32>
    %swap3A_911 = arith.constant 3440 : index
    %swap3A_912 = tpu.vector_load %arg9[%swap3A_911] {strides = array<i32>} : memref<4096xf32, #tpu.memory_space<vmem>>, vector<16xf32>,
    tpu.vector_store %arg9[%swap3A_911], %broadcast_in_dim3A_910 {strides = array<i32>} : memref<4096xf32, #tpu.memory_space<vmem>>, vector<16xf32>,
    %broadcast_in_dim3A_913 = arith.constant 0.000000e+00 : f32
    %broadcast_in_dim3A_914 = vector.broadcast %broadcast_in_dim3A_913 : f32 to vector<16xf32>
    %swap3A_915 = arith.constant 3456 : index
    %swap3A_916 = tpu.vector_load %arg9[%swap3A_915] {strides = array<i32>} : memref<4096xf32, #tpu.memory_space<vmem>>, vector<16xf32>,
    tpu.vector_store %arg9[%swap3A_915], %broadcast_in_dim3A_914 {strides = array<i32>} : memref<4096xf32, #tpu.memory_space<vmem>>, vector<16xf32>,
    %broadcast_in_dim3A_917 = arith.constant 0.000000e+00 : f32
    %broadcast_in_dim3A_918 = vector.broadcast %broadcast_in_dim3A_917 : f32 to vector<16xf32>
    %swap3A_919 = arith.constant 3472 : index
    %swap3A_920 = tpu.vector_load %arg9[%swap3A_919] {strides = array<i32>} : memref<4096xf32, #tpu.memory_space<vmem>>, vector<16xf32>,
    tpu.vector_store %arg9[%swap3A_919], %broadcast_in_dim3A_918 {strides = array<i32>} : memref<4096xf32, #tpu.memory_space<vmem>>, vector<16xf32>,
    %broadcast_in_dim3A_921 = arith.constant 0.000000e+00 : f32
    %broadcast_in_dim3A_922 = vector.broadcast %broadcast_in_dim3A_921 : f32 to vector<16xf32>
    %swap3A_923 = arith.constant 3488 : index
    %swap3A_924 = tpu.vector_load %arg9[%swap3A_923] {strides = array<i32>} : memref<4096xf32, #tpu.memory_space<vmem>>, vector<16xf32>,
    tpu.vector_store %arg9[%swap3A_923], %broadcast_in_dim3A_922 {strides = array<i32>} : memref<4096xf32, #tpu.memory_space<vmem>>, vector<16xf32>,
    %broadcast_in_dim3A_925 = arith.constant 0.000000e+00 : f32
    %broadcast_in_dim3A_926 = vector.broadcast %broadcast_in_dim3A_925 : f32 to vector<16xf32>
    %swap3A_927 = arith.constant 3504 : index
    %swap3A_928 = tpu.vector_load %arg9[%swap3A_927] {strides = array<i32>} : memref<4096xf32, #tpu.memory_space<vmem>>, vector<16xf32>,
    tpu.vector_store %arg9[%swap3A_927], %broadcast_in_dim3A_926 {strides = array<i32>} : memref<4096xf32, #tpu.memory_space<vmem>>, vector<16xf32>,
    %broadcast_in_dim3A_929 = arith.constant 0.000000e+00 : f32
    %broadcast_in_dim3A_930 = vector.broadcast %broadcast_in_dim3A_929 : f32 to vector<16xf32>
    %swap3A_931 = arith.constant 3520 : index
    %swap3A_932 = tpu.vector_load %arg9[%swap3A_931] {strides = array<i32>} : memref<4096xf32, #tpu.memory_space<vmem>>, vector<16xf32>,
    tpu.vector_store %arg9[%swap3A_931], %broadcast_in_dim3A_930 {strides = array<i32>} : memref<4096xf32, #tpu.memory_space<vmem>>, vector<16xf32>,
    %broadcast_in_dim3A_933 = arith.constant 0.000000e+00 : f32
    %broadcast_in_dim3A_934 = vector.broadcast %broadcast_in_dim3A_933 : f32 to vector<16xf32>
    %swap3A_935 = arith.constant 3536 : index
    %swap3A_936 = tpu.vector_load %arg9[%swap3A_935] {strides = array<i32>} : memref<4096xf32, #tpu.memory_space<vmem>>, vector<16xf32>,
    tpu.vector_store %arg9[%swap3A_935], %broadcast_in_dim3A_934 {strides = array<i32>} : memref<4096xf32, #tpu.memory_space<vmem>>, vector<16xf32>,
    %broadcast_in_dim3A_937 = arith.constant 0.000000e+00 : f32
    %broadcast_in_dim3A_938 = vector.broadcast %broadcast_in_dim3A_937 : f32 to vector<16xf32>
    %swap3A_939 = arith.constant 3552 : index
    %swap3A_940 = tpu.vector_load %arg9[%swap3A_939] {strides = array<i32>} : memref<4096xf32, #tpu.memory_space<vmem>>, vector<16xf32>,
    tpu.vector_store %arg9[%swap3A_939], %broadcast_in_dim3A_938 {strides = array<i32>} : memref<4096xf32, #tpu.memory_space<vmem>>, vector<16xf32>,
    %broadcast_in_dim3A_941 = arith.constant 0.000000e+00 : f32
    %broadcast_in_dim3A_942 = vector.broadcast %broadcast_in_dim3A_941 : f32 to vector<16xf32>
    %swap3A_943 = arith.constant 3568 : index
    %swap3A_944 = tpu.vector_load %arg9[%swap3A_943] {strides = array<i32>} : memref<4096xf32, #tpu.memory_space<vmem>>, vector<16xf32>,
    tpu.vector_store %arg9[%swap3A_943], %broadcast_in_dim3A_942 {strides = array<i32>} : memref<4096xf32, #tpu.memory_space<vmem>>, vector<16xf32>,
    %broadcast_in_dim3A_945 = arith.constant 0.000000e+00 : f32
    %broadcast_in_dim3A_946 = vector.broadcast %broadcast_in_dim3A_945 : f32 to vector<16xf32>
    %swap3A_947 = arith.constant 3584 : index
    %swap3A_948 = tpu.vector_load %arg9[%swap3A_947] {strides = array<i32>} : memref<4096xf32, #tpu.memory_space<vmem>>, vector<16xf32>,
    tpu.vector_store %arg9[%swap3A_947], %broadcast_in_dim3A_946 {strides = array<i32>} : memref<4096xf32, #tpu.memory_space<vmem>>, vector<16xf32>,
    %broadcast_in_dim3A_949 = arith.constant 0.000000e+00 : f32
    %broadcast_in_dim3A_950 = vector.broadcast %broadcast_in_dim3A_949 : f32 to vector<16xf32>
    %swap3A_951 = arith.constant 3600 : index
    %swap3A_952 = tpu.vector_load %arg9[%swap3A_951] {strides = array<i32>} : memref<4096xf32, #tpu.memory_space<vmem>>, vector<16xf32>,
    tpu.vector_store %arg9[%swap3A_951], %broadcast_in_dim3A_950 {strides = array<i32>} : memref<4096xf32, #tpu.memory_space<vmem>>, vector<16xf32>,
    %broadcast_in_dim3A_953 = arith.constant 0.000000e+00 : f32
    %broadcast_in_dim3A_954 = vector.broadcast %broadcast_in_dim3A_953 : f32 to vector<16xf32>
    %swap3A_955 = arith.constant 3616 : index
    %swap3A_956 = tpu.vector_load %arg9[%swap3A_955] {strides = array<i32>} : memref<4096xf32, #tpu.memory_space<vmem>>, vector<16xf32>,
    tpu.vector_store %arg9[%swap3A_955], %broadcast_in_dim3A_954 {strides = array<i32>} : memref<4096xf32, #tpu.memory_space<vmem>>, vector<16xf32>,
    %broadcast_in_dim3A_957 = arith.constant 0.000000e+00 : f32
    %broadcast_in_dim3A_958 = vector.broadcast %broadcast_in_dim3A_957 : f32 to vector<16xf32>
    %swap3A_959 = arith.constant 3632 : index
    %swap3A_960 = tpu.vector_load %arg9[%swap3A_959] {strides = array<i32>} : memref<4096xf32, #tpu.memory_space<vmem>>, vector<16xf32>,
    tpu.vector_store %arg9[%swap3A_959], %broadcast_in_dim3A_958 {strides = array<i32>} : memref<4096xf32, #tpu.memory_space<vmem>>, vector<16xf32>,
    %broadcast_in_dim3A_961 = arith.constant 0.000000e+00 : f32
    %broadcast_in_dim3A_962 = vector.broadcast %broadcast_in_dim3A_961 : f32 to vector<16xf32>
    %swap3A_963 = arith.constant 3648 : index
    %swap3A_964 = tpu.vector_load %arg9[%swap3A_963] {strides = array<i32>} : memref<4096xf32, #tpu.memory_space<vmem>>, vector<16xf32>,
    tpu.vector_store %arg9[%swap3A_963], %broadcast_in_dim3A_962 {strides = array<i32>} : memref<4096xf32, #tpu.memory_space<vmem>>, vector<16xf32>,
    %broadcast_in_dim3A_965 = arith.constant 0.000000e+00 : f32
    %broadcast_in_dim3A_966 = vector.broadcast %broadcast_in_dim3A_965 : f32 to vector<16xf32>
    %swap3A_967 = arith.constant 3664 : index
    %swap3A_968 = tpu.vector_load %arg9[%swap3A_967] {strides = array<i32>} : memref<4096xf32, #tpu.memory_space<vmem>>, vector<16xf32>,
    tpu.vector_store %arg9[%swap3A_967], %broadcast_in_dim3A_966 {strides = array<i32>} : memref<4096xf32, #tpu.memory_space<vmem>>, vector<16xf32>,
    %broadcast_in_dim3A_969 = arith.constant 0.000000e+00 : f32
    %broadcast_in_dim3A_970 = vector.broadcast %broadcast_in_dim3A_969 : f32 to vector<16xf32>
    %swap3A_971 = arith.constant 3680 : index
    %swap3A_972 = tpu.vector_load %arg9[%swap3A_971] {strides = array<i32>} : memref<4096xf32, #tpu.memory_space<vmem>>, vector<16xf32>,
    tpu.vector_store %arg9[%swap3A_971], %broadcast_in_dim3A_970 {strides = array<i32>} : memref<4096xf32, #tpu.memory_space<vmem>>, vector<16xf32>,
    %broadcast_in_dim3A_973 = arith.constant 0.000000e+00 : f32
    %broadcast_in_dim3A_974 = vector.broadcast %broadcast_in_dim3A_973 : f32 to vector<16xf32>
    %swap3A_975 = arith.constant 3696 : index
    %swap3A_976 = tpu.vector_load %arg9[%swap3A_975] {strides = array<i32>} : memref<4096xf32, #tpu.memory_space<vmem>>, vector<16xf32>,
    tpu.vector_store %arg9[%swap3A_975], %broadcast_in_dim3A_974 {strides = array<i32>} : memref<4096xf32, #tpu.memory_space<vmem>>, vector<16xf32>,
    %broadcast_in_dim3A_977 = arith.constant 0.000000e+00 : f32
    %broadcast_in_dim3A_978 = vector.broadcast %broadcast_in_dim3A_977 : f32 to vector<16xf32>
    %swap3A_979 = arith.constant 3712 : index
    %swap3A_980 = tpu.vector_load %arg9[%swap3A_979] {strides = array<i32>} : memref<4096xf32, #tpu.memory_space<vmem>>, vector<16xf32>,
    tpu.vector_store %arg9[%swap3A_979], %broadcast_in_dim3A_978 {strides = array<i32>} : memref<4096xf32, #tpu.memory_space<vmem>>, vector<16xf32>,
    %broadcast_in_dim3A_981 = arith.constant 0.000000e+00 : f32
    %broadcast_in_dim3A_982 = vector.broadcast %broadcast_in_dim3A_981 : f32 to vector<16xf32>
    %swap3A_983 = arith.constant 3728 : index
    %swap3A_984 = tpu.vector_load %arg9[%swap3A_983] {strides = array<i32>} : memref<4096xf32, #tpu.memory_space<vmem>>, vector<16xf32>,
    tpu.vector_store %arg9[%swap3A_983], %broadcast_in_dim3A_982 {strides = array<i32>} : memref<4096xf32, #tpu.memory_space<vmem>>, vector<16xf32>,
    %broadcast_in_dim3A_985 = arith.constant 0.000000e+00 : f32
    %broadcast_in_dim3A_986 = vector.broadcast %broadcast_in_dim3A_985 : f32 to vector<16xf32>
    %swap3A_987 = arith.constant 3744 : index
    %swap3A_988 = tpu.vector_load %arg9[%swap3A_987] {strides = array<i32>} : memref<4096xf32, #tpu.memory_space<vmem>>, vector<16xf32>,
    tpu.vector_store %arg9[%swap3A_987], %broadcast_in_dim3A_986 {strides = array<i32>} : memref<4096xf32, #tpu.memory_space<vmem>>, vector<16xf32>,
    %broadcast_in_dim3A_989 = arith.constant 0.000000e+00 : f32
    %broadcast_in_dim3A_990 = vector.broadcast %broadcast_in_dim3A_989 : f32 to vector<16xf32>
    %swap3A_991 = arith.constant 3760 : index
    %swap3A_992 = tpu.vector_load %arg9[%swap3A_991] {strides = array<i32>} : memref<4096xf32, #tpu.memory_space<vmem>>, vector<16xf32>,
    tpu.vector_store %arg9[%swap3A_991], %broadcast_in_dim3A_990 {strides = array<i32>} : memref<4096xf32, #tpu.memory_space<vmem>>, vector<16xf32>,
    %broadcast_in_dim3A_993 = arith.constant 0.000000e+00 : f32
    %broadcast_in_dim3A_994 = vector.broadcast %broadcast_in_dim3A_993 : f32 to vector<16xf32>
    %swap3A_995 = arith.constant 3776 : index
    %swap3A_996 = tpu.vector_load %arg9[%swap3A_995] {strides = array<i32>} : memref<4096xf32, #tpu.memory_space<vmem>>, vector<16xf32>,
    tpu.vector_store %arg9[%swap3A_995], %broadcast_in_dim3A_994 {strides = array<i32>} : memref<4096xf32, #tpu.memory_space<vmem>>, vector<16xf32>,
    %broadcast_in_dim3A_997 = arith.constant 0.000000e+00 : f32
    %broadcast_in_dim3A_998 = vector.broadcast %broadcast_in_dim3A_997 : f32 to vector<16xf32>
    %swap3A_999 = arith.constant 3792 : index
    %swap3A_1000 = tpu.vector_load %arg9[%swap3A_999] {strides = array<i32>} : memref<4096xf32, #tpu.memory_space<vmem>>, vector<16xf32>,
    tpu.vector_store %arg9[%swap3A_999], %broadcast_in_dim3A_998 {strides = array<i32>} : memref<4096xf32, #tpu.memory_space<vmem>>, vector<16xf32>,
    %broadcast_in_dim3A_1001 = arith.constant 0.000000e+00 : f32
    %broadcast_in_dim3A_1002 = vector.broadcast %broadcast_in_dim3A_1001 : f32 to vector<16xf32>
    %swap3A_1003 = arith.constant 3808 : index
    %swap3A_1004 = tpu.vector_load %arg9[%swap3A_1003] {strides = array<i32>} : memref<4096xf32, #tpu.memory_space<vmem>>, vector<16xf32>,
    tpu.vector_store %arg9[%swap3A_1003], %broadcast_in_dim3A_1002 {strides = array<i32>} : memref<4096xf32, #tpu.memory_space<vmem>>, vector<16xf32>,
    %broadcast_in_dim3A_1005 = arith.constant 0.000000e+00 : f32
    %broadcast_in_dim3A_1006 = vector.broadcast %broadcast_in_dim3A_1005 : f32 to vector<16xf32>
    %swap3A_1007 = arith.constant 3824 : index
    %swap3A_1008 = tpu.vector_load %arg9[%swap3A_1007] {strides = array<i32>} : memref<4096xf32, #tpu.memory_space<vmem>>, vector<16xf32>,
    tpu.vector_store %arg9[%swap3A_1007], %broadcast_in_dim3A_1006 {strides = array<i32>} : memref<4096xf32, #tpu.memory_space<vmem>>, vector<16xf32>,
    %broadcast_in_dim3A_1009 = arith.constant 0.000000e+00 : f32
    %broadcast_in_dim3A_1010 = vector.broadcast %broadcast_in_dim3A_1009 : f32 to vector<16xf32>
    %swap3A_1011 = arith.constant 3840 : index
    %swap3A_1012 = tpu.vector_load %arg9[%swap3A_1011] {strides = array<i32>} : memref<4096xf32, #tpu.memory_space<vmem>>, vector<16xf32>,
    tpu.vector_store %arg9[%swap3A_1011], %broadcast_in_dim3A_1010 {strides = array<i32>} : memref<4096xf32, #tpu.memory_space<vmem>>, vector<16xf32>,
    %broadcast_in_dim3A_1013 = arith.constant 0.000000e+00 : f32
    %broadcast_in_dim3A_1014 = vector.broadcast %broadcast_in_dim3A_1013 : f32 to vector<16xf32>
    %swap3A_1015 = arith.constant 3856 : index
    %swap3A_1016 = tpu.vector_load %arg9[%swap3A_1015] {strides = array<i32>} : memref<4096xf32, #tpu.memory_space<vmem>>, vector<16xf32>,
    tpu.vector_store %arg9[%swap3A_1015], %broadcast_in_dim3A_1014 {strides = array<i32>} : memref<4096xf32, #tpu.memory_space<vmem>>, vector<16xf32>,
    %broadcast_in_dim3A_1017 = arith.constant 0.000000e+00 : f32
    %broadcast_in_dim3A_1018 = vector.broadcast %broadcast_in_dim3A_1017 : f32 to vector<16xf32>
    %swap3A_1019 = arith.constant 3872 : index
    %swap3A_1020 = tpu.vector_load %arg9[%swap3A_1019] {strides = array<i32>} : memref<4096xf32, #tpu.memory_space<vmem>>, vector<16xf32>,
    tpu.vector_store %arg9[%swap3A_1019], %broadcast_in_dim3A_1018 {strides = array<i32>} : memref<4096xf32, #tpu.memory_space<vmem>>, vector<16xf32>,
    %broadcast_in_dim3A_1021 = arith.constant 0.000000e+00 : f32
    %broadcast_in_dim3A_1022 = vector.broadcast %broadcast_in_dim3A_1021 : f32 to vector<16xf32>
    %swap3A_1023 = arith.constant 3888 : index
    %swap3A_1024 = tpu.vector_load %arg9[%swap3A_1023] {strides = array<i32>} : memref<4096xf32, #tpu.memory_space<vmem>>, vector<16xf32>,
    tpu.vector_store %arg9[%swap3A_1023], %broadcast_in_dim3A_1022 {strides = array<i32>} : memref<4096xf32, #tpu.memory_space<vmem>>, vector<16xf32>,
    %broadcast_in_dim3A_1025 = arith.constant 0.000000e+00 : f32
    %broadcast_in_dim3A_1026 = vector.broadcast %broadcast_in_dim3A_1025 : f32 to vector<16xf32>
    %swap3A_1027 = arith.constant 3904 : index
    %swap3A_1028 = tpu.vector_load %arg9[%swap3A_1027] {strides = array<i32>} : memref<4096xf32, #tpu.memory_space<vmem>>, vector<16xf32>,
    tpu.vector_store %arg9[%swap3A_1027], %broadcast_in_dim3A_1026 {strides = array<i32>} : memref<4096xf32, #tpu.memory_space<vmem>>, vector<16xf32>,
    %broadcast_in_dim3A_1029 = arith.constant 0.000000e+00 : f32
    %broadcast_in_dim3A_1030 = vector.broadcast %broadcast_in_dim3A_1029 : f32 to vector<16xf32>
    %swap3A_1031 = arith.constant 3920 : index
    %swap3A_1032 = tpu.vector_load %arg9[%swap3A_1031] {strides = array<i32>} : memref<4096xf32, #tpu.memory_space<vmem>>, vector<16xf32>,
    tpu.vector_store %arg9[%swap3A_1031], %broadcast_in_dim3A_1030 {strides = array<i32>} : memref<4096xf32, #tpu.memory_space<vmem>>, vector<16xf32>,
    %broadcast_in_dim3A_1033 = arith.constant 0.000000e+00 : f32
    %broadcast_in_dim3A_1034 = vector.broadcast %broadcast_in_dim3A_1033 : f32 to vector<16xf32>
    %swap3A_1035 = arith.constant 3936 : index
    %swap3A_1036 = tpu.vector_load %arg9[%swap3A_1035] {strides = array<i32>} : memref<4096xf32, #tpu.memory_space<vmem>>, vector<16xf32>,
    tpu.vector_store %arg9[%swap3A_1035], %broadcast_in_dim3A_1034 {strides = array<i32>} : memref<4096xf32, #tpu.memory_space<vmem>>, vector<16xf32>,
    %broadcast_in_dim3A_1037 = arith.constant 0.000000e+00 : f32
    %broadcast_in_dim3A_1038 = vector.broadcast %broadcast_in_dim3A_1037 : f32 to vector<16xf32>
    %swap3A_1039 = arith.constant 3952 : index
    %swap3A_1040 = tpu.vector_load %arg9[%swap3A_1039] {strides = array<i32>} : memref<4096xf32, #tpu.memory_space<vmem>>, vector<16xf32>,
    tpu.vector_store %arg9[%swap3A_1039], %broadcast_in_dim3A_1038 {strides = array<i32>} : memref<4096xf32, #tpu.memory_space<vmem>>, vector<16xf32>,
    %broadcast_in_dim3A_1041 = arith.constant 0.000000e+00 : f32
    %broadcast_in_dim3A_1042 = vector.broadcast %broadcast_in_dim3A_1041 : f32 to vector<16xf32>
    %swap3A_1043 = arith.constant 3968 : index
    %swap3A_1044 = tpu.vector_load %arg9[%swap3A_1043] {strides = array<i32>} : memref<4096xf32, #tpu.memory_space<vmem>>, vector<16xf32>,
    tpu.vector_store %arg9[%swap3A_1043], %broadcast_in_dim3A_1042 {strides = array<i32>} : memref<4096xf32, #tpu.memory_space<vmem>>, vector<16xf32>,
    %broadcast_in_dim3A_1045 = arith.constant 0.000000e+00 : f32
    %broadcast_in_dim3A_1046 = vector.broadcast %broadcast_in_dim3A_1045 : f32 to vector<16xf32>
    %swap3A_1047 = arith.constant 3984 : index
    %swap3A_1048 = tpu.vector_load %arg9[%swap3A_1047] {strides = array<i32>} : memref<4096xf32, #tpu.memory_space<vmem>>, vector<16xf32>,
    tpu.vector_store %arg9[%swap3A_1047], %broadcast_in_dim3A_1046 {strides = array<i32>} : memref<4096xf32, #tpu.memory_space<vmem>>, vector<16xf32>,
    %broadcast_in_dim3A_1049 = arith.constant 0.000000e+00 : f32
    %broadcast_in_dim3A_1050 = vector.broadcast %broadcast_in_dim3A_1049 : f32 to vector<16xf32>
    %swap3A_1051 = arith.constant 4000 : index
    %swap3A_1052 = tpu.vector_load %arg9[%swap3A_1051] {strides = array<i32>} : memref<4096xf32, #tpu.memory_space<vmem>>, vector<16xf32>,
    tpu.vector_store %arg9[%swap3A_1051], %broadcast_in_dim3A_1050 {strides = array<i32>} : memref<4096xf32, #tpu.memory_space<vmem>>, vector<16xf32>,
    %broadcast_in_dim3A_1053 = arith.constant 0.000000e+00 : f32
    %broadcast_in_dim3A_1054 = vector.broadcast %broadcast_in_dim3A_1053 : f32 to vector<16xf32>
    %swap3A_1055 = arith.constant 4016 : index
    %swap3A_1056 = tpu.vector_load %arg9[%swap3A_1055] {strides = array<i32>} : memref<4096xf32, #tpu.memory_space<vmem>>, vector<16xf32>,
    tpu.vector_store %arg9[%swap3A_1055], %broadcast_in_dim3A_1054 {strides = array<i32>} : memref<4096xf32, #tpu.memory_space<vmem>>, vector<16xf32>,
    %broadcast_in_dim3A_1057 = arith.constant 0.000000e+00 : f32
    %broadcast_in_dim3A_1058 = vector.broadcast %broadcast_in_dim3A_1057 : f32 to vector<16xf32>
    %swap3A_1059 = arith.constant 4032 : index
    %swap3A_1060 = tpu.vector_load %arg9[%swap3A_1059] {strides = array<i32>} : memref<4096xf32, #tpu.memory_space<vmem>>, vector<16xf32>,
    tpu.vector_store %arg9[%swap3A_1059], %broadcast_in_dim3A_1058 {strides = array<i32>} : memref<4096xf32, #tpu.memory_space<vmem>>, vector<16xf32>,
    %broadcast_in_dim3A_1061 = arith.constant 0.000000e+00 : f32
    %broadcast_in_dim3A_1062 = vector.broadcast %broadcast_in_dim3A_1061 : f32 to vector<16xf32>
    %swap3A_1063 = arith.constant 4048 : index
    %swap3A_1064 = tpu.vector_load %arg9[%swap3A_1063] {strides = array<i32>} : memref<4096xf32, #tpu.memory_space<vmem>>, vector<16xf32>,
    tpu.vector_store %arg9[%swap3A_1063], %broadcast_in_dim3A_1062 {strides = array<i32>} : memref<4096xf32, #tpu.memory_space<vmem>>, vector<16xf32>,
    %broadcast_in_dim3A_1065 = arith.constant 0.000000e+00 : f32
    %broadcast_in_dim3A_1066 = vector.broadcast %broadcast_in_dim3A_1065 : f32 to vector<16xf32>
    %swap3A_1067 = arith.constant 4064 : index
    %swap3A_1068 = tpu.vector_load %arg9[%swap3A_1067] {strides = array<i32>} : memref<4096xf32, #tpu.memory_space<vmem>>, vector<16xf32>,
    tpu.vector_store %arg9[%swap3A_1067], %broadcast_in_dim3A_1066 {strides = array<i32>} : memref<4096xf32, #tpu.memory_space<vmem>>, vector<16xf32>,
    %broadcast_in_dim3A_1069 = arith.constant 0.000000e+00 : f32
    %broadcast_in_dim3A_1070 = vector.broadcast %broadcast_in_dim3A_1069 : f32 to vector<16xf32>
    %swap3A_1071 = arith.constant 4080 : index
    %swap3A_1072 = tpu.vector_load %arg9[%swap3A_1071] {strides = array<i32>} : memref<4096xf32, #tpu.memory_space<vmem>>, vector<16xf32>,
    tpu.vector_store %arg9[%swap3A_1071], %broadcast_in_dim3A_1070 {strides = array<i32>} : memref<4096xf32, #tpu.memory_space<vmem>>, vector<16xf32>,
    %add3A_1073 = arith.constant 0 : i32
    %add3A_1074 = arith.addi %mul3A_2, %add3A_1073 : i32
    %dma_start3A = tpu.memref_slice %arg2[%add3A_1074] : memref<16777216xf32, #tpu.memory_space<hbm>> -> memref<16384xf32, #tpu.memory_space<hbm>>
    %dma_start3A_1075 = tpu.memref_slice %arg2[%add3A_1074] : memref<16777216xf32, #tpu.memory_space<hbm>> -> memref<16384xf32, #tpu.memory_space<hbm>>
    tpu.enqueue_dma source(%dma_start3A_1075 : memref<16384xf32, #tpu.memory_space<hbm>>) target(%arg5 : memref<16384xf32, #tpu.memory_space<vmem>>) target_semaphore(%arg11 : memref<!tpu.dma_semaphore, #tpu.memory_space<semaphore_mem>>)
    %add3A_1076 = arith.constant 0 : i32
    %add3A_1077 = arith.addi %mul3A_2, %add3A_1076 : i32
    %dma_start3A_1078 = tpu.memref_slice %arg3[%add3A_1077] : memref<16777216xi32, #tpu.memory_space<hbm>> -> memref<16384xi32, #tpu.memory_space<hbm>>
    %dma_start3A_1079 = tpu.memref_slice %arg3[%add3A_1077] : memref<16777216xi32, #tpu.memory_space<hbm>> -> memref<16384xi32, #tpu.memory_space<hbm>>
    tpu.enqueue_dma source(%dma_start3A_1079 : memref<16384xi32, #tpu.memory_space<hbm>>) target(%arg7 : memref<16384xi32, #tpu.memory_space<vmem>>) target_semaphore(%arg11 : memref<!tpu.dma_semaphore, #tpu.memory_space<semaphore_mem>>)
    %add3A_1080 = arith.constant 16384 : i32
    %add3A_1081 = arith.addi %mul3A_2, %add3A_1080 : i32
    %dma_start3A_1082 = tpu.memref_slice %arg2[%add3A_1081] : memref<16777216xf32, #tpu.memory_space<hbm>> -> memref<16384xf32, #tpu.memory_space<hbm>>
    %dma_start3A_1083 = tpu.memref_slice %arg2[%add3A_1081] : memref<16777216xf32, #tpu.memory_space<hbm>> -> memref<16384xf32, #tpu.memory_space<hbm>>
    tpu.enqueue_dma source(%dma_start3A_1083 : memref<16384xf32, #tpu.memory_space<hbm>>) target(%arg6 : memref<16384xf32, #tpu.memory_space<vmem>>) target_semaphore(%arg12 : memref<!tpu.dma_semaphore, #tpu.memory_space<semaphore_mem>>)
    %add3A_1084 = arith.constant 16384 : i32
    %add3A_1085 = arith.addi %mul3A_2, %add3A_1084 : i32
    %dma_start3A_1086 = tpu.memref_slice %arg3[%add3A_1085] : memref<16777216xi32, #tpu.memory_space<hbm>> -> memref<16384xi32, #tpu.memory_space<hbm>>
    %dma_start3A_1087 = tpu.memref_slice %arg3[%add3A_1085] : memref<16777216xi32, #tpu.memory_space<hbm>> -> memref<16384xi32, #tpu.memory_space<hbm>>
    tpu.enqueue_dma source(%dma_start3A_1087 : memref<16384xi32, #tpu.memory_space<hbm>>) target(%arg8 : memref<16384xi32, #tpu.memory_space<vmem>>) target_semaphore(%arg12 : memref<!tpu.dma_semaphore, #tpu.memory_space<semaphore_mem>>)
    %scan3A = arith.constant 0 : i32
    %scan3A_1088 = arith.constant 3 : i32
    %scan3A_1089 = arith.addi %scan3A, %scan3A_1088 : i32
    %scan3A_1090 = arith.constant 1 : i32
    scf.for %scan3A_1826 = %scan3A to %scan3A_1089 step %scan3A_1090  : i32 {
      %mul3A_1827 = arith.constant 2 : i32
      %mul3A_1828 = arith.muli %scan3A_1826, %mul3A_1827 : i32
      %add3A_1829 = arith.constant 0 : i32
      %add3A_1830 = arith.addi %mul3A_1828, %add3A_1829 : i32
      %dma_wait3A = arith.constant 0 : i32
      %dma_wait3A_1831 = tpu.memref_slice %arg2[%dma_wait3A] : memref<16777216xf32, #tpu.memory_space<hbm>> -> memref<16384xf32, #tpu.memory_space<hbm>>
      %dma_wait3A_1832 = arith.constant 0 : i32
      %dma_wait3A_1833 = tpu.memref_slice %arg2[%dma_wait3A_1832] : memref<16777216xf32, #tpu.memory_space<hbm>> -> memref<16384xf32, #tpu.memory_space<hbm>>
      tpu.wait_dma2 semaphore(%arg11 : memref<!tpu.dma_semaphore, #tpu.memory_space<semaphore_mem>>) src(%dma_wait3A_1833 : memref<16384xf32, #tpu.memory_space<hbm>>) dst(%arg5 : memref<16384xf32, #tpu.memory_space<vmem>>)
      %dma_wait3A_1834 = arith.constant 0 : i32
      %dma_wait3A_1835 = tpu.memref_slice %arg3[%dma_wait3A_1834] : memref<16777216xi32, #tpu.memory_space<hbm>> -> memref<16384xi32, #tpu.memory_space<hbm>>
      %dma_wait3A_1836 = arith.constant 0 : i32
      %dma_wait3A_1837 = tpu.memref_slice %arg3[%dma_wait3A_1836] : memref<16777216xi32, #tpu.memory_space<hbm>> -> memref<16384xi32, #tpu.memory_space<hbm>>
      tpu.wait_dma2 semaphore(%arg11 : memref<!tpu.dma_semaphore, #tpu.memory_space<semaphore_mem>>) src(%dma_wait3A_1837 : memref<16384xi32, #tpu.memory_space<hbm>>) dst(%arg7 : memref<16384xi32, #tpu.memory_space<vmem>>)
      %scan3A_1838 = arith.constant 0 : i32
      %scan3A_1839 = arith.constant 64 : i32
      %scan3A_1840 = arith.addi %scan3A_1838, %scan3A_1839 : i32
      %scan3A_1841 = arith.constant 1 : i32
      scf.for %scan3A_1871 = %scan3A_1838 to %scan3A_1840 step %scan3A_1841  : i32 {
        %mul3A_1872 = arith.constant 256 : i32
        %mul3A_1873 = arith.muli %scan3A_1871, %mul3A_1872 : i32
        %add3A_1874 = arith.constant 0 : i32
        %add3A_1875 = arith.addi %mul3A_1873, %add3A_1874 : i32
        %get3A_1876 = arith.index_cast %add3A_1875 : i32 to index
        %get3A_1877 = tpu.vector_load %arg5[%get3A_1876] {strides = array<i32>} : memref<16384xf32, #tpu.memory_space<vmem>>, vector<16xf32>,
        %get3A_1878 = arith.index_cast %add3A_1875 : i32 to index
        %get3A_1879 = tpu.vector_load %arg7[%get3A_1878] {strides = array<i32>} : memref<16384xi32, #tpu.memory_space<vmem>>, vector<16xi32>,
        %neg3A = arith.constant 0.000000e+00 : f32
        %neg3A_1880 = vector.broadcast %neg3A : f32 to vector<16xf32>
        %neg3A_1881 = arith.subf %neg3A_1880, %get3A_1877 : vector<16xf32>
        %exp3A = math.exp %neg3A_1881 : vector<16xf32>
        %add3A_1882 = arith.constant 1.000000e+00 : f32
        %add3A_1883 = vector.broadcast %add3A_1882 : f32 to vector<16xf32>
        %add3A_1884 = arith.addf %add3A_1883, %exp3A : vector<16xf32>
        %div3A = arith.constant 1.000000e+00 : f32
        %div3A_1885 = vector.broadcast %div3A : f32 to vector<16xf32>
        %div3A_1886 = arith.divf %div3A_1885, %add3A_1884 : vector<16xf32>
        %mul3A_1887 = arith.constant 1.500000e+01 : f32
        %mul3A_1888 = vector.broadcast %mul3A_1887 : f32 to vector<16xf32>
        %mul3A_1889 = arith.mulf %div3A_1886, %mul3A_1888 : vector<16xf32>
        %convert_element_type3A_1890 = arith.fptosi %mul3A_1889 : vector<16xf32> to vector<16xi32>
        %min3A = arith.constant 14 : i32
        %min3A_1891 = vector.broadcast %min3A : i32 to vector<16xi32>
        %min3A_1892 = arith.minsi %convert_element_type3A_1890, %min3A_1891 : vector<16xi32>
        %gt3A = arith.constant 0.000000e+00 : f32
        %gt3A_1893 = vector.broadcast %gt3A : f32 to vector<16xf32>
        %gt3A_1894 = arith.cmpf ogt, %div3A_1886, %gt3A_1893 : vector<16xf32>
        %jit3A = arith.constant 15 : i32
        %broadcast_in_dim3A_1895 = vector.broadcast %jit3A : i32 to vector<16xi32>
        %select_n3A = arith.select %gt3A_1894, %min3A_1892, %broadcast_in_dim3A_1895 : vector<16xi1>, vector<16xi32>
        %mul3A_1896 = arith.constant 16 : i32
        %mul3A_1897 = vector.broadcast %mul3A_1896 : i32 to vector<16xi32>
        %mul3A_1898 = arith.muli %select_n3A, %mul3A_1897 : vector<16xi32>
        %add3A_1899 = arith.addi %mul3A_1898, %add3A_5 : vector<16xi32>
        %convert_element_type3A_1900 = arith.sitofp %get3A_1879 : vector<16xi32> to vector<16xf32>
        %sub3A = arith.subf %div3A_1886, %convert_element_type3A_1900 : vector<16xf32>
        tpu.vector_store_idx %arg9[%add3A_1899], %sub3A {add = true} : memref<4096xf32, #tpu.memory_space<vmem>>[vector<16xi32>], vector<16xf32>,
        %mul3A_1901 = arith.constant 256 : i32
        %mul3A_1902 = arith.muli %scan3A_1871, %mul3A_1901 : i32
        %add3A_1903 = arith.constant 16 : i32
        %add3A_1904 = arith.addi %mul3A_1902, %add3A_1903 : i32
        %get3A_1905 = arith.index_cast %add3A_1904 : i32 to index
        %get3A_1906 = tpu.vector_load %arg5[%get3A_1905] {strides = array<i32>} : memref<16384xf32, #tpu.memory_space<vmem>>, vector<16xf32>,
        %get3A_1907 = arith.index_cast %add3A_1904 : i32 to index
        %get3A_1908 = tpu.vector_load %arg7[%get3A_1907] {strides = array<i32>} : memref<16384xi32, #tpu.memory_space<vmem>>, vector<16xi32>,
        %neg3A_1909 = arith.constant 0.000000e+00 : f32
        %neg3A_1910 = vector.broadcast %neg3A_1909 : f32 to vector<16xf32>
        %neg3A_1911 = arith.subf %neg3A_1910, %get3A_1906 : vector<16xf32>
        %exp3A_1912 = math.exp %neg3A_1911 : vector<16xf32>
        %add3A_1913 = arith.constant 1.000000e+00 : f32
        %add3A_1914 = vector.broadcast %add3A_1913 : f32 to vector<16xf32>
        %add3A_1915 = arith.addf %add3A_1914, %exp3A_1912 : vector<16xf32>
        %div3A_1916 = arith.constant 1.000000e+00 : f32
        %div3A_1917 = vector.broadcast %div3A_1916 : f32 to vector<16xf32>
        %div3A_1918 = arith.divf %div3A_1917, %add3A_1915 : vector<16xf32>
        %mul3A_1919 = arith.constant 1.500000e+01 : f32
        %mul3A_1920 = vector.broadcast %mul3A_1919 : f32 to vector<16xf32>
        %mul3A_1921 = arith.mulf %div3A_1918, %mul3A_1920 : vector<16xf32>
        %convert_element_type3A_1922 = arith.fptosi %mul3A_1921 : vector<16xf32> to vector<16xi32>
        %min3A_1923 = arith.constant 14 : i32
        %min3A_1924 = vector.broadcast %min3A_1923 : i32 to vector<16xi32>
        %min3A_1925 = arith.minsi %convert_element_type3A_1922, %min3A_1924 : vector<16xi32>
        %gt3A_1926 = arith.constant 0.000000e+00 : f32
        %gt3A_1927 = vector.broadcast %gt3A_1926 : f32 to vector<16xf32>
        %gt3A_1928 = arith.cmpf ogt, %div3A_1918, %gt3A_1927 : vector<16xf32>
        %jit3A_1929 = arith.constant 15 : i32
        %broadcast_in_dim3A_1930 = vector.broadcast %jit3A_1929 : i32 to vector<16xi32>
        %select_n3A_1931 = arith.select %gt3A_1928, %min3A_1925, %broadcast_in_dim3A_1930 : vector<16xi1>, vector<16xi32>
        %mul3A_1932 = arith.constant 16 : i32
        %mul3A_1933 = vector.broadcast %mul3A_1932 : i32 to vector<16xi32>
        %mul3A_1934 = arith.muli %select_n3A_1931, %mul3A_1933 : vector<16xi32>
        %add3A_1935 = arith.addi %mul3A_1934, %add3A_8 : vector<16xi32>
        %convert_element_type3A_1936 = arith.sitofp %get3A_1908 : vector<16xi32> to vector<16xf32>
        %sub3A_1937 = arith.subf %div3A_1918, %convert_element_type3A_1936 : vector<16xf32>
        tpu.vector_store_idx %arg9[%add3A_1935], %sub3A_1937 {add = true} : memref<4096xf32, #tpu.memory_space<vmem>>[vector<16xi32>], vector<16xf32>,
        %mul3A_1938 = arith.constant 256 : i32
        %mul3A_1939 = arith.muli %scan3A_1871, %mul3A_1938 : i32
        %add3A_1940 = arith.constant 32 : i32
        %add3A_1941 = arith.addi %mul3A_1939, %add3A_1940 : i32
        %get3A_1942 = arith.index_cast %add3A_1941 : i32 to index
        %get3A_1943 = tpu.vector_load %arg5[%get3A_1942] {strides = array<i32>} : memref<16384xf32, #tpu.memory_space<vmem>>, vector<16xf32>,
        %get3A_1944 = arith.index_cast %add3A_1941 : i32 to index
        %get3A_1945 = tpu.vector_load %arg7[%get3A_1944] {strides = array<i32>} : memref<16384xi32, #tpu.memory_space<vmem>>, vector<16xi32>,
        %neg3A_1946 = arith.constant 0.000000e+00 : f32
        %neg3A_1947 = vector.broadcast %neg3A_1946 : f32 to vector<16xf32>
        %neg3A_1948 = arith.subf %neg3A_1947, %get3A_1943 : vector<16xf32>
        %exp3A_1949 = math.exp %neg3A_1948 : vector<16xf32>
        %add3A_1950 = arith.constant 1.000000e+00 : f32
        %add3A_1951 = vector.broadcast %add3A_1950 : f32 to vector<16xf32>
        %add3A_1952 = arith.addf %add3A_1951, %exp3A_1949 : vector<16xf32>
        %div3A_1953 = arith.constant 1.000000e+00 : f32
        %div3A_1954 = vector.broadcast %div3A_1953 : f32 to vector<16xf32>
        %div3A_1955 = arith.divf %div3A_1954, %add3A_1952 : vector<16xf32>
        %mul3A_1956 = arith.constant 1.500000e+01 : f32
        %mul3A_1957 = vector.broadcast %mul3A_1956 : f32 to vector<16xf32>
        %mul3A_1958 = arith.mulf %div3A_1955, %mul3A_1957 : vector<16xf32>
        %convert_element_type3A_1959 = arith.fptosi %mul3A_1958 : vector<16xf32> to vector<16xi32>
        %min3A_1960 = arith.constant 14 : i32
        %min3A_1961 = vector.broadcast %min3A_1960 : i32 to vector<16xi32>
        %min3A_1962 = arith.minsi %convert_element_type3A_1959, %min3A_1961 : vector<16xi32>
        %gt3A_1963 = arith.constant 0.000000e+00 : f32
        %gt3A_1964 = vector.broadcast %gt3A_1963 : f32 to vector<16xf32>
        %gt3A_1965 = arith.cmpf ogt, %div3A_1955, %gt3A_1964 : vector<16xf32>
        %jit3A_1966 = arith.constant 15 : i32
        %broadcast_in_dim3A_1967 = vector.broadcast %jit3A_1966 : i32 to vector<16xi32>
        %select_n3A_1968 = arith.select %gt3A_1965, %min3A_1962, %broadcast_in_dim3A_1967 : vector<16xi1>, vector<16xi32>
        %mul3A_1969 = arith.constant 16 : i32
        %mul3A_1970 = vector.broadcast %mul3A_1969 : i32 to vector<16xi32>
        %mul3A_1971 = arith.muli %select_n3A_1968, %mul3A_1970 : vector<16xi32>
        %add3A_1972 = arith.addi %mul3A_1971, %add3A_11 : vector<16xi32>
        %convert_element_type3A_1973 = arith.sitofp %get3A_1945 : vector<16xi32> to vector<16xf32>
        %sub3A_1974 = arith.subf %div3A_1955, %convert_element_type3A_1973 : vector<16xf32>
        tpu.vector_store_idx %arg9[%add3A_1972], %sub3A_1974 {add = true} : memref<4096xf32, #tpu.memory_space<vmem>>[vector<16xi32>], vector<16xf32>,
        %mul3A_1975 = arith.constant 256 : i32
        %mul3A_1976 = arith.muli %scan3A_1871, %mul3A_1975 : i32
        %add3A_1977 = arith.constant 48 : i32
        %add3A_1978 = arith.addi %mul3A_1976, %add3A_1977 : i32
        %get3A_1979 = arith.index_cast %add3A_1978 : i32 to index
        %get3A_1980 = tpu.vector_load %arg5[%get3A_1979] {strides = array<i32>} : memref<16384xf32, #tpu.memory_space<vmem>>, vector<16xf32>,
        %get3A_1981 = arith.index_cast %add3A_1978 : i32 to index
        %get3A_1982 = tpu.vector_load %arg7[%get3A_1981] {strides = array<i32>} : memref<16384xi32, #tpu.memory_space<vmem>>, vector<16xi32>,
        %neg3A_1983 = arith.constant 0.000000e+00 : f32
        %neg3A_1984 = vector.broadcast %neg3A_1983 : f32 to vector<16xf32>
        %neg3A_1985 = arith.subf %neg3A_1984, %get3A_1980 : vector<16xf32>
        %exp3A_1986 = math.exp %neg3A_1985 : vector<16xf32>
        %add3A_1987 = arith.constant 1.000000e+00 : f32
        %add3A_1988 = vector.broadcast %add3A_1987 : f32 to vector<16xf32>
        %add3A_1989 = arith.addf %add3A_1988, %exp3A_1986 : vector<16xf32>
        %div3A_1990 = arith.constant 1.000000e+00 : f32
        %div3A_1991 = vector.broadcast %div3A_1990 : f32 to vector<16xf32>
        %div3A_1992 = arith.divf %div3A_1991, %add3A_1989 : vector<16xf32>
        %mul3A_1993 = arith.constant 1.500000e+01 : f32
        %mul3A_1994 = vector.broadcast %mul3A_1993 : f32 to vector<16xf32>
        %mul3A_1995 = arith.mulf %div3A_1992, %mul3A_1994 : vector<16xf32>
        %convert_element_type3A_1996 = arith.fptosi %mul3A_1995 : vector<16xf32> to vector<16xi32>
        %min3A_1997 = arith.constant 14 : i32
        %min3A_1998 = vector.broadcast %min3A_1997 : i32 to vector<16xi32>
        %min3A_1999 = arith.minsi %convert_element_type3A_1996, %min3A_1998 : vector<16xi32>
        %gt3A_2000 = arith.constant 0.000000e+00 : f32
        %gt3A_2001 = vector.broadcast %gt3A_2000 : f32 to vector<16xf32>
        %gt3A_2002 = arith.cmpf ogt, %div3A_1992, %gt3A_2001 : vector<16xf32>
        %jit3A_2003 = arith.constant 15 : i32
        %broadcast_in_dim3A_2004 = vector.broadcast %jit3A_2003 : i32 to vector<16xi32>
        %select_n3A_2005 = arith.select %gt3A_2002, %min3A_1999, %broadcast_in_dim3A_2004 : vector<16xi1>, vector<16xi32>
        %mul3A_2006 = arith.constant 16 : i32
        %mul3A_2007 = vector.broadcast %mul3A_2006 : i32 to vector<16xi32>
        %mul3A_2008 = arith.muli %select_n3A_2005, %mul3A_2007 : vector<16xi32>
        %add3A_2009 = arith.addi %mul3A_2008, %add3A_14 : vector<16xi32>
        %convert_element_type3A_2010 = arith.sitofp %get3A_1982 : vector<16xi32> to vector<16xf32>
        %sub3A_2011 = arith.subf %div3A_1992, %convert_element_type3A_2010 : vector<16xf32>
        tpu.vector_store_idx %arg9[%add3A_2009], %sub3A_2011 {add = true} : memref<4096xf32, #tpu.memory_space<vmem>>[vector<16xi32>], vector<16xf32>,
        %mul3A_2012 = arith.constant 256 : i32
        %mul3A_2013 = arith.muli %scan3A_1871, %mul3A_2012 : i32
        %add3A_2014 = arith.constant 64 : i32
        %add3A_2015 = arith.addi %mul3A_2013, %add3A_2014 : i32
        %get3A_2016 = arith.index_cast %add3A_2015 : i32 to index
        %get3A_2017 = tpu.vector_load %arg5[%get3A_2016] {strides = array<i32>} : memref<16384xf32, #tpu.memory_space<vmem>>, vector<16xf32>,
        %get3A_2018 = arith.index_cast %add3A_2015 : i32 to index
        %get3A_2019 = tpu.vector_load %arg7[%get3A_2018] {strides = array<i32>} : memref<16384xi32, #tpu.memory_space<vmem>>, vector<16xi32>,
        %neg3A_2020 = arith.constant 0.000000e+00 : f32
        %neg3A_2021 = vector.broadcast %neg3A_2020 : f32 to vector<16xf32>
        %neg3A_2022 = arith.subf %neg3A_2021, %get3A_2017 : vector<16xf32>
        %exp3A_2023 = math.exp %neg3A_2022 : vector<16xf32>
        %add3A_2024 = arith.constant 1.000000e+00 : f32
        %add3A_2025 = vector.broadcast %add3A_2024 : f32 to vector<16xf32>
        %add3A_2026 = arith.addf %add3A_2025, %exp3A_2023 : vector<16xf32>
        %div3A_2027 = arith.constant 1.000000e+00 : f32
        %div3A_2028 = vector.broadcast %div3A_2027 : f32 to vector<16xf32>
        %div3A_2029 = arith.divf %div3A_2028, %add3A_2026 : vector<16xf32>
        %mul3A_2030 = arith.constant 1.500000e+01 : f32
        %mul3A_2031 = vector.broadcast %mul3A_2030 : f32 to vector<16xf32>
        %mul3A_2032 = arith.mulf %div3A_2029, %mul3A_2031 : vector<16xf32>
        %convert_element_type3A_2033 = arith.fptosi %mul3A_2032 : vector<16xf32> to vector<16xi32>
        %min3A_2034 = arith.constant 14 : i32
        %min3A_2035 = vector.broadcast %min3A_2034 : i32 to vector<16xi32>
        %min3A_2036 = arith.minsi %convert_element_type3A_2033, %min3A_2035 : vector<16xi32>
        %gt3A_2037 = arith.constant 0.000000e+00 : f32
        %gt3A_2038 = vector.broadcast %gt3A_2037 : f32 to vector<16xf32>
        %gt3A_2039 = arith.cmpf ogt, %div3A_2029, %gt3A_2038 : vector<16xf32>
        %jit3A_2040 = arith.constant 15 : i32
        %broadcast_in_dim3A_2041 = vector.broadcast %jit3A_2040 : i32 to vector<16xi32>
        %select_n3A_2042 = arith.select %gt3A_2039, %min3A_2036, %broadcast_in_dim3A_2041 : vector<16xi1>, vector<16xi32>
        %mul3A_2043 = arith.constant 16 : i32
        %mul3A_2044 = vector.broadcast %mul3A_2043 : i32 to vector<16xi32>
        %mul3A_2045 = arith.muli %select_n3A_2042, %mul3A_2044 : vector<16xi32>
        %add3A_2046 = arith.addi %mul3A_2045, %add3A_17 : vector<16xi32>
        %convert_element_type3A_2047 = arith.sitofp %get3A_2019 : vector<16xi32> to vector<16xf32>
        %sub3A_2048 = arith.subf %div3A_2029, %convert_element_type3A_2047 : vector<16xf32>
        tpu.vector_store_idx %arg9[%add3A_2046], %sub3A_2048 {add = true} : memref<4096xf32, #tpu.memory_space<vmem>>[vector<16xi32>], vector<16xf32>,
        %mul3A_2049 = arith.constant 256 : i32
        %mul3A_2050 = arith.muli %scan3A_1871, %mul3A_2049 : i32
        %add3A_2051 = arith.constant 80 : i32
        %add3A_2052 = arith.addi %mul3A_2050, %add3A_2051 : i32
        %get3A_2053 = arith.index_cast %add3A_2052 : i32 to index
        %get3A_2054 = tpu.vector_load %arg5[%get3A_2053] {strides = array<i32>} : memref<16384xf32, #tpu.memory_space<vmem>>, vector<16xf32>,
        %get3A_2055 = arith.index_cast %add3A_2052 : i32 to index
        %get3A_2056 = tpu.vector_load %arg7[%get3A_2055] {strides = array<i32>} : memref<16384xi32, #tpu.memory_space<vmem>>, vector<16xi32>,
        %neg3A_2057 = arith.constant 0.000000e+00 : f32
        %neg3A_2058 = vector.broadcast %neg3A_2057 : f32 to vector<16xf32>
        %neg3A_2059 = arith.subf %neg3A_2058, %get3A_2054 : vector<16xf32>
        %exp3A_2060 = math.exp %neg3A_2059 : vector<16xf32>
        %add3A_2061 = arith.constant 1.000000e+00 : f32
        %add3A_2062 = vector.broadcast %add3A_2061 : f32 to vector<16xf32>
        %add3A_2063 = arith.addf %add3A_2062, %exp3A_2060 : vector<16xf32>
        %div3A_2064 = arith.constant 1.000000e+00 : f32
        %div3A_2065 = vector.broadcast %div3A_2064 : f32 to vector<16xf32>
        %div3A_2066 = arith.divf %div3A_2065, %add3A_2063 : vector<16xf32>
        %mul3A_2067 = arith.constant 1.500000e+01 : f32
        %mul3A_2068 = vector.broadcast %mul3A_2067 : f32 to vector<16xf32>
        %mul3A_2069 = arith.mulf %div3A_2066, %mul3A_2068 : vector<16xf32>
        %convert_element_type3A_2070 = arith.fptosi %mul3A_2069 : vector<16xf32> to vector<16xi32>
        %min3A_2071 = arith.constant 14 : i32
        %min3A_2072 = vector.broadcast %min3A_2071 : i32 to vector<16xi32>
        %min3A_2073 = arith.minsi %convert_element_type3A_2070, %min3A_2072 : vector<16xi32>
        %gt3A_2074 = arith.constant 0.000000e+00 : f32
        %gt3A_2075 = vector.broadcast %gt3A_2074 : f32 to vector<16xf32>
        %gt3A_2076 = arith.cmpf ogt, %div3A_2066, %gt3A_2075 : vector<16xf32>
        %jit3A_2077 = arith.constant 15 : i32
        %broadcast_in_dim3A_2078 = vector.broadcast %jit3A_2077 : i32 to vector<16xi32>
        %select_n3A_2079 = arith.select %gt3A_2076, %min3A_2073, %broadcast_in_dim3A_2078 : vector<16xi1>, vector<16xi32>
        %mul3A_2080 = arith.constant 16 : i32
        %mul3A_2081 = vector.broadcast %mul3A_2080 : i32 to vector<16xi32>
        %mul3A_2082 = arith.muli %select_n3A_2079, %mul3A_2081 : vector<16xi32>
        %add3A_2083 = arith.addi %mul3A_2082, %add3A_20 : vector<16xi32>
        %convert_element_type3A_2084 = arith.sitofp %get3A_2056 : vector<16xi32> to vector<16xf32>
        %sub3A_2085 = arith.subf %div3A_2066, %convert_element_type3A_2084 : vector<16xf32>
        tpu.vector_store_idx %arg9[%add3A_2083], %sub3A_2085 {add = true} : memref<4096xf32, #tpu.memory_space<vmem>>[vector<16xi32>], vector<16xf32>,
        %mul3A_2086 = arith.constant 256 : i32
        %mul3A_2087 = arith.muli %scan3A_1871, %mul3A_2086 : i32
        %add3A_2088 = arith.constant 96 : i32
        %add3A_2089 = arith.addi %mul3A_2087, %add3A_2088 : i32
        %get3A_2090 = arith.index_cast %add3A_2089 : i32 to index
        %get3A_2091 = tpu.vector_load %arg5[%get3A_2090] {strides = array<i32>} : memref<16384xf32, #tpu.memory_space<vmem>>, vector<16xf32>,
        %get3A_2092 = arith.index_cast %add3A_2089 : i32 to index
        %get3A_2093 = tpu.vector_load %arg7[%get3A_2092] {strides = array<i32>} : memref<16384xi32, #tpu.memory_space<vmem>>, vector<16xi32>,
        %neg3A_2094 = arith.constant 0.000000e+00 : f32
        %neg3A_2095 = vector.broadcast %neg3A_2094 : f32 to vector<16xf32>
        %neg3A_2096 = arith.subf %neg3A_2095, %get3A_2091 : vector<16xf32>
        %exp3A_2097 = math.exp %neg3A_2096 : vector<16xf32>
        %add3A_2098 = arith.constant 1.000000e+00 : f32
        %add3A_2099 = vector.broadcast %add3A_2098 : f32 to vector<16xf32>
        %add3A_2100 = arith.addf %add3A_2099, %exp3A_2097 : vector<16xf32>
        %div3A_2101 = arith.constant 1.000000e+00 : f32
        %div3A_2102 = vector.broadcast %div3A_2101 : f32 to vector<16xf32>
        %div3A_2103 = arith.divf %div3A_2102, %add3A_2100 : vector<16xf32>
        %mul3A_2104 = arith.constant 1.500000e+01 : f32
        %mul3A_2105 = vector.broadcast %mul3A_2104 : f32 to vector<16xf32>
        %mul3A_2106 = arith.mulf %div3A_2103, %mul3A_2105 : vector<16xf32>
        %convert_element_type3A_2107 = arith.fptosi %mul3A_2106 : vector<16xf32> to vector<16xi32>
        %min3A_2108 = arith.constant 14 : i32
        %min3A_2109 = vector.broadcast %min3A_2108 : i32 to vector<16xi32>
        %min3A_2110 = arith.minsi %convert_element_type3A_2107, %min3A_2109 : vector<16xi32>
        %gt3A_2111 = arith.constant 0.000000e+00 : f32
        %gt3A_2112 = vector.broadcast %gt3A_2111 : f32 to vector<16xf32>
        %gt3A_2113 = arith.cmpf ogt, %div3A_2103, %gt3A_2112 : vector<16xf32>
        %jit3A_2114 = arith.constant 15 : i32
        %broadcast_in_dim3A_2115 = vector.broadcast %jit3A_2114 : i32 to vector<16xi32>
        %select_n3A_2116 = arith.select %gt3A_2113, %min3A_2110, %broadcast_in_dim3A_2115 : vector<16xi1>, vector<16xi32>
        %mul3A_2117 = arith.constant 16 : i32
        %mul3A_2118 = vector.broadcast %mul3A_2117 : i32 to vector<16xi32>
        %mul3A_2119 = arith.muli %select_n3A_2116, %mul3A_2118 : vector<16xi32>
        %add3A_2120 = arith.addi %mul3A_2119, %add3A_23 : vector<16xi32>
        %convert_element_type3A_2121 = arith.sitofp %get3A_2093 : vector<16xi32> to vector<16xf32>
        %sub3A_2122 = arith.subf %div3A_2103, %convert_element_type3A_2121 : vector<16xf32>
        tpu.vector_store_idx %arg9[%add3A_2120], %sub3A_2122 {add = true} : memref<4096xf32, #tpu.memory_space<vmem>>[vector<16xi32>], vector<16xf32>,
        %mul3A_2123 = arith.constant 256 : i32
        %mul3A_2124 = arith.muli %scan3A_1871, %mul3A_2123 : i32
        %add3A_2125 = arith.constant 112 : i32
        %add3A_2126 = arith.addi %mul3A_2124, %add3A_2125 : i32
        %get3A_2127 = arith.index_cast %add3A_2126 : i32 to index
        %get3A_2128 = tpu.vector_load %arg5[%get3A_2127] {strides = array<i32>} : memref<16384xf32, #tpu.memory_space<vmem>>, vector<16xf32>,
        %get3A_2129 = arith.index_cast %add3A_2126 : i32 to index
        %get3A_2130 = tpu.vector_load %arg7[%get3A_2129] {strides = array<i32>} : memref<16384xi32, #tpu.memory_space<vmem>>, vector<16xi32>,
        %neg3A_2131 = arith.constant 0.000000e+00 : f32
        %neg3A_2132 = vector.broadcast %neg3A_2131 : f32 to vector<16xf32>
        %neg3A_2133 = arith.subf %neg3A_2132, %get3A_2128 : vector<16xf32>
        %exp3A_2134 = math.exp %neg3A_2133 : vector<16xf32>
        %add3A_2135 = arith.constant 1.000000e+00 : f32
        %add3A_2136 = vector.broadcast %add3A_2135 : f32 to vector<16xf32>
        %add3A_2137 = arith.addf %add3A_2136, %exp3A_2134 : vector<16xf32>
        %div3A_2138 = arith.constant 1.000000e+00 : f32
        %div3A_2139 = vector.broadcast %div3A_2138 : f32 to vector<16xf32>
        %div3A_2140 = arith.divf %div3A_2139, %add3A_2137 : vector<16xf32>
        %mul3A_2141 = arith.constant 1.500000e+01 : f32
        %mul3A_2142 = vector.broadcast %mul3A_2141 : f32 to vector<16xf32>
        %mul3A_2143 = arith.mulf %div3A_2140, %mul3A_2142 : vector<16xf32>
        %convert_element_type3A_2144 = arith.fptosi %mul3A_2143 : vector<16xf32> to vector<16xi32>
        %min3A_2145 = arith.constant 14 : i32
        %min3A_2146 = vector.broadcast %min3A_2145 : i32 to vector<16xi32>
        %min3A_2147 = arith.minsi %convert_element_type3A_2144, %min3A_2146 : vector<16xi32>
        %gt3A_2148 = arith.constant 0.000000e+00 : f32
        %gt3A_2149 = vector.broadcast %gt3A_2148 : f32 to vector<16xf32>
        %gt3A_2150 = arith.cmpf ogt, %div3A_2140, %gt3A_2149 : vector<16xf32>
        %jit3A_2151 = arith.constant 15 : i32
        %broadcast_in_dim3A_2152 = vector.broadcast %jit3A_2151 : i32 to vector<16xi32>
        %select_n3A_2153 = arith.select %gt3A_2150, %min3A_2147, %broadcast_in_dim3A_2152 : vector<16xi1>, vector<16xi32>
        %mul3A_2154 = arith.constant 16 : i32
        %mul3A_2155 = vector.broadcast %mul3A_2154 : i32 to vector<16xi32>
        %mul3A_2156 = arith.muli %select_n3A_2153, %mul3A_2155 : vector<16xi32>
        %add3A_2157 = arith.addi %mul3A_2156, %add3A_26 : vector<16xi32>
        %convert_element_type3A_2158 = arith.sitofp %get3A_2130 : vector<16xi32> to vector<16xf32>
        %sub3A_2159 = arith.subf %div3A_2140, %convert_element_type3A_2158 : vector<16xf32>
        tpu.vector_store_idx %arg9[%add3A_2157], %sub3A_2159 {add = true} : memref<4096xf32, #tpu.memory_space<vmem>>[vector<16xi32>], vector<16xf32>,
        %mul3A_2160 = arith.constant 256 : i32
        %mul3A_2161 = arith.muli %scan3A_1871, %mul3A_2160 : i32
        %add3A_2162 = arith.constant 128 : i32
        %add3A_2163 = arith.addi %mul3A_2161, %add3A_2162 : i32
        %get3A_2164 = arith.index_cast %add3A_2163 : i32 to index
        %get3A_2165 = tpu.vector_load %arg5[%get3A_2164] {strides = array<i32>} : memref<16384xf32, #tpu.memory_space<vmem>>, vector<16xf32>,
        %get3A_2166 = arith.index_cast %add3A_2163 : i32 to index
        %get3A_2167 = tpu.vector_load %arg7[%get3A_2166] {strides = array<i32>} : memref<16384xi32, #tpu.memory_space<vmem>>, vector<16xi32>,
        %neg3A_2168 = arith.constant 0.000000e+00 : f32
        %neg3A_2169 = vector.broadcast %neg3A_2168 : f32 to vector<16xf32>
        %neg3A_2170 = arith.subf %neg3A_2169, %get3A_2165 : vector<16xf32>
        %exp3A_2171 = math.exp %neg3A_2170 : vector<16xf32>
        %add3A_2172 = arith.constant 1.000000e+00 : f32
        %add3A_2173 = vector.broadcast %add3A_2172 : f32 to vector<16xf32>
        %add3A_2174 = arith.addf %add3A_2173, %exp3A_2171 : vector<16xf32>
        %div3A_2175 = arith.constant 1.000000e+00 : f32
        %div3A_2176 = vector.broadcast %div3A_2175 : f32 to vector<16xf32>
        %div3A_2177 = arith.divf %div3A_2176, %add3A_2174 : vector<16xf32>
        %mul3A_2178 = arith.constant 1.500000e+01 : f32
        %mul3A_2179 = vector.broadcast %mul3A_2178 : f32 to vector<16xf32>
        %mul3A_2180 = arith.mulf %div3A_2177, %mul3A_2179 : vector<16xf32>
        %convert_element_type3A_2181 = arith.fptosi %mul3A_2180 : vector<16xf32> to vector<16xi32>
        %min3A_2182 = arith.constant 14 : i32
        %min3A_2183 = vector.broadcast %min3A_2182 : i32 to vector<16xi32>
        %min3A_2184 = arith.minsi %convert_element_type3A_2181, %min3A_2183 : vector<16xi32>
        %gt3A_2185 = arith.constant 0.000000e+00 : f32
        %gt3A_2186 = vector.broadcast %gt3A_2185 : f32 to vector<16xf32>
        %gt3A_2187 = arith.cmpf ogt, %div3A_2177, %gt3A_2186 : vector<16xf32>
        %jit3A_2188 = arith.constant 15 : i32
        %broadcast_in_dim3A_2189 = vector.broadcast %jit3A_2188 : i32 to vector<16xi32>
        %select_n3A_2190 = arith.select %gt3A_2187, %min3A_2184, %broadcast_in_dim3A_2189 : vector<16xi1>, vector<16xi32>
        %mul3A_2191 = arith.constant 16 : i32
        %mul3A_2192 = vector.broadcast %mul3A_2191 : i32 to vector<16xi32>
        %mul3A_2193 = arith.muli %select_n3A_2190, %mul3A_2192 : vector<16xi32>
        %add3A_2194 = arith.addi %mul3A_2193, %add3A_29 : vector<16xi32>
        %convert_element_type3A_2195 = arith.sitofp %get3A_2167 : vector<16xi32> to vector<16xf32>
        %sub3A_2196 = arith.subf %div3A_2177, %convert_element_type3A_2195 : vector<16xf32>
        tpu.vector_store_idx %arg9[%add3A_2194], %sub3A_2196 {add = true} : memref<4096xf32, #tpu.memory_space<vmem>>[vector<16xi32>], vector<16xf32>,
        %mul3A_2197 = arith.constant 256 : i32
        %mul3A_2198 = arith.muli %scan3A_1871, %mul3A_2197 : i32
        %add3A_2199 = arith.constant 144 : i32
        %add3A_2200 = arith.addi %mul3A_2198, %add3A_2199 : i32
        %get3A_2201 = arith.index_cast %add3A_2200 : i32 to index
        %get3A_2202 = tpu.vector_load %arg5[%get3A_2201] {strides = array<i32>} : memref<16384xf32, #tpu.memory_space<vmem>>, vector<16xf32>,
        %get3A_2203 = arith.index_cast %add3A_2200 : i32 to index
        %get3A_2204 = tpu.vector_load %arg7[%get3A_2203] {strides = array<i32>} : memref<16384xi32, #tpu.memory_space<vmem>>, vector<16xi32>,
        %neg3A_2205 = arith.constant 0.000000e+00 : f32
        %neg3A_2206 = vector.broadcast %neg3A_2205 : f32 to vector<16xf32>
        %neg3A_2207 = arith.subf %neg3A_2206, %get3A_2202 : vector<16xf32>
        %exp3A_2208 = math.exp %neg3A_2207 : vector<16xf32>
        %add3A_2209 = arith.constant 1.000000e+00 : f32
        %add3A_2210 = vector.broadcast %add3A_2209 : f32 to vector<16xf32>
        %add3A_2211 = arith.addf %add3A_2210, %exp3A_2208 : vector<16xf32>
        %div3A_2212 = arith.constant 1.000000e+00 : f32
        %div3A_2213 = vector.broadcast %div3A_2212 : f32 to vector<16xf32>
        %div3A_2214 = arith.divf %div3A_2213, %add3A_2211 : vector<16xf32>
        %mul3A_2215 = arith.constant 1.500000e+01 : f32
        %mul3A_2216 = vector.broadcast %mul3A_2215 : f32 to vector<16xf32>
        %mul3A_2217 = arith.mulf %div3A_2214, %mul3A_2216 : vector<16xf32>
        %convert_element_type3A_2218 = arith.fptosi %mul3A_2217 : vector<16xf32> to vector<16xi32>
        %min3A_2219 = arith.constant 14 : i32
        %min3A_2220 = vector.broadcast %min3A_2219 : i32 to vector<16xi32>
        %min3A_2221 = arith.minsi %convert_element_type3A_2218, %min3A_2220 : vector<16xi32>
        %gt3A_2222 = arith.constant 0.000000e+00 : f32
        %gt3A_2223 = vector.broadcast %gt3A_2222 : f32 to vector<16xf32>
        %gt3A_2224 = arith.cmpf ogt, %div3A_2214, %gt3A_2223 : vector<16xf32>
        %jit3A_2225 = arith.constant 15 : i32
        %broadcast_in_dim3A_2226 = vector.broadcast %jit3A_2225 : i32 to vector<16xi32>
        %select_n3A_2227 = arith.select %gt3A_2224, %min3A_2221, %broadcast_in_dim3A_2226 : vector<16xi1>, vector<16xi32>
        %mul3A_2228 = arith.constant 16 : i32
        %mul3A_2229 = vector.broadcast %mul3A_2228 : i32 to vector<16xi32>
        %mul3A_2230 = arith.muli %select_n3A_2227, %mul3A_2229 : vector<16xi32>
        %add3A_2231 = arith.addi %mul3A_2230, %add3A_32 : vector<16xi32>
        %convert_element_type3A_2232 = arith.sitofp %get3A_2204 : vector<16xi32> to vector<16xf32>
        %sub3A_2233 = arith.subf %div3A_2214, %convert_element_type3A_2232 : vector<16xf32>
        tpu.vector_store_idx %arg9[%add3A_2231], %sub3A_2233 {add = true} : memref<4096xf32, #tpu.memory_space<vmem>>[vector<16xi32>], vector<16xf32>,
        %mul3A_2234 = arith.constant 256 : i32
        %mul3A_2235 = arith.muli %scan3A_1871, %mul3A_2234 : i32
        %add3A_2236 = arith.constant 160 : i32
        %add3A_2237 = arith.addi %mul3A_2235, %add3A_2236 : i32
        %get3A_2238 = arith.index_cast %add3A_2237 : i32 to index
        %get3A_2239 = tpu.vector_load %arg5[%get3A_2238] {strides = array<i32>} : memref<16384xf32, #tpu.memory_space<vmem>>, vector<16xf32>,
        %get3A_2240 = arith.index_cast %add3A_2237 : i32 to index
        %get3A_2241 = tpu.vector_load %arg7[%get3A_2240] {strides = array<i32>} : memref<16384xi32, #tpu.memory_space<vmem>>, vector<16xi32>,
        %neg3A_2242 = arith.constant 0.000000e+00 : f32
        %neg3A_2243 = vector.broadcast %neg3A_2242 : f32 to vector<16xf32>
        %neg3A_2244 = arith.subf %neg3A_2243, %get3A_2239 : vector<16xf32>
        %exp3A_2245 = math.exp %neg3A_2244 : vector<16xf32>
        %add3A_2246 = arith.constant 1.000000e+00 : f32
        %add3A_2247 = vector.broadcast %add3A_2246 : f32 to vector<16xf32>
        %add3A_2248 = arith.addf %add3A_2247, %exp3A_2245 : vector<16xf32>
        %div3A_2249 = arith.constant 1.000000e+00 : f32
        %div3A_2250 = vector.broadcast %div3A_2249 : f32 to vector<16xf32>
        %div3A_2251 = arith.divf %div3A_2250, %add3A_2248 : vector<16xf32>
        %mul3A_2252 = arith.constant 1.500000e+01 : f32
        %mul3A_2253 = vector.broadcast %mul3A_2252 : f32 to vector<16xf32>
        %mul3A_2254 = arith.mulf %div3A_2251, %mul3A_2253 : vector<16xf32>
        %convert_element_type3A_2255 = arith.fptosi %mul3A_2254 : vector<16xf32> to vector<16xi32>
        %min3A_2256 = arith.constant 14 : i32
        %min3A_2257 = vector.broadcast %min3A_2256 : i32 to vector<16xi32>
        %min3A_2258 = arith.minsi %convert_element_type3A_2255, %min3A_2257 : vector<16xi32>
        %gt3A_2259 = arith.constant 0.000000e+00 : f32
        %gt3A_2260 = vector.broadcast %gt3A_2259 : f32 to vector<16xf32>
        %gt3A_2261 = arith.cmpf ogt, %div3A_2251, %gt3A_2260 : vector<16xf32>
        %jit3A_2262 = arith.constant 15 : i32
        %broadcast_in_dim3A_2263 = vector.broadcast %jit3A_2262 : i32 to vector<16xi32>
        %select_n3A_2264 = arith.select %gt3A_2261, %min3A_2258, %broadcast_in_dim3A_2263 : vector<16xi1>, vector<16xi32>
        %mul3A_2265 = arith.constant 16 : i32
        %mul3A_2266 = vector.broadcast %mul3A_2265 : i32 to vector<16xi32>
        %mul3A_2267 = arith.muli %select_n3A_2264, %mul3A_2266 : vector<16xi32>
        %add3A_2268 = arith.addi %mul3A_2267, %add3A_35 : vector<16xi32>
        %convert_element_type3A_2269 = arith.sitofp %get3A_2241 : vector<16xi32> to vector<16xf32>
        %sub3A_2270 = arith.subf %div3A_2251, %convert_element_type3A_2269 : vector<16xf32>
        tpu.vector_store_idx %arg9[%add3A_2268], %sub3A_2270 {add = true} : memref<4096xf32, #tpu.memory_space<vmem>>[vector<16xi32>], vector<16xf32>,
        %mul3A_2271 = arith.constant 256 : i32
        %mul3A_2272 = arith.muli %scan3A_1871, %mul3A_2271 : i32
        %add3A_2273 = arith.constant 176 : i32
        %add3A_2274 = arith.addi %mul3A_2272, %add3A_2273 : i32
        %get3A_2275 = arith.index_cast %add3A_2274 : i32 to index
        %get3A_2276 = tpu.vector_load %arg5[%get3A_2275] {strides = array<i32>} : memref<16384xf32, #tpu.memory_space<vmem>>, vector<16xf32>,
        %get3A_2277 = arith.index_cast %add3A_2274 : i32 to index
        %get3A_2278 = tpu.vector_load %arg7[%get3A_2277] {strides = array<i32>} : memref<16384xi32, #tpu.memory_space<vmem>>, vector<16xi32>,
        %neg3A_2279 = arith.constant 0.000000e+00 : f32
        %neg3A_2280 = vector.broadcast %neg3A_2279 : f32 to vector<16xf32>
        %neg3A_2281 = arith.subf %neg3A_2280, %get3A_2276 : vector<16xf32>
        %exp3A_2282 = math.exp %neg3A_2281 : vector<16xf32>
        %add3A_2283 = arith.constant 1.000000e+00 : f32
        %add3A_2284 = vector.broadcast %add3A_2283 : f32 to vector<16xf32>
        %add3A_2285 = arith.addf %add3A_2284, %exp3A_2282 : vector<16xf32>
        %div3A_2286 = arith.constant 1.000000e+00 : f32
        %div3A_2287 = vector.broadcast %div3A_2286 : f32 to vector<16xf32>
        %div3A_2288 = arith.divf %div3A_2287, %add3A_2285 : vector<16xf32>
        %mul3A_2289 = arith.constant 1.500000e+01 : f32
        %mul3A_2290 = vector.broadcast %mul3A_2289 : f32 to vector<16xf32>
        %mul3A_2291 = arith.mulf %div3A_2288, %mul3A_2290 : vector<16xf32>
        %convert_element_type3A_2292 = arith.fptosi %mul3A_2291 : vector<16xf32> to vector<16xi32>
        %min3A_2293 = arith.constant 14 : i32
        %min3A_2294 = vector.broadcast %min3A_2293 : i32 to vector<16xi32>
        %min3A_2295 = arith.minsi %convert_element_type3A_2292, %min3A_2294 : vector<16xi32>
        %gt3A_2296 = arith.constant 0.000000e+00 : f32
        %gt3A_2297 = vector.broadcast %gt3A_2296 : f32 to vector<16xf32>
        %gt3A_2298 = arith.cmpf ogt, %div3A_2288, %gt3A_2297 : vector<16xf32>
        %jit3A_2299 = arith.constant 15 : i32
        %broadcast_in_dim3A_2300 = vector.broadcast %jit3A_2299 : i32 to vector<16xi32>
        %select_n3A_2301 = arith.select %gt3A_2298, %min3A_2295, %broadcast_in_dim3A_2300 : vector<16xi1>, vector<16xi32>
        %mul3A_2302 = arith.constant 16 : i32
        %mul3A_2303 = vector.broadcast %mul3A_2302 : i32 to vector<16xi32>
        %mul3A_2304 = arith.muli %select_n3A_2301, %mul3A_2303 : vector<16xi32>
        %add3A_2305 = arith.addi %mul3A_2304, %add3A_38 : vector<16xi32>
        %convert_element_type3A_2306 = arith.sitofp %get3A_2278 : vector<16xi32> to vector<16xf32>
        %sub3A_2307 = arith.subf %div3A_2288, %convert_element_type3A_2306 : vector<16xf32>
        tpu.vector_store_idx %arg9[%add3A_2305], %sub3A_2307 {add = true} : memref<4096xf32, #tpu.memory_space<vmem>>[vector<16xi32>], vector<16xf32>,
        %mul3A_2308 = arith.constant 256 : i32
        %mul3A_2309 = arith.muli %scan3A_1871, %mul3A_2308 : i32
        %add3A_2310 = arith.constant 192 : i32
        %add3A_2311 = arith.addi %mul3A_2309, %add3A_2310 : i32
        %get3A_2312 = arith.index_cast %add3A_2311 : i32 to index
        %get3A_2313 = tpu.vector_load %arg5[%get3A_2312] {strides = array<i32>} : memref<16384xf32, #tpu.memory_space<vmem>>, vector<16xf32>,
        %get3A_2314 = arith.index_cast %add3A_2311 : i32 to index
        %get3A_2315 = tpu.vector_load %arg7[%get3A_2314] {strides = array<i32>} : memref<16384xi32, #tpu.memory_space<vmem>>, vector<16xi32>,
        %neg3A_2316 = arith.constant 0.000000e+00 : f32
        %neg3A_2317 = vector.broadcast %neg3A_2316 : f32 to vector<16xf32>
        %neg3A_2318 = arith.subf %neg3A_2317, %get3A_2313 : vector<16xf32>
        %exp3A_2319 = math.exp %neg3A_2318 : vector<16xf32>
        %add3A_2320 = arith.constant 1.000000e+00 : f32
        %add3A_2321 = vector.broadcast %add3A_2320 : f32 to vector<16xf32>
        %add3A_2322 = arith.addf %add3A_2321, %exp3A_2319 : vector<16xf32>
        %div3A_2323 = arith.constant 1.000000e+00 : f32
        %div3A_2324 = vector.broadcast %div3A_2323 : f32 to vector<16xf32>
        %div3A_2325 = arith.divf %div3A_2324, %add3A_2322 : vector<16xf32>
        %mul3A_2326 = arith.constant 1.500000e+01 : f32
        %mul3A_2327 = vector.broadcast %mul3A_2326 : f32 to vector<16xf32>
        %mul3A_2328 = arith.mulf %div3A_2325, %mul3A_2327 : vector<16xf32>
        %convert_element_type3A_2329 = arith.fptosi %mul3A_2328 : vector<16xf32> to vector<16xi32>
        %min3A_2330 = arith.constant 14 : i32
        %min3A_2331 = vector.broadcast %min3A_2330 : i32 to vector<16xi32>
        %min3A_2332 = arith.minsi %convert_element_type3A_2329, %min3A_2331 : vector<16xi32>
        %gt3A_2333 = arith.constant 0.000000e+00 : f32
        %gt3A_2334 = vector.broadcast %gt3A_2333 : f32 to vector<16xf32>
        %gt3A_2335 = arith.cmpf ogt, %div3A_2325, %gt3A_2334 : vector<16xf32>
        %jit3A_2336 = arith.constant 15 : i32
        %broadcast_in_dim3A_2337 = vector.broadcast %jit3A_2336 : i32 to vector<16xi32>
        %select_n3A_2338 = arith.select %gt3A_2335, %min3A_2332, %broadcast_in_dim3A_2337 : vector<16xi1>, vector<16xi32>
        %mul3A_2339 = arith.constant 16 : i32
        %mul3A_2340 = vector.broadcast %mul3A_2339 : i32 to vector<16xi32>
        %mul3A_2341 = arith.muli %select_n3A_2338, %mul3A_2340 : vector<16xi32>
        %add3A_2342 = arith.addi %mul3A_2341, %add3A_41 : vector<16xi32>
        %convert_element_type3A_2343 = arith.sitofp %get3A_2315 : vector<16xi32> to vector<16xf32>
        %sub3A_2344 = arith.subf %div3A_2325, %convert_element_type3A_2343 : vector<16xf32>
        tpu.vector_store_idx %arg9[%add3A_2342], %sub3A_2344 {add = true} : memref<4096xf32, #tpu.memory_space<vmem>>[vector<16xi32>], vector<16xf32>,
        %mul3A_2345 = arith.constant 256 : i32
        %mul3A_2346 = arith.muli %scan3A_1871, %mul3A_2345 : i32
        %add3A_2347 = arith.constant 208 : i32
        %add3A_2348 = arith.addi %mul3A_2346, %add3A_2347 : i32
        %get3A_2349 = arith.index_cast %add3A_2348 : i32 to index
        %get3A_2350 = tpu.vector_load %arg5[%get3A_2349] {strides = array<i32>} : memref<16384xf32, #tpu.memory_space<vmem>>, vector<16xf32>,
        %get3A_2351 = arith.index_cast %add3A_2348 : i32 to index
        %get3A_2352 = tpu.vector_load %arg7[%get3A_2351] {strides = array<i32>} : memref<16384xi32, #tpu.memory_space<vmem>>, vector<16xi32>,
        %neg3A_2353 = arith.constant 0.000000e+00 : f32
        %neg3A_2354 = vector.broadcast %neg3A_2353 : f32 to vector<16xf32>
        %neg3A_2355 = arith.subf %neg3A_2354, %get3A_2350 : vector<16xf32>
        %exp3A_2356 = math.exp %neg3A_2355 : vector<16xf32>
        %add3A_2357 = arith.constant 1.000000e+00 : f32
        %add3A_2358 = vector.broadcast %add3A_2357 : f32 to vector<16xf32>
        %add3A_2359 = arith.addf %add3A_2358, %exp3A_2356 : vector<16xf32>
        %div3A_2360 = arith.constant 1.000000e+00 : f32
        %div3A_2361 = vector.broadcast %div3A_2360 : f32 to vector<16xf32>
        %div3A_2362 = arith.divf %div3A_2361, %add3A_2359 : vector<16xf32>
        %mul3A_2363 = arith.constant 1.500000e+01 : f32
        %mul3A_2364 = vector.broadcast %mul3A_2363 : f32 to vector<16xf32>
        %mul3A_2365 = arith.mulf %div3A_2362, %mul3A_2364 : vector<16xf32>
        %convert_element_type3A_2366 = arith.fptosi %mul3A_2365 : vector<16xf32> to vector<16xi32>
        %min3A_2367 = arith.constant 14 : i32
        %min3A_2368 = vector.broadcast %min3A_2367 : i32 to vector<16xi32>
        %min3A_2369 = arith.minsi %convert_element_type3A_2366, %min3A_2368 : vector<16xi32>
        %gt3A_2370 = arith.constant 0.000000e+00 : f32
        %gt3A_2371 = vector.broadcast %gt3A_2370 : f32 to vector<16xf32>
        %gt3A_2372 = arith.cmpf ogt, %div3A_2362, %gt3A_2371 : vector<16xf32>
        %jit3A_2373 = arith.constant 15 : i32
        %broadcast_in_dim3A_2374 = vector.broadcast %jit3A_2373 : i32 to vector<16xi32>
        %select_n3A_2375 = arith.select %gt3A_2372, %min3A_2369, %broadcast_in_dim3A_2374 : vector<16xi1>, vector<16xi32>
        %mul3A_2376 = arith.constant 16 : i32
        %mul3A_2377 = vector.broadcast %mul3A_2376 : i32 to vector<16xi32>
        %mul3A_2378 = arith.muli %select_n3A_2375, %mul3A_2377 : vector<16xi32>
        %add3A_2379 = arith.addi %mul3A_2378, %add3A_44 : vector<16xi32>
        %convert_element_type3A_2380 = arith.sitofp %get3A_2352 : vector<16xi32> to vector<16xf32>
        %sub3A_2381 = arith.subf %div3A_2362, %convert_element_type3A_2380 : vector<16xf32>
        tpu.vector_store_idx %arg9[%add3A_2379], %sub3A_2381 {add = true} : memref<4096xf32, #tpu.memory_space<vmem>>[vector<16xi32>], vector<16xf32>,
        %mul3A_2382 = arith.constant 256 : i32
        %mul3A_2383 = arith.muli %scan3A_1871, %mul3A_2382 : i32
        %add3A_2384 = arith.constant 224 : i32
        %add3A_2385 = arith.addi %mul3A_2383, %add3A_2384 : i32
        %get3A_2386 = arith.index_cast %add3A_2385 : i32 to index
        %get3A_2387 = tpu.vector_load %arg5[%get3A_2386] {strides = array<i32>} : memref<16384xf32, #tpu.memory_space<vmem>>, vector<16xf32>,
        %get3A_2388 = arith.index_cast %add3A_2385 : i32 to index
        %get3A_2389 = tpu.vector_load %arg7[%get3A_2388] {strides = array<i32>} : memref<16384xi32, #tpu.memory_space<vmem>>, vector<16xi32>,
        %neg3A_2390 = arith.constant 0.000000e+00 : f32
        %neg3A_2391 = vector.broadcast %neg3A_2390 : f32 to vector<16xf32>
        %neg3A_2392 = arith.subf %neg3A_2391, %get3A_2387 : vector<16xf32>
        %exp3A_2393 = math.exp %neg3A_2392 : vector<16xf32>
        %add3A_2394 = arith.constant 1.000000e+00 : f32
        %add3A_2395 = vector.broadcast %add3A_2394 : f32 to vector<16xf32>
        %add3A_2396 = arith.addf %add3A_2395, %exp3A_2393 : vector<16xf32>
        %div3A_2397 = arith.constant 1.000000e+00 : f32
        %div3A_2398 = vector.broadcast %div3A_2397 : f32 to vector<16xf32>
        %div3A_2399 = arith.divf %div3A_2398, %add3A_2396 : vector<16xf32>
        %mul3A_2400 = arith.constant 1.500000e+01 : f32
        %mul3A_2401 = vector.broadcast %mul3A_2400 : f32 to vector<16xf32>
        %mul3A_2402 = arith.mulf %div3A_2399, %mul3A_2401 : vector<16xf32>
        %convert_element_type3A_2403 = arith.fptosi %mul3A_2402 : vector<16xf32> to vector<16xi32>
        %min3A_2404 = arith.constant 14 : i32
        %min3A_2405 = vector.broadcast %min3A_2404 : i32 to vector<16xi32>
        %min3A_2406 = arith.minsi %convert_element_type3A_2403, %min3A_2405 : vector<16xi32>
        %gt3A_2407 = arith.constant 0.000000e+00 : f32
        %gt3A_2408 = vector.broadcast %gt3A_2407 : f32 to vector<16xf32>
        %gt3A_2409 = arith.cmpf ogt, %div3A_2399, %gt3A_2408 : vector<16xf32>
        %jit3A_2410 = arith.constant 15 : i32
        %broadcast_in_dim3A_2411 = vector.broadcast %jit3A_2410 : i32 to vector<16xi32>
        %select_n3A_2412 = arith.select %gt3A_2409, %min3A_2406, %broadcast_in_dim3A_2411 : vector<16xi1>, vector<16xi32>
        %mul3A_2413 = arith.constant 16 : i32
        %mul3A_2414 = vector.broadcast %mul3A_2413 : i32 to vector<16xi32>
        %mul3A_2415 = arith.muli %select_n3A_2412, %mul3A_2414 : vector<16xi32>
        %add3A_2416 = arith.addi %mul3A_2415, %add3A_47 : vector<16xi32>
        %convert_element_type3A_2417 = arith.sitofp %get3A_2389 : vector<16xi32> to vector<16xf32>
        %sub3A_2418 = arith.subf %div3A_2399, %convert_element_type3A_2417 : vector<16xf32>
        tpu.vector_store_idx %arg9[%add3A_2416], %sub3A_2418 {add = true} : memref<4096xf32, #tpu.memory_space<vmem>>[vector<16xi32>], vector<16xf32>,
        %mul3A_2419 = arith.constant 256 : i32
        %mul3A_2420 = arith.muli %scan3A_1871, %mul3A_2419 : i32
        %add3A_2421 = arith.constant 240 : i32
        %add3A_2422 = arith.addi %mul3A_2420, %add3A_2421 : i32
        %get3A_2423 = arith.index_cast %add3A_2422 : i32 to index
        %get3A_2424 = tpu.vector_load %arg5[%get3A_2423] {strides = array<i32>} : memref<16384xf32, #tpu.memory_space<vmem>>, vector<16xf32>,
        %get3A_2425 = arith.index_cast %add3A_2422 : i32 to index
        %get3A_2426 = tpu.vector_load %arg7[%get3A_2425] {strides = array<i32>} : memref<16384xi32, #tpu.memory_space<vmem>>, vector<16xi32>,
        %neg3A_2427 = arith.constant 0.000000e+00 : f32
        %neg3A_2428 = vector.broadcast %neg3A_2427 : f32 to vector<16xf32>
        %neg3A_2429 = arith.subf %neg3A_2428, %get3A_2424 : vector<16xf32>
        %exp3A_2430 = math.exp %neg3A_2429 : vector<16xf32>
        %add3A_2431 = arith.constant 1.000000e+00 : f32
        %add3A_2432 = vector.broadcast %add3A_2431 : f32 to vector<16xf32>
        %add3A_2433 = arith.addf %add3A_2432, %exp3A_2430 : vector<16xf32>
        %div3A_2434 = arith.constant 1.000000e+00 : f32
        %div3A_2435 = vector.broadcast %div3A_2434 : f32 to vector<16xf32>
        %div3A_2436 = arith.divf %div3A_2435, %add3A_2433 : vector<16xf32>
        %mul3A_2437 = arith.constant 1.500000e+01 : f32
        %mul3A_2438 = vector.broadcast %mul3A_2437 : f32 to vector<16xf32>
        %mul3A_2439 = arith.mulf %div3A_2436, %mul3A_2438 : vector<16xf32>
        %convert_element_type3A_2440 = arith.fptosi %mul3A_2439 : vector<16xf32> to vector<16xi32>
        %min3A_2441 = arith.constant 14 : i32
        %min3A_2442 = vector.broadcast %min3A_2441 : i32 to vector<16xi32>
        %min3A_2443 = arith.minsi %convert_element_type3A_2440, %min3A_2442 : vector<16xi32>
        %gt3A_2444 = arith.constant 0.000000e+00 : f32
        %gt3A_2445 = vector.broadcast %gt3A_2444 : f32 to vector<16xf32>
        %gt3A_2446 = arith.cmpf ogt, %div3A_2436, %gt3A_2445 : vector<16xf32>
        %jit3A_2447 = arith.constant 15 : i32
        %broadcast_in_dim3A_2448 = vector.broadcast %jit3A_2447 : i32 to vector<16xi32>
        %select_n3A_2449 = arith.select %gt3A_2446, %min3A_2443, %broadcast_in_dim3A_2448 : vector<16xi1>, vector<16xi32>
        %mul3A_2450 = arith.constant 16 : i32
        %mul3A_2451 = vector.broadcast %mul3A_2450 : i32 to vector<16xi32>
        %mul3A_2452 = arith.muli %select_n3A_2449, %mul3A_2451 : vector<16xi32>
        %add3A_2453 = arith.addi %mul3A_2452, %add3A_50 : vector<16xi32>
        %convert_element_type3A_2454 = arith.sitofp %get3A_2426 : vector<16xi32> to vector<16xf32>
        %sub3A_2455 = arith.subf %div3A_2436, %convert_element_type3A_2454 : vector<16xf32>
        tpu.vector_store_idx %arg9[%add3A_2453], %sub3A_2455 {add = true} : memref<4096xf32, #tpu.memory_space<vmem>>[vector<16xi32>], vector<16xf32>,
      }
      %scan3A_1842 = arith.constant 64 : i32
      %add3A_1843 = arith.constant 2 : i32
      %add3A_1844 = arith.addi %add3A_1830, %add3A_1843 : i32
      %lt3A = arith.constant 6 : i32
      %lt3A_1845 = arith.cmpi slt, %add3A_1844, %lt3A : i32
      %convert_element_type3A = arith.extui %lt3A_1845 : i1 to i32
      %cond3A = arith.constant 0 : i32
      %cond3A_1846 = arith.cmpi ne, %convert_element_type3A, %cond3A : i32
      scf.if %cond3A_1846 {
        %add3A_1871 = arith.constant 2 : i32
        %add3A_1872 = arith.addi %add3A_1830, %add3A_1871 : i32
        %mul3A_1873 = arith.constant 16384 : i32
        %mul3A_1874 = arith.muli %add3A_1872, %mul3A_1873 : i32
        %add3A_1875 = arith.addi %mul3A_2, %mul3A_1874 : i32
        %dma_start3A_1876 = tpu.memref_slice %arg2[%add3A_1875] : memref<16777216xf32, #tpu.memory_space<hbm>> -> memref<16384xf32, #tpu.memory_space<hbm>>
        %dma_start3A_1877 = tpu.memref_slice %arg2[%add3A_1875] : memref<16777216xf32, #tpu.memory_space<hbm>> -> memref<16384xf32, #tpu.memory_space<hbm>>
        tpu.enqueue_dma source(%dma_start3A_1877 : memref<16384xf32, #tpu.memory_space<hbm>>) target(%arg5 : memref<16384xf32, #tpu.memory_space<vmem>>) target_semaphore(%arg11 : memref<!tpu.dma_semaphore, #tpu.memory_space<semaphore_mem>>)
        %mul3A_1878 = arith.constant 16384 : i32
        %mul3A_1879 = arith.muli %add3A_1872, %mul3A_1878 : i32
        %add3A_1880 = arith.addi %mul3A_2, %mul3A_1879 : i32
        %dma_start3A_1881 = tpu.memref_slice %arg3[%add3A_1880] : memref<16777216xi32, #tpu.memory_space<hbm>> -> memref<16384xi32, #tpu.memory_space<hbm>>
        %dma_start3A_1882 = tpu.memref_slice %arg3[%add3A_1880] : memref<16777216xi32, #tpu.memory_space<hbm>> -> memref<16384xi32, #tpu.memory_space<hbm>>
        tpu.enqueue_dma source(%dma_start3A_1882 : memref<16384xi32, #tpu.memory_space<hbm>>) target(%arg7 : memref<16384xi32, #tpu.memory_space<vmem>>) target_semaphore(%arg11 : memref<!tpu.dma_semaphore, #tpu.memory_space<semaphore_mem>>)
      } else {
      }
      %mul3A_1847 = arith.constant 2 : i32
      %mul3A_1848 = arith.muli %scan3A_1826, %mul3A_1847 : i32
      %add3A_1849 = arith.constant 1 : i32
      %add3A_1850 = arith.addi %mul3A_1848, %add3A_1849 : i32
      %dma_wait3A_1851 = arith.constant 0 : i32
      %dma_wait3A_1852 = tpu.memref_slice %arg2[%dma_wait3A_1851] : memref<16777216xf32, #tpu.memory_space<hbm>> -> memref<16384xf32, #tpu.memory_space<hbm>>
      %dma_wait3A_1853 = arith.constant 0 : i32
      %dma_wait3A_1854 = tpu.memref_slice %arg2[%dma_wait3A_1853] : memref<16777216xf32, #tpu.memory_space<hbm>> -> memref<16384xf32, #tpu.memory_space<hbm>>
      tpu.wait_dma2 semaphore(%arg12 : memref<!tpu.dma_semaphore, #tpu.memory_space<semaphore_mem>>) src(%dma_wait3A_1854 : memref<16384xf32, #tpu.memory_space<hbm>>) dst(%arg6 : memref<16384xf32, #tpu.memory_space<vmem>>)
      %dma_wait3A_1855 = arith.constant 0 : i32
      %dma_wait3A_1856 = tpu.memref_slice %arg3[%dma_wait3A_1855] : memref<16777216xi32, #tpu.memory_space<hbm>> -> memref<16384xi32, #tpu.memory_space<hbm>>
      %dma_wait3A_1857 = arith.constant 0 : i32
      %dma_wait3A_1858 = tpu.memref_slice %arg3[%dma_wait3A_1857] : memref<16777216xi32, #tpu.memory_space<hbm>> -> memref<16384xi32, #tpu.memory_space<hbm>>
      tpu.wait_dma2 semaphore(%arg12 : memref<!tpu.dma_semaphore, #tpu.memory_space<semaphore_mem>>) src(%dma_wait3A_1858 : memref<16384xi32, #tpu.memory_space<hbm>>) dst(%arg8 : memref<16384xi32, #tpu.memory_space<vmem>>)
      %scan3A_1859 = arith.constant 0 : i32
      %scan3A_1860 = arith.constant 64 : i32
      %scan3A_1861 = arith.addi %scan3A_1859, %scan3A_1860 : i32
      %scan3A_1862 = arith.constant 1 : i32
      scf.for %scan3A_1871 = %scan3A_1859 to %scan3A_1861 step %scan3A_1862  : i32 {
        %mul3A_1872 = arith.constant 256 : i32
        %mul3A_1873 = arith.muli %scan3A_1871, %mul3A_1872 : i32
        %add3A_1874 = arith.constant 0 : i32
        %add3A_1875 = arith.addi %mul3A_1873, %add3A_1874 : i32
        %get3A_1876 = arith.index_cast %add3A_1875 : i32 to index
        %get3A_1877 = tpu.vector_load %arg6[%get3A_1876] {strides = array<i32>} : memref<16384xf32, #tpu.memory_space<vmem>>, vector<16xf32>,
        %get3A_1878 = arith.index_cast %add3A_1875 : i32 to index
        %get3A_1879 = tpu.vector_load %arg8[%get3A_1878] {strides = array<i32>} : memref<16384xi32, #tpu.memory_space<vmem>>, vector<16xi32>,
        %neg3A = arith.constant 0.000000e+00 : f32
        %neg3A_1880 = vector.broadcast %neg3A : f32 to vector<16xf32>
        %neg3A_1881 = arith.subf %neg3A_1880, %get3A_1877 : vector<16xf32>
        %exp3A = math.exp %neg3A_1881 : vector<16xf32>
        %add3A_1882 = arith.constant 1.000000e+00 : f32
        %add3A_1883 = vector.broadcast %add3A_1882 : f32 to vector<16xf32>
        %add3A_1884 = arith.addf %add3A_1883, %exp3A : vector<16xf32>
        %div3A = arith.constant 1.000000e+00 : f32
        %div3A_1885 = vector.broadcast %div3A : f32 to vector<16xf32>
        %div3A_1886 = arith.divf %div3A_1885, %add3A_1884 : vector<16xf32>
        %mul3A_1887 = arith.constant 1.500000e+01 : f32
        %mul3A_1888 = vector.broadcast %mul3A_1887 : f32 to vector<16xf32>
        %mul3A_1889 = arith.mulf %div3A_1886, %mul3A_1888 : vector<16xf32>
        %convert_element_type3A_1890 = arith.fptosi %mul3A_1889 : vector<16xf32> to vector<16xi32>
        %min3A = arith.constant 14 : i32
        %min3A_1891 = vector.broadcast %min3A : i32 to vector<16xi32>
        %min3A_1892 = arith.minsi %convert_element_type3A_1890, %min3A_1891 : vector<16xi32>
        %gt3A = arith.constant 0.000000e+00 : f32
        %gt3A_1893 = vector.broadcast %gt3A : f32 to vector<16xf32>
        %gt3A_1894 = arith.cmpf ogt, %div3A_1886, %gt3A_1893 : vector<16xf32>
        %jit3A = arith.constant 15 : i32
        %broadcast_in_dim3A_1895 = vector.broadcast %jit3A : i32 to vector<16xi32>
        %select_n3A = arith.select %gt3A_1894, %min3A_1892, %broadcast_in_dim3A_1895 : vector<16xi1>, vector<16xi32>
        %mul3A_1896 = arith.constant 16 : i32
        %mul3A_1897 = vector.broadcast %mul3A_1896 : i32 to vector<16xi32>
        %mul3A_1898 = arith.muli %select_n3A, %mul3A_1897 : vector<16xi32>
        %add3A_1899 = arith.addi %mul3A_1898, %add3A_5 : vector<16xi32>
        %convert_element_type3A_1900 = arith.sitofp %get3A_1879 : vector<16xi32> to vector<16xf32>
        %sub3A = arith.subf %div3A_1886, %convert_element_type3A_1900 : vector<16xf32>
        tpu.vector_store_idx %arg9[%add3A_1899], %sub3A {add = true} : memref<4096xf32, #tpu.memory_space<vmem>>[vector<16xi32>], vector<16xf32>,
        %mul3A_1901 = arith.constant 256 : i32
        %mul3A_1902 = arith.muli %scan3A_1871, %mul3A_1901 : i32
        %add3A_1903 = arith.constant 16 : i32
        %add3A_1904 = arith.addi %mul3A_1902, %add3A_1903 : i32
        %get3A_1905 = arith.index_cast %add3A_1904 : i32 to index
        %get3A_1906 = tpu.vector_load %arg6[%get3A_1905] {strides = array<i32>} : memref<16384xf32, #tpu.memory_space<vmem>>, vector<16xf32>,
        %get3A_1907 = arith.index_cast %add3A_1904 : i32 to index
        %get3A_1908 = tpu.vector_load %arg8[%get3A_1907] {strides = array<i32>} : memref<16384xi32, #tpu.memory_space<vmem>>, vector<16xi32>,
        %neg3A_1909 = arith.constant 0.000000e+00 : f32
        %neg3A_1910 = vector.broadcast %neg3A_1909 : f32 to vector<16xf32>
        %neg3A_1911 = arith.subf %neg3A_1910, %get3A_1906 : vector<16xf32>
        %exp3A_1912 = math.exp %neg3A_1911 : vector<16xf32>
        %add3A_1913 = arith.constant 1.000000e+00 : f32
        %add3A_1914 = vector.broadcast %add3A_1913 : f32 to vector<16xf32>
        %add3A_1915 = arith.addf %add3A_1914, %exp3A_1912 : vector<16xf32>
        %div3A_1916 = arith.constant 1.000000e+00 : f32
        %div3A_1917 = vector.broadcast %div3A_1916 : f32 to vector<16xf32>
        %div3A_1918 = arith.divf %div3A_1917, %add3A_1915 : vector<16xf32>
        %mul3A_1919 = arith.constant 1.500000e+01 : f32
        %mul3A_1920 = vector.broadcast %mul3A_1919 : f32 to vector<16xf32>
        %mul3A_1921 = arith.mulf %div3A_1918, %mul3A_1920 : vector<16xf32>
        %convert_element_type3A_1922 = arith.fptosi %mul3A_1921 : vector<16xf32> to vector<16xi32>
        %min3A_1923 = arith.constant 14 : i32
        %min3A_1924 = vector.broadcast %min3A_1923 : i32 to vector<16xi32>
        %min3A_1925 = arith.minsi %convert_element_type3A_1922, %min3A_1924 : vector<16xi32>
        %gt3A_1926 = arith.constant 0.000000e+00 : f32
        %gt3A_1927 = vector.broadcast %gt3A_1926 : f32 to vector<16xf32>
        %gt3A_1928 = arith.cmpf ogt, %div3A_1918, %gt3A_1927 : vector<16xf32>
        %jit3A_1929 = arith.constant 15 : i32
        %broadcast_in_dim3A_1930 = vector.broadcast %jit3A_1929 : i32 to vector<16xi32>
        %select_n3A_1931 = arith.select %gt3A_1928, %min3A_1925, %broadcast_in_dim3A_1930 : vector<16xi1>, vector<16xi32>
        %mul3A_1932 = arith.constant 16 : i32
        %mul3A_1933 = vector.broadcast %mul3A_1932 : i32 to vector<16xi32>
        %mul3A_1934 = arith.muli %select_n3A_1931, %mul3A_1933 : vector<16xi32>
        %add3A_1935 = arith.addi %mul3A_1934, %add3A_8 : vector<16xi32>
        %convert_element_type3A_1936 = arith.sitofp %get3A_1908 : vector<16xi32> to vector<16xf32>
        %sub3A_1937 = arith.subf %div3A_1918, %convert_element_type3A_1936 : vector<16xf32>
        tpu.vector_store_idx %arg9[%add3A_1935], %sub3A_1937 {add = true} : memref<4096xf32, #tpu.memory_space<vmem>>[vector<16xi32>], vector<16xf32>,
        %mul3A_1938 = arith.constant 256 : i32
        %mul3A_1939 = arith.muli %scan3A_1871, %mul3A_1938 : i32
        %add3A_1940 = arith.constant 32 : i32
        %add3A_1941 = arith.addi %mul3A_1939, %add3A_1940 : i32
        %get3A_1942 = arith.index_cast %add3A_1941 : i32 to index
        %get3A_1943 = tpu.vector_load %arg6[%get3A_1942] {strides = array<i32>} : memref<16384xf32, #tpu.memory_space<vmem>>, vector<16xf32>,
        %get3A_1944 = arith.index_cast %add3A_1941 : i32 to index
        %get3A_1945 = tpu.vector_load %arg8[%get3A_1944] {strides = array<i32>} : memref<16384xi32, #tpu.memory_space<vmem>>, vector<16xi32>,
        %neg3A_1946 = arith.constant 0.000000e+00 : f32
        %neg3A_1947 = vector.broadcast %neg3A_1946 : f32 to vector<16xf32>
        %neg3A_1948 = arith.subf %neg3A_1947, %get3A_1943 : vector<16xf32>
        %exp3A_1949 = math.exp %neg3A_1948 : vector<16xf32>
        %add3A_1950 = arith.constant 1.000000e+00 : f32
        %add3A_1951 = vector.broadcast %add3A_1950 : f32 to vector<16xf32>
        %add3A_1952 = arith.addf %add3A_1951, %exp3A_1949 : vector<16xf32>
        %div3A_1953 = arith.constant 1.000000e+00 : f32
        %div3A_1954 = vector.broadcast %div3A_1953 : f32 to vector<16xf32>
        %div3A_1955 = arith.divf %div3A_1954, %add3A_1952 : vector<16xf32>
        %mul3A_1956 = arith.constant 1.500000e+01 : f32
        %mul3A_1957 = vector.broadcast %mul3A_1956 : f32 to vector<16xf32>
        %mul3A_1958 = arith.mulf %div3A_1955, %mul3A_1957 : vector<16xf32>
        %convert_element_type3A_1959 = arith.fptosi %mul3A_1958 : vector<16xf32> to vector<16xi32>
        %min3A_1960 = arith.constant 14 : i32
        %min3A_1961 = vector.broadcast %min3A_1960 : i32 to vector<16xi32>
        %min3A_1962 = arith.minsi %convert_element_type3A_1959, %min3A_1961 : vector<16xi32>
        %gt3A_1963 = arith.constant 0.000000e+00 : f32
        %gt3A_1964 = vector.broadcast %gt3A_1963 : f32 to vector<16xf32>
        %gt3A_1965 = arith.cmpf ogt, %div3A_1955, %gt3A_1964 : vector<16xf32>
        %jit3A_1966 = arith.constant 15 : i32
        %broadcast_in_dim3A_1967 = vector.broadcast %jit3A_1966 : i32 to vector<16xi32>
        %select_n3A_1968 = arith.select %gt3A_1965, %min3A_1962, %broadcast_in_dim3A_1967 : vector<16xi1>, vector<16xi32>
        %mul3A_1969 = arith.constant 16 : i32
        %mul3A_1970 = vector.broadcast %mul3A_1969 : i32 to vector<16xi32>
        %mul3A_1971 = arith.muli %select_n3A_1968, %mul3A_1970 : vector<16xi32>
        %add3A_1972 = arith.addi %mul3A_1971, %add3A_11 : vector<16xi32>
        %convert_element_type3A_1973 = arith.sitofp %get3A_1945 : vector<16xi32> to vector<16xf32>
        %sub3A_1974 = arith.subf %div3A_1955, %convert_element_type3A_1973 : vector<16xf32>
        tpu.vector_store_idx %arg9[%add3A_1972], %sub3A_1974 {add = true} : memref<4096xf32, #tpu.memory_space<vmem>>[vector<16xi32>], vector<16xf32>,
        %mul3A_1975 = arith.constant 256 : i32
        %mul3A_1976 = arith.muli %scan3A_1871, %mul3A_1975 : i32
        %add3A_1977 = arith.constant 48 : i32
        %add3A_1978 = arith.addi %mul3A_1976, %add3A_1977 : i32
        %get3A_1979 = arith.index_cast %add3A_1978 : i32 to index
        %get3A_1980 = tpu.vector_load %arg6[%get3A_1979] {strides = array<i32>} : memref<16384xf32, #tpu.memory_space<vmem>>, vector<16xf32>,
        %get3A_1981 = arith.index_cast %add3A_1978 : i32 to index
        %get3A_1982 = tpu.vector_load %arg8[%get3A_1981] {strides = array<i32>} : memref<16384xi32, #tpu.memory_space<vmem>>, vector<16xi32>,
        %neg3A_1983 = arith.constant 0.000000e+00 : f32
        %neg3A_1984 = vector.broadcast %neg3A_1983 : f32 to vector<16xf32>
        %neg3A_1985 = arith.subf %neg3A_1984, %get3A_1980 : vector<16xf32>
        %exp3A_1986 = math.exp %neg3A_1985 : vector<16xf32>
        %add3A_1987 = arith.constant 1.000000e+00 : f32
        %add3A_1988 = vector.broadcast %add3A_1987 : f32 to vector<16xf32>
        %add3A_1989 = arith.addf %add3A_1988, %exp3A_1986 : vector<16xf32>
        %div3A_1990 = arith.constant 1.000000e+00 : f32
        %div3A_1991 = vector.broadcast %div3A_1990 : f32 to vector<16xf32>
        %div3A_1992 = arith.divf %div3A_1991, %add3A_1989 : vector<16xf32>
        %mul3A_1993 = arith.constant 1.500000e+01 : f32
        %mul3A_1994 = vector.broadcast %mul3A_1993 : f32 to vector<16xf32>
        %mul3A_1995 = arith.mulf %div3A_1992, %mul3A_1994 : vector<16xf32>
        %convert_element_type3A_1996 = arith.fptosi %mul3A_1995 : vector<16xf32> to vector<16xi32>
        %min3A_1997 = arith.constant 14 : i32
        %min3A_1998 = vector.broadcast %min3A_1997 : i32 to vector<16xi32>
        %min3A_1999 = arith.minsi %convert_element_type3A_1996, %min3A_1998 : vector<16xi32>
        %gt3A_2000 = arith.constant 0.000000e+00 : f32
        %gt3A_2001 = vector.broadcast %gt3A_2000 : f32 to vector<16xf32>
        %gt3A_2002 = arith.cmpf ogt, %div3A_1992, %gt3A_2001 : vector<16xf32>
        %jit3A_2003 = arith.constant 15 : i32
        %broadcast_in_dim3A_2004 = vector.broadcast %jit3A_2003 : i32 to vector<16xi32>
        %select_n3A_2005 = arith.select %gt3A_2002, %min3A_1999, %broadcast_in_dim3A_2004 : vector<16xi1>, vector<16xi32>
        %mul3A_2006 = arith.constant 16 : i32
        %mul3A_2007 = vector.broadcast %mul3A_2006 : i32 to vector<16xi32>
        %mul3A_2008 = arith.muli %select_n3A_2005, %mul3A_2007 : vector<16xi32>
        %add3A_2009 = arith.addi %mul3A_2008, %add3A_14 : vector<16xi32>
        %convert_element_type3A_2010 = arith.sitofp %get3A_1982 : vector<16xi32> to vector<16xf32>
        %sub3A_2011 = arith.subf %div3A_1992, %convert_element_type3A_2010 : vector<16xf32>
        tpu.vector_store_idx %arg9[%add3A_2009], %sub3A_2011 {add = true} : memref<4096xf32, #tpu.memory_space<vmem>>[vector<16xi32>], vector<16xf32>,
        %mul3A_2012 = arith.constant 256 : i32
        %mul3A_2013 = arith.muli %scan3A_1871, %mul3A_2012 : i32
        %add3A_2014 = arith.constant 64 : i32
        %add3A_2015 = arith.addi %mul3A_2013, %add3A_2014 : i32
        %get3A_2016 = arith.index_cast %add3A_2015 : i32 to index
        %get3A_2017 = tpu.vector_load %arg6[%get3A_2016] {strides = array<i32>} : memref<16384xf32, #tpu.memory_space<vmem>>, vector<16xf32>,
        %get3A_2018 = arith.index_cast %add3A_2015 : i32 to index
        %get3A_2019 = tpu.vector_load %arg8[%get3A_2018] {strides = array<i32>} : memref<16384xi32, #tpu.memory_space<vmem>>, vector<16xi32>,
        %neg3A_2020 = arith.constant 0.000000e+00 : f32
        %neg3A_2021 = vector.broadcast %neg3A_2020 : f32 to vector<16xf32>
        %neg3A_2022 = arith.subf %neg3A_2021, %get3A_2017 : vector<16xf32>
        %exp3A_2023 = math.exp %neg3A_2022 : vector<16xf32>
        %add3A_2024 = arith.constant 1.000000e+00 : f32
        %add3A_2025 = vector.broadcast %add3A_2024 : f32 to vector<16xf32>
        %add3A_2026 = arith.addf %add3A_2025, %exp3A_2023 : vector<16xf32>
        %div3A_2027 = arith.constant 1.000000e+00 : f32
        %div3A_2028 = vector.broadcast %div3A_2027 : f32 to vector<16xf32>
        %div3A_2029 = arith.divf %div3A_2028, %add3A_2026 : vector<16xf32>
        %mul3A_2030 = arith.constant 1.500000e+01 : f32
        %mul3A_2031 = vector.broadcast %mul3A_2030 : f32 to vector<16xf32>
        %mul3A_2032 = arith.mulf %div3A_2029, %mul3A_2031 : vector<16xf32>
        %convert_element_type3A_2033 = arith.fptosi %mul3A_2032 : vector<16xf32> to vector<16xi32>
        %min3A_2034 = arith.constant 14 : i32
        %min3A_2035 = vector.broadcast %min3A_2034 : i32 to vector<16xi32>
        %min3A_2036 = arith.minsi %convert_element_type3A_2033, %min3A_2035 : vector<16xi32>
        %gt3A_2037 = arith.constant 0.000000e+00 : f32
        %gt3A_2038 = vector.broadcast %gt3A_2037 : f32 to vector<16xf32>
        %gt3A_2039 = arith.cmpf ogt, %div3A_2029, %gt3A_2038 : vector<16xf32>
        %jit3A_2040 = arith.constant 15 : i32
        %broadcast_in_dim3A_2041 = vector.broadcast %jit3A_2040 : i32 to vector<16xi32>
        %select_n3A_2042 = arith.select %gt3A_2039, %min3A_2036, %broadcast_in_dim3A_2041 : vector<16xi1>, vector<16xi32>
        %mul3A_2043 = arith.constant 16 : i32
        %mul3A_2044 = vector.broadcast %mul3A_2043 : i32 to vector<16xi32>
        %mul3A_2045 = arith.muli %select_n3A_2042, %mul3A_2044 : vector<16xi32>
        %add3A_2046 = arith.addi %mul3A_2045, %add3A_17 : vector<16xi32>
        %convert_element_type3A_2047 = arith.sitofp %get3A_2019 : vector<16xi32> to vector<16xf32>
        %sub3A_2048 = arith.subf %div3A_2029, %convert_element_type3A_2047 : vector<16xf32>
        tpu.vector_store_idx %arg9[%add3A_2046], %sub3A_2048 {add = true} : memref<4096xf32, #tpu.memory_space<vmem>>[vector<16xi32>], vector<16xf32>,
        %mul3A_2049 = arith.constant 256 : i32
        %mul3A_2050 = arith.muli %scan3A_1871, %mul3A_2049 : i32
        %add3A_2051 = arith.constant 80 : i32
        %add3A_2052 = arith.addi %mul3A_2050, %add3A_2051 : i32
        %get3A_2053 = arith.index_cast %add3A_2052 : i32 to index
        %get3A_2054 = tpu.vector_load %arg6[%get3A_2053] {strides = array<i32>} : memref<16384xf32, #tpu.memory_space<vmem>>, vector<16xf32>,
        %get3A_2055 = arith.index_cast %add3A_2052 : i32 to index
        %get3A_2056 = tpu.vector_load %arg8[%get3A_2055] {strides = array<i32>} : memref<16384xi32, #tpu.memory_space<vmem>>, vector<16xi32>,
        %neg3A_2057 = arith.constant 0.000000e+00 : f32
        %neg3A_2058 = vector.broadcast %neg3A_2057 : f32 to vector<16xf32>
        %neg3A_2059 = arith.subf %neg3A_2058, %get3A_2054 : vector<16xf32>
        %exp3A_2060 = math.exp %neg3A_2059 : vector<16xf32>
        %add3A_2061 = arith.constant 1.000000e+00 : f32
        %add3A_2062 = vector.broadcast %add3A_2061 : f32 to vector<16xf32>
        %add3A_2063 = arith.addf %add3A_2062, %exp3A_2060 : vector<16xf32>
        %div3A_2064 = arith.constant 1.000000e+00 : f32
        %div3A_2065 = vector.broadcast %div3A_2064 : f32 to vector<16xf32>
        %div3A_2066 = arith.divf %div3A_2065, %add3A_2063 : vector<16xf32>
        %mul3A_2067 = arith.constant 1.500000e+01 : f32
        %mul3A_2068 = vector.broadcast %mul3A_2067 : f32 to vector<16xf32>
        %mul3A_2069 = arith.mulf %div3A_2066, %mul3A_2068 : vector<16xf32>
        %convert_element_type3A_2070 = arith.fptosi %mul3A_2069 : vector<16xf32> to vector<16xi32>
        %min3A_2071 = arith.constant 14 : i32
        %min3A_2072 = vector.broadcast %min3A_2071 : i32 to vector<16xi32>
        %min3A_2073 = arith.minsi %convert_element_type3A_2070, %min3A_2072 : vector<16xi32>
        %gt3A_2074 = arith.constant 0.000000e+00 : f32
        %gt3A_2075 = vector.broadcast %gt3A_2074 : f32 to vector<16xf32>
        %gt3A_2076 = arith.cmpf ogt, %div3A_2066, %gt3A_2075 : vector<16xf32>
        %jit3A_2077 = arith.constant 15 : i32
        %broadcast_in_dim3A_2078 = vector.broadcast %jit3A_2077 : i32 to vector<16xi32>
        %select_n3A_2079 = arith.select %gt3A_2076, %min3A_2073, %broadcast_in_dim3A_2078 : vector<16xi1>, vector<16xi32>
        %mul3A_2080 = arith.constant 16 : i32
        %mul3A_2081 = vector.broadcast %mul3A_2080 : i32 to vector<16xi32>
        %mul3A_2082 = arith.muli %select_n3A_2079, %mul3A_2081 : vector<16xi32>
        %add3A_2083 = arith.addi %mul3A_2082, %add3A_20 : vector<16xi32>
        %convert_element_type3A_2084 = arith.sitofp %get3A_2056 : vector<16xi32> to vector<16xf32>
        %sub3A_2085 = arith.subf %div3A_2066, %convert_element_type3A_2084 : vector<16xf32>
        tpu.vector_store_idx %arg9[%add3A_2083], %sub3A_2085 {add = true} : memref<4096xf32, #tpu.memory_space<vmem>>[vector<16xi32>], vector<16xf32>,
        %mul3A_2086 = arith.constant 256 : i32
        %mul3A_2087 = arith.muli %scan3A_1871, %mul3A_2086 : i32
        %add3A_2088 = arith.constant 96 : i32
        %add3A_2089 = arith.addi %mul3A_2087, %add3A_2088 : i32
        %get3A_2090 = arith.index_cast %add3A_2089 : i32 to index
        %get3A_2091 = tpu.vector_load %arg6[%get3A_2090] {strides = array<i32>} : memref<16384xf32, #tpu.memory_space<vmem>>, vector<16xf32>,
        %get3A_2092 = arith.index_cast %add3A_2089 : i32 to index
        %get3A_2093 = tpu.vector_load %arg8[%get3A_2092] {strides = array<i32>} : memref<16384xi32, #tpu.memory_space<vmem>>, vector<16xi32>,
        %neg3A_2094 = arith.constant 0.000000e+00 : f32
        %neg3A_2095 = vector.broadcast %neg3A_2094 : f32 to vector<16xf32>
        %neg3A_2096 = arith.subf %neg3A_2095, %get3A_2091 : vector<16xf32>
        %exp3A_2097 = math.exp %neg3A_2096 : vector<16xf32>
        %add3A_2098 = arith.constant 1.000000e+00 : f32
        %add3A_2099 = vector.broadcast %add3A_2098 : f32 to vector<16xf32>
        %add3A_2100 = arith.addf %add3A_2099, %exp3A_2097 : vector<16xf32>
        %div3A_2101 = arith.constant 1.000000e+00 : f32
        %div3A_2102 = vector.broadcast %div3A_2101 : f32 to vector<16xf32>
        %div3A_2103 = arith.divf %div3A_2102, %add3A_2100 : vector<16xf32>
        %mul3A_2104 = arith.constant 1.500000e+01 : f32
        %mul3A_2105 = vector.broadcast %mul3A_2104 : f32 to vector<16xf32>
        %mul3A_2106 = arith.mulf %div3A_2103, %mul3A_2105 : vector<16xf32>
        %convert_element_type3A_2107 = arith.fptosi %mul3A_2106 : vector<16xf32> to vector<16xi32>
        %min3A_2108 = arith.constant 14 : i32
        %min3A_2109 = vector.broadcast %min3A_2108 : i32 to vector<16xi32>
        %min3A_2110 = arith.minsi %convert_element_type3A_2107, %min3A_2109 : vector<16xi32>
        %gt3A_2111 = arith.constant 0.000000e+00 : f32
        %gt3A_2112 = vector.broadcast %gt3A_2111 : f32 to vector<16xf32>
        %gt3A_2113 = arith.cmpf ogt, %div3A_2103, %gt3A_2112 : vector<16xf32>
        %jit3A_2114 = arith.constant 15 : i32
        %broadcast_in_dim3A_2115 = vector.broadcast %jit3A_2114 : i32 to vector<16xi32>
        %select_n3A_2116 = arith.select %gt3A_2113, %min3A_2110, %broadcast_in_dim3A_2115 : vector<16xi1>, vector<16xi32>
        %mul3A_2117 = arith.constant 16 : i32
        %mul3A_2118 = vector.broadcast %mul3A_2117 : i32 to vector<16xi32>
        %mul3A_2119 = arith.muli %select_n3A_2116, %mul3A_2118 : vector<16xi32>
        %add3A_2120 = arith.addi %mul3A_2119, %add3A_23 : vector<16xi32>
        %convert_element_type3A_2121 = arith.sitofp %get3A_2093 : vector<16xi32> to vector<16xf32>
        %sub3A_2122 = arith.subf %div3A_2103, %convert_element_type3A_2121 : vector<16xf32>
        tpu.vector_store_idx %arg9[%add3A_2120], %sub3A_2122 {add = true} : memref<4096xf32, #tpu.memory_space<vmem>>[vector<16xi32>], vector<16xf32>,
        %mul3A_2123 = arith.constant 256 : i32
        %mul3A_2124 = arith.muli %scan3A_1871, %mul3A_2123 : i32
        %add3A_2125 = arith.constant 112 : i32
        %add3A_2126 = arith.addi %mul3A_2124, %add3A_2125 : i32
        %get3A_2127 = arith.index_cast %add3A_2126 : i32 to index
        %get3A_2128 = tpu.vector_load %arg6[%get3A_2127] {strides = array<i32>} : memref<16384xf32, #tpu.memory_space<vmem>>, vector<16xf32>,
        %get3A_2129 = arith.index_cast %add3A_2126 : i32 to index
        %get3A_2130 = tpu.vector_load %arg8[%get3A_2129] {strides = array<i32>} : memref<16384xi32, #tpu.memory_space<vmem>>, vector<16xi32>,
        %neg3A_2131 = arith.constant 0.000000e+00 : f32
        %neg3A_2132 = vector.broadcast %neg3A_2131 : f32 to vector<16xf32>
        %neg3A_2133 = arith.subf %neg3A_2132, %get3A_2128 : vector<16xf32>
        %exp3A_2134 = math.exp %neg3A_2133 : vector<16xf32>
        %add3A_2135 = arith.constant 1.000000e+00 : f32
        %add3A_2136 = vector.broadcast %add3A_2135 : f32 to vector<16xf32>
        %add3A_2137 = arith.addf %add3A_2136, %exp3A_2134 : vector<16xf32>
        %div3A_2138 = arith.constant 1.000000e+00 : f32
        %div3A_2139 = vector.broadcast %div3A_2138 : f32 to vector<16xf32>
        %div3A_2140 = arith.divf %div3A_2139, %add3A_2137 : vector<16xf32>
        %mul3A_2141 = arith.constant 1.500000e+01 : f32
        %mul3A_2142 = vector.broadcast %mul3A_2141 : f32 to vector<16xf32>
        %mul3A_2143 = arith.mulf %div3A_2140, %mul3A_2142 : vector<16xf32>
        %convert_element_type3A_2144 = arith.fptosi %mul3A_2143 : vector<16xf32> to vector<16xi32>
        %min3A_2145 = arith.constant 14 : i32
        %min3A_2146 = vector.broadcast %min3A_2145 : i32 to vector<16xi32>
        %min3A_2147 = arith.minsi %convert_element_type3A_2144, %min3A_2146 : vector<16xi32>
        %gt3A_2148 = arith.constant 0.000000e+00 : f32
        %gt3A_2149 = vector.broadcast %gt3A_2148 : f32 to vector<16xf32>
        %gt3A_2150 = arith.cmpf ogt, %div3A_2140, %gt3A_2149 : vector<16xf32>
        %jit3A_2151 = arith.constant 15 : i32
        %broadcast_in_dim3A_2152 = vector.broadcast %jit3A_2151 : i32 to vector<16xi32>
        %select_n3A_2153 = arith.select %gt3A_2150, %min3A_2147, %broadcast_in_dim3A_2152 : vector<16xi1>, vector<16xi32>
        %mul3A_2154 = arith.constant 16 : i32
        %mul3A_2155 = vector.broadcast %mul3A_2154 : i32 to vector<16xi32>
        %mul3A_2156 = arith.muli %select_n3A_2153, %mul3A_2155 : vector<16xi32>
        %add3A_2157 = arith.addi %mul3A_2156, %add3A_26 : vector<16xi32>
        %convert_element_type3A_2158 = arith.sitofp %get3A_2130 : vector<16xi32> to vector<16xf32>
        %sub3A_2159 = arith.subf %div3A_2140, %convert_element_type3A_2158 : vector<16xf32>
        tpu.vector_store_idx %arg9[%add3A_2157], %sub3A_2159 {add = true} : memref<4096xf32, #tpu.memory_space<vmem>>[vector<16xi32>], vector<16xf32>,
        %mul3A_2160 = arith.constant 256 : i32
        %mul3A_2161 = arith.muli %scan3A_1871, %mul3A_2160 : i32
        %add3A_2162 = arith.constant 128 : i32
        %add3A_2163 = arith.addi %mul3A_2161, %add3A_2162 : i32
        %get3A_2164 = arith.index_cast %add3A_2163 : i32 to index
        %get3A_2165 = tpu.vector_load %arg6[%get3A_2164] {strides = array<i32>} : memref<16384xf32, #tpu.memory_space<vmem>>, vector<16xf32>,
        %get3A_2166 = arith.index_cast %add3A_2163 : i32 to index
        %get3A_2167 = tpu.vector_load %arg8[%get3A_2166] {strides = array<i32>} : memref<16384xi32, #tpu.memory_space<vmem>>, vector<16xi32>,
        %neg3A_2168 = arith.constant 0.000000e+00 : f32
        %neg3A_2169 = vector.broadcast %neg3A_2168 : f32 to vector<16xf32>
        %neg3A_2170 = arith.subf %neg3A_2169, %get3A_2165 : vector<16xf32>
        %exp3A_2171 = math.exp %neg3A_2170 : vector<16xf32>
        %add3A_2172 = arith.constant 1.000000e+00 : f32
        %add3A_2173 = vector.broadcast %add3A_2172 : f32 to vector<16xf32>
        %add3A_2174 = arith.addf %add3A_2173, %exp3A_2171 : vector<16xf32>
        %div3A_2175 = arith.constant 1.000000e+00 : f32
        %div3A_2176 = vector.broadcast %div3A_2175 : f32 to vector<16xf32>
        %div3A_2177 = arith.divf %div3A_2176, %add3A_2174 : vector<16xf32>
        %mul3A_2178 = arith.constant 1.500000e+01 : f32
        %mul3A_2179 = vector.broadcast %mul3A_2178 : f32 to vector<16xf32>
        %mul3A_2180 = arith.mulf %div3A_2177, %mul3A_2179 : vector<16xf32>
        %convert_element_type3A_2181 = arith.fptosi %mul3A_2180 : vector<16xf32> to vector<16xi32>
        %min3A_2182 = arith.constant 14 : i32
        %min3A_2183 = vector.broadcast %min3A_2182 : i32 to vector<16xi32>
        %min3A_2184 = arith.minsi %convert_element_type3A_2181, %min3A_2183 : vector<16xi32>
        %gt3A_2185 = arith.constant 0.000000e+00 : f32
        %gt3A_2186 = vector.broadcast %gt3A_2185 : f32 to vector<16xf32>
        %gt3A_2187 = arith.cmpf ogt, %div3A_2177, %gt3A_2186 : vector<16xf32>
        %jit3A_2188 = arith.constant 15 : i32
        %broadcast_in_dim3A_2189 = vector.broadcast %jit3A_2188 : i32 to vector<16xi32>
        %select_n3A_2190 = arith.select %gt3A_2187, %min3A_2184, %broadcast_in_dim3A_2189 : vector<16xi1>, vector<16xi32>
        %mul3A_2191 = arith.constant 16 : i32
        %mul3A_2192 = vector.broadcast %mul3A_2191 : i32 to vector<16xi32>
        %mul3A_2193 = arith.muli %select_n3A_2190, %mul3A_2192 : vector<16xi32>
        %add3A_2194 = arith.addi %mul3A_2193, %add3A_29 : vector<16xi32>
        %convert_element_type3A_2195 = arith.sitofp %get3A_2167 : vector<16xi32> to vector<16xf32>
        %sub3A_2196 = arith.subf %div3A_2177, %convert_element_type3A_2195 : vector<16xf32>
        tpu.vector_store_idx %arg9[%add3A_2194], %sub3A_2196 {add = true} : memref<4096xf32, #tpu.memory_space<vmem>>[vector<16xi32>], vector<16xf32>,
        %mul3A_2197 = arith.constant 256 : i32
        %mul3A_2198 = arith.muli %scan3A_1871, %mul3A_2197 : i32
        %add3A_2199 = arith.constant 144 : i32
        %add3A_2200 = arith.addi %mul3A_2198, %add3A_2199 : i32
        %get3A_2201 = arith.index_cast %add3A_2200 : i32 to index
        %get3A_2202 = tpu.vector_load %arg6[%get3A_2201] {strides = array<i32>} : memref<16384xf32, #tpu.memory_space<vmem>>, vector<16xf32>,
        %get3A_2203 = arith.index_cast %add3A_2200 : i32 to index
        %get3A_2204 = tpu.vector_load %arg8[%get3A_2203] {strides = array<i32>} : memref<16384xi32, #tpu.memory_space<vmem>>, vector<16xi32>,
        %neg3A_2205 = arith.constant 0.000000e+00 : f32
        %neg3A_2206 = vector.broadcast %neg3A_2205 : f32 to vector<16xf32>
        %neg3A_2207 = arith.subf %neg3A_2206, %get3A_2202 : vector<16xf32>
        %exp3A_2208 = math.exp %neg3A_2207 : vector<16xf32>
        %add3A_2209 = arith.constant 1.000000e+00 : f32
        %add3A_2210 = vector.broadcast %add3A_2209 : f32 to vector<16xf32>
        %add3A_2211 = arith.addf %add3A_2210, %exp3A_2208 : vector<16xf32>
        %div3A_2212 = arith.constant 1.000000e+00 : f32
        %div3A_2213 = vector.broadcast %div3A_2212 : f32 to vector<16xf32>
        %div3A_2214 = arith.divf %div3A_2213, %add3A_2211 : vector<16xf32>
        %mul3A_2215 = arith.constant 1.500000e+01 : f32
        %mul3A_2216 = vector.broadcast %mul3A_2215 : f32 to vector<16xf32>
        %mul3A_2217 = arith.mulf %div3A_2214, %mul3A_2216 : vector<16xf32>
        %convert_element_type3A_2218 = arith.fptosi %mul3A_2217 : vector<16xf32> to vector<16xi32>
        %min3A_2219 = arith.constant 14 : i32
        %min3A_2220 = vector.broadcast %min3A_2219 : i32 to vector<16xi32>
        %min3A_2221 = arith.minsi %convert_element_type3A_2218, %min3A_2220 : vector<16xi32>
        %gt3A_2222 = arith.constant 0.000000e+00 : f32
        %gt3A_2223 = vector.broadcast %gt3A_2222 : f32 to vector<16xf32>
        %gt3A_2224 = arith.cmpf ogt, %div3A_2214, %gt3A_2223 : vector<16xf32>
        %jit3A_2225 = arith.constant 15 : i32
        %broadcast_in_dim3A_2226 = vector.broadcast %jit3A_2225 : i32 to vector<16xi32>
        %select_n3A_2227 = arith.select %gt3A_2224, %min3A_2221, %broadcast_in_dim3A_2226 : vector<16xi1>, vector<16xi32>
        %mul3A_2228 = arith.constant 16 : i32
        %mul3A_2229 = vector.broadcast %mul3A_2228 : i32 to vector<16xi32>
        %mul3A_2230 = arith.muli %select_n3A_2227, %mul3A_2229 : vector<16xi32>
        %add3A_2231 = arith.addi %mul3A_2230, %add3A_32 : vector<16xi32>
        %convert_element_type3A_2232 = arith.sitofp %get3A_2204 : vector<16xi32> to vector<16xf32>
        %sub3A_2233 = arith.subf %div3A_2214, %convert_element_type3A_2232 : vector<16xf32>
        tpu.vector_store_idx %arg9[%add3A_2231], %sub3A_2233 {add = true} : memref<4096xf32, #tpu.memory_space<vmem>>[vector<16xi32>], vector<16xf32>,
        %mul3A_2234 = arith.constant 256 : i32
        %mul3A_2235 = arith.muli %scan3A_1871, %mul3A_2234 : i32
        %add3A_2236 = arith.constant 160 : i32
        %add3A_2237 = arith.addi %mul3A_2235, %add3A_2236 : i32
        %get3A_2238 = arith.index_cast %add3A_2237 : i32 to index
        %get3A_2239 = tpu.vector_load %arg6[%get3A_2238] {strides = array<i32>} : memref<16384xf32, #tpu.memory_space<vmem>>, vector<16xf32>,
        %get3A_2240 = arith.index_cast %add3A_2237 : i32 to index
        %get3A_2241 = tpu.vector_load %arg8[%get3A_2240] {strides = array<i32>} : memref<16384xi32, #tpu.memory_space<vmem>>, vector<16xi32>,
        %neg3A_2242 = arith.constant 0.000000e+00 : f32
        %neg3A_2243 = vector.broadcast %neg3A_2242 : f32 to vector<16xf32>
        %neg3A_2244 = arith.subf %neg3A_2243, %get3A_2239 : vector<16xf32>
        %exp3A_2245 = math.exp %neg3A_2244 : vector<16xf32>
        %add3A_2246 = arith.constant 1.000000e+00 : f32
        %add3A_2247 = vector.broadcast %add3A_2246 : f32 to vector<16xf32>
        %add3A_2248 = arith.addf %add3A_2247, %exp3A_2245 : vector<16xf32>
        %div3A_2249 = arith.constant 1.000000e+00 : f32
        %div3A_2250 = vector.broadcast %div3A_2249 : f32 to vector<16xf32>
        %div3A_2251 = arith.divf %div3A_2250, %add3A_2248 : vector<16xf32>
        %mul3A_2252 = arith.constant 1.500000e+01 : f32
        %mul3A_2253 = vector.broadcast %mul3A_2252 : f32 to vector<16xf32>
        %mul3A_2254 = arith.mulf %div3A_2251, %mul3A_2253 : vector<16xf32>
        %convert_element_type3A_2255 = arith.fptosi %mul3A_2254 : vector<16xf32> to vector<16xi32>
        %min3A_2256 = arith.constant 14 : i32
        %min3A_2257 = vector.broadcast %min3A_2256 : i32 to vector<16xi32>
        %min3A_2258 = arith.minsi %convert_element_type3A_2255, %min3A_2257 : vector<16xi32>
        %gt3A_2259 = arith.constant 0.000000e+00 : f32
        %gt3A_2260 = vector.broadcast %gt3A_2259 : f32 to vector<16xf32>
        %gt3A_2261 = arith.cmpf ogt, %div3A_2251, %gt3A_2260 : vector<16xf32>
        %jit3A_2262 = arith.constant 15 : i32
        %broadcast_in_dim3A_2263 = vector.broadcast %jit3A_2262 : i32 to vector<16xi32>
        %select_n3A_2264 = arith.select %gt3A_2261, %min3A_2258, %broadcast_in_dim3A_2263 : vector<16xi1>, vector<16xi32>
        %mul3A_2265 = arith.constant 16 : i32
        %mul3A_2266 = vector.broadcast %mul3A_2265 : i32 to vector<16xi32>
        %mul3A_2267 = arith.muli %select_n3A_2264, %mul3A_2266 : vector<16xi32>
        %add3A_2268 = arith.addi %mul3A_2267, %add3A_35 : vector<16xi32>
        %convert_element_type3A_2269 = arith.sitofp %get3A_2241 : vector<16xi32> to vector<16xf32>
        %sub3A_2270 = arith.subf %div3A_2251, %convert_element_type3A_2269 : vector<16xf32>
        tpu.vector_store_idx %arg9[%add3A_2268], %sub3A_2270 {add = true} : memref<4096xf32, #tpu.memory_space<vmem>>[vector<16xi32>], vector<16xf32>,
        %mul3A_2271 = arith.constant 256 : i32
        %mul3A_2272 = arith.muli %scan3A_1871, %mul3A_2271 : i32
        %add3A_2273 = arith.constant 176 : i32
        %add3A_2274 = arith.addi %mul3A_2272, %add3A_2273 : i32
        %get3A_2275 = arith.index_cast %add3A_2274 : i32 to index
        %get3A_2276 = tpu.vector_load %arg6[%get3A_2275] {strides = array<i32>} : memref<16384xf32, #tpu.memory_space<vmem>>, vector<16xf32>,
        %get3A_2277 = arith.index_cast %add3A_2274 : i32 to index
        %get3A_2278 = tpu.vector_load %arg8[%get3A_2277] {strides = array<i32>} : memref<16384xi32, #tpu.memory_space<vmem>>, vector<16xi32>,
        %neg3A_2279 = arith.constant 0.000000e+00 : f32
        %neg3A_2280 = vector.broadcast %neg3A_2279 : f32 to vector<16xf32>
        %neg3A_2281 = arith.subf %neg3A_2280, %get3A_2276 : vector<16xf32>
        %exp3A_2282 = math.exp %neg3A_2281 : vector<16xf32>
        %add3A_2283 = arith.constant 1.000000e+00 : f32
        %add3A_2284 = vector.broadcast %add3A_2283 : f32 to vector<16xf32>
        %add3A_2285 = arith.addf %add3A_2284, %exp3A_2282 : vector<16xf32>
        %div3A_2286 = arith.constant 1.000000e+00 : f32
        %div3A_2287 = vector.broadcast %div3A_2286 : f32 to vector<16xf32>
        %div3A_2288 = arith.divf %div3A_2287, %add3A_2285 : vector<16xf32>
        %mul3A_2289 = arith.constant 1.500000e+01 : f32
        %mul3A_2290 = vector.broadcast %mul3A_2289 : f32 to vector<16xf32>
        %mul3A_2291 = arith.mulf %div3A_2288, %mul3A_2290 : vector<16xf32>
        %convert_element_type3A_2292 = arith.fptosi %mul3A_2291 : vector<16xf32> to vector<16xi32>
        %min3A_2293 = arith.constant 14 : i32
        %min3A_2294 = vector.broadcast %min3A_2293 : i32 to vector<16xi32>
        %min3A_2295 = arith.minsi %convert_element_type3A_2292, %min3A_2294 : vector<16xi32>
        %gt3A_2296 = arith.constant 0.000000e+00 : f32
        %gt3A_2297 = vector.broadcast %gt3A_2296 : f32 to vector<16xf32>
        %gt3A_2298 = arith.cmpf ogt, %div3A_2288, %gt3A_2297 : vector<16xf32>
        %jit3A_2299 = arith.constant 15 : i32
        %broadcast_in_dim3A_2300 = vector.broadcast %jit3A_2299 : i32 to vector<16xi32>
        %select_n3A_2301 = arith.select %gt3A_2298, %min3A_2295, %broadcast_in_dim3A_2300 : vector<16xi1>, vector<16xi32>
        %mul3A_2302 = arith.constant 16 : i32
        %mul3A_2303 = vector.broadcast %mul3A_2302 : i32 to vector<16xi32>
        %mul3A_2304 = arith.muli %select_n3A_2301, %mul3A_2303 : vector<16xi32>
        %add3A_2305 = arith.addi %mul3A_2304, %add3A_38 : vector<16xi32>
        %convert_element_type3A_2306 = arith.sitofp %get3A_2278 : vector<16xi32> to vector<16xf32>
        %sub3A_2307 = arith.subf %div3A_2288, %convert_element_type3A_2306 : vector<16xf32>
        tpu.vector_store_idx %arg9[%add3A_2305], %sub3A_2307 {add = true} : memref<4096xf32, #tpu.memory_space<vmem>>[vector<16xi32>], vector<16xf32>,
        %mul3A_2308 = arith.constant 256 : i32
        %mul3A_2309 = arith.muli %scan3A_1871, %mul3A_2308 : i32
        %add3A_2310 = arith.constant 192 : i32
        %add3A_2311 = arith.addi %mul3A_2309, %add3A_2310 : i32
        %get3A_2312 = arith.index_cast %add3A_2311 : i32 to index
        %get3A_2313 = tpu.vector_load %arg6[%get3A_2312] {strides = array<i32>} : memref<16384xf32, #tpu.memory_space<vmem>>, vector<16xf32>,
        %get3A_2314 = arith.index_cast %add3A_2311 : i32 to index
        %get3A_2315 = tpu.vector_load %arg8[%get3A_2314] {strides = array<i32>} : memref<16384xi32, #tpu.memory_space<vmem>>, vector<16xi32>,
        %neg3A_2316 = arith.constant 0.000000e+00 : f32
        %neg3A_2317 = vector.broadcast %neg3A_2316 : f32 to vector<16xf32>
        %neg3A_2318 = arith.subf %neg3A_2317, %get3A_2313 : vector<16xf32>
        %exp3A_2319 = math.exp %neg3A_2318 : vector<16xf32>
        %add3A_2320 = arith.constant 1.000000e+00 : f32
        %add3A_2321 = vector.broadcast %add3A_2320 : f32 to vector<16xf32>
        %add3A_2322 = arith.addf %add3A_2321, %exp3A_2319 : vector<16xf32>
        %div3A_2323 = arith.constant 1.000000e+00 : f32
        %div3A_2324 = vector.broadcast %div3A_2323 : f32 to vector<16xf32>
        %div3A_2325 = arith.divf %div3A_2324, %add3A_2322 : vector<16xf32>
        %mul3A_2326 = arith.constant 1.500000e+01 : f32
        %mul3A_2327 = vector.broadcast %mul3A_2326 : f32 to vector<16xf32>
        %mul3A_2328 = arith.mulf %div3A_2325, %mul3A_2327 : vector<16xf32>
        %convert_element_type3A_2329 = arith.fptosi %mul3A_2328 : vector<16xf32> to vector<16xi32>
        %min3A_2330 = arith.constant 14 : i32
        %min3A_2331 = vector.broadcast %min3A_2330 : i32 to vector<16xi32>
        %min3A_2332 = arith.minsi %convert_element_type3A_2329, %min3A_2331 : vector<16xi32>
        %gt3A_2333 = arith.constant 0.000000e+00 : f32
        %gt3A_2334 = vector.broadcast %gt3A_2333 : f32 to vector<16xf32>
        %gt3A_2335 = arith.cmpf ogt, %div3A_2325, %gt3A_2334 : vector<16xf32>
        %jit3A_2336 = arith.constant 15 : i32
        %broadcast_in_dim3A_2337 = vector.broadcast %jit3A_2336 : i32 to vector<16xi32>
        %select_n3A_2338 = arith.select %gt3A_2335, %min3A_2332, %broadcast_in_dim3A_2337 : vector<16xi1>, vector<16xi32>
        %mul3A_2339 = arith.constant 16 : i32
        %mul3A_2340 = vector.broadcast %mul3A_2339 : i32 to vector<16xi32>
        %mul3A_2341 = arith.muli %select_n3A_2338, %mul3A_2340 : vector<16xi32>
        %add3A_2342 = arith.addi %mul3A_2341, %add3A_41 : vector<16xi32>
        %convert_element_type3A_2343 = arith.sitofp %get3A_2315 : vector<16xi32> to vector<16xf32>
        %sub3A_2344 = arith.subf %div3A_2325, %convert_element_type3A_2343 : vector<16xf32>
        tpu.vector_store_idx %arg9[%add3A_2342], %sub3A_2344 {add = true} : memref<4096xf32, #tpu.memory_space<vmem>>[vector<16xi32>], vector<16xf32>,
        %mul3A_2345 = arith.constant 256 : i32
        %mul3A_2346 = arith.muli %scan3A_1871, %mul3A_2345 : i32
        %add3A_2347 = arith.constant 208 : i32
        %add3A_2348 = arith.addi %mul3A_2346, %add3A_2347 : i32
        %get3A_2349 = arith.index_cast %add3A_2348 : i32 to index
        %get3A_2350 = tpu.vector_load %arg6[%get3A_2349] {strides = array<i32>} : memref<16384xf32, #tpu.memory_space<vmem>>, vector<16xf32>,
        %get3A_2351 = arith.index_cast %add3A_2348 : i32 to index
        %get3A_2352 = tpu.vector_load %arg8[%get3A_2351] {strides = array<i32>} : memref<16384xi32, #tpu.memory_space<vmem>>, vector<16xi32>,
        %neg3A_2353 = arith.constant 0.000000e+00 : f32
        %neg3A_2354 = vector.broadcast %neg3A_2353 : f32 to vector<16xf32>
        %neg3A_2355 = arith.subf %neg3A_2354, %get3A_2350 : vector<16xf32>
        %exp3A_2356 = math.exp %neg3A_2355 : vector<16xf32>
        %add3A_2357 = arith.constant 1.000000e+00 : f32
        %add3A_2358 = vector.broadcast %add3A_2357 : f32 to vector<16xf32>
        %add3A_2359 = arith.addf %add3A_2358, %exp3A_2356 : vector<16xf32>
        %div3A_2360 = arith.constant 1.000000e+00 : f32
        %div3A_2361 = vector.broadcast %div3A_2360 : f32 to vector<16xf32>
        %div3A_2362 = arith.divf %div3A_2361, %add3A_2359 : vector<16xf32>
        %mul3A_2363 = arith.constant 1.500000e+01 : f32
        %mul3A_2364 = vector.broadcast %mul3A_2363 : f32 to vector<16xf32>
        %mul3A_2365 = arith.mulf %div3A_2362, %mul3A_2364 : vector<16xf32>
        %convert_element_type3A_2366 = arith.fptosi %mul3A_2365 : vector<16xf32> to vector<16xi32>
        %min3A_2367 = arith.constant 14 : i32
        %min3A_2368 = vector.broadcast %min3A_2367 : i32 to vector<16xi32>
        %min3A_2369 = arith.minsi %convert_element_type3A_2366, %min3A_2368 : vector<16xi32>
        %gt3A_2370 = arith.constant 0.000000e+00 : f32
        %gt3A_2371 = vector.broadcast %gt3A_2370 : f32 to vector<16xf32>
        %gt3A_2372 = arith.cmpf ogt, %div3A_2362, %gt3A_2371 : vector<16xf32>
        %jit3A_2373 = arith.constant 15 : i32
        %broadcast_in_dim3A_2374 = vector.broadcast %jit3A_2373 : i32 to vector<16xi32>
        %select_n3A_2375 = arith.select %gt3A_2372, %min3A_2369, %broadcast_in_dim3A_2374 : vector<16xi1>, vector<16xi32>
        %mul3A_2376 = arith.constant 16 : i32
        %mul3A_2377 = vector.broadcast %mul3A_2376 : i32 to vector<16xi32>
        %mul3A_2378 = arith.muli %select_n3A_2375, %mul3A_2377 : vector<16xi32>
        %add3A_2379 = arith.addi %mul3A_2378, %add3A_44 : vector<16xi32>
        %convert_element_type3A_2380 = arith.sitofp %get3A_2352 : vector<16xi32> to vector<16xf32>
        %sub3A_2381 = arith.subf %div3A_2362, %convert_element_type3A_2380 : vector<16xf32>
        tpu.vector_store_idx %arg9[%add3A_2379], %sub3A_2381 {add = true} : memref<4096xf32, #tpu.memory_space<vmem>>[vector<16xi32>], vector<16xf32>,
        %mul3A_2382 = arith.constant 256 : i32
        %mul3A_2383 = arith.muli %scan3A_1871, %mul3A_2382 : i32
        %add3A_2384 = arith.constant 224 : i32
        %add3A_2385 = arith.addi %mul3A_2383, %add3A_2384 : i32
        %get3A_2386 = arith.index_cast %add3A_2385 : i32 to index
        %get3A_2387 = tpu.vector_load %arg6[%get3A_2386] {strides = array<i32>} : memref<16384xf32, #tpu.memory_space<vmem>>, vector<16xf32>,
        %get3A_2388 = arith.index_cast %add3A_2385 : i32 to index
        %get3A_2389 = tpu.vector_load %arg8[%get3A_2388] {strides = array<i32>} : memref<16384xi32, #tpu.memory_space<vmem>>, vector<16xi32>,
        %neg3A_2390 = arith.constant 0.000000e+00 : f32
        %neg3A_2391 = vector.broadcast %neg3A_2390 : f32 to vector<16xf32>
        %neg3A_2392 = arith.subf %neg3A_2391, %get3A_2387 : vector<16xf32>
        %exp3A_2393 = math.exp %neg3A_2392 : vector<16xf32>
        %add3A_2394 = arith.constant 1.000000e+00 : f32
        %add3A_2395 = vector.broadcast %add3A_2394 : f32 to vector<16xf32>
        %add3A_2396 = arith.addf %add3A_2395, %exp3A_2393 : vector<16xf32>
        %div3A_2397 = arith.constant 1.000000e+00 : f32
        %div3A_2398 = vector.broadcast %div3A_2397 : f32 to vector<16xf32>
        %div3A_2399 = arith.divf %div3A_2398, %add3A_2396 : vector<16xf32>
        %mul3A_2400 = arith.constant 1.500000e+01 : f32
        %mul3A_2401 = vector.broadcast %mul3A_2400 : f32 to vector<16xf32>
        %mul3A_2402 = arith.mulf %div3A_2399, %mul3A_2401 : vector<16xf32>
        %convert_element_type3A_2403 = arith.fptosi %mul3A_2402 : vector<16xf32> to vector<16xi32>
        %min3A_2404 = arith.constant 14 : i32
        %min3A_2405 = vector.broadcast %min3A_2404 : i32 to vector<16xi32>
        %min3A_2406 = arith.minsi %convert_element_type3A_2403, %min3A_2405 : vector<16xi32>
        %gt3A_2407 = arith.constant 0.000000e+00 : f32
        %gt3A_2408 = vector.broadcast %gt3A_2407 : f32 to vector<16xf32>
        %gt3A_2409 = arith.cmpf ogt, %div3A_2399, %gt3A_2408 : vector<16xf32>
        %jit3A_2410 = arith.constant 15 : i32
        %broadcast_in_dim3A_2411 = vector.broadcast %jit3A_2410 : i32 to vector<16xi32>
        %select_n3A_2412 = arith.select %gt3A_2409, %min3A_2406, %broadcast_in_dim3A_2411 : vector<16xi1>, vector<16xi32>
        %mul3A_2413 = arith.constant 16 : i32
        %mul3A_2414 = vector.broadcast %mul3A_2413 : i32 to vector<16xi32>
        %mul3A_2415 = arith.muli %select_n3A_2412, %mul3A_2414 : vector<16xi32>
        %add3A_2416 = arith.addi %mul3A_2415, %add3A_47 : vector<16xi32>
        %convert_element_type3A_2417 = arith.sitofp %get3A_2389 : vector<16xi32> to vector<16xf32>
        %sub3A_2418 = arith.subf %div3A_2399, %convert_element_type3A_2417 : vector<16xf32>
        tpu.vector_store_idx %arg9[%add3A_2416], %sub3A_2418 {add = true} : memref<4096xf32, #tpu.memory_space<vmem>>[vector<16xi32>], vector<16xf32>,
        %mul3A_2419 = arith.constant 256 : i32
        %mul3A_2420 = arith.muli %scan3A_1871, %mul3A_2419 : i32
        %add3A_2421 = arith.constant 240 : i32
        %add3A_2422 = arith.addi %mul3A_2420, %add3A_2421 : i32
        %get3A_2423 = arith.index_cast %add3A_2422 : i32 to index
        %get3A_2424 = tpu.vector_load %arg6[%get3A_2423] {strides = array<i32>} : memref<16384xf32, #tpu.memory_space<vmem>>, vector<16xf32>,
        %get3A_2425 = arith.index_cast %add3A_2422 : i32 to index
        %get3A_2426 = tpu.vector_load %arg8[%get3A_2425] {strides = array<i32>} : memref<16384xi32, #tpu.memory_space<vmem>>, vector<16xi32>,
        %neg3A_2427 = arith.constant 0.000000e+00 : f32
        %neg3A_2428 = vector.broadcast %neg3A_2427 : f32 to vector<16xf32>
        %neg3A_2429 = arith.subf %neg3A_2428, %get3A_2424 : vector<16xf32>
        %exp3A_2430 = math.exp %neg3A_2429 : vector<16xf32>
        %add3A_2431 = arith.constant 1.000000e+00 : f32
        %add3A_2432 = vector.broadcast %add3A_2431 : f32 to vector<16xf32>
        %add3A_2433 = arith.addf %add3A_2432, %exp3A_2430 : vector<16xf32>
        %div3A_2434 = arith.constant 1.000000e+00 : f32
        %div3A_2435 = vector.broadcast %div3A_2434 : f32 to vector<16xf32>
        %div3A_2436 = arith.divf %div3A_2435, %add3A_2433 : vector<16xf32>
        %mul3A_2437 = arith.constant 1.500000e+01 : f32
        %mul3A_2438 = vector.broadcast %mul3A_2437 : f32 to vector<16xf32>
        %mul3A_2439 = arith.mulf %div3A_2436, %mul3A_2438 : vector<16xf32>
        %convert_element_type3A_2440 = arith.fptosi %mul3A_2439 : vector<16xf32> to vector<16xi32>
        %min3A_2441 = arith.constant 14 : i32
        %min3A_2442 = vector.broadcast %min3A_2441 : i32 to vector<16xi32>
        %min3A_2443 = arith.minsi %convert_element_type3A_2440, %min3A_2442 : vector<16xi32>
        %gt3A_2444 = arith.constant 0.000000e+00 : f32
        %gt3A_2445 = vector.broadcast %gt3A_2444 : f32 to vector<16xf32>
        %gt3A_2446 = arith.cmpf ogt, %div3A_2436, %gt3A_2445 : vector<16xf32>
        %jit3A_2447 = arith.constant 15 : i32
        %broadcast_in_dim3A_2448 = vector.broadcast %jit3A_2447 : i32 to vector<16xi32>
        %select_n3A_2449 = arith.select %gt3A_2446, %min3A_2443, %broadcast_in_dim3A_2448 : vector<16xi1>, vector<16xi32>
        %mul3A_2450 = arith.constant 16 : i32
        %mul3A_2451 = vector.broadcast %mul3A_2450 : i32 to vector<16xi32>
        %mul3A_2452 = arith.muli %select_n3A_2449, %mul3A_2451 : vector<16xi32>
        %add3A_2453 = arith.addi %mul3A_2452, %add3A_50 : vector<16xi32>
        %convert_element_type3A_2454 = arith.sitofp %get3A_2426 : vector<16xi32> to vector<16xf32>
        %sub3A_2455 = arith.subf %div3A_2436, %convert_element_type3A_2454 : vector<16xf32>
        tpu.vector_store_idx %arg9[%add3A_2453], %sub3A_2455 {add = true} : memref<4096xf32, #tpu.memory_space<vmem>>[vector<16xi32>], vector<16xf32>,
      }
      %scan3A_1863 = arith.constant 64 : i32
      %add3A_1864 = arith.constant 2 : i32
      %add3A_1865 = arith.addi %add3A_1850, %add3A_1864 : i32
      %lt3A_1866 = arith.constant 6 : i32
      %lt3A_1867 = arith.cmpi slt, %add3A_1865, %lt3A_1866 : i32
      %convert_element_type3A_1868 = arith.extui %lt3A_1867 : i1 to i32
      %cond3A_1869 = arith.constant 0 : i32
      %cond3A_1870 = arith.cmpi ne, %convert_element_type3A_1868, %cond3A_1869 : i32
      scf.if %cond3A_1870 {
        %add3A_1871 = arith.constant 2 : i32
        %add3A_1872 = arith.addi %add3A_1850, %add3A_1871 : i32
        %mul3A_1873 = arith.constant 16384 : i32
        %mul3A_1874 = arith.muli %add3A_1872, %mul3A_1873 : i32
        %add3A_1875 = arith.addi %mul3A_2, %mul3A_1874 : i32
        %dma_start3A_1876 = tpu.memref_slice %arg2[%add3A_1875] : memref<16777216xf32, #tpu.memory_space<hbm>> -> memref<16384xf32, #tpu.memory_space<hbm>>
        %dma_start3A_1877 = tpu.memref_slice %arg2[%add3A_1875] : memref<16777216xf32, #tpu.memory_space<hbm>> -> memref<16384xf32, #tpu.memory_space<hbm>>
        tpu.enqueue_dma source(%dma_start3A_1877 : memref<16384xf32, #tpu.memory_space<hbm>>) target(%arg6 : memref<16384xf32, #tpu.memory_space<vmem>>) target_semaphore(%arg12 : memref<!tpu.dma_semaphore, #tpu.memory_space<semaphore_mem>>)
        %mul3A_1878 = arith.constant 16384 : i32
        %mul3A_1879 = arith.muli %add3A_1872, %mul3A_1878 : i32
        %add3A_1880 = arith.addi %mul3A_2, %mul3A_1879 : i32
        %dma_start3A_1881 = tpu.memref_slice %arg3[%add3A_1880] : memref<16777216xi32, #tpu.memory_space<hbm>> -> memref<16384xi32, #tpu.memory_space<hbm>>
        %dma_start3A_1882 = tpu.memref_slice %arg3[%add3A_1880] : memref<16777216xi32, #tpu.memory_space<hbm>> -> memref<16384xi32, #tpu.memory_space<hbm>>
        tpu.enqueue_dma source(%dma_start3A_1882 : memref<16384xi32, #tpu.memory_space<hbm>>) target(%arg8 : memref<16384xi32, #tpu.memory_space<vmem>>) target_semaphore(%arg12 : memref<!tpu.dma_semaphore, #tpu.memory_space<semaphore_mem>>)
      } else {
      }
    }
    %scan3A_1091 = arith.constant 3 : i32
    %get3A = arith.constant 0 : index
    %get3A_1092 = tpu.vector_load %arg9[%get3A] {strides = array<i32>} : memref<4096xf32, #tpu.memory_space<vmem>>, vector<16xf32>,
    %get3A_1093 = arith.constant 256 : index
    %get3A_1094 = tpu.vector_load %arg9[%get3A_1093] {strides = array<i32>} : memref<4096xf32, #tpu.memory_space<vmem>>, vector<16xf32>,
    %add3A_1095 = arith.addf %get3A_1092, %get3A_1094 : vector<16xf32>
    %get3A_1096 = arith.constant 512 : index
    %get3A_1097 = tpu.vector_load %arg9[%get3A_1096] {strides = array<i32>} : memref<4096xf32, #tpu.memory_space<vmem>>, vector<16xf32>,
    %add3A_1098 = arith.addf %add3A_1095, %get3A_1097 : vector<16xf32>
    %get3A_1099 = arith.constant 768 : index
    %get3A_1100 = tpu.vector_load %arg9[%get3A_1099] {strides = array<i32>} : memref<4096xf32, #tpu.memory_space<vmem>>, vector<16xf32>,
    %add3A_1101 = arith.addf %add3A_1098, %get3A_1100 : vector<16xf32>
    %get3A_1102 = arith.constant 1024 : index
    %get3A_1103 = tpu.vector_load %arg9[%get3A_1102] {strides = array<i32>} : memref<4096xf32, #tpu.memory_space<vmem>>, vector<16xf32>,
    %add3A_1104 = arith.addf %add3A_1101, %get3A_1103 : vector<16xf32>
    %get3A_1105 = arith.constant 1280 : index
    %get3A_1106 = tpu.vector_load %arg9[%get3A_1105] {strides = array<i32>} : memref<4096xf32, #tpu.memory_space<vmem>>, vector<16xf32>,
    %add3A_1107 = arith.addf %add3A_1104, %get3A_1106 : vector<16xf32>
    %get3A_1108 = arith.constant 1536 : index
    %get3A_1109 = tpu.vector_load %arg9[%get3A_1108] {strides = array<i32>} : memref<4096xf32, #tpu.memory_space<vmem>>, vector<16xf32>,
    %add3A_1110 = arith.addf %add3A_1107, %get3A_1109 : vector<16xf32>
    %get3A_1111 = arith.constant 1792 : index
    %get3A_1112 = tpu.vector_load %arg9[%get3A_1111] {strides = array<i32>} : memref<4096xf32, #tpu.memory_space<vmem>>, vector<16xf32>,
    %add3A_1113 = arith.addf %add3A_1110, %get3A_1112 : vector<16xf32>
    %get3A_1114 = arith.constant 2048 : index
    %get3A_1115 = tpu.vector_load %arg9[%get3A_1114] {strides = array<i32>} : memref<4096xf32, #tpu.memory_space<vmem>>, vector<16xf32>,
    %add3A_1116 = arith.addf %add3A_1113, %get3A_1115 : vector<16xf32>
    %get3A_1117 = arith.constant 2304 : index
    %get3A_1118 = tpu.vector_load %arg9[%get3A_1117] {strides = array<i32>} : memref<4096xf32, #tpu.memory_space<vmem>>, vector<16xf32>,
    %add3A_1119 = arith.addf %add3A_1116, %get3A_1118 : vector<16xf32>
    %get3A_1120 = arith.constant 2560 : index
    %get3A_1121 = tpu.vector_load %arg9[%get3A_1120] {strides = array<i32>} : memref<4096xf32, #tpu.memory_space<vmem>>, vector<16xf32>,
    %add3A_1122 = arith.addf %add3A_1119, %get3A_1121 : vector<16xf32>
    %get3A_1123 = arith.constant 2816 : index
    %get3A_1124 = tpu.vector_load %arg9[%get3A_1123] {strides = array<i32>} : memref<4096xf32, #tpu.memory_space<vmem>>, vector<16xf32>,
    %add3A_1125 = arith.addf %add3A_1122, %get3A_1124 : vector<16xf32>
    %get3A_1126 = arith.constant 3072 : index
    %get3A_1127 = tpu.vector_load %arg9[%get3A_1126] {strides = array<i32>} : memref<4096xf32, #tpu.memory_space<vmem>>, vector<16xf32>,
    %add3A_1128 = arith.addf %add3A_1125, %get3A_1127 : vector<16xf32>
    %get3A_1129 = arith.constant 3328 : index
    %get3A_1130 = tpu.vector_load %arg9[%get3A_1129] {strides = array<i32>} : memref<4096xf32, #tpu.memory_space<vmem>>, vector<16xf32>,
    %add3A_1131 = arith.addf %add3A_1128, %get3A_1130 : vector<16xf32>
    %get3A_1132 = arith.constant 3584 : index
    %get3A_1133 = tpu.vector_load %arg9[%get3A_1132] {strides = array<i32>} : memref<4096xf32, #tpu.memory_space<vmem>>, vector<16xf32>,
    %add3A_1134 = arith.addf %add3A_1131, %get3A_1133 : vector<16xf32>
    %get3A_1135 = arith.constant 3840 : index
    %get3A_1136 = tpu.vector_load %arg9[%get3A_1135] {strides = array<i32>} : memref<4096xf32, #tpu.memory_space<vmem>>, vector<16xf32>,
    %add3A_1137 = arith.addf %add3A_1134, %get3A_1136 : vector<16xf32>
    %swap3A_1138 = arith.constant 0 : index
    %swap3A_1139 = tpu.vector_load %arg10[%swap3A_1138] {strides = array<i32>} : memref<240xf32, #tpu.memory_space<vmem>>, vector<16xf32>,
    tpu.vector_store %arg10[%swap3A_1138], %add3A_1137 {strides = array<i32>} : memref<240xf32, #tpu.memory_space<vmem>>, vector<16xf32>,
    %get3A_1140 = arith.constant 16 : index
    %get3A_1141 = tpu.vector_load %arg9[%get3A_1140] {strides = array<i32>} : memref<4096xf32, #tpu.memory_space<vmem>>, vector<16xf32>,
    %get3A_1142 = arith.constant 272 : index
    %get3A_1143 = tpu.vector_load %arg9[%get3A_1142] {strides = array<i32>} : memref<4096xf32, #tpu.memory_space<vmem>>, vector<16xf32>,
    %add3A_1144 = arith.addf %get3A_1141, %get3A_1143 : vector<16xf32>
    %get3A_1145 = arith.constant 528 : index
    %get3A_1146 = tpu.vector_load %arg9[%get3A_1145] {strides = array<i32>} : memref<4096xf32, #tpu.memory_space<vmem>>, vector<16xf32>,
    %add3A_1147 = arith.addf %add3A_1144, %get3A_1146 : vector<16xf32>
    %get3A_1148 = arith.constant 784 : index
    %get3A_1149 = tpu.vector_load %arg9[%get3A_1148] {strides = array<i32>} : memref<4096xf32, #tpu.memory_space<vmem>>, vector<16xf32>,
    %add3A_1150 = arith.addf %add3A_1147, %get3A_1149 : vector<16xf32>
    %get3A_1151 = arith.constant 1040 : index
    %get3A_1152 = tpu.vector_load %arg9[%get3A_1151] {strides = array<i32>} : memref<4096xf32, #tpu.memory_space<vmem>>, vector<16xf32>,
    %add3A_1153 = arith.addf %add3A_1150, %get3A_1152 : vector<16xf32>
    %get3A_1154 = arith.constant 1296 : index
    %get3A_1155 = tpu.vector_load %arg9[%get3A_1154] {strides = array<i32>} : memref<4096xf32, #tpu.memory_space<vmem>>, vector<16xf32>,
    %add3A_1156 = arith.addf %add3A_1153, %get3A_1155 : vector<16xf32>
    %get3A_1157 = arith.constant 1552 : index
    %get3A_1158 = tpu.vector_load %arg9[%get3A_1157] {strides = array<i32>} : memref<4096xf32, #tpu.memory_space<vmem>>, vector<16xf32>,
    %add3A_1159 = arith.addf %add3A_1156, %get3A_1158 : vector<16xf32>
    %get3A_1160 = arith.constant 1808 : index
    %get3A_1161 = tpu.vector_load %arg9[%get3A_1160] {strides = array<i32>} : memref<4096xf32, #tpu.memory_space<vmem>>, vector<16xf32>,
    %add3A_1162 = arith.addf %add3A_1159, %get3A_1161 : vector<16xf32>
    %get3A_1163 = arith.constant 2064 : index
    %get3A_1164 = tpu.vector_load %arg9[%get3A_1163] {strides = array<i32>} : memref<4096xf32, #tpu.memory_space<vmem>>, vector<16xf32>,
    %add3A_1165 = arith.addf %add3A_1162, %get3A_1164 : vector<16xf32>
    %get3A_1166 = arith.constant 2320 : index
    %get3A_1167 = tpu.vector_load %arg9[%get3A_1166] {strides = array<i32>} : memref<4096xf32, #tpu.memory_space<vmem>>, vector<16xf32>,
    %add3A_1168 = arith.addf %add3A_1165, %get3A_1167 : vector<16xf32>
    %get3A_1169 = arith.constant 2576 : index
    %get3A_1170 = tpu.vector_load %arg9[%get3A_1169] {strides = array<i32>} : memref<4096xf32, #tpu.memory_space<vmem>>, vector<16xf32>,
    %add3A_1171 = arith.addf %add3A_1168, %get3A_1170 : vector<16xf32>
    %get3A_1172 = arith.constant 2832 : index
    %get3A_1173 = tpu.vector_load %arg9[%get3A_1172] {strides = array<i32>} : memref<4096xf32, #tpu.memory_space<vmem>>, vector<16xf32>,
    %add3A_1174 = arith.addf %add3A_1171, %get3A_1173 : vector<16xf32>
    %get3A_1175 = arith.constant 3088 : index
    %get3A_1176 = tpu.vector_load %arg9[%get3A_1175] {strides = array<i32>} : memref<4096xf32, #tpu.memory_space<vmem>>, vector<16xf32>,
    %add3A_1177 = arith.addf %add3A_1174, %get3A_1176 : vector<16xf32>
    %get3A_1178 = arith.constant 3344 : index
    %get3A_1179 = tpu.vector_load %arg9[%get3A_1178] {strides = array<i32>} : memref<4096xf32, #tpu.memory_space<vmem>>, vector<16xf32>,
    %add3A_1180 = arith.addf %add3A_1177, %get3A_1179 : vector<16xf32>
    %get3A_1181 = arith.constant 3600 : index
    %get3A_1182 = tpu.vector_load %arg9[%get3A_1181] {strides = array<i32>} : memref<4096xf32, #tpu.memory_space<vmem>>, vector<16xf32>,
    %add3A_1183 = arith.addf %add3A_1180, %get3A_1182 : vector<16xf32>
    %get3A_1184 = arith.constant 3856 : index
    %get3A_1185 = tpu.vector_load %arg9[%get3A_1184] {strides = array<i32>} : memref<4096xf32, #tpu.memory_space<vmem>>, vector<16xf32>,
    %add3A_1186 = arith.addf %add3A_1183, %get3A_1185 : vector<16xf32>
    %swap3A_1187 = arith.constant 16 : index
    %swap3A_1188 = tpu.vector_load %arg10[%swap3A_1187] {strides = array<i32>} : memref<240xf32, #tpu.memory_space<vmem>>, vector<16xf32>,
    tpu.vector_store %arg10[%swap3A_1187], %add3A_1186 {strides = array<i32>} : memref<240xf32, #tpu.memory_space<vmem>>, vector<16xf32>,
    %get3A_1189 = arith.constant 32 : index
    %get3A_1190 = tpu.vector_load %arg9[%get3A_1189] {strides = array<i32>} : memref<4096xf32, #tpu.memory_space<vmem>>, vector<16xf32>,
    %get3A_1191 = arith.constant 288 : index
    %get3A_1192 = tpu.vector_load %arg9[%get3A_1191] {strides = array<i32>} : memref<4096xf32, #tpu.memory_space<vmem>>, vector<16xf32>,
    %add3A_1193 = arith.addf %get3A_1190, %get3A_1192 : vector<16xf32>
    %get3A_1194 = arith.constant 544 : index
    %get3A_1195 = tpu.vector_load %arg9[%get3A_1194] {strides = array<i32>} : memref<4096xf32, #tpu.memory_space<vmem>>, vector<16xf32>,
    %add3A_1196 = arith.addf %add3A_1193, %get3A_1195 : vector<16xf32>
    %get3A_1197 = arith.constant 800 : index
    %get3A_1198 = tpu.vector_load %arg9[%get3A_1197] {strides = array<i32>} : memref<4096xf32, #tpu.memory_space<vmem>>, vector<16xf32>,
    %add3A_1199 = arith.addf %add3A_1196, %get3A_1198 : vector<16xf32>
    %get3A_1200 = arith.constant 1056 : index
    %get3A_1201 = tpu.vector_load %arg9[%get3A_1200] {strides = array<i32>} : memref<4096xf32, #tpu.memory_space<vmem>>, vector<16xf32>,
    %add3A_1202 = arith.addf %add3A_1199, %get3A_1201 : vector<16xf32>
    %get3A_1203 = arith.constant 1312 : index
    %get3A_1204 = tpu.vector_load %arg9[%get3A_1203] {strides = array<i32>} : memref<4096xf32, #tpu.memory_space<vmem>>, vector<16xf32>,
    %add3A_1205 = arith.addf %add3A_1202, %get3A_1204 : vector<16xf32>
    %get3A_1206 = arith.constant 1568 : index
    %get3A_1207 = tpu.vector_load %arg9[%get3A_1206] {strides = array<i32>} : memref<4096xf32, #tpu.memory_space<vmem>>, vector<16xf32>,
    %add3A_1208 = arith.addf %add3A_1205, %get3A_1207 : vector<16xf32>
    %get3A_1209 = arith.constant 1824 : index
    %get3A_1210 = tpu.vector_load %arg9[%get3A_1209] {strides = array<i32>} : memref<4096xf32, #tpu.memory_space<vmem>>, vector<16xf32>,
    %add3A_1211 = arith.addf %add3A_1208, %get3A_1210 : vector<16xf32>
    %get3A_1212 = arith.constant 2080 : index
    %get3A_1213 = tpu.vector_load %arg9[%get3A_1212] {strides = array<i32>} : memref<4096xf32, #tpu.memory_space<vmem>>, vector<16xf32>,
    %add3A_1214 = arith.addf %add3A_1211, %get3A_1213 : vector<16xf32>
    %get3A_1215 = arith.constant 2336 : index
    %get3A_1216 = tpu.vector_load %arg9[%get3A_1215] {strides = array<i32>} : memref<4096xf32, #tpu.memory_space<vmem>>, vector<16xf32>,
    %add3A_1217 = arith.addf %add3A_1214, %get3A_1216 : vector<16xf32>
    %get3A_1218 = arith.constant 2592 : index
    %get3A_1219 = tpu.vector_load %arg9[%get3A_1218] {strides = array<i32>} : memref<4096xf32, #tpu.memory_space<vmem>>, vector<16xf32>,
    %add3A_1220 = arith.addf %add3A_1217, %get3A_1219 : vector<16xf32>
    %get3A_1221 = arith.constant 2848 : index
    %get3A_1222 = tpu.vector_load %arg9[%get3A_1221] {strides = array<i32>} : memref<4096xf32, #tpu.memory_space<vmem>>, vector<16xf32>,
    %add3A_1223 = arith.addf %add3A_1220, %get3A_1222 : vector<16xf32>
    %get3A_1224 = arith.constant 3104 : index
    %get3A_1225 = tpu.vector_load %arg9[%get3A_1224] {strides = array<i32>} : memref<4096xf32, #tpu.memory_space<vmem>>, vector<16xf32>,
    %add3A_1226 = arith.addf %add3A_1223, %get3A_1225 : vector<16xf32>
    %get3A_1227 = arith.constant 3360 : index
    %get3A_1228 = tpu.vector_load %arg9[%get3A_1227] {strides = array<i32>} : memref<4096xf32, #tpu.memory_space<vmem>>, vector<16xf32>,
    %add3A_1229 = arith.addf %add3A_1226, %get3A_1228 : vector<16xf32>
    %get3A_1230 = arith.constant 3616 : index
    %get3A_1231 = tpu.vector_load %arg9[%get3A_1230] {strides = array<i32>} : memref<4096xf32, #tpu.memory_space<vmem>>, vector<16xf32>,
    %add3A_1232 = arith.addf %add3A_1229, %get3A_1231 : vector<16xf32>
    %get3A_1233 = arith.constant 3872 : index
    %get3A_1234 = tpu.vector_load %arg9[%get3A_1233] {strides = array<i32>} : memref<4096xf32, #tpu.memory_space<vmem>>, vector<16xf32>,
    %add3A_1235 = arith.addf %add3A_1232, %get3A_1234 : vector<16xf32>
    %swap3A_1236 = arith.constant 32 : index
    %swap3A_1237 = tpu.vector_load %arg10[%swap3A_1236] {strides = array<i32>} : memref<240xf32, #tpu.memory_space<vmem>>, vector<16xf32>,
    tpu.vector_store %arg10[%swap3A_1236], %add3A_1235 {strides = array<i32>} : memref<240xf32, #tpu.memory_space<vmem>>, vector<16xf32>,
    %get3A_1238 = arith.constant 48 : index
    %get3A_1239 = tpu.vector_load %arg9[%get3A_1238] {strides = array<i32>} : memref<4096xf32, #tpu.memory_space<vmem>>, vector<16xf32>,
    %get3A_1240 = arith.constant 304 : index
    %get3A_1241 = tpu.vector_load %arg9[%get3A_1240] {strides = array<i32>} : memref<4096xf32, #tpu.memory_space<vmem>>, vector<16xf32>,
    %add3A_1242 = arith.addf %get3A_1239, %get3A_1241 : vector<16xf32>
    %get3A_1243 = arith.constant 560 : index
    %get3A_1244 = tpu.vector_load %arg9[%get3A_1243] {strides = array<i32>} : memref<4096xf32, #tpu.memory_space<vmem>>, vector<16xf32>,
    %add3A_1245 = arith.addf %add3A_1242, %get3A_1244 : vector<16xf32>
    %get3A_1246 = arith.constant 816 : index
    %get3A_1247 = tpu.vector_load %arg9[%get3A_1246] {strides = array<i32>} : memref<4096xf32, #tpu.memory_space<vmem>>, vector<16xf32>,
    %add3A_1248 = arith.addf %add3A_1245, %get3A_1247 : vector<16xf32>
    %get3A_1249 = arith.constant 1072 : index
    %get3A_1250 = tpu.vector_load %arg9[%get3A_1249] {strides = array<i32>} : memref<4096xf32, #tpu.memory_space<vmem>>, vector<16xf32>,
    %add3A_1251 = arith.addf %add3A_1248, %get3A_1250 : vector<16xf32>
    %get3A_1252 = arith.constant 1328 : index
    %get3A_1253 = tpu.vector_load %arg9[%get3A_1252] {strides = array<i32>} : memref<4096xf32, #tpu.memory_space<vmem>>, vector<16xf32>,
    %add3A_1254 = arith.addf %add3A_1251, %get3A_1253 : vector<16xf32>
    %get3A_1255 = arith.constant 1584 : index
    %get3A_1256 = tpu.vector_load %arg9[%get3A_1255] {strides = array<i32>} : memref<4096xf32, #tpu.memory_space<vmem>>, vector<16xf32>,
    %add3A_1257 = arith.addf %add3A_1254, %get3A_1256 : vector<16xf32>
    %get3A_1258 = arith.constant 1840 : index
    %get3A_1259 = tpu.vector_load %arg9[%get3A_1258] {strides = array<i32>} : memref<4096xf32, #tpu.memory_space<vmem>>, vector<16xf32>,
    %add3A_1260 = arith.addf %add3A_1257, %get3A_1259 : vector<16xf32>
    %get3A_1261 = arith.constant 2096 : index
    %get3A_1262 = tpu.vector_load %arg9[%get3A_1261] {strides = array<i32>} : memref<4096xf32, #tpu.memory_space<vmem>>, vector<16xf32>,
    %add3A_1263 = arith.addf %add3A_1260, %get3A_1262 : vector<16xf32>
    %get3A_1264 = arith.constant 2352 : index
    %get3A_1265 = tpu.vector_load %arg9[%get3A_1264] {strides = array<i32>} : memref<4096xf32, #tpu.memory_space<vmem>>, vector<16xf32>,
    %add3A_1266 = arith.addf %add3A_1263, %get3A_1265 : vector<16xf32>
    %get3A_1267 = arith.constant 2608 : index
    %get3A_1268 = tpu.vector_load %arg9[%get3A_1267] {strides = array<i32>} : memref<4096xf32, #tpu.memory_space<vmem>>, vector<16xf32>,
    %add3A_1269 = arith.addf %add3A_1266, %get3A_1268 : vector<16xf32>
    %get3A_1270 = arith.constant 2864 : index
    %get3A_1271 = tpu.vector_load %arg9[%get3A_1270] {strides = array<i32>} : memref<4096xf32, #tpu.memory_space<vmem>>, vector<16xf32>,
    %add3A_1272 = arith.addf %add3A_1269, %get3A_1271 : vector<16xf32>
    %get3A_1273 = arith.constant 3120 : index
    %get3A_1274 = tpu.vector_load %arg9[%get3A_1273] {strides = array<i32>} : memref<4096xf32, #tpu.memory_space<vmem>>, vector<16xf32>,
    %add3A_1275 = arith.addf %add3A_1272, %get3A_1274 : vector<16xf32>
    %get3A_1276 = arith.constant 3376 : index
    %get3A_1277 = tpu.vector_load %arg9[%get3A_1276] {strides = array<i32>} : memref<4096xf32, #tpu.memory_space<vmem>>, vector<16xf32>,
    %add3A_1278 = arith.addf %add3A_1275, %get3A_1277 : vector<16xf32>
    %get3A_1279 = arith.constant 3632 : index
    %get3A_1280 = tpu.vector_load %arg9[%get3A_1279] {strides = array<i32>} : memref<4096xf32, #tpu.memory_space<vmem>>, vector<16xf32>,
    %add3A_1281 = arith.addf %add3A_1278, %get3A_1280 : vector<16xf32>
    %get3A_1282 = arith.constant 3888 : index
    %get3A_1283 = tpu.vector_load %arg9[%get3A_1282] {strides = array<i32>} : memref<4096xf32, #tpu.memory_space<vmem>>, vector<16xf32>,
    %add3A_1284 = arith.addf %add3A_1281, %get3A_1283 : vector<16xf32>
    %swap3A_1285 = arith.constant 48 : index
    %swap3A_1286 = tpu.vector_load %arg10[%swap3A_1285] {strides = array<i32>} : memref<240xf32, #tpu.memory_space<vmem>>, vector<16xf32>,
    tpu.vector_store %arg10[%swap3A_1285], %add3A_1284 {strides = array<i32>} : memref<240xf32, #tpu.memory_space<vmem>>, vector<16xf32>,
    %get3A_1287 = arith.constant 64 : index
    %get3A_1288 = tpu.vector_load %arg9[%get3A_1287] {strides = array<i32>} : memref<4096xf32, #tpu.memory_space<vmem>>, vector<16xf32>,
    %get3A_1289 = arith.constant 320 : index
    %get3A_1290 = tpu.vector_load %arg9[%get3A_1289] {strides = array<i32>} : memref<4096xf32, #tpu.memory_space<vmem>>, vector<16xf32>,
    %add3A_1291 = arith.addf %get3A_1288, %get3A_1290 : vector<16xf32>
    %get3A_1292 = arith.constant 576 : index
    %get3A_1293 = tpu.vector_load %arg9[%get3A_1292] {strides = array<i32>} : memref<4096xf32, #tpu.memory_space<vmem>>, vector<16xf32>,
    %add3A_1294 = arith.addf %add3A_1291, %get3A_1293 : vector<16xf32>
    %get3A_1295 = arith.constant 832 : index
    %get3A_1296 = tpu.vector_load %arg9[%get3A_1295] {strides = array<i32>} : memref<4096xf32, #tpu.memory_space<vmem>>, vector<16xf32>,
    %add3A_1297 = arith.addf %add3A_1294, %get3A_1296 : vector<16xf32>
    %get3A_1298 = arith.constant 1088 : index
    %get3A_1299 = tpu.vector_load %arg9[%get3A_1298] {strides = array<i32>} : memref<4096xf32, #tpu.memory_space<vmem>>, vector<16xf32>,
    %add3A_1300 = arith.addf %add3A_1297, %get3A_1299 : vector<16xf32>
    %get3A_1301 = arith.constant 1344 : index
    %get3A_1302 = tpu.vector_load %arg9[%get3A_1301] {strides = array<i32>} : memref<4096xf32, #tpu.memory_space<vmem>>, vector<16xf32>,
    %add3A_1303 = arith.addf %add3A_1300, %get3A_1302 : vector<16xf32>
    %get3A_1304 = arith.constant 1600 : index
    %get3A_1305 = tpu.vector_load %arg9[%get3A_1304] {strides = array<i32>} : memref<4096xf32, #tpu.memory_space<vmem>>, vector<16xf32>,
    %add3A_1306 = arith.addf %add3A_1303, %get3A_1305 : vector<16xf32>
    %get3A_1307 = arith.constant 1856 : index
    %get3A_1308 = tpu.vector_load %arg9[%get3A_1307] {strides = array<i32>} : memref<4096xf32, #tpu.memory_space<vmem>>, vector<16xf32>,
    %add3A_1309 = arith.addf %add3A_1306, %get3A_1308 : vector<16xf32>
    %get3A_1310 = arith.constant 2112 : index
    %get3A_1311 = tpu.vector_load %arg9[%get3A_1310] {strides = array<i32>} : memref<4096xf32, #tpu.memory_space<vmem>>, vector<16xf32>,
    %add3A_1312 = arith.addf %add3A_1309, %get3A_1311 : vector<16xf32>
    %get3A_1313 = arith.constant 2368 : index
    %get3A_1314 = tpu.vector_load %arg9[%get3A_1313] {strides = array<i32>} : memref<4096xf32, #tpu.memory_space<vmem>>, vector<16xf32>,
    %add3A_1315 = arith.addf %add3A_1312, %get3A_1314 : vector<16xf32>
    %get3A_1316 = arith.constant 2624 : index
    %get3A_1317 = tpu.vector_load %arg9[%get3A_1316] {strides = array<i32>} : memref<4096xf32, #tpu.memory_space<vmem>>, vector<16xf32>,
    %add3A_1318 = arith.addf %add3A_1315, %get3A_1317 : vector<16xf32>
    %get3A_1319 = arith.constant 2880 : index
    %get3A_1320 = tpu.vector_load %arg9[%get3A_1319] {strides = array<i32>} : memref<4096xf32, #tpu.memory_space<vmem>>, vector<16xf32>,
    %add3A_1321 = arith.addf %add3A_1318, %get3A_1320 : vector<16xf32>
    %get3A_1322 = arith.constant 3136 : index
    %get3A_1323 = tpu.vector_load %arg9[%get3A_1322] {strides = array<i32>} : memref<4096xf32, #tpu.memory_space<vmem>>, vector<16xf32>,
    %add3A_1324 = arith.addf %add3A_1321, %get3A_1323 : vector<16xf32>
    %get3A_1325 = arith.constant 3392 : index
    %get3A_1326 = tpu.vector_load %arg9[%get3A_1325] {strides = array<i32>} : memref<4096xf32, #tpu.memory_space<vmem>>, vector<16xf32>,
    %add3A_1327 = arith.addf %add3A_1324, %get3A_1326 : vector<16xf32>
    %get3A_1328 = arith.constant 3648 : index
    %get3A_1329 = tpu.vector_load %arg9[%get3A_1328] {strides = array<i32>} : memref<4096xf32, #tpu.memory_space<vmem>>, vector<16xf32>,
    %add3A_1330 = arith.addf %add3A_1327, %get3A_1329 : vector<16xf32>
    %get3A_1331 = arith.constant 3904 : index
    %get3A_1332 = tpu.vector_load %arg9[%get3A_1331] {strides = array<i32>} : memref<4096xf32, #tpu.memory_space<vmem>>, vector<16xf32>,
    %add3A_1333 = arith.addf %add3A_1330, %get3A_1332 : vector<16xf32>
    %swap3A_1334 = arith.constant 64 : index
    %swap3A_1335 = tpu.vector_load %arg10[%swap3A_1334] {strides = array<i32>} : memref<240xf32, #tpu.memory_space<vmem>>, vector<16xf32>,
    tpu.vector_store %arg10[%swap3A_1334], %add3A_1333 {strides = array<i32>} : memref<240xf32, #tpu.memory_space<vmem>>, vector<16xf32>,
    %get3A_1336 = arith.constant 80 : index
    %get3A_1337 = tpu.vector_load %arg9[%get3A_1336] {strides = array<i32>} : memref<4096xf32, #tpu.memory_space<vmem>>, vector<16xf32>,
    %get3A_1338 = arith.constant 336 : index
    %get3A_1339 = tpu.vector_load %arg9[%get3A_1338] {strides = array<i32>} : memref<4096xf32, #tpu.memory_space<vmem>>, vector<16xf32>,
    %add3A_1340 = arith.addf %get3A_1337, %get3A_1339 : vector<16xf32>
    %get3A_1341 = arith.constant 592 : index
    %get3A_1342 = tpu.vector_load %arg9[%get3A_1341] {strides = array<i32>} : memref<4096xf32, #tpu.memory_space<vmem>>, vector<16xf32>,
    %add3A_1343 = arith.addf %add3A_1340, %get3A_1342 : vector<16xf32>
    %get3A_1344 = arith.constant 848 : index
    %get3A_1345 = tpu.vector_load %arg9[%get3A_1344] {strides = array<i32>} : memref<4096xf32, #tpu.memory_space<vmem>>, vector<16xf32>,
    %add3A_1346 = arith.addf %add3A_1343, %get3A_1345 : vector<16xf32>
    %get3A_1347 = arith.constant 1104 : index
    %get3A_1348 = tpu.vector_load %arg9[%get3A_1347] {strides = array<i32>} : memref<4096xf32, #tpu.memory_space<vmem>>, vector<16xf32>,
    %add3A_1349 = arith.addf %add3A_1346, %get3A_1348 : vector<16xf32>
    %get3A_1350 = arith.constant 1360 : index
    %get3A_1351 = tpu.vector_load %arg9[%get3A_1350] {strides = array<i32>} : memref<4096xf32, #tpu.memory_space<vmem>>, vector<16xf32>,
    %add3A_1352 = arith.addf %add3A_1349, %get3A_1351 : vector<16xf32>
    %get3A_1353 = arith.constant 1616 : index
    %get3A_1354 = tpu.vector_load %arg9[%get3A_1353] {strides = array<i32>} : memref<4096xf32, #tpu.memory_space<vmem>>, vector<16xf32>,
    %add3A_1355 = arith.addf %add3A_1352, %get3A_1354 : vector<16xf32>
    %get3A_1356 = arith.constant 1872 : index
    %get3A_1357 = tpu.vector_load %arg9[%get3A_1356] {strides = array<i32>} : memref<4096xf32, #tpu.memory_space<vmem>>, vector<16xf32>,
    %add3A_1358 = arith.addf %add3A_1355, %get3A_1357 : vector<16xf32>
    %get3A_1359 = arith.constant 2128 : index
    %get3A_1360 = tpu.vector_load %arg9[%get3A_1359] {strides = array<i32>} : memref<4096xf32, #tpu.memory_space<vmem>>, vector<16xf32>,
    %add3A_1361 = arith.addf %add3A_1358, %get3A_1360 : vector<16xf32>
    %get3A_1362 = arith.constant 2384 : index
    %get3A_1363 = tpu.vector_load %arg9[%get3A_1362] {strides = array<i32>} : memref<4096xf32, #tpu.memory_space<vmem>>, vector<16xf32>,
    %add3A_1364 = arith.addf %add3A_1361, %get3A_1363 : vector<16xf32>
    %get3A_1365 = arith.constant 2640 : index
    %get3A_1366 = tpu.vector_load %arg9[%get3A_1365] {strides = array<i32>} : memref<4096xf32, #tpu.memory_space<vmem>>, vector<16xf32>,
    %add3A_1367 = arith.addf %add3A_1364, %get3A_1366 : vector<16xf32>
    %get3A_1368 = arith.constant 2896 : index
    %get3A_1369 = tpu.vector_load %arg9[%get3A_1368] {strides = array<i32>} : memref<4096xf32, #tpu.memory_space<vmem>>, vector<16xf32>,
    %add3A_1370 = arith.addf %add3A_1367, %get3A_1369 : vector<16xf32>
    %get3A_1371 = arith.constant 3152 : index
    %get3A_1372 = tpu.vector_load %arg9[%get3A_1371] {strides = array<i32>} : memref<4096xf32, #tpu.memory_space<vmem>>, vector<16xf32>,
    %add3A_1373 = arith.addf %add3A_1370, %get3A_1372 : vector<16xf32>
    %get3A_1374 = arith.constant 3408 : index
    %get3A_1375 = tpu.vector_load %arg9[%get3A_1374] {strides = array<i32>} : memref<4096xf32, #tpu.memory_space<vmem>>, vector<16xf32>,
    %add3A_1376 = arith.addf %add3A_1373, %get3A_1375 : vector<16xf32>
    %get3A_1377 = arith.constant 3664 : index
    %get3A_1378 = tpu.vector_load %arg9[%get3A_1377] {strides = array<i32>} : memref<4096xf32, #tpu.memory_space<vmem>>, vector<16xf32>,
    %add3A_1379 = arith.addf %add3A_1376, %get3A_1378 : vector<16xf32>
    %get3A_1380 = arith.constant 3920 : index
    %get3A_1381 = tpu.vector_load %arg9[%get3A_1380] {strides = array<i32>} : memref<4096xf32, #tpu.memory_space<vmem>>, vector<16xf32>,
    %add3A_1382 = arith.addf %add3A_1379, %get3A_1381 : vector<16xf32>
    %swap3A_1383 = arith.constant 80 : index
    %swap3A_1384 = tpu.vector_load %arg10[%swap3A_1383] {strides = array<i32>} : memref<240xf32, #tpu.memory_space<vmem>>, vector<16xf32>,
    tpu.vector_store %arg10[%swap3A_1383], %add3A_1382 {strides = array<i32>} : memref<240xf32, #tpu.memory_space<vmem>>, vector<16xf32>,
    %get3A_1385 = arith.constant 96 : index
    %get3A_1386 = tpu.vector_load %arg9[%get3A_1385] {strides = array<i32>} : memref<4096xf32, #tpu.memory_space<vmem>>, vector<16xf32>,
    %get3A_1387 = arith.constant 352 : index
    %get3A_1388 = tpu.vector_load %arg9[%get3A_1387] {strides = array<i32>} : memref<4096xf32, #tpu.memory_space<vmem>>, vector<16xf32>,
    %add3A_1389 = arith.addf %get3A_1386, %get3A_1388 : vector<16xf32>
    %get3A_1390 = arith.constant 608 : index
    %get3A_1391 = tpu.vector_load %arg9[%get3A_1390] {strides = array<i32>} : memref<4096xf32, #tpu.memory_space<vmem>>, vector<16xf32>,
    %add3A_1392 = arith.addf %add3A_1389, %get3A_1391 : vector<16xf32>
    %get3A_1393 = arith.constant 864 : index
    %get3A_1394 = tpu.vector_load %arg9[%get3A_1393] {strides = array<i32>} : memref<4096xf32, #tpu.memory_space<vmem>>, vector<16xf32>,
    %add3A_1395 = arith.addf %add3A_1392, %get3A_1394 : vector<16xf32>
    %get3A_1396 = arith.constant 1120 : index
    %get3A_1397 = tpu.vector_load %arg9[%get3A_1396] {strides = array<i32>} : memref<4096xf32, #tpu.memory_space<vmem>>, vector<16xf32>,
    %add3A_1398 = arith.addf %add3A_1395, %get3A_1397 : vector<16xf32>
    %get3A_1399 = arith.constant 1376 : index
    %get3A_1400 = tpu.vector_load %arg9[%get3A_1399] {strides = array<i32>} : memref<4096xf32, #tpu.memory_space<vmem>>, vector<16xf32>,
    %add3A_1401 = arith.addf %add3A_1398, %get3A_1400 : vector<16xf32>
    %get3A_1402 = arith.constant 1632 : index
    %get3A_1403 = tpu.vector_load %arg9[%get3A_1402] {strides = array<i32>} : memref<4096xf32, #tpu.memory_space<vmem>>, vector<16xf32>,
    %add3A_1404 = arith.addf %add3A_1401, %get3A_1403 : vector<16xf32>
    %get3A_1405 = arith.constant 1888 : index
    %get3A_1406 = tpu.vector_load %arg9[%get3A_1405] {strides = array<i32>} : memref<4096xf32, #tpu.memory_space<vmem>>, vector<16xf32>,
    %add3A_1407 = arith.addf %add3A_1404, %get3A_1406 : vector<16xf32>
    %get3A_1408 = arith.constant 2144 : index
    %get3A_1409 = tpu.vector_load %arg9[%get3A_1408] {strides = array<i32>} : memref<4096xf32, #tpu.memory_space<vmem>>, vector<16xf32>,
    %add3A_1410 = arith.addf %add3A_1407, %get3A_1409 : vector<16xf32>
    %get3A_1411 = arith.constant 2400 : index
    %get3A_1412 = tpu.vector_load %arg9[%get3A_1411] {strides = array<i32>} : memref<4096xf32, #tpu.memory_space<vmem>>, vector<16xf32>,
    %add3A_1413 = arith.addf %add3A_1410, %get3A_1412 : vector<16xf32>
    %get3A_1414 = arith.constant 2656 : index
    %get3A_1415 = tpu.vector_load %arg9[%get3A_1414] {strides = array<i32>} : memref<4096xf32, #tpu.memory_space<vmem>>, vector<16xf32>,
    %add3A_1416 = arith.addf %add3A_1413, %get3A_1415 : vector<16xf32>
    %get3A_1417 = arith.constant 2912 : index
    %get3A_1418 = tpu.vector_load %arg9[%get3A_1417] {strides = array<i32>} : memref<4096xf32, #tpu.memory_space<vmem>>, vector<16xf32>,
    %add3A_1419 = arith.addf %add3A_1416, %get3A_1418 : vector<16xf32>
    %get3A_1420 = arith.constant 3168 : index
    %get3A_1421 = tpu.vector_load %arg9[%get3A_1420] {strides = array<i32>} : memref<4096xf32, #tpu.memory_space<vmem>>, vector<16xf32>,
    %add3A_1422 = arith.addf %add3A_1419, %get3A_1421 : vector<16xf32>
    %get3A_1423 = arith.constant 3424 : index
    %get3A_1424 = tpu.vector_load %arg9[%get3A_1423] {strides = array<i32>} : memref<4096xf32, #tpu.memory_space<vmem>>, vector<16xf32>,
    %add3A_1425 = arith.addf %add3A_1422, %get3A_1424 : vector<16xf32>
    %get3A_1426 = arith.constant 3680 : index
    %get3A_1427 = tpu.vector_load %arg9[%get3A_1426] {strides = array<i32>} : memref<4096xf32, #tpu.memory_space<vmem>>, vector<16xf32>,
    %add3A_1428 = arith.addf %add3A_1425, %get3A_1427 : vector<16xf32>
    %get3A_1429 = arith.constant 3936 : index
    %get3A_1430 = tpu.vector_load %arg9[%get3A_1429] {strides = array<i32>} : memref<4096xf32, #tpu.memory_space<vmem>>, vector<16xf32>,
    %add3A_1431 = arith.addf %add3A_1428, %get3A_1430 : vector<16xf32>
    %swap3A_1432 = arith.constant 96 : index
    %swap3A_1433 = tpu.vector_load %arg10[%swap3A_1432] {strides = array<i32>} : memref<240xf32, #tpu.memory_space<vmem>>, vector<16xf32>,
    tpu.vector_store %arg10[%swap3A_1432], %add3A_1431 {strides = array<i32>} : memref<240xf32, #tpu.memory_space<vmem>>, vector<16xf32>,
    %get3A_1434 = arith.constant 112 : index
    %get3A_1435 = tpu.vector_load %arg9[%get3A_1434] {strides = array<i32>} : memref<4096xf32, #tpu.memory_space<vmem>>, vector<16xf32>,
    %get3A_1436 = arith.constant 368 : index
    %get3A_1437 = tpu.vector_load %arg9[%get3A_1436] {strides = array<i32>} : memref<4096xf32, #tpu.memory_space<vmem>>, vector<16xf32>,
    %add3A_1438 = arith.addf %get3A_1435, %get3A_1437 : vector<16xf32>
    %get3A_1439 = arith.constant 624 : index
    %get3A_1440 = tpu.vector_load %arg9[%get3A_1439] {strides = array<i32>} : memref<4096xf32, #tpu.memory_space<vmem>>, vector<16xf32>,
    %add3A_1441 = arith.addf %add3A_1438, %get3A_1440 : vector<16xf32>
    %get3A_1442 = arith.constant 880 : index
    %get3A_1443 = tpu.vector_load %arg9[%get3A_1442] {strides = array<i32>} : memref<4096xf32, #tpu.memory_space<vmem>>, vector<16xf32>,
    %add3A_1444 = arith.addf %add3A_1441, %get3A_1443 : vector<16xf32>
    %get3A_1445 = arith.constant 1136 : index
    %get3A_1446 = tpu.vector_load %arg9[%get3A_1445] {strides = array<i32>} : memref<4096xf32, #tpu.memory_space<vmem>>, vector<16xf32>,
    %add3A_1447 = arith.addf %add3A_1444, %get3A_1446 : vector<16xf32>
    %get3A_1448 = arith.constant 1392 : index
    %get3A_1449 = tpu.vector_load %arg9[%get3A_1448] {strides = array<i32>} : memref<4096xf32, #tpu.memory_space<vmem>>, vector<16xf32>,
    %add3A_1450 = arith.addf %add3A_1447, %get3A_1449 : vector<16xf32>
    %get3A_1451 = arith.constant 1648 : index
    %get3A_1452 = tpu.vector_load %arg9[%get3A_1451] {strides = array<i32>} : memref<4096xf32, #tpu.memory_space<vmem>>, vector<16xf32>,
    %add3A_1453 = arith.addf %add3A_1450, %get3A_1452 : vector<16xf32>
    %get3A_1454 = arith.constant 1904 : index
    %get3A_1455 = tpu.vector_load %arg9[%get3A_1454] {strides = array<i32>} : memref<4096xf32, #tpu.memory_space<vmem>>, vector<16xf32>,
    %add3A_1456 = arith.addf %add3A_1453, %get3A_1455 : vector<16xf32>
    %get3A_1457 = arith.constant 2160 : index
    %get3A_1458 = tpu.vector_load %arg9[%get3A_1457] {strides = array<i32>} : memref<4096xf32, #tpu.memory_space<vmem>>, vector<16xf32>,
    %add3A_1459 = arith.addf %add3A_1456, %get3A_1458 : vector<16xf32>
    %get3A_1460 = arith.constant 2416 : index
    %get3A_1461 = tpu.vector_load %arg9[%get3A_1460] {strides = array<i32>} : memref<4096xf32, #tpu.memory_space<vmem>>, vector<16xf32>,
    %add3A_1462 = arith.addf %add3A_1459, %get3A_1461 : vector<16xf32>
    %get3A_1463 = arith.constant 2672 : index
    %get3A_1464 = tpu.vector_load %arg9[%get3A_1463] {strides = array<i32>} : memref<4096xf32, #tpu.memory_space<vmem>>, vector<16xf32>,
    %add3A_1465 = arith.addf %add3A_1462, %get3A_1464 : vector<16xf32>
    %get3A_1466 = arith.constant 2928 : index
    %get3A_1467 = tpu.vector_load %arg9[%get3A_1466] {strides = array<i32>} : memref<4096xf32, #tpu.memory_space<vmem>>, vector<16xf32>,
    %add3A_1468 = arith.addf %add3A_1465, %get3A_1467 : vector<16xf32>
    %get3A_1469 = arith.constant 3184 : index
    %get3A_1470 = tpu.vector_load %arg9[%get3A_1469] {strides = array<i32>} : memref<4096xf32, #tpu.memory_space<vmem>>, vector<16xf32>,
    %add3A_1471 = arith.addf %add3A_1468, %get3A_1470 : vector<16xf32>
    %get3A_1472 = arith.constant 3440 : index
    %get3A_1473 = tpu.vector_load %arg9[%get3A_1472] {strides = array<i32>} : memref<4096xf32, #tpu.memory_space<vmem>>, vector<16xf32>,
    %add3A_1474 = arith.addf %add3A_1471, %get3A_1473 : vector<16xf32>
    %get3A_1475 = arith.constant 3696 : index
    %get3A_1476 = tpu.vector_load %arg9[%get3A_1475] {strides = array<i32>} : memref<4096xf32, #tpu.memory_space<vmem>>, vector<16xf32>,
    %add3A_1477 = arith.addf %add3A_1474, %get3A_1476 : vector<16xf32>
    %get3A_1478 = arith.constant 3952 : index
    %get3A_1479 = tpu.vector_load %arg9[%get3A_1478] {strides = array<i32>} : memref<4096xf32, #tpu.memory_space<vmem>>, vector<16xf32>,
    %add3A_1480 = arith.addf %add3A_1477, %get3A_1479 : vector<16xf32>
    %swap3A_1481 = arith.constant 112 : index
    %swap3A_1482 = tpu.vector_load %arg10[%swap3A_1481] {strides = array<i32>} : memref<240xf32, #tpu.memory_space<vmem>>, vector<16xf32>,
    tpu.vector_store %arg10[%swap3A_1481], %add3A_1480 {strides = array<i32>} : memref<240xf32, #tpu.memory_space<vmem>>, vector<16xf32>,
    %get3A_1483 = arith.constant 128 : index
    %get3A_1484 = tpu.vector_load %arg9[%get3A_1483] {strides = array<i32>} : memref<4096xf32, #tpu.memory_space<vmem>>, vector<16xf32>,
    %get3A_1485 = arith.constant 384 : index
    %get3A_1486 = tpu.vector_load %arg9[%get3A_1485] {strides = array<i32>} : memref<4096xf32, #tpu.memory_space<vmem>>, vector<16xf32>,
    %add3A_1487 = arith.addf %get3A_1484, %get3A_1486 : vector<16xf32>
    %get3A_1488 = arith.constant 640 : index
    %get3A_1489 = tpu.vector_load %arg9[%get3A_1488] {strides = array<i32>} : memref<4096xf32, #tpu.memory_space<vmem>>, vector<16xf32>,
    %add3A_1490 = arith.addf %add3A_1487, %get3A_1489 : vector<16xf32>
    %get3A_1491 = arith.constant 896 : index
    %get3A_1492 = tpu.vector_load %arg9[%get3A_1491] {strides = array<i32>} : memref<4096xf32, #tpu.memory_space<vmem>>, vector<16xf32>,
    %add3A_1493 = arith.addf %add3A_1490, %get3A_1492 : vector<16xf32>
    %get3A_1494 = arith.constant 1152 : index
    %get3A_1495 = tpu.vector_load %arg9[%get3A_1494] {strides = array<i32>} : memref<4096xf32, #tpu.memory_space<vmem>>, vector<16xf32>,
    %add3A_1496 = arith.addf %add3A_1493, %get3A_1495 : vector<16xf32>
    %get3A_1497 = arith.constant 1408 : index
    %get3A_1498 = tpu.vector_load %arg9[%get3A_1497] {strides = array<i32>} : memref<4096xf32, #tpu.memory_space<vmem>>, vector<16xf32>,
    %add3A_1499 = arith.addf %add3A_1496, %get3A_1498 : vector<16xf32>
    %get3A_1500 = arith.constant 1664 : index
    %get3A_1501 = tpu.vector_load %arg9[%get3A_1500] {strides = array<i32>} : memref<4096xf32, #tpu.memory_space<vmem>>, vector<16xf32>,
    %add3A_1502 = arith.addf %add3A_1499, %get3A_1501 : vector<16xf32>
    %get3A_1503 = arith.constant 1920 : index
    %get3A_1504 = tpu.vector_load %arg9[%get3A_1503] {strides = array<i32>} : memref<4096xf32, #tpu.memory_space<vmem>>, vector<16xf32>,
    %add3A_1505 = arith.addf %add3A_1502, %get3A_1504 : vector<16xf32>
    %get3A_1506 = arith.constant 2176 : index
    %get3A_1507 = tpu.vector_load %arg9[%get3A_1506] {strides = array<i32>} : memref<4096xf32, #tpu.memory_space<vmem>>, vector<16xf32>,
    %add3A_1508 = arith.addf %add3A_1505, %get3A_1507 : vector<16xf32>
    %get3A_1509 = arith.constant 2432 : index
    %get3A_1510 = tpu.vector_load %arg9[%get3A_1509] {strides = array<i32>} : memref<4096xf32, #tpu.memory_space<vmem>>, vector<16xf32>,
    %add3A_1511 = arith.addf %add3A_1508, %get3A_1510 : vector<16xf32>
    %get3A_1512 = arith.constant 2688 : index
    %get3A_1513 = tpu.vector_load %arg9[%get3A_1512] {strides = array<i32>} : memref<4096xf32, #tpu.memory_space<vmem>>, vector<16xf32>,
    %add3A_1514 = arith.addf %add3A_1511, %get3A_1513 : vector<16xf32>
    %get3A_1515 = arith.constant 2944 : index
    %get3A_1516 = tpu.vector_load %arg9[%get3A_1515] {strides = array<i32>} : memref<4096xf32, #tpu.memory_space<vmem>>, vector<16xf32>,
    %add3A_1517 = arith.addf %add3A_1514, %get3A_1516 : vector<16xf32>
    %get3A_1518 = arith.constant 3200 : index
    %get3A_1519 = tpu.vector_load %arg9[%get3A_1518] {strides = array<i32>} : memref<4096xf32, #tpu.memory_space<vmem>>, vector<16xf32>,
    %add3A_1520 = arith.addf %add3A_1517, %get3A_1519 : vector<16xf32>
    %get3A_1521 = arith.constant 3456 : index
    %get3A_1522 = tpu.vector_load %arg9[%get3A_1521] {strides = array<i32>} : memref<4096xf32, #tpu.memory_space<vmem>>, vector<16xf32>,
    %add3A_1523 = arith.addf %add3A_1520, %get3A_1522 : vector<16xf32>
    %get3A_1524 = arith.constant 3712 : index
    %get3A_1525 = tpu.vector_load %arg9[%get3A_1524] {strides = array<i32>} : memref<4096xf32, #tpu.memory_space<vmem>>, vector<16xf32>,
    %add3A_1526 = arith.addf %add3A_1523, %get3A_1525 : vector<16xf32>
    %get3A_1527 = arith.constant 3968 : index
    %get3A_1528 = tpu.vector_load %arg9[%get3A_1527] {strides = array<i32>} : memref<4096xf32, #tpu.memory_space<vmem>>, vector<16xf32>,
    %add3A_1529 = arith.addf %add3A_1526, %get3A_1528 : vector<16xf32>
    %swap3A_1530 = arith.constant 128 : index
    %swap3A_1531 = tpu.vector_load %arg10[%swap3A_1530] {strides = array<i32>} : memref<240xf32, #tpu.memory_space<vmem>>, vector<16xf32>,
    tpu.vector_store %arg10[%swap3A_1530], %add3A_1529 {strides = array<i32>} : memref<240xf32, #tpu.memory_space<vmem>>, vector<16xf32>,
    %get3A_1532 = arith.constant 144 : index
    %get3A_1533 = tpu.vector_load %arg9[%get3A_1532] {strides = array<i32>} : memref<4096xf32, #tpu.memory_space<vmem>>, vector<16xf32>,
    %get3A_1534 = arith.constant 400 : index
    %get3A_1535 = tpu.vector_load %arg9[%get3A_1534] {strides = array<i32>} : memref<4096xf32, #tpu.memory_space<vmem>>, vector<16xf32>,
    %add3A_1536 = arith.addf %get3A_1533, %get3A_1535 : vector<16xf32>
    %get3A_1537 = arith.constant 656 : index
    %get3A_1538 = tpu.vector_load %arg9[%get3A_1537] {strides = array<i32>} : memref<4096xf32, #tpu.memory_space<vmem>>, vector<16xf32>,
    %add3A_1539 = arith.addf %add3A_1536, %get3A_1538 : vector<16xf32>
    %get3A_1540 = arith.constant 912 : index
    %get3A_1541 = tpu.vector_load %arg9[%get3A_1540] {strides = array<i32>} : memref<4096xf32, #tpu.memory_space<vmem>>, vector<16xf32>,
    %add3A_1542 = arith.addf %add3A_1539, %get3A_1541 : vector<16xf32>
    %get3A_1543 = arith.constant 1168 : index
    %get3A_1544 = tpu.vector_load %arg9[%get3A_1543] {strides = array<i32>} : memref<4096xf32, #tpu.memory_space<vmem>>, vector<16xf32>,
    %add3A_1545 = arith.addf %add3A_1542, %get3A_1544 : vector<16xf32>
    %get3A_1546 = arith.constant 1424 : index
    %get3A_1547 = tpu.vector_load %arg9[%get3A_1546] {strides = array<i32>} : memref<4096xf32, #tpu.memory_space<vmem>>, vector<16xf32>,
    %add3A_1548 = arith.addf %add3A_1545, %get3A_1547 : vector<16xf32>
    %get3A_1549 = arith.constant 1680 : index
    %get3A_1550 = tpu.vector_load %arg9[%get3A_1549] {strides = array<i32>} : memref<4096xf32, #tpu.memory_space<vmem>>, vector<16xf32>,
    %add3A_1551 = arith.addf %add3A_1548, %get3A_1550 : vector<16xf32>
    %get3A_1552 = arith.constant 1936 : index
    %get3A_1553 = tpu.vector_load %arg9[%get3A_1552] {strides = array<i32>} : memref<4096xf32, #tpu.memory_space<vmem>>, vector<16xf32>,
    %add3A_1554 = arith.addf %add3A_1551, %get3A_1553 : vector<16xf32>
    %get3A_1555 = arith.constant 2192 : index
    %get3A_1556 = tpu.vector_load %arg9[%get3A_1555] {strides = array<i32>} : memref<4096xf32, #tpu.memory_space<vmem>>, vector<16xf32>,
    %add3A_1557 = arith.addf %add3A_1554, %get3A_1556 : vector<16xf32>
    %get3A_1558 = arith.constant 2448 : index
    %get3A_1559 = tpu.vector_load %arg9[%get3A_1558] {strides = array<i32>} : memref<4096xf32, #tpu.memory_space<vmem>>, vector<16xf32>,
    %add3A_1560 = arith.addf %add3A_1557, %get3A_1559 : vector<16xf32>
    %get3A_1561 = arith.constant 2704 : index
    %get3A_1562 = tpu.vector_load %arg9[%get3A_1561] {strides = array<i32>} : memref<4096xf32, #tpu.memory_space<vmem>>, vector<16xf32>,
    %add3A_1563 = arith.addf %add3A_1560, %get3A_1562 : vector<16xf32>
    %get3A_1564 = arith.constant 2960 : index
    %get3A_1565 = tpu.vector_load %arg9[%get3A_1564] {strides = array<i32>} : memref<4096xf32, #tpu.memory_space<vmem>>, vector<16xf32>,
    %add3A_1566 = arith.addf %add3A_1563, %get3A_1565 : vector<16xf32>
    %get3A_1567 = arith.constant 3216 : index
    %get3A_1568 = tpu.vector_load %arg9[%get3A_1567] {strides = array<i32>} : memref<4096xf32, #tpu.memory_space<vmem>>, vector<16xf32>,
    %add3A_1569 = arith.addf %add3A_1566, %get3A_1568 : vector<16xf32>
    %get3A_1570 = arith.constant 3472 : index
    %get3A_1571 = tpu.vector_load %arg9[%get3A_1570] {strides = array<i32>} : memref<4096xf32, #tpu.memory_space<vmem>>, vector<16xf32>,
    %add3A_1572 = arith.addf %add3A_1569, %get3A_1571 : vector<16xf32>
    %get3A_1573 = arith.constant 3728 : index
    %get3A_1574 = tpu.vector_load %arg9[%get3A_1573] {strides = array<i32>} : memref<4096xf32, #tpu.memory_space<vmem>>, vector<16xf32>,
    %add3A_1575 = arith.addf %add3A_1572, %get3A_1574 : vector<16xf32>
    %get3A_1576 = arith.constant 3984 : index
    %get3A_1577 = tpu.vector_load %arg9[%get3A_1576] {strides = array<i32>} : memref<4096xf32, #tpu.memory_space<vmem>>, vector<16xf32>,
    %add3A_1578 = arith.addf %add3A_1575, %get3A_1577 : vector<16xf32>
    %swap3A_1579 = arith.constant 144 : index
    %swap3A_1580 = tpu.vector_load %arg10[%swap3A_1579] {strides = array<i32>} : memref<240xf32, #tpu.memory_space<vmem>>, vector<16xf32>,
    tpu.vector_store %arg10[%swap3A_1579], %add3A_1578 {strides = array<i32>} : memref<240xf32, #tpu.memory_space<vmem>>, vector<16xf32>,
    %get3A_1581 = arith.constant 160 : index
    %get3A_1582 = tpu.vector_load %arg9[%get3A_1581] {strides = array<i32>} : memref<4096xf32, #tpu.memory_space<vmem>>, vector<16xf32>,
    %get3A_1583 = arith.constant 416 : index
    %get3A_1584 = tpu.vector_load %arg9[%get3A_1583] {strides = array<i32>} : memref<4096xf32, #tpu.memory_space<vmem>>, vector<16xf32>,
    %add3A_1585 = arith.addf %get3A_1582, %get3A_1584 : vector<16xf32>
    %get3A_1586 = arith.constant 672 : index
    %get3A_1587 = tpu.vector_load %arg9[%get3A_1586] {strides = array<i32>} : memref<4096xf32, #tpu.memory_space<vmem>>, vector<16xf32>,
    %add3A_1588 = arith.addf %add3A_1585, %get3A_1587 : vector<16xf32>
    %get3A_1589 = arith.constant 928 : index
    %get3A_1590 = tpu.vector_load %arg9[%get3A_1589] {strides = array<i32>} : memref<4096xf32, #tpu.memory_space<vmem>>, vector<16xf32>,
    %add3A_1591 = arith.addf %add3A_1588, %get3A_1590 : vector<16xf32>
    %get3A_1592 = arith.constant 1184 : index
    %get3A_1593 = tpu.vector_load %arg9[%get3A_1592] {strides = array<i32>} : memref<4096xf32, #tpu.memory_space<vmem>>, vector<16xf32>,
    %add3A_1594 = arith.addf %add3A_1591, %get3A_1593 : vector<16xf32>
    %get3A_1595 = arith.constant 1440 : index
    %get3A_1596 = tpu.vector_load %arg9[%get3A_1595] {strides = array<i32>} : memref<4096xf32, #tpu.memory_space<vmem>>, vector<16xf32>,
    %add3A_1597 = arith.addf %add3A_1594, %get3A_1596 : vector<16xf32>
    %get3A_1598 = arith.constant 1696 : index
    %get3A_1599 = tpu.vector_load %arg9[%get3A_1598] {strides = array<i32>} : memref<4096xf32, #tpu.memory_space<vmem>>, vector<16xf32>,
    %add3A_1600 = arith.addf %add3A_1597, %get3A_1599 : vector<16xf32>
    %get3A_1601 = arith.constant 1952 : index
    %get3A_1602 = tpu.vector_load %arg9[%get3A_1601] {strides = array<i32>} : memref<4096xf32, #tpu.memory_space<vmem>>, vector<16xf32>,
    %add3A_1603 = arith.addf %add3A_1600, %get3A_1602 : vector<16xf32>
    %get3A_1604 = arith.constant 2208 : index
    %get3A_1605 = tpu.vector_load %arg9[%get3A_1604] {strides = array<i32>} : memref<4096xf32, #tpu.memory_space<vmem>>, vector<16xf32>,
    %add3A_1606 = arith.addf %add3A_1603, %get3A_1605 : vector<16xf32>
    %get3A_1607 = arith.constant 2464 : index
    %get3A_1608 = tpu.vector_load %arg9[%get3A_1607] {strides = array<i32>} : memref<4096xf32, #tpu.memory_space<vmem>>, vector<16xf32>,
    %add3A_1609 = arith.addf %add3A_1606, %get3A_1608 : vector<16xf32>
    %get3A_1610 = arith.constant 2720 : index
    %get3A_1611 = tpu.vector_load %arg9[%get3A_1610] {strides = array<i32>} : memref<4096xf32, #tpu.memory_space<vmem>>, vector<16xf32>,
    %add3A_1612 = arith.addf %add3A_1609, %get3A_1611 : vector<16xf32>
    %get3A_1613 = arith.constant 2976 : index
    %get3A_1614 = tpu.vector_load %arg9[%get3A_1613] {strides = array<i32>} : memref<4096xf32, #tpu.memory_space<vmem>>, vector<16xf32>,
    %add3A_1615 = arith.addf %add3A_1612, %get3A_1614 : vector<16xf32>
    %get3A_1616 = arith.constant 3232 : index
    %get3A_1617 = tpu.vector_load %arg9[%get3A_1616] {strides = array<i32>} : memref<4096xf32, #tpu.memory_space<vmem>>, vector<16xf32>,
    %add3A_1618 = arith.addf %add3A_1615, %get3A_1617 : vector<16xf32>
    %get3A_1619 = arith.constant 3488 : index
    %get3A_1620 = tpu.vector_load %arg9[%get3A_1619] {strides = array<i32>} : memref<4096xf32, #tpu.memory_space<vmem>>, vector<16xf32>,
    %add3A_1621 = arith.addf %add3A_1618, %get3A_1620 : vector<16xf32>
    %get3A_1622 = arith.constant 3744 : index
    %get3A_1623 = tpu.vector_load %arg9[%get3A_1622] {strides = array<i32>} : memref<4096xf32, #tpu.memory_space<vmem>>, vector<16xf32>,
    %add3A_1624 = arith.addf %add3A_1621, %get3A_1623 : vector<16xf32>
    %get3A_1625 = arith.constant 4000 : index
    %get3A_1626 = tpu.vector_load %arg9[%get3A_1625] {strides = array<i32>} : memref<4096xf32, #tpu.memory_space<vmem>>, vector<16xf32>,
    %add3A_1627 = arith.addf %add3A_1624, %get3A_1626 : vector<16xf32>
    %swap3A_1628 = arith.constant 160 : index
    %swap3A_1629 = tpu.vector_load %arg10[%swap3A_1628] {strides = array<i32>} : memref<240xf32, #tpu.memory_space<vmem>>, vector<16xf32>,
    tpu.vector_store %arg10[%swap3A_1628], %add3A_1627 {strides = array<i32>} : memref<240xf32, #tpu.memory_space<vmem>>, vector<16xf32>,
    %get3A_1630 = arith.constant 176 : index
    %get3A_1631 = tpu.vector_load %arg9[%get3A_1630] {strides = array<i32>} : memref<4096xf32, #tpu.memory_space<vmem>>, vector<16xf32>,
    %get3A_1632 = arith.constant 432 : index
    %get3A_1633 = tpu.vector_load %arg9[%get3A_1632] {strides = array<i32>} : memref<4096xf32, #tpu.memory_space<vmem>>, vector<16xf32>,
    %add3A_1634 = arith.addf %get3A_1631, %get3A_1633 : vector<16xf32>
    %get3A_1635 = arith.constant 688 : index
    %get3A_1636 = tpu.vector_load %arg9[%get3A_1635] {strides = array<i32>} : memref<4096xf32, #tpu.memory_space<vmem>>, vector<16xf32>,
    %add3A_1637 = arith.addf %add3A_1634, %get3A_1636 : vector<16xf32>
    %get3A_1638 = arith.constant 944 : index
    %get3A_1639 = tpu.vector_load %arg9[%get3A_1638] {strides = array<i32>} : memref<4096xf32, #tpu.memory_space<vmem>>, vector<16xf32>,
    %add3A_1640 = arith.addf %add3A_1637, %get3A_1639 : vector<16xf32>
    %get3A_1641 = arith.constant 1200 : index
    %get3A_1642 = tpu.vector_load %arg9[%get3A_1641] {strides = array<i32>} : memref<4096xf32, #tpu.memory_space<vmem>>, vector<16xf32>,
    %add3A_1643 = arith.addf %add3A_1640, %get3A_1642 : vector<16xf32>
    %get3A_1644 = arith.constant 1456 : index
    %get3A_1645 = tpu.vector_load %arg9[%get3A_1644] {strides = array<i32>} : memref<4096xf32, #tpu.memory_space<vmem>>, vector<16xf32>,
    %add3A_1646 = arith.addf %add3A_1643, %get3A_1645 : vector<16xf32>
    %get3A_1647 = arith.constant 1712 : index
    %get3A_1648 = tpu.vector_load %arg9[%get3A_1647] {strides = array<i32>} : memref<4096xf32, #tpu.memory_space<vmem>>, vector<16xf32>,
    %add3A_1649 = arith.addf %add3A_1646, %get3A_1648 : vector<16xf32>
    %get3A_1650 = arith.constant 1968 : index
    %get3A_1651 = tpu.vector_load %arg9[%get3A_1650] {strides = array<i32>} : memref<4096xf32, #tpu.memory_space<vmem>>, vector<16xf32>,
    %add3A_1652 = arith.addf %add3A_1649, %get3A_1651 : vector<16xf32>
    %get3A_1653 = arith.constant 2224 : index
    %get3A_1654 = tpu.vector_load %arg9[%get3A_1653] {strides = array<i32>} : memref<4096xf32, #tpu.memory_space<vmem>>, vector<16xf32>,
    %add3A_1655 = arith.addf %add3A_1652, %get3A_1654 : vector<16xf32>
    %get3A_1656 = arith.constant 2480 : index
    %get3A_1657 = tpu.vector_load %arg9[%get3A_1656] {strides = array<i32>} : memref<4096xf32, #tpu.memory_space<vmem>>, vector<16xf32>,
    %add3A_1658 = arith.addf %add3A_1655, %get3A_1657 : vector<16xf32>
    %get3A_1659 = arith.constant 2736 : index
    %get3A_1660 = tpu.vector_load %arg9[%get3A_1659] {strides = array<i32>} : memref<4096xf32, #tpu.memory_space<vmem>>, vector<16xf32>,
    %add3A_1661 = arith.addf %add3A_1658, %get3A_1660 : vector<16xf32>
    %get3A_1662 = arith.constant 2992 : index
    %get3A_1663 = tpu.vector_load %arg9[%get3A_1662] {strides = array<i32>} : memref<4096xf32, #tpu.memory_space<vmem>>, vector<16xf32>,
    %add3A_1664 = arith.addf %add3A_1661, %get3A_1663 : vector<16xf32>
    %get3A_1665 = arith.constant 3248 : index
    %get3A_1666 = tpu.vector_load %arg9[%get3A_1665] {strides = array<i32>} : memref<4096xf32, #tpu.memory_space<vmem>>, vector<16xf32>,
    %add3A_1667 = arith.addf %add3A_1664, %get3A_1666 : vector<16xf32>
    %get3A_1668 = arith.constant 3504 : index
    %get3A_1669 = tpu.vector_load %arg9[%get3A_1668] {strides = array<i32>} : memref<4096xf32, #tpu.memory_space<vmem>>, vector<16xf32>,
    %add3A_1670 = arith.addf %add3A_1667, %get3A_1669 : vector<16xf32>
    %get3A_1671 = arith.constant 3760 : index
    %get3A_1672 = tpu.vector_load %arg9[%get3A_1671] {strides = array<i32>} : memref<4096xf32, #tpu.memory_space<vmem>>, vector<16xf32>,
    %add3A_1673 = arith.addf %add3A_1670, %get3A_1672 : vector<16xf32>
    %get3A_1674 = arith.constant 4016 : index
    %get3A_1675 = tpu.vector_load %arg9[%get3A_1674] {strides = array<i32>} : memref<4096xf32, #tpu.memory_space<vmem>>, vector<16xf32>,
    %add3A_1676 = arith.addf %add3A_1673, %get3A_1675 : vector<16xf32>
    %swap3A_1677 = arith.constant 176 : index
    %swap3A_1678 = tpu.vector_load %arg10[%swap3A_1677] {strides = array<i32>} : memref<240xf32, #tpu.memory_space<vmem>>, vector<16xf32>,
    tpu.vector_store %arg10[%swap3A_1677], %add3A_1676 {strides = array<i32>} : memref<240xf32, #tpu.memory_space<vmem>>, vector<16xf32>,
    %get3A_1679 = arith.constant 192 : index
    %get3A_1680 = tpu.vector_load %arg9[%get3A_1679] {strides = array<i32>} : memref<4096xf32, #tpu.memory_space<vmem>>, vector<16xf32>,
    %get3A_1681 = arith.constant 448 : index
    %get3A_1682 = tpu.vector_load %arg9[%get3A_1681] {strides = array<i32>} : memref<4096xf32, #tpu.memory_space<vmem>>, vector<16xf32>,
    %add3A_1683 = arith.addf %get3A_1680, %get3A_1682 : vector<16xf32>
    %get3A_1684 = arith.constant 704 : index
    %get3A_1685 = tpu.vector_load %arg9[%get3A_1684] {strides = array<i32>} : memref<4096xf32, #tpu.memory_space<vmem>>, vector<16xf32>,
    %add3A_1686 = arith.addf %add3A_1683, %get3A_1685 : vector<16xf32>
    %get3A_1687 = arith.constant 960 : index
    %get3A_1688 = tpu.vector_load %arg9[%get3A_1687] {strides = array<i32>} : memref<4096xf32, #tpu.memory_space<vmem>>, vector<16xf32>,
    %add3A_1689 = arith.addf %add3A_1686, %get3A_1688 : vector<16xf32>
    %get3A_1690 = arith.constant 1216 : index
    %get3A_1691 = tpu.vector_load %arg9[%get3A_1690] {strides = array<i32>} : memref<4096xf32, #tpu.memory_space<vmem>>, vector<16xf32>,
    %add3A_1692 = arith.addf %add3A_1689, %get3A_1691 : vector<16xf32>
    %get3A_1693 = arith.constant 1472 : index
    %get3A_1694 = tpu.vector_load %arg9[%get3A_1693] {strides = array<i32>} : memref<4096xf32, #tpu.memory_space<vmem>>, vector<16xf32>,
    %add3A_1695 = arith.addf %add3A_1692, %get3A_1694 : vector<16xf32>
    %get3A_1696 = arith.constant 1728 : index
    %get3A_1697 = tpu.vector_load %arg9[%get3A_1696] {strides = array<i32>} : memref<4096xf32, #tpu.memory_space<vmem>>, vector<16xf32>,
    %add3A_1698 = arith.addf %add3A_1695, %get3A_1697 : vector<16xf32>
    %get3A_1699 = arith.constant 1984 : index
    %get3A_1700 = tpu.vector_load %arg9[%get3A_1699] {strides = array<i32>} : memref<4096xf32, #tpu.memory_space<vmem>>, vector<16xf32>,
    %add3A_1701 = arith.addf %add3A_1698, %get3A_1700 : vector<16xf32>
    %get3A_1702 = arith.constant 2240 : index
    %get3A_1703 = tpu.vector_load %arg9[%get3A_1702] {strides = array<i32>} : memref<4096xf32, #tpu.memory_space<vmem>>, vector<16xf32>,
    %add3A_1704 = arith.addf %add3A_1701, %get3A_1703 : vector<16xf32>
    %get3A_1705 = arith.constant 2496 : index
    %get3A_1706 = tpu.vector_load %arg9[%get3A_1705] {strides = array<i32>} : memref<4096xf32, #tpu.memory_space<vmem>>, vector<16xf32>,
    %add3A_1707 = arith.addf %add3A_1704, %get3A_1706 : vector<16xf32>
    %get3A_1708 = arith.constant 2752 : index
    %get3A_1709 = tpu.vector_load %arg9[%get3A_1708] {strides = array<i32>} : memref<4096xf32, #tpu.memory_space<vmem>>, vector<16xf32>,
    %add3A_1710 = arith.addf %add3A_1707, %get3A_1709 : vector<16xf32>
    %get3A_1711 = arith.constant 3008 : index
    %get3A_1712 = tpu.vector_load %arg9[%get3A_1711] {strides = array<i32>} : memref<4096xf32, #tpu.memory_space<vmem>>, vector<16xf32>,
    %add3A_1713 = arith.addf %add3A_1710, %get3A_1712 : vector<16xf32>
    %get3A_1714 = arith.constant 3264 : index
    %get3A_1715 = tpu.vector_load %arg9[%get3A_1714] {strides = array<i32>} : memref<4096xf32, #tpu.memory_space<vmem>>, vector<16xf32>,
    %add3A_1716 = arith.addf %add3A_1713, %get3A_1715 : vector<16xf32>
    %get3A_1717 = arith.constant 3520 : index
    %get3A_1718 = tpu.vector_load %arg9[%get3A_1717] {strides = array<i32>} : memref<4096xf32, #tpu.memory_space<vmem>>, vector<16xf32>,
    %add3A_1719 = arith.addf %add3A_1716, %get3A_1718 : vector<16xf32>
    %get3A_1720 = arith.constant 3776 : index
    %get3A_1721 = tpu.vector_load %arg9[%get3A_1720] {strides = array<i32>} : memref<4096xf32, #tpu.memory_space<vmem>>, vector<16xf32>,
    %add3A_1722 = arith.addf %add3A_1719, %get3A_1721 : vector<16xf32>
    %get3A_1723 = arith.constant 4032 : index
    %get3A_1724 = tpu.vector_load %arg9[%get3A_1723] {strides = array<i32>} : memref<4096xf32, #tpu.memory_space<vmem>>, vector<16xf32>,
    %add3A_1725 = arith.addf %add3A_1722, %get3A_1724 : vector<16xf32>
    %swap3A_1726 = arith.constant 192 : index
    %swap3A_1727 = tpu.vector_load %arg10[%swap3A_1726] {strides = array<i32>} : memref<240xf32, #tpu.memory_space<vmem>>, vector<16xf32>,
    tpu.vector_store %arg10[%swap3A_1726], %add3A_1725 {strides = array<i32>} : memref<240xf32, #tpu.memory_space<vmem>>, vector<16xf32>,
    %get3A_1728 = arith.constant 208 : index
    %get3A_1729 = tpu.vector_load %arg9[%get3A_1728] {strides = array<i32>} : memref<4096xf32, #tpu.memory_space<vmem>>, vector<16xf32>,
    %get3A_1730 = arith.constant 464 : index
    %get3A_1731 = tpu.vector_load %arg9[%get3A_1730] {strides = array<i32>} : memref<4096xf32, #tpu.memory_space<vmem>>, vector<16xf32>,
    %add3A_1732 = arith.addf %get3A_1729, %get3A_1731 : vector<16xf32>
    %get3A_1733 = arith.constant 720 : index
    %get3A_1734 = tpu.vector_load %arg9[%get3A_1733] {strides = array<i32>} : memref<4096xf32, #tpu.memory_space<vmem>>, vector<16xf32>,
    %add3A_1735 = arith.addf %add3A_1732, %get3A_1734 : vector<16xf32>
    %get3A_1736 = arith.constant 976 : index
    %get3A_1737 = tpu.vector_load %arg9[%get3A_1736] {strides = array<i32>} : memref<4096xf32, #tpu.memory_space<vmem>>, vector<16xf32>,
    %add3A_1738 = arith.addf %add3A_1735, %get3A_1737 : vector<16xf32>
    %get3A_1739 = arith.constant 1232 : index
    %get3A_1740 = tpu.vector_load %arg9[%get3A_1739] {strides = array<i32>} : memref<4096xf32, #tpu.memory_space<vmem>>, vector<16xf32>,
    %add3A_1741 = arith.addf %add3A_1738, %get3A_1740 : vector<16xf32>
    %get3A_1742 = arith.constant 1488 : index
    %get3A_1743 = tpu.vector_load %arg9[%get3A_1742] {strides = array<i32>} : memref<4096xf32, #tpu.memory_space<vmem>>, vector<16xf32>,
    %add3A_1744 = arith.addf %add3A_1741, %get3A_1743 : vector<16xf32>
    %get3A_1745 = arith.constant 1744 : index
    %get3A_1746 = tpu.vector_load %arg9[%get3A_1745] {strides = array<i32>} : memref<4096xf32, #tpu.memory_space<vmem>>, vector<16xf32>,
    %add3A_1747 = arith.addf %add3A_1744, %get3A_1746 : vector<16xf32>
    %get3A_1748 = arith.constant 2000 : index
    %get3A_1749 = tpu.vector_load %arg9[%get3A_1748] {strides = array<i32>} : memref<4096xf32, #tpu.memory_space<vmem>>, vector<16xf32>,
    %add3A_1750 = arith.addf %add3A_1747, %get3A_1749 : vector<16xf32>
    %get3A_1751 = arith.constant 2256 : index
    %get3A_1752 = tpu.vector_load %arg9[%get3A_1751] {strides = array<i32>} : memref<4096xf32, #tpu.memory_space<vmem>>, vector<16xf32>,
    %add3A_1753 = arith.addf %add3A_1750, %get3A_1752 : vector<16xf32>
    %get3A_1754 = arith.constant 2512 : index
    %get3A_1755 = tpu.vector_load %arg9[%get3A_1754] {strides = array<i32>} : memref<4096xf32, #tpu.memory_space<vmem>>, vector<16xf32>,
    %add3A_1756 = arith.addf %add3A_1753, %get3A_1755 : vector<16xf32>
    %get3A_1757 = arith.constant 2768 : index
    %get3A_1758 = tpu.vector_load %arg9[%get3A_1757] {strides = array<i32>} : memref<4096xf32, #tpu.memory_space<vmem>>, vector<16xf32>,
    %add3A_1759 = arith.addf %add3A_1756, %get3A_1758 : vector<16xf32>
    %get3A_1760 = arith.constant 3024 : index
    %get3A_1761 = tpu.vector_load %arg9[%get3A_1760] {strides = array<i32>} : memref<4096xf32, #tpu.memory_space<vmem>>, vector<16xf32>,
    %add3A_1762 = arith.addf %add3A_1759, %get3A_1761 : vector<16xf32>
    %get3A_1763 = arith.constant 3280 : index
    %get3A_1764 = tpu.vector_load %arg9[%get3A_1763] {strides = array<i32>} : memref<4096xf32, #tpu.memory_space<vmem>>, vector<16xf32>,
    %add3A_1765 = arith.addf %add3A_1762, %get3A_1764 : vector<16xf32>
    %get3A_1766 = arith.constant 3536 : index
    %get3A_1767 = tpu.vector_load %arg9[%get3A_1766] {strides = array<i32>} : memref<4096xf32, #tpu.memory_space<vmem>>, vector<16xf32>,
    %add3A_1768 = arith.addf %add3A_1765, %get3A_1767 : vector<16xf32>
    %get3A_1769 = arith.constant 3792 : index
    %get3A_1770 = tpu.vector_load %arg9[%get3A_1769] {strides = array<i32>} : memref<4096xf32, #tpu.memory_space<vmem>>, vector<16xf32>,
    %add3A_1771 = arith.addf %add3A_1768, %get3A_1770 : vector<16xf32>
    %get3A_1772 = arith.constant 4048 : index
    %get3A_1773 = tpu.vector_load %arg9[%get3A_1772] {strides = array<i32>} : memref<4096xf32, #tpu.memory_space<vmem>>, vector<16xf32>,
    %add3A_1774 = arith.addf %add3A_1771, %get3A_1773 : vector<16xf32>
    %swap3A_1775 = arith.constant 208 : index
    %swap3A_1776 = tpu.vector_load %arg10[%swap3A_1775] {strides = array<i32>} : memref<240xf32, #tpu.memory_space<vmem>>, vector<16xf32>,
    tpu.vector_store %arg10[%swap3A_1775], %add3A_1774 {strides = array<i32>} : memref<240xf32, #tpu.memory_space<vmem>>, vector<16xf32>,
    %get3A_1777 = arith.constant 224 : index
    %get3A_1778 = tpu.vector_load %arg9[%get3A_1777] {strides = array<i32>} : memref<4096xf32, #tpu.memory_space<vmem>>, vector<16xf32>,
    %get3A_1779 = arith.constant 480 : index
    %get3A_1780 = tpu.vector_load %arg9[%get3A_1779] {strides = array<i32>} : memref<4096xf32, #tpu.memory_space<vmem>>, vector<16xf32>,
    %add3A_1781 = arith.addf %get3A_1778, %get3A_1780 : vector<16xf32>
    %get3A_1782 = arith.constant 736 : index
    %get3A_1783 = tpu.vector_load %arg9[%get3A_1782] {strides = array<i32>} : memref<4096xf32, #tpu.memory_space<vmem>>, vector<16xf32>,
    %add3A_1784 = arith.addf %add3A_1781, %get3A_1783 : vector<16xf32>
    %get3A_1785 = arith.constant 992 : index
    %get3A_1786 = tpu.vector_load %arg9[%get3A_1785] {strides = array<i32>} : memref<4096xf32, #tpu.memory_space<vmem>>, vector<16xf32>,
    %add3A_1787 = arith.addf %add3A_1784, %get3A_1786 : vector<16xf32>
    %get3A_1788 = arith.constant 1248 : index
    %get3A_1789 = tpu.vector_load %arg9[%get3A_1788] {strides = array<i32>} : memref<4096xf32, #tpu.memory_space<vmem>>, vector<16xf32>,
    %add3A_1790 = arith.addf %add3A_1787, %get3A_1789 : vector<16xf32>
    %get3A_1791 = arith.constant 1504 : index
    %get3A_1792 = tpu.vector_load %arg9[%get3A_1791] {strides = array<i32>} : memref<4096xf32, #tpu.memory_space<vmem>>, vector<16xf32>,
    %add3A_1793 = arith.addf %add3A_1790, %get3A_1792 : vector<16xf32>
    %get3A_1794 = arith.constant 1760 : index
    %get3A_1795 = tpu.vector_load %arg9[%get3A_1794] {strides = array<i32>} : memref<4096xf32, #tpu.memory_space<vmem>>, vector<16xf32>,
    %add3A_1796 = arith.addf %add3A_1793, %get3A_1795 : vector<16xf32>
    %get3A_1797 = arith.constant 2016 : index
    %get3A_1798 = tpu.vector_load %arg9[%get3A_1797] {strides = array<i32>} : memref<4096xf32, #tpu.memory_space<vmem>>, vector<16xf32>,
    %add3A_1799 = arith.addf %add3A_1796, %get3A_1798 : vector<16xf32>
    %get3A_1800 = arith.constant 2272 : index
    %get3A_1801 = tpu.vector_load %arg9[%get3A_1800] {strides = array<i32>} : memref<4096xf32, #tpu.memory_space<vmem>>, vector<16xf32>,
    %add3A_1802 = arith.addf %add3A_1799, %get3A_1801 : vector<16xf32>
    %get3A_1803 = arith.constant 2528 : index
    %get3A_1804 = tpu.vector_load %arg9[%get3A_1803] {strides = array<i32>} : memref<4096xf32, #tpu.memory_space<vmem>>, vector<16xf32>,
    %add3A_1805 = arith.addf %add3A_1802, %get3A_1804 : vector<16xf32>
    %get3A_1806 = arith.constant 2784 : index
    %get3A_1807 = tpu.vector_load %arg9[%get3A_1806] {strides = array<i32>} : memref<4096xf32, #tpu.memory_space<vmem>>, vector<16xf32>,
    %add3A_1808 = arith.addf %add3A_1805, %get3A_1807 : vector<16xf32>
    %get3A_1809 = arith.constant 3040 : index
    %get3A_1810 = tpu.vector_load %arg9[%get3A_1809] {strides = array<i32>} : memref<4096xf32, #tpu.memory_space<vmem>>, vector<16xf32>,
    %add3A_1811 = arith.addf %add3A_1808, %get3A_1810 : vector<16xf32>
    %get3A_1812 = arith.constant 3296 : index
    %get3A_1813 = tpu.vector_load %arg9[%get3A_1812] {strides = array<i32>} : memref<4096xf32, #tpu.memory_space<vmem>>, vector<16xf32>,
    %add3A_1814 = arith.addf %add3A_1811, %get3A_1813 : vector<16xf32>
    %get3A_1815 = arith.constant 3552 : index
    %get3A_1816 = tpu.vector_load %arg9[%get3A_1815] {strides = array<i32>} : memref<4096xf32, #tpu.memory_space<vmem>>, vector<16xf32>,
    %add3A_1817 = arith.addf %add3A_1814, %get3A_1816 : vector<16xf32>
    %get3A_1818 = arith.constant 3808 : index
    %get3A_1819 = tpu.vector_load %arg9[%get3A_1818] {strides = array<i32>} : memref<4096xf32, #tpu.memory_space<vmem>>, vector<16xf32>,
    %add3A_1820 = arith.addf %add3A_1817, %get3A_1819 : vector<16xf32>
    %get3A_1821 = arith.constant 4064 : index
    %get3A_1822 = tpu.vector_load %arg9[%get3A_1821] {strides = array<i32>} : memref<4096xf32, #tpu.memory_space<vmem>>, vector<16xf32>,
    %add3A_1823 = arith.addf %add3A_1820, %get3A_1822 : vector<16xf32>
    %swap3A_1824 = arith.constant 224 : index
    %swap3A_1825 = tpu.vector_load %arg10[%swap3A_1824] {strides = array<i32>} : memref<240xf32, #tpu.memory_space<vmem>>, vector<16xf32>,
    tpu.vector_store %arg10[%swap3A_1824], %add3A_1823 {strides = array<i32>} : memref<240xf32, #tpu.memory_space<vmem>>, vector<16xf32>,
    "tpu.region"() ({
      %run_scoped3A = tpu.sem_alloc : memref<!tpu.dma_semaphore, #tpu.memory_space<semaphore_mem>>
      %dma_start3A_1826 = arith.constant 0 : i32
      %dma_start3A_1827 = tpu.memref_slice %arg4[%add3A, %dma_start3A_1826] : memref<32x240xf32, #tpu.memory_space<hbm>> -> memref<1x240xf32, #tpu.memory_space<hbm>>
      %dma_start3A_1828 = tpu.memref_squeeze %dma_start3A_1827 : memref<1x240xf32, #tpu.memory_space<hbm>> -> memref<240xf32, #tpu.memory_space<hbm>>
      %dma_start3A_1829 = arith.constant 0 : i32
      %dma_start3A_1830 = tpu.memref_slice %arg4[%add3A, %dma_start3A_1829] : memref<32x240xf32, #tpu.memory_space<hbm>> -> memref<1x240xf32, #tpu.memory_space<hbm>>
      %dma_start3A_1831 = tpu.memref_squeeze %dma_start3A_1830 : memref<1x240xf32, #tpu.memory_space<hbm>> -> memref<240xf32, #tpu.memory_space<hbm>>
      tpu.enqueue_dma source(%arg10 : memref<240xf32, #tpu.memory_space<vmem>>) target(%dma_start3A_1831 : memref<240xf32, #tpu.memory_space<hbm>>) target_semaphore(%run_scoped3A : memref<!tpu.dma_semaphore, #tpu.memory_space<semaphore_mem>>)
      %dma_wait3A = arith.constant 0 : i32
      %dma_wait3A_1832 = tpu.memref_slice %arg4[%add3A, %dma_wait3A] : memref<32x240xf32, #tpu.memory_space<hbm>> -> memref<1x240xf32, #tpu.memory_space<hbm>>
      %dma_wait3A_1833 = tpu.memref_squeeze %dma_wait3A_1832 : memref<1x240xf32, #tpu.memory_space<hbm>> -> memref<240xf32, #tpu.memory_space<hbm>>
      %dma_wait3A_1834 = arith.constant 0 : i32
      %dma_wait3A_1835 = tpu.memref_slice %arg4[%add3A, %dma_wait3A_1834] : memref<32x240xf32, #tpu.memory_space<hbm>> -> memref<1x240xf32, #tpu.memory_space<hbm>>
      %dma_wait3A_1836 = tpu.memref_squeeze %dma_wait3A_1835 : memref<1x240xf32, #tpu.memory_space<hbm>> -> memref<240xf32, #tpu.memory_space<hbm>>
      tpu.wait_dma2 semaphore(%run_scoped3A : memref<!tpu.dma_semaphore, #tpu.memory_space<semaphore_mem>>) src(%arg10 : memref<240xf32, #tpu.memory_space<vmem>>) dst(%dma_wait3A_1836 : memref<240xf32, #tpu.memory_space<hbm>>)
      tpu.yield
    }) : () -> ()
    return
  }
}

module attributes {stable_mosaic.version = 14 : i64} {
  func.func @_tc_hist_body(%arg0: i32, %arg1: memref<512x1024xf32, #tpu.memory_space<vmem>>, %arg2: memref<512x1024xi32, #tpu.memory_space<vmem>>, %arg3: memref<120x1024xf32, #tpu.memory_space<vmem>>) attributes {dimension_semantics = [#tpu.dimension_semantics<arbitrary>], iteration_bounds = array<i64: 26>, scalar_prefetch = 0 : i64, scratch_operands = 0 : i64, tpu.core_type = #tpu.core_type<tc>, window_params = [{transform_indices = @transform_0, window_bounds = array<i64: 512, 1024>}, {transform_indices = @transform_1, window_bounds = array<i64: 512, 1024>}, {pipeline_mode = #tpu.pipeline_mode<synchronous>, transform_indices = @transform_2, window_bounds = array<i64: 120, 1024>}]} {
    %eq3A = arith.constant 0 : i32
    %eq3A_0 = arith.cmpi eq, %arg0, %eq3A : i32
    %convert_element_type3A = arith.extui %eq3A_0 : i1 to i32
    %cond3A = arith.constant 0 : i32
    %cond3A_1 = arith.cmpi ne, %convert_element_type3A, %cond3A : i32
    scf.if %cond3A_1 {
      %broadcast_in_dim3A_258 = arith.constant 0.000000e+00 : f32
      %broadcast_in_dim3A_259 = vector.broadcast %broadcast_in_dim3A_258 : f32 to vector<120x1024xf32>
      %swap3A_260 = arith.constant 0 : index
      %swap3A_261 = arith.constant 0 : index
      %swap3A_262 = vector.load %arg3[%swap3A_260, %swap3A_261] : memref<120x1024xf32, #tpu.memory_space<vmem>>, vector<120x1024xf32>
      tpu.vector_store %arg3[%swap3A_260, %swap3A_261], %broadcast_in_dim3A_259 {strides = array<i32>} : memref<120x1024xf32, #tpu.memory_space<vmem>>, vector<120x1024xf32>,
    } else {
    }
    %get3A = arith.constant 0 : index
    %get3A_2 = arith.constant 0 : index
    %get3A_3 = vector.load %arg1[%get3A, %get3A_2] : memref<512x1024xf32, #tpu.memory_space<vmem>>, vector<512x1024xf32>
    %neg3A = arith.constant 0.000000e+00 : f32
    %neg3A_4 = vector.broadcast %neg3A : f32 to vector<512x1024xf32>
    %neg3A_5 = arith.subf %neg3A_4, %get3A_3 : vector<512x1024xf32>
    %exp3A = math.exp %neg3A_5 : vector<512x1024xf32>
    %add3A = arith.constant 1.000000e+00 : f32
    %add3A_6 = vector.broadcast %add3A : f32 to vector<512x1024xf32>
    %add3A_7 = arith.addf %add3A_6, %exp3A : vector<512x1024xf32>
    %div3A = arith.constant 1.000000e+00 : f32
    %div3A_8 = vector.broadcast %div3A : f32 to vector<512x1024xf32>
    %div3A_9 = arith.divf %div3A_8, %add3A_7 : vector<512x1024xf32>
    %mul3A = arith.constant 1.500000e+01 : f32
    %mul3A_10 = vector.broadcast %mul3A : f32 to vector<512x1024xf32>
    %mul3A_11 = arith.mulf %div3A_9, %mul3A_10 : vector<512x1024xf32>
    %convert_element_type3A_12 = arith.fptosi %mul3A_11 : vector<512x1024xf32> to vector<512x1024xi32>
    %min3A = arith.constant 14 : i32
    %min3A_13 = vector.broadcast %min3A : i32 to vector<512x1024xi32>
    %min3A_14 = arith.minsi %convert_element_type3A_12, %min3A_13 : vector<512x1024xi32>
    %gt3A = arith.constant 0.000000e+00 : f32
    %gt3A_15 = vector.broadcast %gt3A : f32 to vector<512x1024xf32>
    %gt3A_16 = arith.cmpf ogt, %div3A_9, %gt3A_15 : vector<512x1024xf32>
    %jit3A = arith.constant 15 : i32
    %broadcast_in_dim3A = vector.broadcast %jit3A : i32 to vector<512x1024xi32>
    %select_n3A = arith.select %gt3A_16, %min3A_14, %broadcast_in_dim3A : vector<512x1024xi1>, vector<512x1024xi32>
    %get3A_17 = arith.constant 0 : index
    %get3A_18 = arith.constant 0 : index
    %get3A_19 = vector.load %arg2[%get3A_17, %get3A_18] : memref<512x1024xi32, #tpu.memory_space<vmem>>, vector<512x1024xi32>
    %convert_element_type3A_20 = arith.sitofp %get3A_19 : vector<512x1024xi32> to vector<512x1024xf32>
    %sub3A = arith.subf %div3A_9, %convert_element_type3A_20 : vector<512x1024xf32>
    %eq3A_21 = arith.constant 0 : i32
    %eq3A_22 = vector.broadcast %eq3A_21 : i32 to vector<512x1024xi32>
    %eq3A_23 = arith.cmpi eq, %select_n3A, %eq3A_22 : vector<512x1024xi32>
    %jit3A_24 = arith.constant 0.000000e+00 : f32
    %broadcast_in_dim3A_25 = vector.broadcast %jit3A_24 : f32 to vector<512x1024xf32>
    %select_n3A_26 = arith.select %eq3A_23, %sub3A, %broadcast_in_dim3A_25 : vector<512x1024xi1>, vector<512x1024xf32>
    %reshape3A = vector.shape_cast %select_n3A_26 : vector<512x1024xf32> to vector<64x8x1024xf32>
    %reduce_sum3A = arith.constant dense<0.000000e+00> : vector<8x1024xf32>
    %reduce_sum3A_27 = vector.multi_reduction <add>, %reshape3A, %reduce_sum3A [0] : vector<64x8x1024xf32> to vector<8x1024xf32>
    %get3A_28 = arith.constant 0 : index
    %get3A_29 = arith.constant 0 : index
    %get3A_30 = vector.load %arg3[%get3A_28, %get3A_29] : memref<120x1024xf32, #tpu.memory_space<vmem>>, vector<8x1024xf32>
    %add3A_31 = arith.addf %get3A_30, %reduce_sum3A_27 : vector<8x1024xf32>
    %swap3A = arith.constant 0 : index
    %swap3A_32 = arith.constant 0 : index
    %swap3A_33 = vector.load %arg3[%swap3A, %swap3A_32] : memref<120x1024xf32, #tpu.memory_space<vmem>>, vector<8x1024xf32>
    tpu.vector_store %arg3[%swap3A, %swap3A_32], %add3A_31 {strides = array<i32>} : memref<120x1024xf32, #tpu.memory_space<vmem>>, vector<8x1024xf32>,
    %eq3A_34 = arith.constant 1 : i32
    %eq3A_35 = vector.broadcast %eq3A_34 : i32 to vector<512x1024xi32>
    %eq3A_36 = arith.cmpi eq, %select_n3A, %eq3A_35 : vector<512x1024xi32>
    %jit3A_37 = arith.constant 0.000000e+00 : f32
    %broadcast_in_dim3A_38 = vector.broadcast %jit3A_37 : f32 to vector<512x1024xf32>
    %select_n3A_39 = arith.select %eq3A_36, %sub3A, %broadcast_in_dim3A_38 : vector<512x1024xi1>, vector<512x1024xf32>
    %reshape3A_40 = vector.shape_cast %select_n3A_39 : vector<512x1024xf32> to vector<64x8x1024xf32>
    %reduce_sum3A_41 = arith.constant dense<0.000000e+00> : vector<8x1024xf32>
    %reduce_sum3A_42 = vector.multi_reduction <add>, %reshape3A_40, %reduce_sum3A_41 [0] : vector<64x8x1024xf32> to vector<8x1024xf32>
    %get3A_43 = arith.constant 8 : index
    %get3A_44 = arith.constant 0 : index
    %get3A_45 = vector.load %arg3[%get3A_43, %get3A_44] : memref<120x1024xf32, #tpu.memory_space<vmem>>, vector<8x1024xf32>
    %add3A_46 = arith.addf %get3A_45, %reduce_sum3A_42 : vector<8x1024xf32>
    %swap3A_47 = arith.constant 8 : index
    %swap3A_48 = arith.constant 0 : index
    %swap3A_49 = vector.load %arg3[%swap3A_47, %swap3A_48] : memref<120x1024xf32, #tpu.memory_space<vmem>>, vector<8x1024xf32>
    tpu.vector_store %arg3[%swap3A_47, %swap3A_48], %add3A_46 {strides = array<i32>} : memref<120x1024xf32, #tpu.memory_space<vmem>>, vector<8x1024xf32>,
    %eq3A_50 = arith.constant 2 : i32
    %eq3A_51 = vector.broadcast %eq3A_50 : i32 to vector<512x1024xi32>
    %eq3A_52 = arith.cmpi eq, %select_n3A, %eq3A_51 : vector<512x1024xi32>
    %jit3A_53 = arith.constant 0.000000e+00 : f32
    %broadcast_in_dim3A_54 = vector.broadcast %jit3A_53 : f32 to vector<512x1024xf32>
    %select_n3A_55 = arith.select %eq3A_52, %sub3A, %broadcast_in_dim3A_54 : vector<512x1024xi1>, vector<512x1024xf32>
    %reshape3A_56 = vector.shape_cast %select_n3A_55 : vector<512x1024xf32> to vector<64x8x1024xf32>
    %reduce_sum3A_57 = arith.constant dense<0.000000e+00> : vector<8x1024xf32>
    %reduce_sum3A_58 = vector.multi_reduction <add>, %reshape3A_56, %reduce_sum3A_57 [0] : vector<64x8x1024xf32> to vector<8x1024xf32>
    %get3A_59 = arith.constant 16 : index
    %get3A_60 = arith.constant 0 : index
    %get3A_61 = vector.load %arg3[%get3A_59, %get3A_60] : memref<120x1024xf32, #tpu.memory_space<vmem>>, vector<8x1024xf32>
    %add3A_62 = arith.addf %get3A_61, %reduce_sum3A_58 : vector<8x1024xf32>
    %swap3A_63 = arith.constant 16 : index
    %swap3A_64 = arith.constant 0 : index
    %swap3A_65 = vector.load %arg3[%swap3A_63, %swap3A_64] : memref<120x1024xf32, #tpu.memory_space<vmem>>, vector<8x1024xf32>
    tpu.vector_store %arg3[%swap3A_63, %swap3A_64], %add3A_62 {strides = array<i32>} : memref<120x1024xf32, #tpu.memory_space<vmem>>, vector<8x1024xf32>,
    %eq3A_66 = arith.constant 3 : i32
    %eq3A_67 = vector.broadcast %eq3A_66 : i32 to vector<512x1024xi32>
    %eq3A_68 = arith.cmpi eq, %select_n3A, %eq3A_67 : vector<512x1024xi32>
    %jit3A_69 = arith.constant 0.000000e+00 : f32
    %broadcast_in_dim3A_70 = vector.broadcast %jit3A_69 : f32 to vector<512x1024xf32>
    %select_n3A_71 = arith.select %eq3A_68, %sub3A, %broadcast_in_dim3A_70 : vector<512x1024xi1>, vector<512x1024xf32>
    %reshape3A_72 = vector.shape_cast %select_n3A_71 : vector<512x1024xf32> to vector<64x8x1024xf32>
    %reduce_sum3A_73 = arith.constant dense<0.000000e+00> : vector<8x1024xf32>
    %reduce_sum3A_74 = vector.multi_reduction <add>, %reshape3A_72, %reduce_sum3A_73 [0] : vector<64x8x1024xf32> to vector<8x1024xf32>
    %get3A_75 = arith.constant 24 : index
    %get3A_76 = arith.constant 0 : index
    %get3A_77 = vector.load %arg3[%get3A_75, %get3A_76] : memref<120x1024xf32, #tpu.memory_space<vmem>>, vector<8x1024xf32>
    %add3A_78 = arith.addf %get3A_77, %reduce_sum3A_74 : vector<8x1024xf32>
    %swap3A_79 = arith.constant 24 : index
    %swap3A_80 = arith.constant 0 : index
    %swap3A_81 = vector.load %arg3[%swap3A_79, %swap3A_80] : memref<120x1024xf32, #tpu.memory_space<vmem>>, vector<8x1024xf32>
    tpu.vector_store %arg3[%swap3A_79, %swap3A_80], %add3A_78 {strides = array<i32>} : memref<120x1024xf32, #tpu.memory_space<vmem>>, vector<8x1024xf32>,
    %eq3A_82 = arith.constant 4 : i32
    %eq3A_83 = vector.broadcast %eq3A_82 : i32 to vector<512x1024xi32>
    %eq3A_84 = arith.cmpi eq, %select_n3A, %eq3A_83 : vector<512x1024xi32>
    %jit3A_85 = arith.constant 0.000000e+00 : f32
    %broadcast_in_dim3A_86 = vector.broadcast %jit3A_85 : f32 to vector<512x1024xf32>
    %select_n3A_87 = arith.select %eq3A_84, %sub3A, %broadcast_in_dim3A_86 : vector<512x1024xi1>, vector<512x1024xf32>
    %reshape3A_88 = vector.shape_cast %select_n3A_87 : vector<512x1024xf32> to vector<64x8x1024xf32>
    %reduce_sum3A_89 = arith.constant dense<0.000000e+00> : vector<8x1024xf32>
    %reduce_sum3A_90 = vector.multi_reduction <add>, %reshape3A_88, %reduce_sum3A_89 [0] : vector<64x8x1024xf32> to vector<8x1024xf32>
    %get3A_91 = arith.constant 32 : index
    %get3A_92 = arith.constant 0 : index
    %get3A_93 = vector.load %arg3[%get3A_91, %get3A_92] : memref<120x1024xf32, #tpu.memory_space<vmem>>, vector<8x1024xf32>
    %add3A_94 = arith.addf %get3A_93, %reduce_sum3A_90 : vector<8x1024xf32>
    %swap3A_95 = arith.constant 32 : index
    %swap3A_96 = arith.constant 0 : index
    %swap3A_97 = vector.load %arg3[%swap3A_95, %swap3A_96] : memref<120x1024xf32, #tpu.memory_space<vmem>>, vector<8x1024xf32>
    tpu.vector_store %arg3[%swap3A_95, %swap3A_96], %add3A_94 {strides = array<i32>} : memref<120x1024xf32, #tpu.memory_space<vmem>>, vector<8x1024xf32>,
    %eq3A_98 = arith.constant 5 : i32
    %eq3A_99 = vector.broadcast %eq3A_98 : i32 to vector<512x1024xi32>
    %eq3A_100 = arith.cmpi eq, %select_n3A, %eq3A_99 : vector<512x1024xi32>
    %jit3A_101 = arith.constant 0.000000e+00 : f32
    %broadcast_in_dim3A_102 = vector.broadcast %jit3A_101 : f32 to vector<512x1024xf32>
    %select_n3A_103 = arith.select %eq3A_100, %sub3A, %broadcast_in_dim3A_102 : vector<512x1024xi1>, vector<512x1024xf32>
    %reshape3A_104 = vector.shape_cast %select_n3A_103 : vector<512x1024xf32> to vector<64x8x1024xf32>
    %reduce_sum3A_105 = arith.constant dense<0.000000e+00> : vector<8x1024xf32>
    %reduce_sum3A_106 = vector.multi_reduction <add>, %reshape3A_104, %reduce_sum3A_105 [0] : vector<64x8x1024xf32> to vector<8x1024xf32>
    %get3A_107 = arith.constant 40 : index
    %get3A_108 = arith.constant 0 : index
    %get3A_109 = vector.load %arg3[%get3A_107, %get3A_108] : memref<120x1024xf32, #tpu.memory_space<vmem>>, vector<8x1024xf32>
    %add3A_110 = arith.addf %get3A_109, %reduce_sum3A_106 : vector<8x1024xf32>
    %swap3A_111 = arith.constant 40 : index
    %swap3A_112 = arith.constant 0 : index
    %swap3A_113 = vector.load %arg3[%swap3A_111, %swap3A_112] : memref<120x1024xf32, #tpu.memory_space<vmem>>, vector<8x1024xf32>
    tpu.vector_store %arg3[%swap3A_111, %swap3A_112], %add3A_110 {strides = array<i32>} : memref<120x1024xf32, #tpu.memory_space<vmem>>, vector<8x1024xf32>,
    %eq3A_114 = arith.constant 6 : i32
    %eq3A_115 = vector.broadcast %eq3A_114 : i32 to vector<512x1024xi32>
    %eq3A_116 = arith.cmpi eq, %select_n3A, %eq3A_115 : vector<512x1024xi32>
    %jit3A_117 = arith.constant 0.000000e+00 : f32
    %broadcast_in_dim3A_118 = vector.broadcast %jit3A_117 : f32 to vector<512x1024xf32>
    %select_n3A_119 = arith.select %eq3A_116, %sub3A, %broadcast_in_dim3A_118 : vector<512x1024xi1>, vector<512x1024xf32>
    %reshape3A_120 = vector.shape_cast %select_n3A_119 : vector<512x1024xf32> to vector<64x8x1024xf32>
    %reduce_sum3A_121 = arith.constant dense<0.000000e+00> : vector<8x1024xf32>
    %reduce_sum3A_122 = vector.multi_reduction <add>, %reshape3A_120, %reduce_sum3A_121 [0] : vector<64x8x1024xf32> to vector<8x1024xf32>
    %get3A_123 = arith.constant 48 : index
    %get3A_124 = arith.constant 0 : index
    %get3A_125 = vector.load %arg3[%get3A_123, %get3A_124] : memref<120x1024xf32, #tpu.memory_space<vmem>>, vector<8x1024xf32>
    %add3A_126 = arith.addf %get3A_125, %reduce_sum3A_122 : vector<8x1024xf32>
    %swap3A_127 = arith.constant 48 : index
    %swap3A_128 = arith.constant 0 : index
    %swap3A_129 = vector.load %arg3[%swap3A_127, %swap3A_128] : memref<120x1024xf32, #tpu.memory_space<vmem>>, vector<8x1024xf32>
    tpu.vector_store %arg3[%swap3A_127, %swap3A_128], %add3A_126 {strides = array<i32>} : memref<120x1024xf32, #tpu.memory_space<vmem>>, vector<8x1024xf32>,
    %eq3A_130 = arith.constant 7 : i32
    %eq3A_131 = vector.broadcast %eq3A_130 : i32 to vector<512x1024xi32>
    %eq3A_132 = arith.cmpi eq, %select_n3A, %eq3A_131 : vector<512x1024xi32>
    %jit3A_133 = arith.constant 0.000000e+00 : f32
    %broadcast_in_dim3A_134 = vector.broadcast %jit3A_133 : f32 to vector<512x1024xf32>
    %select_n3A_135 = arith.select %eq3A_132, %sub3A, %broadcast_in_dim3A_134 : vector<512x1024xi1>, vector<512x1024xf32>
    %reshape3A_136 = vector.shape_cast %select_n3A_135 : vector<512x1024xf32> to vector<64x8x1024xf32>
    %reduce_sum3A_137 = arith.constant dense<0.000000e+00> : vector<8x1024xf32>
    %reduce_sum3A_138 = vector.multi_reduction <add>, %reshape3A_136, %reduce_sum3A_137 [0] : vector<64x8x1024xf32> to vector<8x1024xf32>
    %get3A_139 = arith.constant 56 : index
    %get3A_140 = arith.constant 0 : index
    %get3A_141 = vector.load %arg3[%get3A_139, %get3A_140] : memref<120x1024xf32, #tpu.memory_space<vmem>>, vector<8x1024xf32>
    %add3A_142 = arith.addf %get3A_141, %reduce_sum3A_138 : vector<8x1024xf32>
    %swap3A_143 = arith.constant 56 : index
    %swap3A_144 = arith.constant 0 : index
    %swap3A_145 = vector.load %arg3[%swap3A_143, %swap3A_144] : memref<120x1024xf32, #tpu.memory_space<vmem>>, vector<8x1024xf32>
    tpu.vector_store %arg3[%swap3A_143, %swap3A_144], %add3A_142 {strides = array<i32>} : memref<120x1024xf32, #tpu.memory_space<vmem>>, vector<8x1024xf32>,
    %eq3A_146 = arith.constant 8 : i32
    %eq3A_147 = vector.broadcast %eq3A_146 : i32 to vector<512x1024xi32>
    %eq3A_148 = arith.cmpi eq, %select_n3A, %eq3A_147 : vector<512x1024xi32>
    %jit3A_149 = arith.constant 0.000000e+00 : f32
    %broadcast_in_dim3A_150 = vector.broadcast %jit3A_149 : f32 to vector<512x1024xf32>
    %select_n3A_151 = arith.select %eq3A_148, %sub3A, %broadcast_in_dim3A_150 : vector<512x1024xi1>, vector<512x1024xf32>
    %reshape3A_152 = vector.shape_cast %select_n3A_151 : vector<512x1024xf32> to vector<64x8x1024xf32>
    %reduce_sum3A_153 = arith.constant dense<0.000000e+00> : vector<8x1024xf32>
    %reduce_sum3A_154 = vector.multi_reduction <add>, %reshape3A_152, %reduce_sum3A_153 [0] : vector<64x8x1024xf32> to vector<8x1024xf32>
    %get3A_155 = arith.constant 64 : index
    %get3A_156 = arith.constant 0 : index
    %get3A_157 = vector.load %arg3[%get3A_155, %get3A_156] : memref<120x1024xf32, #tpu.memory_space<vmem>>, vector<8x1024xf32>
    %add3A_158 = arith.addf %get3A_157, %reduce_sum3A_154 : vector<8x1024xf32>
    %swap3A_159 = arith.constant 64 : index
    %swap3A_160 = arith.constant 0 : index
    %swap3A_161 = vector.load %arg3[%swap3A_159, %swap3A_160] : memref<120x1024xf32, #tpu.memory_space<vmem>>, vector<8x1024xf32>
    tpu.vector_store %arg3[%swap3A_159, %swap3A_160], %add3A_158 {strides = array<i32>} : memref<120x1024xf32, #tpu.memory_space<vmem>>, vector<8x1024xf32>,
    %eq3A_162 = arith.constant 9 : i32
    %eq3A_163 = vector.broadcast %eq3A_162 : i32 to vector<512x1024xi32>
    %eq3A_164 = arith.cmpi eq, %select_n3A, %eq3A_163 : vector<512x1024xi32>
    %jit3A_165 = arith.constant 0.000000e+00 : f32
    %broadcast_in_dim3A_166 = vector.broadcast %jit3A_165 : f32 to vector<512x1024xf32>
    %select_n3A_167 = arith.select %eq3A_164, %sub3A, %broadcast_in_dim3A_166 : vector<512x1024xi1>, vector<512x1024xf32>
    %reshape3A_168 = vector.shape_cast %select_n3A_167 : vector<512x1024xf32> to vector<64x8x1024xf32>
    %reduce_sum3A_169 = arith.constant dense<0.000000e+00> : vector<8x1024xf32>
    %reduce_sum3A_170 = vector.multi_reduction <add>, %reshape3A_168, %reduce_sum3A_169 [0] : vector<64x8x1024xf32> to vector<8x1024xf32>
    %get3A_171 = arith.constant 72 : index
    %get3A_172 = arith.constant 0 : index
    %get3A_173 = vector.load %arg3[%get3A_171, %get3A_172] : memref<120x1024xf32, #tpu.memory_space<vmem>>, vector<8x1024xf32>
    %add3A_174 = arith.addf %get3A_173, %reduce_sum3A_170 : vector<8x1024xf32>
    %swap3A_175 = arith.constant 72 : index
    %swap3A_176 = arith.constant 0 : index
    %swap3A_177 = vector.load %arg3[%swap3A_175, %swap3A_176] : memref<120x1024xf32, #tpu.memory_space<vmem>>, vector<8x1024xf32>
    tpu.vector_store %arg3[%swap3A_175, %swap3A_176], %add3A_174 {strides = array<i32>} : memref<120x1024xf32, #tpu.memory_space<vmem>>, vector<8x1024xf32>,
    %eq3A_178 = arith.constant 10 : i32
    %eq3A_179 = vector.broadcast %eq3A_178 : i32 to vector<512x1024xi32>
    %eq3A_180 = arith.cmpi eq, %select_n3A, %eq3A_179 : vector<512x1024xi32>
    %jit3A_181 = arith.constant 0.000000e+00 : f32
    %broadcast_in_dim3A_182 = vector.broadcast %jit3A_181 : f32 to vector<512x1024xf32>
    %select_n3A_183 = arith.select %eq3A_180, %sub3A, %broadcast_in_dim3A_182 : vector<512x1024xi1>, vector<512x1024xf32>
    %reshape3A_184 = vector.shape_cast %select_n3A_183 : vector<512x1024xf32> to vector<64x8x1024xf32>
    %reduce_sum3A_185 = arith.constant dense<0.000000e+00> : vector<8x1024xf32>
    %reduce_sum3A_186 = vector.multi_reduction <add>, %reshape3A_184, %reduce_sum3A_185 [0] : vector<64x8x1024xf32> to vector<8x1024xf32>
    %get3A_187 = arith.constant 80 : index
    %get3A_188 = arith.constant 0 : index
    %get3A_189 = vector.load %arg3[%get3A_187, %get3A_188] : memref<120x1024xf32, #tpu.memory_space<vmem>>, vector<8x1024xf32>
    %add3A_190 = arith.addf %get3A_189, %reduce_sum3A_186 : vector<8x1024xf32>
    %swap3A_191 = arith.constant 80 : index
    %swap3A_192 = arith.constant 0 : index
    %swap3A_193 = vector.load %arg3[%swap3A_191, %swap3A_192] : memref<120x1024xf32, #tpu.memory_space<vmem>>, vector<8x1024xf32>
    tpu.vector_store %arg3[%swap3A_191, %swap3A_192], %add3A_190 {strides = array<i32>} : memref<120x1024xf32, #tpu.memory_space<vmem>>, vector<8x1024xf32>,
    %eq3A_194 = arith.constant 11 : i32
    %eq3A_195 = vector.broadcast %eq3A_194 : i32 to vector<512x1024xi32>
    %eq3A_196 = arith.cmpi eq, %select_n3A, %eq3A_195 : vector<512x1024xi32>
    %jit3A_197 = arith.constant 0.000000e+00 : f32
    %broadcast_in_dim3A_198 = vector.broadcast %jit3A_197 : f32 to vector<512x1024xf32>
    %select_n3A_199 = arith.select %eq3A_196, %sub3A, %broadcast_in_dim3A_198 : vector<512x1024xi1>, vector<512x1024xf32>
    %reshape3A_200 = vector.shape_cast %select_n3A_199 : vector<512x1024xf32> to vector<64x8x1024xf32>
    %reduce_sum3A_201 = arith.constant dense<0.000000e+00> : vector<8x1024xf32>
    %reduce_sum3A_202 = vector.multi_reduction <add>, %reshape3A_200, %reduce_sum3A_201 [0] : vector<64x8x1024xf32> to vector<8x1024xf32>
    %get3A_203 = arith.constant 88 : index
    %get3A_204 = arith.constant 0 : index
    %get3A_205 = vector.load %arg3[%get3A_203, %get3A_204] : memref<120x1024xf32, #tpu.memory_space<vmem>>, vector<8x1024xf32>
    %add3A_206 = arith.addf %get3A_205, %reduce_sum3A_202 : vector<8x1024xf32>
    %swap3A_207 = arith.constant 88 : index
    %swap3A_208 = arith.constant 0 : index
    %swap3A_209 = vector.load %arg3[%swap3A_207, %swap3A_208] : memref<120x1024xf32, #tpu.memory_space<vmem>>, vector<8x1024xf32>
    tpu.vector_store %arg3[%swap3A_207, %swap3A_208], %add3A_206 {strides = array<i32>} : memref<120x1024xf32, #tpu.memory_space<vmem>>, vector<8x1024xf32>,
    %eq3A_210 = arith.constant 12 : i32
    %eq3A_211 = vector.broadcast %eq3A_210 : i32 to vector<512x1024xi32>
    %eq3A_212 = arith.cmpi eq, %select_n3A, %eq3A_211 : vector<512x1024xi32>
    %jit3A_213 = arith.constant 0.000000e+00 : f32
    %broadcast_in_dim3A_214 = vector.broadcast %jit3A_213 : f32 to vector<512x1024xf32>
    %select_n3A_215 = arith.select %eq3A_212, %sub3A, %broadcast_in_dim3A_214 : vector<512x1024xi1>, vector<512x1024xf32>
    %reshape3A_216 = vector.shape_cast %select_n3A_215 : vector<512x1024xf32> to vector<64x8x1024xf32>
    %reduce_sum3A_217 = arith.constant dense<0.000000e+00> : vector<8x1024xf32>
    %reduce_sum3A_218 = vector.multi_reduction <add>, %reshape3A_216, %reduce_sum3A_217 [0] : vector<64x8x1024xf32> to vector<8x1024xf32>
    %get3A_219 = arith.constant 96 : index
    %get3A_220 = arith.constant 0 : index
    %get3A_221 = vector.load %arg3[%get3A_219, %get3A_220] : memref<120x1024xf32, #tpu.memory_space<vmem>>, vector<8x1024xf32>
    %add3A_222 = arith.addf %get3A_221, %reduce_sum3A_218 : vector<8x1024xf32>
    %swap3A_223 = arith.constant 96 : index
    %swap3A_224 = arith.constant 0 : index
    %swap3A_225 = vector.load %arg3[%swap3A_223, %swap3A_224] : memref<120x1024xf32, #tpu.memory_space<vmem>>, vector<8x1024xf32>
    tpu.vector_store %arg3[%swap3A_223, %swap3A_224], %add3A_222 {strides = array<i32>} : memref<120x1024xf32, #tpu.memory_space<vmem>>, vector<8x1024xf32>,
    %eq3A_226 = arith.constant 13 : i32
    %eq3A_227 = vector.broadcast %eq3A_226 : i32 to vector<512x1024xi32>
    %eq3A_228 = arith.cmpi eq, %select_n3A, %eq3A_227 : vector<512x1024xi32>
    %jit3A_229 = arith.constant 0.000000e+00 : f32
    %broadcast_in_dim3A_230 = vector.broadcast %jit3A_229 : f32 to vector<512x1024xf32>
    %select_n3A_231 = arith.select %eq3A_228, %sub3A, %broadcast_in_dim3A_230 : vector<512x1024xi1>, vector<512x1024xf32>
    %reshape3A_232 = vector.shape_cast %select_n3A_231 : vector<512x1024xf32> to vector<64x8x1024xf32>
    %reduce_sum3A_233 = arith.constant dense<0.000000e+00> : vector<8x1024xf32>
    %reduce_sum3A_234 = vector.multi_reduction <add>, %reshape3A_232, %reduce_sum3A_233 [0] : vector<64x8x1024xf32> to vector<8x1024xf32>
    %get3A_235 = arith.constant 104 : index
    %get3A_236 = arith.constant 0 : index
    %get3A_237 = vector.load %arg3[%get3A_235, %get3A_236] : memref<120x1024xf32, #tpu.memory_space<vmem>>, vector<8x1024xf32>
    %add3A_238 = arith.addf %get3A_237, %reduce_sum3A_234 : vector<8x1024xf32>
    %swap3A_239 = arith.constant 104 : index
    %swap3A_240 = arith.constant 0 : index
    %swap3A_241 = vector.load %arg3[%swap3A_239, %swap3A_240] : memref<120x1024xf32, #tpu.memory_space<vmem>>, vector<8x1024xf32>
    tpu.vector_store %arg3[%swap3A_239, %swap3A_240], %add3A_238 {strides = array<i32>} : memref<120x1024xf32, #tpu.memory_space<vmem>>, vector<8x1024xf32>,
    %eq3A_242 = arith.constant 14 : i32
    %eq3A_243 = vector.broadcast %eq3A_242 : i32 to vector<512x1024xi32>
    %eq3A_244 = arith.cmpi eq, %select_n3A, %eq3A_243 : vector<512x1024xi32>
    %jit3A_245 = arith.constant 0.000000e+00 : f32
    %broadcast_in_dim3A_246 = vector.broadcast %jit3A_245 : f32 to vector<512x1024xf32>
    %select_n3A_247 = arith.select %eq3A_244, %sub3A, %broadcast_in_dim3A_246 : vector<512x1024xi1>, vector<512x1024xf32>
    %reshape3A_248 = vector.shape_cast %select_n3A_247 : vector<512x1024xf32> to vector<64x8x1024xf32>
    %reduce_sum3A_249 = arith.constant dense<0.000000e+00> : vector<8x1024xf32>
    %reduce_sum3A_250 = vector.multi_reduction <add>, %reshape3A_248, %reduce_sum3A_249 [0] : vector<64x8x1024xf32> to vector<8x1024xf32>
    %get3A_251 = arith.constant 112 : index
    %get3A_252 = arith.constant 0 : index
    %get3A_253 = vector.load %arg3[%get3A_251, %get3A_252] : memref<120x1024xf32, #tpu.memory_space<vmem>>, vector<8x1024xf32>
    %add3A_254 = arith.addf %get3A_253, %reduce_sum3A_250 : vector<8x1024xf32>
    %swap3A_255 = arith.constant 112 : index
    %swap3A_256 = arith.constant 0 : index
    %swap3A_257 = vector.load %arg3[%swap3A_255, %swap3A_256] : memref<120x1024xf32, #tpu.memory_space<vmem>>, vector<8x1024xf32>
    tpu.vector_store %arg3[%swap3A_255, %swap3A_256], %add3A_254 {strides = array<i32>} : memref<120x1024xf32, #tpu.memory_space<vmem>>, vector<8x1024xf32>,
    return
  }
  func.func @transform_0(%arg0: i32) -> (i32, i32) {
    %add3A = arith.constant 6 : i32
    %add3A_0 = arith.addi %arg0, %add3A : i32
    %c0_i32 = arith.constant 0 : i32
    %c0_i32_1 = arith.constant 0 : i32
    return %add3A_0, %c0_i32 : i32, i32
  }
  func.func @transform_1(%arg0: i32) -> (i32, i32) {
    %add3A = arith.constant 6 : i32
    %add3A_0 = arith.addi %arg0, %add3A : i32
    %c0_i32 = arith.constant 0 : i32
    %c0_i32_1 = arith.constant 0 : i32
    return %add3A_0, %c0_i32 : i32, i32
  }
  func.func @transform_2(%arg0: i32) -> (i32, i32) {
    %c0_i32 = arith.constant 0 : i32
    %c0_i32_0 = arith.constant 0 : i32
    %c0_i32_1 = arith.constant 0 : i32
    return %c0_i32, %c0_i32_0 : i32, i32
  }
}

module attributes {stable_mosaic.version = 14 : i64} {
  func.func @_finalize_body(%arg0: memref<32x240xf32, #tpu.memory_space<vmem>>, %arg1: memref<120x1024xf32, #tpu.memory_space<vmem>>, %arg2: memref<1x1xf32, #tpu.memory_space<vmem>>) attributes {dimension_semantics = [], scalar_prefetch = 0 : i64, scratch_operands = 0 : i64, tpu.core_type = #tpu.core_type<tc>} {
    %get3A = arith.constant 0 : index
    %get3A_0 = arith.constant 0 : index
    %get3A_1 = vector.load %arg0[%get3A, %get3A_0] : memref<32x240xf32, #tpu.memory_space<vmem>>, vector<32x240xf32>
    %reduce_sum3A = arith.constant dense<0.000000e+00> : vector<240xf32>
    %reduce_sum3A_2 = vector.multi_reduction <add>, %get3A_1, %reduce_sum3A [0] : vector<32x240xf32> to vector<240xf32>
    %broadcast_in_dim3A = vector.shape_cast %reduce_sum3A_2 : vector<240xf32> to vector<1x240xf32>
    %iota3A = tpu.iota {dimensions = array<i32: 0>} : vector<240x15xi32>
    %jit3A = arith.constant 16 : i32
    %div3A = vector.broadcast %jit3A : i32 to vector<240x15xi32>
    %div3A_3 = arith.divsi %iota3A, %div3A : vector<240x15xi32>
    %sign3A = arith.constant 0 : i32
    %sign3A_4 = vector.broadcast %sign3A : i32 to vector<240x15xi32>
    %sign3A_5 = arith.cmpi sgt, %iota3A, %sign3A_4 : vector<240x15xi32>
    %sign3A_6 = arith.extui %sign3A_5 : vector<240x15xi1> to vector<240x15xi32>
    %sign3A_7 = arith.constant 0 : i32
    %sign3A_8 = vector.broadcast %sign3A_7 : i32 to vector<240x15xi32>
    %sign3A_9 = arith.cmpi slt, %iota3A, %sign3A_8 : vector<240x15xi32>
    %sign3A_10 = arith.extui %sign3A_9 : vector<240x15xi1> to vector<240x15xi32>
    %sign3A_11 = arith.subi %sign3A_6, %sign3A_10 : vector<240x15xi32>
    %sign3A_12 = arith.constant 0 : i32
    %sign3A_13 = arith.cmpi sgt, %jit3A, %sign3A_12 : i32
    %sign3A_14 = arith.extui %sign3A_13 : i1 to i32
    %sign3A_15 = arith.constant 0 : i32
    %sign3A_16 = arith.cmpi slt, %jit3A, %sign3A_15 : i32
    %sign3A_17 = arith.extui %sign3A_16 : i1 to i32
    %sign3A_18 = arith.subi %sign3A_14, %sign3A_17 : i32
    %ne3A = vector.broadcast %sign3A_18 : i32 to vector<240x15xi32>
    %ne3A_19 = arith.cmpi ne, %sign3A_11, %ne3A : vector<240x15xi32>
    %rem3A = vector.broadcast %jit3A : i32 to vector<240x15xi32>
    %rem3A_20 = arith.remsi %iota3A, %rem3A : vector<240x15xi32>
    %ne3A_21 = arith.constant 0 : i32
    %ne3A_22 = vector.broadcast %ne3A_21 : i32 to vector<240x15xi32>
    %ne3A_23 = arith.cmpi ne, %rem3A_20, %ne3A_22 : vector<240x15xi32>
    %and3A = arith.andi %ne3A_19, %ne3A_23 : vector<240x15xi1>
    %sub3A = arith.constant 1 : i32
    %sub3A_24 = vector.broadcast %sub3A : i32 to vector<240x15xi32>
    %sub3A_25 = arith.subi %div3A_3, %sub3A_24 : vector<240x15xi32>
    %select_n3A = arith.select %and3A, %sub3A_25, %div3A_3 : vector<240x15xi1>, vector<240x15xi32>
    %iota3A_26 = tpu.iota {dimensions = array<i32: 1>} : vector<240x15xi32>
    %eq3A = arith.cmpi eq, %select_n3A, %iota3A_26 : vector<240x15xi32>
    %convert_element_type3A = arith.extui %eq3A : vector<240x15xi1> to vector<240x15xi32>
    %convert_element_type3A_27 = arith.sitofp %convert_element_type3A : vector<240x15xi32> to vector<240x15xf32>
    %dot_general3A = arith.constant dense<0.000000e+00> : vector<1x15xf32>
    %dot_general3A_28 = tpu.matmul %broadcast_in_dim3A, %convert_element_type3A_27, %dot_general3A {dimension_numbers = #tpu.dot_dimension_numbers<[1], [0], [0], [1], [0, 0, 1, 1], [], []>, precision = #tpu.contract_precision<fp32>, transpose_lhs_hint = false} : vector<1x240xf32>, vector<240x15xf32>, vector<1x15xf32> -> vector<1x15xf32>
    %get3A_29 = arith.constant 0 : index
    %get3A_30 = arith.constant 0 : index
    %get3A_31 = vector.load %arg1[%get3A_29, %get3A_30] : memref<120x1024xf32, #tpu.memory_space<vmem>>, vector<120x1024xf32>
    %broadcast_in_dim3A_32 = arith.constant 1.000000e+00 : f32
    %broadcast_in_dim3A_33 = vector.broadcast %broadcast_in_dim3A_32 : f32 to vector<1024x1xf32>
    %dot_general3A_34 = arith.constant dense<0.000000e+00> : vector<120x1xf32>
    %dot_general3A_35 = tpu.matmul %get3A_31, %broadcast_in_dim3A_33, %dot_general3A_34 {dimension_numbers = #tpu.dot_dimension_numbers<[1], [0], [0], [1], [0, 0, 1, 1], [], []>, precision = #tpu.contract_precision<fp32>, transpose_lhs_hint = false} : vector<120x1024xf32>, vector<1024x1xf32>, vector<120x1xf32> -> vector<120x1xf32>
    %iota3A_36 = tpu.iota {dimensions = array<i32: 1>} : vector<15x120xi32>
    %jit3A_37 = arith.constant 8 : i32
    %div3A_38 = vector.broadcast %jit3A_37 : i32 to vector<15x120xi32>
    %div3A_39 = arith.divsi %iota3A_36, %div3A_38 : vector<15x120xi32>
    %sign3A_40 = arith.constant 0 : i32
    %sign3A_41 = vector.broadcast %sign3A_40 : i32 to vector<15x120xi32>
    %sign3A_42 = arith.cmpi sgt, %iota3A_36, %sign3A_41 : vector<15x120xi32>
    %sign3A_43 = arith.extui %sign3A_42 : vector<15x120xi1> to vector<15x120xi32>
    %sign3A_44 = arith.constant 0 : i32
    %sign3A_45 = vector.broadcast %sign3A_44 : i32 to vector<15x120xi32>
    %sign3A_46 = arith.cmpi slt, %iota3A_36, %sign3A_45 : vector<15x120xi32>
    %sign3A_47 = arith.extui %sign3A_46 : vector<15x120xi1> to vector<15x120xi32>
    %sign3A_48 = arith.subi %sign3A_43, %sign3A_47 : vector<15x120xi32>
    %sign3A_49 = arith.constant 0 : i32
    %sign3A_50 = arith.cmpi sgt, %jit3A_37, %sign3A_49 : i32
    %sign3A_51 = arith.extui %sign3A_50 : i1 to i32
    %sign3A_52 = arith.constant 0 : i32
    %sign3A_53 = arith.cmpi slt, %jit3A_37, %sign3A_52 : i32
    %sign3A_54 = arith.extui %sign3A_53 : i1 to i32
    %sign3A_55 = arith.subi %sign3A_51, %sign3A_54 : i32
    %ne3A_56 = vector.broadcast %sign3A_55 : i32 to vector<15x120xi32>
    %ne3A_57 = arith.cmpi ne, %sign3A_48, %ne3A_56 : vector<15x120xi32>
    %rem3A_58 = vector.broadcast %jit3A_37 : i32 to vector<15x120xi32>
    %rem3A_59 = arith.remsi %iota3A_36, %rem3A_58 : vector<15x120xi32>
    %ne3A_60 = arith.constant 0 : i32
    %ne3A_61 = vector.broadcast %ne3A_60 : i32 to vector<15x120xi32>
    %ne3A_62 = arith.cmpi ne, %rem3A_59, %ne3A_61 : vector<15x120xi32>
    %and3A_63 = arith.andi %ne3A_57, %ne3A_62 : vector<15x120xi1>
    %sub3A_64 = arith.constant 1 : i32
    %sub3A_65 = vector.broadcast %sub3A_64 : i32 to vector<15x120xi32>
    %sub3A_66 = arith.subi %div3A_39, %sub3A_65 : vector<15x120xi32>
    %select_n3A_67 = arith.select %and3A_63, %sub3A_66, %div3A_39 : vector<15x120xi1>, vector<15x120xi32>
    %iota3A_68 = tpu.iota {dimensions = array<i32: 0>} : vector<15x120xi32>
    %iota3A_69 = tpu.iota {dimensions = array<i32: 0>} : vector<15x15xi32>
    %iota3A_70 = tpu.iota {dimensions = array<i32: 1>} : vector<15x15xi32>
    %eq3A_71 = arith.cmpi eq, %iota3A_69, %iota3A_70 : vector<15x15xi32>
    %convert_element_type3A_72 = arith.extui %eq3A_71 : vector<15x15xi1> to vector<15x15xi32>
    %convert_element_type3A_73 = arith.sitofp %convert_element_type3A_72 : vector<15x15xi32> to vector<15x15xf32>
    %eq3A_74 = arith.cmpi eq, %select_n3A_67, %iota3A_68 : vector<15x120xi32>
    %convert_element_type3A_75 = arith.extui %eq3A_74 : vector<15x120xi1> to vector<15x120xi32>
    %convert_element_type3A_76 = arith.sitofp %convert_element_type3A_75 : vector<15x120xi32> to vector<15x120xf32>
    %dot_general3A_77 = arith.constant dense<0.000000e+00> : vector<15x1xf32>
    %dot_general3A_78 = tpu.matmul %convert_element_type3A_76, %dot_general3A_35, %dot_general3A_77 {dimension_numbers = #tpu.dot_dimension_numbers<[1], [0], [0], [1], [0, 0, 1, 1], [], []>, precision = #tpu.contract_precision<fp32>, transpose_lhs_hint = false} : vector<15x120xf32>, vector<120x1xf32>, vector<15x1xf32> -> vector<15x1xf32>
    %dot_general3A_79 = arith.constant dense<0.000000e+00> : vector<1x15xf32>
    %dot_general3A_80 = tpu.matmul %dot_general3A_78, %convert_element_type3A_73, %dot_general3A_79 {dimension_numbers = #tpu.dot_dimension_numbers<[0], [0], [1], [1], [0, 1, 1, 1], [], []>, precision = #tpu.contract_precision<fp32>, transpose_lhs_hint = false} : vector<15x1xf32>, vector<15x15xf32>, vector<1x15xf32> -> vector<1x15xf32>
    %add3A = arith.addf %dot_general3A_28, %dot_general3A_80 : vector<1x15xf32>
    %abs3A = math.absf %add3A : vector<1x15xf32>
    %reduce_sum3A_81 = arith.constant dense<0.000000e+00> : vector<1xf32>
    %reduce_sum3A_82 = vector.multi_reduction <add>, %abs3A, %reduce_sum3A_81 [1] : vector<1x15xf32> to vector<1xf32>
    %broadcast_in_dim3A_83 = vector.shape_cast %reduce_sum3A_82 : vector<1xf32> to vector<1x1xf32>
    %div3A_84 = arith.constant 0x4B800000 : f32
    %div3A_85 = vector.broadcast %div3A_84 : f32 to vector<1x1xf32>
    %div3A_86 = arith.divf %broadcast_in_dim3A_83, %div3A_85 : vector<1x1xf32>
    %swap3A = arith.constant 0 : index
    %swap3A_87 = arith.constant 0 : index
    %swap3A_88 = vector.load %arg2[%swap3A, %swap3A_87] : memref<1x1xf32, #tpu.memory_space<vmem>>, vector<1x1xf32>
    tpu.vector_store %arg2[%swap3A, %swap3A_87], %div3A_86 {strides = array<i32>} : memref<1x1xf32, #tpu.memory_space<vmem>>, vector<1x1xf32>,
    return
  }
}

</mosaic_0001>

<sc_bundles>
// kernel: kernel.5.cloned.1.call-start
scs
__scs_entry_jumppad:
0x0: {  	(pc) =	sbr.rel $0x88, $3  }
0x1: {  	(tag) =	ssettag $0x0;
	lr =	simm.s32 $0x1  }
0x2: {  	[smem:$0x3F9F] =	sst lr;
	_ =	strace $0xD0000000  }
0x3: {  	_ = 	snop  }
0x4: {  	_ = 	snop  }
0x5: {  	_ = 	snop  }
0x6: {  	_ = 	snop  }
0x7: {  	_ = 	snop  }
__scs_overlays_trampoline_lowered:
0x8: {  	[smem:$0x3FAE] =	sst s0  }
0x9: {  	[smem:$0x3FAF] =	sst s1  }
0xa: {  	[smem:$0x3FB0] =	sst s2  }
0xb: {  	[smem:$0x3FB1] =	sst s3  }
0xc: {  	[smem:$0x3FB2] =	sst s4  }
0xd: {  	[smem:$0x3FB3] =	sst s5  }
0xe: {  	[smem:$0x3FB4] =	sst s6  }
0xf: {  	[smem:$0x3FB5] =	sst s7  }
0x10: {  	[smem:$0x3FB6] =	sst s8  }
0x11: {  	[smem:$0x3FB7] =	sst s9;
	s0 =	simm.s32 @!p0 $0x0  }
0x12: {  	s1 =	sld [smem:$0x3F9D];
	s0 =	simm.s32 @p0 $0x1  }
0x13: {  	[smem:$0x3FB8] =	sst s0;
	s0 =	simm.s32 @!p1 $0x0  }
0x14: {  	s2 =	sld [smem:$0x3F9C];
	s0 =	simm.s32 @p1 $0x1  }
0x15: {  	[smem:$0x3FB9] =	sst s0;
	s0 =	simm.s32 @!p2 $0x0  }
0x16: {  	s3 =	sld [smem:$0x3FDB];
	s0 =	simm.s32 @p2 $0x1  }
0x17: {  	s4 =	simm.s32 $0x1BF5;
	[smem:$0x3FBB] =	sst s0  }
0x18: {  	s0 =	sld [smem:$0x3F9E];
	_ =	swait.ge [sflag:s4], $0x0  }
0x19: {  	s7 =	sld [smem:$0x3F9F]  }
0x1a: {  	s8 =	sadd.s32 $0xFFFFE003, lr  }
0x1b: {  	s9 =	sadd.s32 $0xFFFFFEF7, lr;
	s5 =	simm.s32 $0xFFFFFFFF;
	p2 =	slt.u32 s8, $0xFFFFF086  }
0x1c: {  	p1 =	slt.u32 s9, $0xF7A;
	s5 =	simm.s32 @!p2 $0x0  }
0x1d: {  	s5 =	simm.s32 @p1 $0x1;
	p0 =	seq.s32 s7, s2  }
0x1e: {  	s7 =	smul.u32 @!p0 $0xF7A, s2;
	p2 =	seq.s32 @!p0 s5, $0x0  }
0x1f: {  	s9 =	smul.u32 $0xF7A, s1;
	s8 =	simm.s32 @!p0 $0x1BF5;
	p2 =	por !p2, p0  }
0x20: {  	[sflag:s8] =	ssyncset.s32 @!p0 $0xFFFFF086;
	s6 =	sadd.s32 @!p0 s3, s7;
	s7 =	simm.s32 @!p0 $0x108  }
0x21: {  	s3 =	sadd.s32 s3, s9;
	s6 =	sadd.s32 @!p0 $0x88, s6;
	s7 =	simm.s32 @p2 $0x1082  }
0x22: {  	[simem:s7], [sflag:s8] =	dma.local @!p0 [hbm:s6], $0xF7A  }
0x23: {  	s9 =	sor.u32 $0xD0000000, s2;
	s6 =	simm.s32 $0x108;
	_ =	swait.ge @!p0 [sflag:s8], $0x0  }
0x24: {  	s3 =	sadd.s32 $0x88, s3;
	s6 =	simm.s32 @!p1 $0x1082;
	[sflag:s4] =	ssyncset.s32 $0xFFFFF086  }
0x25: {  	[simem:s6], [sflag:s4] =	dma.local [hbm:s3], $0xF7A  }
0x26: {  	[smem:$0x3F9F] =	sst s1;
	(tag) =	ssettag s2;
	_ =	strace s9  }
0x27: {  	s1 =	sld [smem:$0x3FAF]  }
0x28: {  	s2 =	sld [smem:$0x3FB0]  }
0x29: {  	s4 =	sld [smem:$0x3FB2]  }
0x2a: {  	p0 =	seq.s32 s5, $0x0;
	s5 =	sld [smem:$0x3FB3]  }
0x2b: {  	s6 =	sld [smem:$0x3FB4]  }
0x2c: {  	s7 =	sld [smem:$0x3FB5]  }
0x2d: {  	s3 =	simm.s32 $0x108;
	s8 =	sld [smem:$0x3FB6]  }
0x2e: {  	s3 =	simm.s32 @!p0 $0x1082;
	s9 =	sld [smem:$0x3FB7]  }
0x2f: {  	lr =	sadd.s32 s0, s3;
	s0 =	sld [smem:$0x3FAE]  }
0x30: {  	s3 =	sld [smem:$0x3FB1]  }
0x31: {  	[smem:$0x3FBA] =	sst s10  }
0x32: {  	s10 =	sld [smem:$0x3FB8];
	_ =	sdelay $0x3  }
0x33: {  	p0 =	seq.s32 s10, $0x1;
	s10 =	sld [smem:$0x3FBA];
	_ =	sdelay $0x3  }
0x34: {  	[smem:$0x3FBA] =	sst s10  }
0x35: {  	s10 =	sld [smem:$0x3FB9];
	_ =	sdelay $0x3  }
0x36: {  	p1 =	seq.s32 s10, $0x1;
	s10 =	sld [smem:$0x3FBA];
	_ =	sdelay $0x3  }
0x37: {  	[smem:$0x3FBA] =	sst s10  }
0x38: {  	s10 =	sld [smem:$0x3FBB]  }
0x39: {  	_ = 	snop;
	(pc) =	sbr.ind lr, $3  }
0x3a: {  	_ = 	snop  }
0x3b: {  	_ = 	snop  }
0x3c: {  	p2 =	seq.s32 s10, $0x1;
	s10 =	sld [smem:$0x3FBA]  }
0x3d: {  	_ =	shalt  }
0x3e: {  	_ =	shalt  }
0x3f: {  	_ =	shalt  }
0x40: {  	_ =	shalt  }
0x41: {  	_ =	shalt  }
0x42: {  	_ =	shalt  }
0x43: {  	_ =	shalt  }
0x44: {  	_ =	shalt  }
0x45: {  	_ =	shalt  }
0x46: {  	_ =	shalt  }
0x47: {  	_ =	shalt  }
0x48: {  	_ =	shalt  }
0x49: {  	_ =	shalt  }
0x4a: {  	_ =	shalt  }
0x4b: {  	_ =	shalt  }
0x4c: {  	_ =	shalt  }
0x4d: {  	_ =	shalt  }
0x4e: {  	_ =	shalt  }
0x4f: {  	_ =	shalt  }
0x50: {  	_ =	shalt  }
0x51: {  	_ =	shalt  }
0x52: {  	_ =	shalt  }
0x53: {  	_ =	shalt  }
0x54: {  	_ =	shalt  }
0x55: {  	_ =	shalt  }
0x56: {  	_ =	shalt  }
0x57: {  	_ =	shalt  }
0x58: {  	_ =	shalt  }
0x59: {  	_ =	shalt  }
0x5a: {  	_ =	shalt  }
0x5b: {  	_ =	shalt  }
0x5c: {  	_ =	shalt  }
0x5d: {  	_ =	shalt  }
0x5e: {  	_ =	shalt  }
0x5f: {  	_ =	shalt  }
0x60: {  	_ =	shalt  }
0x61: {  	_ =	shalt  }
0x62: {  	_ =	shalt  }
0x63: {  	_ =	shalt  }
0x64: {  	_ =	shalt  }
0x65: {  	_ =	shalt  }
0x66: {  	_ =	shalt  }
0x67: {  	_ =	shalt  }
0x68: {  	_ =	shalt  }
0x69: {  	_ =	shalt  }
0x6a: {  	_ =	shalt  }
0x6b: {  	_ =	shalt  }
0x6c: {  	_ =	shalt  }
0x6d: {  	_ =	shalt  }
0x6e: {  	_ =	shalt  }
0x6f: {  	_ =	shalt  }
0x70: {  	_ =	shalt  }
0x71: {  	_ =	shalt  }
0x72: {  	_ =	shalt  }
0x73: {  	_ =	shalt  }
0x74: {  	_ =	shalt  }
0x75: {  	_ =	shalt  }
0x76: {  	_ =	shalt  }
0x77: {  	_ =	shalt  }
0x78: {  	_ =	shalt  }
0x79: {  	_ =	shalt  }
0x7a: {  	_ =	shalt  }
0x7b: {  	_ =	shalt  }
0x7c: {  	_ =	shalt  }
0x7d: {  	_ =	shalt  }
0x7e: {  	_ =	shalt  }
0x7f: {  	_ =	shalt  }
0x80: {  	_ =	shalt  }
0x81: {  	_ =	shalt  }
0x82: {  	_ =	shalt  }
0x83: {  	_ =	shalt  }
0x84: {  	_ =	shalt  }
0x85: {  	_ =	shalt  }
0x86: {  	_ =	shalt  }
0x87: {  	_ =	shalt  }
.Lfunc_end0:
.L_simem_size_0:
called_computation_lowered:
.L_overlay_start_0:
0x88: {  	s2 =	sld [smem:$0x3FD9]  }
0x89: {  	s3 =	sld [smem:$0x3FFE];
	_ =	sdelay $0x1  }
0x8a: {  	s1 =	srdreg.scid  }
0x8b: {  	s0 =	sand.u32 $0x1, s1  }
0x8c: {  	s17 =	sshll.u32 s0, $0xA;
	s2 =	sadd.s32 s3, s2  }
0x8d: {  	s2 =	sadd.s32 s2, s17  }
0x8e: {  	[smem:$0x3FC6] =	sst s2  }
0x8f: {  	_ = 	snop  }
0x90: {  	s2 =	sld [smem:$0x3FC9]  }
0x91: {  	s18 =	sld [smem:$0x3FC8];
	(tm) =	ssettm $0x1  }
0x92: {  	s4 =	sld [smem:$0x3FFB];
	_ =	sdelay $0x3  }
0x93: {  	_ =	strace s4  }
0x94: {  	s4 =	sld [smem:$0x3FFC];
	_ =	sdelay $0x3  }
0x95: {  	_ =	strace s4  }
0x96: {  	s4 =	sld [smem:$0x3FFD];
	_ =	sdelay $0x3  }
0x97: {  	_ =	strace s4  }
0x98: {  	_ =	strace $0x8FFFFFFF  }
0x99: {  	s19 =	sld [smem:$0x3FDB];
	_ =	sdelay $0x1  }
0x9a: {  	s5 =	simm.s32 $_scs_section_size  }
0x9b: {  	s6 =	simm.s32 $_size__tile_overlayer_lowered;
	s7 =	simm.s32 $_tile_overlayer_lowered  }
0x9c: {  	s22 =	simm.s32 $0x1BFF;
	s21 =	sshll.u32 s7, $0x1;
	s4 =	sadd.s32 s5, s19  }
0x9d: {  	s8 =	simm.s32 $0x0;
	s20 =	sshll.u32 s6, $0x1;
	s6 =	sadd.s32 s21, s4  }
0x9e: {  	[timem:s8], [sflag:s22] =	dma.local [hbm:s6], s20  }
0x9f: {  	_ =	swait.ge [sflag:s22], s20  }
0xa0: {  	s5 =	ssub.s32 $0x0, s20;
	[sflag:s22] =	ssyncset.done $0x0  }
0xa1: {  	[sflag:s22] =	ssyncadd.s32 s5;
	_ =	sdelay $0x1  }
0xa2: {  	s23 =	simm.s32 $0x1B8B  }
0xa3: {  	_ =	swait.ge [sflag:s23], $0x1  }
0xa4: {  	[sflag:s23] =	ssyncset.done $0x0  }
0xa5: {  	s25 =	simm.s32 $0x1B8E;
	s24 =	sld [smem:$0x3FFE];
	[sflag:s23] =	ssyncadd.s32 $0xFFFFFFFF  }
0xa6: {  	s26 =	simm.s32 $execute0_lowered;
	[smem:$0x3FD2] =	sst s25  }
0xa7: {  	s6 =	sshll.u32 s26, $0x1;
	_ =	strace $0x80000046;
	[dreg:$0x1] =	wrdreg $0xFFFFFFFF  }
0xa8: {  	s28 =	simm.s32 $_size_execute0_lowered;
	s4 =	sadd.s32 s4, s6;
	[dreg:$0x0] =	wrdreg $0x0  }
0xa9: {  	s6 =	sshll.u32 s28, $0x1;
	[dreg:$0x2] =	wrdreg s4  }
0xaa: {  	[dreg:$0x3] =	wrdreg s6  }
0xab: {  	[dreg:$0x4] =	wrdreg $0xC0  }
0xac: {  	_ =	task [dreg:s8], $0x5FFFF  }
0xad: {  	[dreg:$0x1] =	wrdreg $0xFFFFFFFF  }
0xae: {  	[dreg:$0x0] =	wrdreg $0x60  }
0xaf: {  	[dreg:$0x2] =	wrdreg s2  }
0xb0: {  	[dreg:$0x3] =	wrdreg s18  }
0xb1: {  	[dreg:$0x4] =	wrdreg s24  }
0xb2: {  	[dreg:$0x5] =	wrdreg $0x9  }
0xb3: {  	_ =	task.clear_ibuf [dreg:s8], $0x6FFFF;
	_ =	strace $0x90000046  }
0xb4: {  	s29 =	simm.s32 $0x9;
	_ =	strace $0x80000048  }
0xb5: {  	_ =	swait.ge [sflag:s29], $0x1  }
0xb6: {  	[sflag:s29] =	ssyncadd.s32 $0xFFFFFFFF  }
0xb7: {  	_ =	strace $0x90000048  }
0xb8: {  	_ =	sfence  }
0xb9: {  	s30 =	sld [smem:$0x0];
	_ =	sdelay $0x2  }
0xba: {  	s31 =	sshll.u32 s1, $0xD;
	s1 =	sshrl.u32 s1, $0x2  }
0xbb: {  	s3 =	sand.u32 $0x4000, s31;
	s1 =	sadd.s32 s1, s30  }
0xbc: {  	s0 =	sor.u32 s3, s0;
	s1 =	sshll.u32 s1, $0x11  }
0xbd: {  	s0 =	sor.u32 s1, s0  }
0xbe: {  	s0 =	sadd.s32 $0x8F2B, s0  }
0xbf: {  	[sflag:s0] =	ssyncadd.remote.s32 $0x1  }
0xc0: {  	_ =	sfence.sel $0xFFFF  }
0xc1: {  	[dreg:$0x0] =	wrdreg $0xFFFFFFFF;
	(pc) =	sbr.abs _section_cstart, $3  }
0xc2: {  	[dreg:$0x1] =	wrdreg $0xFFFFFFFF  }
0xc3: {  	_ =	task.clear_ibuf [dreg:s8], $0x2FFFF;
	_ =	strace $0x9FFFFFFF  }
0xc4: {  	(tm) =	ssettm $0x7FFFFFFF  }
0xc5: {  	_ =	shalt  }
tec
execute0_lowered:
.L_overlay_start_1:
0x0: {  	(tag) =	ssettag $0x1  }
0x1: {  	s1 =	rddreg [dreg:$0x0]  }
0x2: {  	s3 =	rddreg [dreg:$0x1];
	s0 =	stileid.u32  }
0x3: {  	s2 =	srdreg.scid;
	s5 =	rddreg [dreg:$0x2]  }
0x4: {  	s4 =	simm.s32 $0x0;
	s13 =	simm.s32 $0x8000;
	s14 =	simm.s32 $0x4000  }
0x5: {  	v0 =	vlaneseq.u32;
	s15 =	simm.s32 $0xC000;
	s16 =	simm.s32 $0x1;
	s17 =	simm.s32 $0x10000  }
0x6: {  	v1 =	vimm.f32 $0.0e+00;
	s18 =	simm.s32 $0x2;
	s19 =	simm.s32 $0x80;
	s20 =	simm.s32 $0x400;
	v2 =	vor.u32 $0xF0, v0  }
0x7: {  	s21 =	simm.s32 $0x11000;
	s22 =	simm.s32 $0x3;
	s23 =	simm.s32 $0x0;
	v3 =	vor.u32 $0x100, v0;
	v4 =	vor.u32 $0x1F0, v0;
	v5 =	vor.u32 $0x200, v0  }
0x8: {  	s6 =	sand.u32 $0x1, s2;
	s7 =	sshll.u32 s0, $0x1;
	s2 =	rddreg [dreg:$0x3];
	v6 =	vor.u32 $0x2F0, v0;
	v7 =	vor.u32 $0x300, v0;
	v8 =	vor.u32 $0x3F0, v0  }
0x9: {  	[smem:$0x7FF] =	sst s4;
	s8 =	sshll.u32 s0, $0x6;
	v9 =	vor.u32 $0x400, v0;
	v10 =	vor.u32 $0x4F0, v0;
	v11 =	vor.u32 $0x500, v0;
	s7 =	sor.u32 s6, s7  }
0xa: {  	v12 =	vor.u32 $0x5F0, v0;
	v13 =	vor.u32 $0x600, v0;
	v14 =	vor.u32 $0x6F0, v0;
	_ =	strace $0x80000047;
	s8 =	sand.u32 $0x300, s8;
	s6 =	ssub.s32 $0x2, s6  }
0xb: {  	v15 =	vor.u32 $0x700, v0;
	v16 =	vor.u32 $0x7F0, v0;
	v17 =	vor.u32 $0x800, v0;
	s10 =	smul.u32 $0x18000, s7;
	s9 =	sadd.s32 s8, s5;
	s7 =	sshll.u32 s7, $0x4  }
.Ltmp0:
0xc: {  	v18 =	vor.u32 $0x8F0, v0;
	v19 =	vor.u32 $0x900, v0;
	v20 =	vor.u32 $0x9F0, v0;
	s30 =	sshrl.u32 s6, $0x1;
	s11 =	sand.u32 $0x70, s7;
	(pc) =	sbr.rel .LBB2_1-.Ltmp0, $4  }
0xd: {  	v21 =	vor.u32 $0xA00, v0;
	v22 =	vor.u32 $0xAF0, v0;
	v23 =	vor.u32 $0xB00, v0;
	s12 =	ssub.s32 s6, s30;
	s31 =	sshrl.u32 s10, $0x3;
	s11 =	sadd.s32 s11, s9  }
0xe: {  	v24 =	vor.u32 $0xBF0, v0;
	v25 =	vor.u32 $0xC00, v0;
	v26 =	vor.u32 $0xCF0, v0;
	s9 =	sadd.s32 $0x8000, s10;
	s10 =	sadd.s32 $0xC000, s10;
	s12 =	smax.u32 s12, $0x1  }
0xf: {  	v27 =	vor.u32 $0xD00, v0;
	v28 =	vor.u32 $0xDF0, v0;
	v29 =	vor.u32 $0xE00, v0;
	s5 =	sadd.s32 s1, s31;
	s6 =	sadd.s32 s3, s31;
	s8 =	sor.u32 $0x800, s31  }
0x10: {  	v30 =	vor.u32 $0xEF0, v0;
	v31 =	vor.u32 $0xF00, v0;
	v32 =	vor.u32 $0xFF0, v0;
	s11 =	sadd.s32 $0x600, s11;
	s7 =	sadd.s32 s1, s8;
	s8 =	sadd.s32 s3, s8  }
.LBB2_8:
0x11: {  	v53 =	vld [tilespmem:$0x10000]  }
0x12: {  	v52 =	vld [tilespmem:$0x10100]  }
0x13: {  	v57 =	vld [tilespmem:$0x10200]  }
0x14: {  	v51 =	vld [tilespmem:$0x10300]  }
0x15: {  	v33 =	vld [tilespmem:$0x10400]  }
0x16: {  	v59 =	vld [tilespmem:$0x10500]  }
0x17: {  	v60 =	vld [tilespmem:$0x10600]  }
0x18: {  	v61 =	vld [tilespmem:$0x10700]  }
0x19: {  	v62 =	vld [tilespmem:$0x10800]  }
0x1a: {  	v63 =	vld [tilespmem:$0x10900]  }
0x1b: {  	v36 =	vld [tilespmem:$0x10A00]  }
0x1c: {  	v37 =	vld [tilespmem:$0x10B00];
	[tilespmem:$0x1F710] =	vst v33  }
0x1d: {  	v38 =	vld [tilespmem:$0x10C00];
	[tilespmem:$0x1F720] =	vst v59  }
0x1e: {  	v39 =	vld [tilespmem:$0x10D00];
	[tilespmem:$0x1F730] =	vst v60  }
0x1f: {  	v40 =	vld [tilespmem:$0x10E00];
	[tilespmem:$0x1F740] =	vst v61  }
0x20: {  	v41 =	vld [tilespmem:$0x10F00];
	[tilespmem:$0x1F760] =	vst v62  }
0x21: {  	v43 =	vld [tilespmem:$0x10210];
	[tilespmem:$0x1F780] =	vst v63  }
0x22: {  	v46 =	vld [tilespmem:$0x10310];
	[tilespmem:$0x1F7A0] =	vst v36  }
0x23: {  	v42 =	vld [tilespmem:$0x10710];
	[tilespmem:$0x1F7C0] =	vst v37  }
0x24: {  	v44 =	vld [tilespmem:$0x10810];
	[tilespmem:$0x1F7F0] =	vst v38  }
0x25: {  	v45 =	vld [tilespmem:$0x10910];
	[tilespmem:$0x1F820] =	vst v39  }
0x26: {  	v47 =	vld [tilespmem:$0x10A10];
	[tilespmem:$0x1F850] =	vst v40  }
0x27: {  	v48 =	vld [tilespmem:$0x10B10];
	[tilespmem:$0x1F880] =	vst v41  }
0x28: {  	v49 =	vld [tilespmem:$0x10410];
	[tilespmem:$0x1F750] =	vst v42  }
0x29: {  	v56 =	vld [tilespmem:$0x10510];
	[tilespmem:$0x1F770] =	vst v44  }
0x2a: {  	v41 =	vld [tilespmem:$0x10010];
	[tilespmem:$0x1F790] =	vst v45  }
0x2b: {  	v38 =	vld [tilespmem:$0x10110];
	[tilespmem:$0x1F7B0] =	vst v47  }
0x2c: {  	v60 =	vld [tilespmem:$0x10610];
	[tilespmem:$0x1F7E0] =	vst v48  }
0x2d: {  	v63 =	vld [tilespmem:$0x10E20];
	_ =	sdelay $0x4  }
0x2e: {  	[tilespmem:$0x1F890] =	vst v63;
	v63 =	vld [tilespmem:$0x10630];
	_ =	sdelay $0x4  }
0x2f: {  	[tilespmem:$0x1F9A0] =	vst v63;
	v63 =	vld [tilespmem:$0x10E30];
	_ =	sdelay $0x4  }
0x30: {  	[tilespmem:$0x1FB90] =	vst v63;
	v63 =	vld [tilespmem:$0x10640];
	_ =	sdelay $0x4  }
0x31: {  	[tilespmem:$0x1F9C0] =	vst v63;
	v63 =	vld [tilespmem:$0x10E40];
	_ =	sdelay $0x4  }
0x32: {  	[tilespmem:$0x1FBB0] =	vst v63;
	v63 =	vld [tilespmem:$0x10650];
	_ =	sdelay $0x4  }
0x33: {  	[tilespmem:$0x1F9E0] =	vst v63;
	v63 =	vld [tilespmem:$0x10B50];
	_ =	sdelay $0x4  }
0x34: {  	[tilespmem:$0x1FB20] =	vst v63;
	v63 =	vld [tilespmem:$0x10660];
	_ =	sdelay $0x3  }
0x35: {  	v33 =	vld [tilespmem:$0x10C10]  }
0x36: {  	[tilespmem:$0x1FA00] =	vst v63;
	v63 =	vld [tilespmem:$0x10760]  }
0x37: {  	v50 =	vld [tilespmem:$0x10D10]  }
0x38: {  	v54 =	vld [tilespmem:$0x10E10]  }
0x39: {  	v55 =	vld [tilespmem:$0x10F10]  }
0x3a: {  	v34 =	vld [tilespmem:$0x10020]  }
0x3b: {  	[tilespmem:$0x1FA40] =	vst v63;
	v63 =	vld [tilespmem:$0x10860]  }
0x3c: {  	v35 =	vld [tilespmem:$0x10220]  }
0x3d: {  	v36 =	vld [tilespmem:$0x10320]  }
0x3e: {  	v37 =	vld [tilespmem:$0x10420]  }
0x3f: {  	v42 =	vld [tilespmem:$0x10520]  }
0x40: {  	[tilespmem:$0x1FA80] =	vst v63;
	v63 =	vld [tilespmem:$0x10960]  }
0x41: {  	v45 =	vld [tilespmem:$0x10620]  }
0x42: {  	v48 =	vld [tilespmem:$0x10720]  }
0x43: {  	v59 =	vld [tilespmem:$0x10920]  }
0x44: {  	v39 =	vld [tilespmem:$0x10A20]  }
0x45: {  	[tilespmem:$0x1FAC0] =	vst v63;
	v63 =	vld [tilespmem:$0x10A60]  }
0x46: {  	v58 =	vld [tilespmem:$0x10B20]  }
0x47: {  	v61 =	vld [tilespmem:$0x10C20]  }
0x48: {  	v62 =	vld [tilespmem:$0x10D20]  }
0x49: {  	v44 =	vld [tilespmem:$0x10F20]  }
0x4a: {  	v52 =	vadd.f32 v52, v53;
	[tilespmem:$0x1FB00] =	vst v63;
	v63 =	vld [tilespmem:$0x10B60]  }
0x4b: {  	v47 =	vld [tilespmem:$0x10030]  }
0x4c: {  	v40 =	vld [tilespmem:$0x10060];
	v57 =	vadd.f32 v57, v52  }
0x4d: {  	v53 =	vld [tilespmem:$0x10D70]  }
0x4e: {  	v57 =	vadd.f32 v51, v57;
	v51 =	vld [tilespmem:$0x10380]  }
0x4f: {  	[tilespmem:$0x1FB40] =	vst v63;
	v63 =	vld [tilespmem:$0x10C60]  }
0x50: {  	v38 =	vadd.f32 v38, v41;
	v41 =	vld [tilespmem:$0x10180]  }
0x51: {  	[tilespmem:$0x1F810] =	vst v33;
	v33 =	vld [tilespmem:$0x10120]  }
0x52: {  	[tilespmem:$0x1F870] =	vst v54;
	v54 =	vld [tilespmem:$0x10820]  }
0x53: {  	[tilespmem:$0x1F840] =	vst v50;
	v50 =	vld [tilespmem:$0x10130]  }
0x54: {  	[tilespmem:$0x1FB80] =	vst v63;
	v63 =	vld [tilespmem:$0x10D60]  }
0x55: {  	[tilespmem:$0x1F8A0] =	vst v55;
	v55 =	vld [tilespmem:$0x10230]  }
0x56: {  	[tilespmem:$0x1F800] =	vst v58;
	v58 =	vld [tilespmem:$0x10330]  }
0x57: {  	[tilespmem:$0x1F830] =	vst v61;
	v61 =	vld [tilespmem:$0x10430]  }
0x58: {  	[tilespmem:$0x1F860] =	vst v62;
	v62 =	vld [tilespmem:$0x10530]  }
0x59: {  	[tilespmem:$0x1FBC0] =	vst v63;
	v63 =	vld [tilespmem:$0x10E60]  }
0x5a: {  	[tilespmem:$0x1F8D0] =	vst v44;
	v44 =	vld [tilespmem:$0x10730]  }
0x5b: {  	[tilespmem:$0x1F8B0] =	vst v47;
	v47 =	vld [tilespmem:$0x10830]  }
0x5c: {  	[tilespmem:$0x1F7D0] =	vst v39;
	v39 =	vld [tilespmem:$0x10160]  }
0x5d: {  	[tilespmem:$0x1FE40] =	vst v53;
	v53 =	vld [tilespmem:$0x10F70]  }
0x5e: {  	[tilespmem:$0x1FC00] =	vst v63;
	v63 =	vld [tilespmem:$0x10F60]  }
0x5f: {  	v52 =	vadd.f32 v43, v38;
	v43 =	vld [tilespmem:$0x1F710]  }
0x60: {  	[tilespmem:$0x1FCA0] =	vst v51;
	v51 =	vld [tilespmem:$0x10980]  }
0x61: {  	[tilespmem:$0x1F8C0] =	vst v50;
	v50 =	vld [tilespmem:$0x10930]  }
0x62: {  	[tilespmem:$0x1F900] =	vst v55;
	v55 =	vld [tilespmem:$0x10A30]  }
0x63: {  	[tilespmem:$0x1FC40] =	vst v63;
	v63 =	vld [tilespmem:$0x10070]  }
0x64: {  	[tilespmem:$0x1F920] =	vst v58;
	v58 =	vld [tilespmem:$0x10B30]  }
0x65: {  	[tilespmem:$0x1F940] =	vst v61;
	v61 =	vld [tilespmem:$0x10C30]  }
0x66: {  	[tilespmem:$0x1F970] =	vst v62;
	v62 =	vld [tilespmem:$0x10D30]  }
0x67: {  	[tilespmem:$0x1F9D0] =	vst v44;
	v44 =	vld [tilespmem:$0x10F30]  }
0x68: {  	[tilespmem:$0x1FC20] =	vst v63;
	v63 =	vld [tilespmem:$0x10170]  }
0x69: {  	[tilespmem:$0x1FA10] =	vst v47;
	v47 =	vld [tilespmem:$0x10040]  }
0x6a: {  	v33 =	vadd.f32 v33, v34;
	v34 =	vadd.f32 v46, v52;
	v46 =	vld [tilespmem:$0x10280]  }
0x6b: {  	v52 =	vld [tilespmem:$0x1F720]  }
0x6c: {  	[tilespmem:$0x1FE90] =	vst v53;
	v53 =	vld [tilespmem:$0x10480]  }
0x6d: {  	[tilespmem:$0x1FC30] =	vst v63;
	v63 =	vld [tilespmem:$0x10270]  }
0x6e: {  	v33 =	vadd.f32 v35, v33;
	v35 =	vadd.f32 v43, v57;
	v57 =	vld [tilespmem:$0x10580]  }
0x6f: {  	v43 =	vld [tilespmem:$0x1F740]  }
0x70: {  	v34 =	vadd.f32 v49, v34;
	v49 =	vld [tilespmem:$0x1F750]  }
0x71: {  	[tilespmem:$0x1FDB0] =	vst v51;
	v51 =	vld [tilespmem:$0x1F7E0]  }
0x72: {  	[tilespmem:$0x1FC70] =	vst v63;
	v63 =	vld [tilespmem:$0x10370]  }
0x73: {  	v34 =	vadd.f32 v56, v34;
	v56 =	vld [tilespmem:$0x10B80]  }
0x74: {  	v33 =	vadd.f32 v36, v33;
	v36 =	vld [tilespmem:$0x1F8A0]  }
0x75: {  	[tilespmem:$0x1FA50] =	vst v50;
	v50 =	vld [tilespmem:$0x10140]  }
0x76: {  	[tilespmem:$0x1FA90] =	vst v55;
	v55 =	vld [tilespmem:$0x10240]  }
0x77: {  	[tilespmem:$0x1FC90] =	vst v63;
	v63 =	vld [tilespmem:$0x10470]  }
0x78: {  	[tilespmem:$0x1FAD0] =	vst v58;
	v58 =	vld [tilespmem:$0x10340]  }
0x79: {  	[tilespmem:$0x1FB10] =	vst v61;
	v61 =	vld [tilespmem:$0x10440]  }
0x7a: {  	[tilespmem:$0x1FB50] =	vst v62;
	v62 =	vld [tilespmem:$0x10540]  }
0x7b: {  	[tilespmem:$0x1FBD0] =	vst v44;
	v44 =	vld [tilespmem:$0x10740]  }
0x7c: {  	[tilespmem:$0x1FCB0] =	vst v63;
	v63 =	vld [tilespmem:$0x10570]  }
0x7d: {  	[tilespmem:$0x1F8E0] =	vst v47;
	v47 =	vld [tilespmem:$0x10840]  }
0x7e: {  	[tilespmem:$0x1FC80] =	vst v46;
	v46 =	vld [tilespmem:$0x10880]  }
0x7f: {  	v35 =	vadd.f32 v52, v35;
	v52 =	vld [tilespmem:$0x1F760]  }
0x80: {  	[tilespmem:$0x1FCC0] =	vst v53;
	v53 =	vld [tilespmem:$0x1F770]  }
0x81: {  	[tilespmem:$0x1FCD0] =	vst v63;
	v63 =	vld [tilespmem:$0x10670]  }
0x82: {  	v34 =	vadd.f32 v60, v34;
	v60 =	vld [tilespmem:$0x10C80]  }
0x83: {  	v33 =	vadd.f32 v37, v33;
	v37 =	vld [tilespmem:$0x1F8B0]  }
0x84: {  	[tilespmem:$0x1FCF0] =	vst v57;
	v57 =	vld [tilespmem:$0x1F780]  }
0x85: {  	v34 =	vadd.f32 v49, v34;
	v49 =	vld [tilespmem:$0x1F7D0]  }
0x86: {  	[tilespmem:$0x1FD00] =	vst v63;
	v63 =	vld [tilespmem:$0x10770]  }
0x87: {  	[tilespmem:$0x1FE00] =	vst v56;
	v56 =	vld [tilespmem:$0x1F810]  }
0x88: {  	[tilespmem:$0x1F8F0] =	vst v50;
	v50 =	vld [tilespmem:$0x10940]  }
0x89: {  	[tilespmem:$0x1F910] =	vst v55;
	v55 =	vld [tilespmem:$0x10A40]  }
0x8a: {  	[tilespmem:$0x1F930] =	vst v58;
	v58 =	vld [tilespmem:$0x10B40]  }
0x8b: {  	[tilespmem:$0x1FD30] =	vst v63;
	v63 =	vld [tilespmem:$0x10870]  }
0x8c: {  	[tilespmem:$0x1F960] =	vst v61;
	v61 =	vld [tilespmem:$0x10C40]  }
0x8d: {  	[tilespmem:$0x1F990] =	vst v62;
	v62 =	vld [tilespmem:$0x10D40]  }
0x8e: {  	[tilespmem:$0x1F9F0] =	vst v44;
	v44 =	vld [tilespmem:$0x10F40]  }
0x8f: {  	v33 =	vadd.f32 v42, v33;
	[tilespmem:$0x1FA30] =	vst v47;
	v47 =	vld [tilespmem:$0x10350]  }
0x90: {  	[tilespmem:$0x1FD60] =	vst v63;
	v63 =	vld [tilespmem:$0x10970]  }
0x91: {  	v33 =	vadd.f32 v45, v33;
	v45 =	vld [tilespmem:$0x1F7B0]  }
0x92: {  	[tilespmem:$0x1FD80] =	vst v46;
	v46 =	vld [tilespmem:$0x10F80]  }
0x93: {  	[tilespmem:$0x1FE30] =	vst v60;
	v60 =	vld [tilespmem:$0x1F830]  }
0x94: {  	v33 =	vadd.f32 v48, v33;
	v48 =	vld [tilespmem:$0x1F7C0]  }
0x95: {  	[tilespmem:$0x1FD90] =	vst v63;
	v63 =	vld [tilespmem:$0x10A70]  }
0x96: {  	v33 =	vadd.f32 v54, v33;
	v54 =	vld [tilespmem:$0x1F800]  }
0x97: {  	[tilespmem:$0x1FB70] =	vst v62;
	v62 =	vld [tilespmem:$0x10050]  }
0x98: {  	[tilespmem:$0x1FA70] =	vst v50;
	v50 =	vld [tilespmem:$0x10150]  }
0x99: {  	[tilespmem:$0x1FAF0] =	vst v58;
	v58 =	vld [tilespmem:$0x10250]  }
0x9a: {  	[tilespmem:$0x1FDC0] =	vst v63;
	v63 =	vld [tilespmem:$0x10B70]  }
0x9b: {  	[tilespmem:$0x1FAB0] =	vst v55;
	v55 =	vld [tilespmem:$0x10450]  }
0x9c: {  	[tilespmem:$0x1FB30] =	vst v61;
	v61 =	vld [tilespmem:$0x10550]  }
0x9d: {  	[tilespmem:$0x1FBF0] =	vst v44;
	v44 =	vld [tilespmem:$0x10750]  }
0x9e: {  	[tilespmem:$0x1F950] =	vst v47;
	v47 =	vld [tilespmem:$0x10850]  }
0x9f: {  	v33 =	vadd.f32 v59, v33;
	[tilespmem:$0x1FDE0] =	vst v63;
	v63 =	vld [tilespmem:$0x10C70]  }
0xa0: {  	[tilespmem:$0x1FEB0] =	vst v46;
	v46 =	vld [tilespmem:$0x10590]  }
0xa1: {  	v33 =	vadd.f32 v49, v33;
	v49 =	vld [tilespmem:$0x1F860]  }
0xa2: {  	[tilespmem:$0x1F980] =	vst v55;
	v55 =	vld [tilespmem:$0x10950]  }
0xa3: {  	[tilespmem:$0x1F9B0] =	vst v61;
	v61 =	vld [tilespmem:$0x10A50]  }
0xa4: {  	[tilespmem:$0x1FE10] =	vst v63;
	v63 =	vld [tilespmem:$0x10E70]  }
0xa5: {  	[tilespmem:$0x1FA20] =	vst v44;
	v44 =	vld [tilespmem:$0x10C50]  }
0xa6: {  	[tilespmem:$0x1FA60] =	vst v47;
	v47 =	vld [tilespmem:$0x10D50]  }
0xa7: {  	v33 =	vadd.f32 v54, v33;
	v54 =	vld [tilespmem:$0x10790]  }
0xa8: {  	[tilespmem:$0x1FD10] =	vst v46;
	v46 =	vld [tilespmem:$0x1F8D0]  }
0xa9: {  	v33 =	vadd.f32 v60, v33;
	[tilespmem:$0x1FE70] =	vst v63;
	v63 =	vld [tilespmem:$0x10080]  }
0xaa: {  	v60 =	vld [tilespmem:$0x10890]  }
0xab: {  	v33 =	vadd.f32 v49, v33;
	v49 =	vld [tilespmem:$0x1F8F0]  }
0xac: {  	[tilespmem:$0x1FAA0] =	vst v55;
	v55 =	vld [tilespmem:$0x10E50]  }
0xad: {  	[tilespmem:$0x1FAE0] =	vst v61;
	v61 =	vld [tilespmem:$0x10F50]  }
0xae: {  	[tilespmem:$0x1FC50] =	vst v63;
	v63 =	vld [tilespmem:$0x1F730]  }
0xaf: {  	[tilespmem:$0x1FB60] =	vst v44;
	v44 =	vld [tilespmem:$0x10260]  }
0xb0: {  	[tilespmem:$0x1FBA0] =	vst v47;
	v47 =	vld [tilespmem:$0x10360]  }
0xb1: {  	[tilespmem:$0x1FD70] =	vst v54;
	v54 =	vadd.f32 v50, v62;
	v62 =	vld [tilespmem:$0x10C90]  }
0xb2: {  	[tilespmem:$0x1FDA0] =	vst v60;
	v60 =	vadd.f32 v39, v40;
	v40 =	vld [tilespmem:$0x1F920]  }
0xb3: {  	v35 =	vadd.f32 v63, v35;
	v63 =	vld [tilespmem:$0x1F790]  }
0xb4: {  	[tilespmem:$0x1FBE0] =	vst v55;
	v55 =	vld [tilespmem:$0x10460]  }
0xb5: {  	[tilespmem:$0x1FC10] =	vst v61;
	v61 =	vld [tilespmem:$0x10560];
	v35 =	vadd.f32 v43, v35  }
0xb6: {  	v34 =	vadd.f32 v53, v34;
	v43 =	vld [tilespmem:$0x1F7A0]  }
0xb7: {  	[tilespmem:$0x1FE50] =	vst v62;
	v62 =	vld [tilespmem:$0x1F9D0];
	v35 =	vadd.f32 v52, v35  }
0xb8: {  	v52 =	vld [tilespmem:$0x1F7F0];
	v34 =	vadd.f32 v63, v34  }
0xb9: {  	v35 =	vadd.f32 v57, v35;
	v57 =	vld [tilespmem:$0x1F820]  }
0xba: {  	v34 =	vadd.f32 v45, v34;
	v45 =	vld [tilespmem:$0x1F840]  }
0xbb: {  	v35 =	vadd.f32 v43, v35;
	v43 =	vld [tilespmem:$0x10490]  }
0xbc: {  	v34 =	vadd.f32 v51, v34;
	v51 =	vld [tilespmem:$0x10690]  }
0xbd: {  	v35 =	vadd.f32 v48, v35;
	v48 =	vld [tilespmem:$0x1F850]  }
0xbe: {  	v34 =	vadd.f32 v56, v34;
	v56 =	vld [tilespmem:$0x1F880]  }
0xbf: {  	v35 =	vadd.f32 v52, v35;
	v52 =	vld [tilespmem:$0x1F870]  }
0xc0: {  	[tilespmem:$0x1FCE0] =	vst v43;
	v43 =	vld [tilespmem:$0x1F8C0]  }
0xc1: {  	v34 =	vadd.f32 v45, v34;
	v45 =	vld [tilespmem:$0x10990]  }
0xc2: {  	v35 =	vadd.f32 v57, v35;
	v57 =	vld [tilespmem:$0x1F890]  }
0xc3: {  	[tilespmem:$0x1FD40] =	vst v51;
	v51 =	vld [tilespmem:$0x10A90]  }
0xc4: {  	v35 =	vadd.f32 v48, v35;
	v48 =	vld [tilespmem:$0x1F8E0]  }
0xc5: {  	v34 =	vadd.f32 v52, v34;
	v52 =	vld [tilespmem:$0x1F900]  }
0xc6: {  	v35 =	vadd.f32 v56, v35;
	v56 =	vld [tilespmem:$0x10B90]  }
0xc7: {  	[tilespmem:$0x1FDD0] =	vst v45;
	v45 =	vld [tilespmem:$0x1F930]  }
0xc8: {  	v33 =	vadd.f32 v57, v33;
	v57 =	vld [tilespmem:$0x1F910]  }
0xc9: {  	[tilespmem:$0x1FDF0] =	vst v51;
	v51 =	vld [tilespmem:$0x1F960]  }
0xca: {  	v34 =	vadd.f32 v36, v34;
	[tilespmem:$0x1FF40] =	vst v35;
	v35 =	vadd.f32 v58, v54;
	v54 =	vld [tilespmem:$0x1F980]  }
0xcb: {  	v58 =	vld [tilespmem:$0x1F9B0]  }
0xcc: {  	[tilespmem:$0x1FF50] =	vst v34;
	v34 =	vadd.f32 v43, v37;
	v43 =	vld [tilespmem:$0x10D90]  }
0xcd: {  	v33 =	vadd.f32 v46, v33;
	v46 =	vld [tilespmem:$0x10E90]  }
0xce: {  	v37 =	vadd.f32 v44, v60;
	v60 =	vld [tilespmem:$0x1F9C0]  }
0xcf: {  	v44 =	vld [tilespmem:$0x1F9F0]  }
0xd0: {  	[tilespmem:$0x1FF70] =	vst v33;
	v33 =	vadd.f32 v49, v48;
	v48 =	vld [tilespmem:$0x1F940]  }
0xd1: {  	v34 =	vadd.f32 v52, v34;
	v49 =	vld [tilespmem:$0x1F950]  }
0xd2: {  	v52 =	vld [tilespmem:$0x1F970];
	v33 =	vadd.f32 v57, v33  }
0xd3: {  	[tilespmem:$0x1FE20] =	vst v56;
	v56 =	vld [tilespmem:$0x1F990];
	v34 =	vadd.f32 v40, v34  }
0xd4: {  	v57 =	vld [tilespmem:$0x1F9A0];
	v33 =	vadd.f32 v45, v33  }
0xd5: {  	[tilespmem:$0x1FE80] =	vst v43;
	v43 =	vld [tilespmem:$0x1F9E0];
	v34 =	vadd.f32 v48, v34  }
0xd6: {  	[tilespmem:$0x1FEA0] =	vst v46;
	v46 =	vld [tilespmem:$0x1FA00];
	v33 =	vadd.f32 v51, v33  }
0xd7: {  	v48 =	vld [tilespmem:$0x1FA10];
	v34 =	vadd.f32 v52, v34  }
0xd8: {  	v35 =	vadd.f32 v49, v35;
	v49 =	vld [tilespmem:$0x1FA20];
	v33 =	vadd.f32 v56, v33  }
0xd9: {  	v51 =	vld [tilespmem:$0x1FA30];
	v34 =	vadd.f32 v57, v34  }
0xda: {  	v35 =	vadd.f32 v54, v35;
	v54 =	vld [tilespmem:$0x1FA50];
	v33 =	vadd.f32 v60, v33  }
0xdb: {  	v57 =	vld [tilespmem:$0x1FA70];
	v34 =	vadd.f32 v62, v34  }
0xdc: {  	v37 =	vadd.f32 v47, v37;
	v33 =	vadd.f32 v44, v33;
	v44 =	vld [tilespmem:$0x1FA90]  }
0xdd: {  	v52 =	vld [tilespmem:$0x1FA40];
	v34 =	vadd.f32 v48, v34  }
0xde: {  	v37 =	vadd.f32 v55, v37;
	v33 =	vadd.f32 v51, v33;
	v51 =	vld [tilespmem:$0x1FAD0]  }
0xdf: {  	v56 =	vld [tilespmem:$0x1FA60];
	v35 =	vadd.f32 v58, v35;
	v34 =	vadd.f32 v54, v34  }
0xe0: {  	v37 =	vadd.f32 v61, v37;
	v33 =	vadd.f32 v57, v33;
	v57 =	vld [tilespmem:$0x1FB10]  }
0xe1: {  	v35 =	vadd.f32 v43, v35;
	v43 =	vld [tilespmem:$0x1FA80];
	v34 =	vadd.f32 v44, v34  }
0xe2: {  	v37 =	vadd.f32 v46, v37;
	v46 =	vld [tilespmem:$0x1FAA0]  }
0xe3: {  	v35 =	vadd.f32 v49, v35;
	v49 =	vld [tilespmem:$0x1FAC0];
	v34 =	vadd.f32 v51, v34  }
0xe4: {  	v37 =	vadd.f32 v52, v37;
	v48 =	vld [tilespmem:$0x1FAB0]  }
0xe5: {  	v34 =	vadd.f32 v57, v34;
	v57 =	vld [tilespmem:$0x1FB50]  }
0xe6: {  	v52 =	vld [tilespmem:$0x1FAE0];
	v37 =	vadd.f32 v43, v37  }
0xe7: {  	v35 =	vadd.f32 v56, v35;
	v54 =	vld [tilespmem:$0x1FAF0]  }
0xe8: {  	v37 =	vadd.f32 v49, v37;
	v49 =	vld [tilespmem:$0x10FA0]  }
0xe9: {  	v56 =	vld [tilespmem:$0x1FB00];
	v35 =	vadd.f32 v46, v35  }
0xea: {  	v33 =	vadd.f32 v48, v33;
	v34 =	vadd.f32 v57, v34;
	v57 =	vld [tilespmem:$0x1FB90]  }
0xeb: {  	v35 =	vadd.f32 v52, v35;
	v52 =	vld [tilespmem:$0x1FB30]  }
0xec: {  	v33 =	vadd.f32 v54, v33;
	v54 =	vld [tilespmem:$0x1FB40]  }
0xed: {  	[tilespmem:$0x1FED0] =	vst v49;
	v49 =	vld [tilespmem:$0x1FB70];
	_ =	sdelay $0x1  }
0xee: {  	v34 =	vadd.f32 v57, v34;
	v57 =	vld [tilespmem:$0x1FBB0]  }
0xef: {  	v37 =	vadd.f32 v56, v37;
	v33 =	vadd.f32 v52, v33  }
0xf0: {  	[tilespmem:$0x1FC60] =	vst v41;
	v41 =	vld [tilespmem:$0x10680]  }
0xf1: {  	v37 =	vadd.f32 v54, v37;
	v54 =	vld [tilespmem:$0x1FB80];
	v33 =	vadd.f32 v49, v33  }
0xf2: {  	v38 =	vld [tilespmem:$0x10090]  }
0xf3: {  	v33 =	vadd.f32 v57, v33;
	v57 =	vld [tilespmem:$0x1FBC0]  }
0xf4: {  	v48 =	vld [tilespmem:$0x1FB20]  }
0xf5: {  	[tilespmem:$0x1FD20] =	vst v41;
	v41 =	vld [tilespmem:$0x10D80]  }
0xf6: {  	v42 =	vld [tilespmem:$0x10780];
	v37 =	vadd.f32 v54, v37  }
0xf7: {  	v53 =	vld [tilespmem:$0x10190]  }
0xf8: {  	v36 =	vadd.f32 v57, v37;
	v37 =	vld [tilespmem:$0x1FBD0]  }
0xf9: {  	v35 =	vadd.f32 v48, v35;
	v48 =	vld [tilespmem:$0x1FB60]  }
0xfa: {  	v59 =	vld [tilespmem:$0x10290]  }
0xfb: {  	v54 =	vld [tilespmem:$0x1FBA0]  }
0xfc: {  	[tilespmem:$0x1FE60] =	vst v41;
	v41 =	vld [tilespmem:$0x10E80]  }
0xfd: {  	v53 =	vadd.f32 v53, v38;
	v34 =	vadd.f32 v37, v34;
	v37 =	vld [tilespmem:$0x1FBE0]  }
0xfe: {  	[tilespmem:$0x1FD50] =	vst v42;
	v42 =	vld [tilespmem:$0x10A80];
	v35 =	vadd.f32 v48, v35  }
0xff: {  	v53 =	vadd.f32 v59, v53;
	v59 =	vld [tilespmem:$0x10DB0]  }
0x100: {  	v38 =	vld [tilespmem:$0x1FC80];
	v35 =	vadd.f32 v54, v35  }
0x101: {  	v50 =	vld [tilespmem:$0x10F90]  }
0x102: {  	[tilespmem:$0x1FF80] =	vst v34;
	v34 =	vadd.f32 v37, v35;
	v37 =	vld [tilespmem:$0x105B0]  }
0x103: {  	v63 =	vld [tilespmem:$0x10390]  }
0x104: {  	[tilespmem:$0x1FFC0] =	vst v59;
	v59 =	vld [tilespmem:$0x1FD20]  }
0x105: {  	v39 =	vld [tilespmem:$0x109A0]  }
0x106: {  	[tilespmem:$0x1FEC0] =	vst v50;
	v50 =	vld [tilespmem:$0x103A0]  }
0x107: {  	[tilespmem:$0x1FEE0] =	vst v37;
	v37 =	vld [tilespmem:$0x1FBF0]  }
0x108: {  	v53 =	vadd.f32 v63, v53;
	v63 =	vld [tilespmem:$0x1FCC0]  }
0x109: {  	v47 =	vld [tilespmem:$0x102A0]  }
0x10a: {  	v40 =	vld [tilespmem:$0x100A0]  }
0x10b: {  	v45 =	vld [tilespmem:$0x101A0]  }
0x10c: {  	v33 =	vadd.f32 v37, v33;
	v37 =	vld [tilespmem:$0x1FC00]  }
0x10d: {  	v55 =	vld [tilespmem:$0x104A0]  }
0x10e: {  	v61 =	vld [tilespmem:$0x107A0]  }
0x10f: {  	v58 =	vld [tilespmem:$0x105A0]  }
0x110: {  	v45 =	vadd.f32 v45, v40;
	v40 =	vld [tilespmem:$0x10AB0]  }
0x111: {  	[tilespmem:$0x1FFA0] =	vst v33;
	v33 =	vadd.f32 v37, v36;
	v37 =	vld [tilespmem:$0x106B0]  }
0x112: {  	v36 =	vld [tilespmem:$0x1FC10]  }
0x113: {  	v60 =	vld [tilespmem:$0x106A0]  }
0x114: {  	v62 =	vld [tilespmem:$0x108A0]  }
0x115: {  	v47 =	vadd.f32 v47, v45;
	v45 =	vld [tilespmem:$0x1FCB0]  }
0x116: {  	[tilespmem:$0x1FEF0] =	vst v37;
	v37 =	vld [tilespmem:$0x1FC20]  }
0x117: {  	v34 =	vadd.f32 v36, v34;
	v36 =	vld [tilespmem:$0x1FC30]  }
0x118: {  	v47 =	vadd.f32 v50, v47;
	v50 =	vld [tilespmem:$0x1FD00]  }
0x119: {  	[tilespmem:$0x1FF30] =	vst v40;
	v40 =	vld [tilespmem:$0x10CB0]  }
0x11a: {  	v47 =	vadd.f32 v55, v47;
	v55 =	vld [tilespmem:$0x100C0]  }
0x11b: {  	v43 =	vld [tilespmem:$0x10AA0]  }
0x11c: {  	[tilespmem:$0x1FFB0] =	vst v34;
	v34 =	vadd.f32 v36, v37;
	v37 =	vld [tilespmem:$0x107B0]  }
0x11d: {  	v36 =	vld [tilespmem:$0x1FC40]  }
0x11e: {  	v44 =	vld [tilespmem:$0x10BA0]  }
0x11f: {  	v46 =	vld [tilespmem:$0x10CA0]  }
0x120: {  	v47 =	vadd.f32 v58, v47;
	v58 =	vld [tilespmem:$0x102C0]  }
0x121: {  	[tilespmem:$0x1FF00] =	vst v37;
	v37 =	vld [tilespmem:$0x1FC50]  }
0x122: {  	v33 =	vadd.f32 v36, v33;
	v36 =	vld [tilespmem:$0x1FC60]  }
0x123: {  	v51 =	vld [tilespmem:$0x10DA0]  }
0x124: {  	[tilespmem:$0x1FF90] =	vst v40;
	v40 =	vld [tilespmem:$0x10FB0]  }
0x125: {  	v47 =	vadd.f32 v60, v47;
	v60 =	vld [tilespmem:$0x104C0]  }
0x126: {  	v56 =	vld [tilespmem:$0x10EA0]  }
0x127: {  	v47 =	vadd.f32 v61, v47;
	[tilespmem:$0x1FFD0] =	vst v33;
	v33 =	vadd.f32 v36, v37;
	v37 =	vld [tilespmem:$0x108B0]  }
0x128: {  	v61 =	vld [tilespmem:$0x106C0]  }
0x129: {  	v47 =	vadd.f32 v62, v47;
	v62 =	vld [tilespmem:$0x108C0]  }
0x12a: {  	v52 =	vld [tilespmem:$0x100B0]  }
0x12b: {  	v39 =	vadd.f32 v39, v47;
	v47 =	vld [tilespmem:$0x10AC0]  }
0x12c: {  	[tilespmem:$0x1FF10] =	vst v37;
	v37 =	vld [tilespmem:$0x109B0]  }
0x12d: {  	v36 =	vld [tilespmem:$0x1FC70]  }
0x12e: {  	v39 =	vadd.f32 v43, v39;
	v43 =	vld [tilespmem:$0x10CC0]  }
0x12f: {  	v48 =	vld [tilespmem:$0x101B0]  }
0x130: {  	v33 =	vadd.f32 v38, v33;
	v38 =	vld [tilespmem:$0x1FCA0]  }
0x131: {  	[tilespmem:$0x1FF20] =	vst v37;
	v37 =	vld [tilespmem:$0x10BB0]  }
0x132: {  	v34 =	vadd.f32 v36, v34;
	v36 =	vld [tilespmem:$0x1FC90]  }
0x133: {  	v49 =	vld [tilespmem:$0x102B0]  }
0x134: {  	v39 =	vadd.f32 v44, v39;
	v44 =	vld [tilespmem:$0x10EC0]  }
0x135: {  	v33 =	vadd.f32 v38, v33;
	v38 =	vld [tilespmem:$0x1FCE0]  }
0x136: {  	v39 =	vadd.f32 v46, v39;
	[tilespmem:$0x1FF60] =	vst v37;
	v37 =	vld [tilespmem:$0x1FCD0]  }
0x137: {  	v46 =	vld [tilespmem:$0x100D0];
	v34 =	vadd.f32 v36, v34  }
0x138: {  	v39 =	vadd.f32 v51, v39;
	v51 =	vld [tilespmem:$0x100E0]  }
0x139: {  	v34 =	vadd.f32 v45, v34;
	v45 =	vld [tilespmem:$0x1FCF0]  }
0x13a: {  	v33 =	vadd.f32 v63, v33;
	v63 =	vadd.f32 v38, v53;
	v53 =	vld [tilespmem:$0x1FD10]  }
0x13b: {  	v34 =	vadd.f32 v37, v34;
	v37 =	vld [tilespmem:$0x1FD30]  }
0x13c: {  	v38 =	vld [tilespmem:$0x1FD40]  }
0x13d: {  	v48 =	vadd.f32 v48, v52;
	v52 =	vld [tilespmem:$0x102E0]  }
0x13e: {  	v34 =	vadd.f32 v50, v34;
	v50 =	vld [tilespmem:$0x1FD50]  }
0x13f: {  	v54 =	vld [tilespmem:$0x103B0];
	v33 =	vadd.f32 v45, v33;
	v63 =	vadd.f32 v53, v63  }
0x140: {  	v34 =	vadd.f32 v37, v34;
	v37 =	vld [tilespmem:$0x1FD70]  }
0x141: {  	[tilespmem:$0x1FFF0] =	vst v40;
	v33 =	vadd.f32 v59, v33;
	v40 =	vadd.f32 v38, v63;
	v38 =	vld [tilespmem:$0x1FD80]  }
0x142: {  	v53 =	vld [tilespmem:$0x1FD60]  }
0x143: {  	v33 =	vadd.f32 v50, v33;
	v50 =	vld [tilespmem:$0x1FDB0]  }
0x144: {  	v39 =	vadd.f32 v56, v39;
	v56 =	vld [tilespmem:$0x102D0];
	v48 =	vadd.f32 v49, v48  }
0x145: {  	v59 =	vadd.f32 v37, v40;
	v40 =	vld [tilespmem:$0x1FD90]  }
0x146: {  	v48 =	vadd.f32 v54, v48;
	v54 =	vld [tilespmem:$0x1FF40];
	v33 =	vadd.f32 v38, v33  }
0x147: {  	v34 =	vadd.f32 v53, v34;
	v53 =	vld [tilespmem:$0x1FDC0]  }
0x148: {  	v57 =	vld [tilespmem:$0x104B0];
	v33 =	vadd.f32 v50, v33  }
0x149: {  	v35 =	vld [tilespmem:$0x101D0]  }
0x14a: {  	v33 =	vadd.f32 v42, v33;
	v42 =	vld [tilespmem:$0x1FDE0];
	v34 =	vadd.f32 v40, v34  }
0x14b: {  	v49 =	vld [tilespmem:$0x104D0]  }
0x14c: {  	v34 =	vadd.f32 v53, v34;
	v53 =	vld [tilespmem:$0x1FE10]  }
0x14d: {  	[tilespmem:$0x11000] =	vst v54;
	v54 =	vld [tilespmem:$0x1FFC0]  }
0x14e: {  	v48 =	vadd.f32 v57, v48;
	v57 =	vld [tilespmem:$0x106E0];
	v35 =	vadd.f32 v35, v46  }
0x14f: {  	v50 =	vld [tilespmem:$0x1FE00];
	v34 =	vadd.f32 v42, v34  }
0x150: {  	v35 =	vadd.f32 v56, v35;
	v56 =	vld [tilespmem:$0x1FEE0]  }
0x151: {  	v34 =	vadd.f32 v53, v34;
	v53 =	vld [tilespmem:$0x1FE40]  }
0x152: {  	v45 =	vld [tilespmem:$0x1FDA0]  }
0x153: {  	v36 =	vld [tilespmem:$0x10EB0]  }
0x154: {  	v33 =	vadd.f32 v50, v33;
	v50 =	vld [tilespmem:$0x1FE30]  }
0x155: {  	v40 =	vld [tilespmem:$0x1FDD0]  }
0x156: {  	v34 =	vadd.f32 v53, v34;
	v53 =	vld [tilespmem:$0x1FE60]  }
0x157: {  	v59 =	vadd.f32 v45, v59;
	v45 =	vld [tilespmem:$0x1FDF0]  }
0x158: {  	v46 =	vld [tilespmem:$0x103E0]  }
0x159: {  	v48 =	vadd.f32 v56, v48;
	v56 =	vld [tilespmem:$0x109D0];
	v33 =	vadd.f32 v50, v33  }
0x15a: {  	[tilespmem:$0x1FFE0] =	vst v36;
	v36 =	vld [tilespmem:$0x101C0];
	v59 =	vadd.f32 v40, v59  }
0x15b: {  	v33 =	vadd.f32 v53, v33;
	v53 =	vld [tilespmem:$0x1FE70]  }
0x15c: {  	v59 =	vadd.f32 v45, v59;
	v45 =	vld [tilespmem:$0x1FE20]  }
0x15d: {  	v63 =	vld [tilespmem:$0x103C0]  }
0x15e: {  	v50 =	vld [tilespmem:$0x1FE50]  }
0x15f: {  	v36 =	vadd.f32 v36, v55;
	v55 =	vld [tilespmem:$0x103D0]  }
0x160: {  	v34 =	vadd.f32 v53, v34;
	v53 =	vld [tilespmem:$0x1FE80]  }
0x161: {  	v36 =	vadd.f32 v58, v36;
	v58 =	vld [tilespmem:$0x104E0];
	v59 =	vadd.f32 v45, v59  }
0x162: {  	v37 =	vld [tilespmem:$0x105C0]  }
0x163: {  	v36 =	vadd.f32 v63, v36;
	v63 =	vld [tilespmem:$0x105E0];
	v59 =	vadd.f32 v50, v59  }
0x164: {  	v35 =	vadd.f32 v55, v35;
	v55 =	vld [tilespmem:$0x108E0]  }
0x165: {  	v36 =	vadd.f32 v60, v36;
	v59 =	vadd.f32 v53, v59;
	v53 =	vld [tilespmem:$0x1FE90]  }
0x166: {  	v38 =	vld [tilespmem:$0x107C0]  }
0x167: {  	v60 =	vld [tilespmem:$0x107E0];
	v36 =	vadd.f32 v37, v36  }
0x168: {  	v37 =	vld [tilespmem:$0x107D0]  }
0x169: {  	v36 =	vadd.f32 v61, v36;
	v40 =	vld [tilespmem:$0x109C0]  }
0x16a: {  	v33 =	vadd.f32 v41, v33;
	v41 =	vadd.f32 v53, v34;
	v53 =	vld [tilespmem:$0x1FEA0]  }
0x16b: {  	v36 =	vadd.f32 v38, v36;
	v34 =	vld [tilespmem:$0x101E0]  }
0x16c: {  	v61 =	vld [tilespmem:$0x1FF20]  }
0x16d: {  	v42 =	vld [tilespmem:$0x10BC0];
	v36 =	vadd.f32 v62, v36  }
0x16e: {  	v62 =	vld [tilespmem:$0x10AE0]  }
0x16f: {  	v36 =	vadd.f32 v40, v36;
	v59 =	vadd.f32 v53, v59;
	v53 =	vld [tilespmem:$0x1FEB0]  }
0x170: {  	v45 =	vld [tilespmem:$0x10DC0];
	v34 =	vadd.f32 v34, v51  }
0x171: {  	v36 =	vadd.f32 v47, v36;
	v50 =	vld [tilespmem:$0x10FC0]  }
0x172: {  	v34 =	vadd.f32 v52, v34;
	v52 =	vld [tilespmem:$0x105D0]  }
0x173: {  	v36 =	vadd.f32 v42, v36;
	v42 =	vld [tilespmem:$0x10DD0]  }
0x174: {  	v34 =	vadd.f32 v46, v34;
	v33 =	vadd.f32 v53, v33;
	v53 =	vld [tilespmem:$0x1FEC0]  }
0x175: {  	v35 =	vadd.f32 v49, v35;
	v46 =	vld [tilespmem:$0x106D0]  }
0x176: {  	v34 =	vadd.f32 v58, v34;
	v58 =	vld [tilespmem:$0x1FEF0]  }
0x177: {  	v35 =	vadd.f32 v52, v35;
	v52 =	vld [tilespmem:$0x108D0]  }
0x178: {  	v34 =	vadd.f32 v63, v34;
	v63 =	vld [tilespmem:$0x1FF00]  }
0x179: {  	v59 =	vadd.f32 v53, v59;
	v53 =	vld [tilespmem:$0x1FED0]  }
0x17a: {  	v35 =	vadd.f32 v46, v35;
	v34 =	vadd.f32 v57, v34;
	v57 =	vld [tilespmem:$0x1FF10]  }
0x17b: {  	v48 =	vadd.f32 v58, v48;
	v58 =	vld [tilespmem:$0x109E0]  }
0x17c: {  	v35 =	vadd.f32 v37, v35;
	v37 =	vld [tilespmem:$0x10CD0]  }
0x17d: {  	v34 =	vadd.f32 v60, v34;
	v60 =	vld [tilespmem:$0x10AD0]  }
0x17e: {  	v48 =	vadd.f32 v63, v48;
	v63 =	vld [tilespmem:$0x10BD0]  }
0x17f: {  	v35 =	vadd.f32 v52, v35;
	v52 =	vld [tilespmem:$0x1FF30]  }
0x180: {  	v34 =	vadd.f32 v55, v34;
	v55 =	vld [tilespmem:$0x1FF50]  }
0x181: {  	v39 =	vadd.f32 v53, v39;
	v53 =	vld [tilespmem:$0x10BE0]  }
0x182: {  	v35 =	vadd.f32 v56, v35;
	v56 =	vld [tilespmem:$0x1FF60]  }
0x183: {  	v48 =	vadd.f32 v57, v48;
	v57 =	vld [tilespmem:$0x10CE0]  }
0x184: {  	v34 =	vadd.f32 v58, v34;
	v58 =	vld [tilespmem:$0x1FF70]  }
0x185: {  	v35 =	vadd.f32 v60, v35;
	v60 =	vld [tilespmem:$0x1FF80]  }
0x186: {  	v48 =	vadd.f32 v61, v48;
	v61 =	vld [tilespmem:$0x1FF90]  }
0x187: {  	v34 =	vadd.f32 v62, v34;
	v62 =	vld [tilespmem:$0x10DE0]  }
0x188: {  	v35 =	vadd.f32 v63, v35;
	v63 =	vld [tilespmem:$0x1FFA0]  }
0x189: {  	v46 =	vadd.f32 v52, v48;
	v52 =	vld [tilespmem:$0x10ED0]  }
0x18a: {  	[tilespmem:$0x11010] =	vst v55;
	v55 =	vld [tilespmem:$0x10EE0]  }
0x18b: {  	[tilespmem:$0x11070] =	vst v41;
	v34 =	vadd.f32 v53, v34;
	v53 =	vld [tilespmem:$0x1FFB0]  }
0x18c: {  	v36 =	vadd.f32 v43, v36;
	[tilespmem:$0x11080] =	vst v33;
	v46 =	vadd.f32 v56, v46;
	v56 =	vld [tilespmem:$0x1FFD0]  }
0x18d: {  	[tilespmem:$0x11020] =	vst v58;
	v35 =	vadd.f32 v37, v35;
	v58 =	vld [tilespmem:$0x1FFE0]  }
0x18e: {  	v36 =	vadd.f32 v45, v36;
	[tilespmem:$0x11090] =	vst v59;
	v34 =	vadd.f32 v57, v34;
	v57 =	vld [tilespmem:$0x10FD0]  }
0x18f: {  	[tilespmem:$0x11030] =	vst v60;
	v60 =	vld [tilespmem:$0x10FE0];
	v46 =	vadd.f32 v61, v46;
	v35 =	vadd.f32 v42, v35  }
0x190: {  	[tilespmem:$0x110A0] =	vst v39;
	v61 =	vadd.f32 v44, v36;
	v34 =	vadd.f32 v62, v34;
	v62 =	vld [tilespmem:$0x1FFF0]  }
0x191: {  	[tilespmem:$0x11040] =	vst v63;
	v43 =	vadd.f32 v54, v46;
	v35 =	vadd.f32 v52, v35  }
0x192: {  	[tilespmem:$0x11050] =	vst v53;
	v33 =	vadd.f32 v50, v61;
	v34 =	vadd.f32 v55, v34  }
0x193: {  	[tilespmem:$0x11060] =	vst v56;
	v41 =	vadd.f32 v58, v43;
	v35 =	vadd.f32 v57, v35  }
0x194: {  	[tilespmem:$0x110C0] =	vst v33;
	v63 =	vadd.f32 v60, v34  }
0x195: {  	s23 =	sadd.s32 $0x1, s23;
	v36 =	vadd.f32 v62, v41;
	[tilespmem:$0x110D0] =	vst v35  }
0x196: {  	p0 =	sne.s32 s23, s12;
	[tilespmem:$0x110E0] =	vst v63  }
.Ltmp1:
0x197: {  	[tilespmem:$0x110B0] =	vst v36;
	(pc) =	sbr.rel @!p0 .LBB2_9-.Ltmp1, $4  }
0x198: {  	[hbm4b:s11+s19] =	stream.strided.scatter [tilespmem:s21], [sflag:$0x3], $0x100, s20, s19, $0x38;
	[tilespmem:$0x11100] =	vst v63  }
0x199: {  	_ =	swait.ge [sflag:s22], $0x100  }
0x19a: {  	[sflag:s22] =	ssyncset.done $0x0  }
0x19b: {  	[sflag:s22] =	ssyncadd.s32 $0xFFFFFF00  }
.LBB2_1:
0x19c: {  	[tilespmem:$0x10000] =	vst v1  }
0x19d: {  	[tilespmem:$0x10010] =	vst v1  }
0x19e: {  	[tilespmem:$0x10020] =	vst v1  }
0x19f: {  	[tilespmem:$0x10030] =	vst v1  }
0x1a0: {  	[tilespmem:$0x10040] =	vst v1  }
0x1a1: {  	[tilespmem:$0x10050] =	vst v1  }
0x1a2: {  	[tilespmem:$0x10060] =	vst v1  }
0x1a3: {  	[tilespmem:$0x10070] =	vst v1  }
0x1a4: {  	[tilespmem:$0x10080] =	vst v1  }
0x1a5: {  	[tilespmem:$0x10090] =	vst v1  }
0x1a6: {  	[tilespmem:$0x100A0] =	vst v1  }
0x1a7: {  	[tilespmem:$0x100B0] =	vst v1  }
0x1a8: {  	[tilespmem:$0x100C0] =	vst v1  }
0x1a9: {  	[tilespmem:$0x100D0] =	vst v1  }
0x1aa: {  	[tilespmem:$0x100E0] =	vst v1  }
0x1ab: {  	[tilespmem:$0x100F0] =	vst v1  }
0x1ac: {  	[tilespmem:$0x10100] =	vst v1  }
0x1ad: {  	[tilespmem:$0x10110] =	vst v1  }
0x1ae: {  	[tilespmem:$0x10120] =	vst v1  }
0x1af: {  	[tilespmem:$0x10130] =	vst v1  }
0x1b0: {  	[tilespmem:$0x10140] =	vst v1  }
0x1b1: {  	[tilespmem:$0x10150] =	vst v1  }
0x1b2: {  	[tilespmem:$0x10160] =	vst v1  }
0x1b3: {  	[tilespmem:$0x10170] =	vst v1  }
0x1b4: {  	[tilespmem:$0x10180] =	vst v1  }
0x1b5: {  	[tilespmem:$0x10190] =	vst v1  }
0x1b6: {  	[tilespmem:$0x101A0] =	vst v1  }
0x1b7: {  	[tilespmem:$0x101B0] =	vst v1  }
0x1b8: {  	[tilespmem:$0x101C0] =	vst v1  }
0x1b9: {  	[tilespmem:$0x101D0] =	vst v1  }
0x1ba: {  	[tilespmem:$0x101E0] =	vst v1  }
0x1bb: {  	[tilespmem:$0x101F0] =	vst v1  }
0x1bc: {  	[tilespmem:$0x10200] =	vst v1  }
0x1bd: {  	[tilespmem:$0x10210] =	vst v1  }
0x1be: {  	[tilespmem:$0x10220] =	vst v1  }
0x1bf: {  	[tilespmem:$0x10230] =	vst v1  }
0x1c0: {  	[tilespmem:$0x10240] =	vst v1  }
0x1c1: {  	[tilespmem:$0x10250] =	vst v1  }
0x1c2: {  	[tilespmem:$0x10260] =	vst v1  }
0x1c3: {  	[tilespmem:$0x10270] =	vst v1  }
0x1c4: {  	[tilespmem:$0x10280] =	vst v1  }
0x1c5: {  	[tilespmem:$0x10290] =	vst v1  }
0x1c6: {  	[tilespmem:$0x102A0] =	vst v1  }
0x1c7: {  	[tilespmem:$0x102B0] =	vst v1  }
0x1c8: {  	[tilespmem:$0x102C0] =	vst v1  }
0x1c9: {  	[tilespmem:$0x102D0] =	vst v1  }
0x1ca: {  	[tilespmem:$0x102E0] =	vst v1  }
0x1cb: {  	[tilespmem:$0x102F0] =	vst v1  }
0x1cc: {  	[tilespmem:$0x10300] =	vst v1  }
0x1cd: {  	[tilespmem:$0x10310] =	vst v1  }
0x1ce: {  	[tilespmem:$0x10320] =	vst v1  }
0x1cf: {  	[tilespmem:$0x10330] =	vst v1  }
0x1d0: {  	[tilespmem:$0x10340] =	vst v1  }
0x1d1: {  	[tilespmem:$0x10350] =	vst v1  }
0x1d2: {  	[tilespmem:$0x10360] =	vst v1  }
0x1d3: {  	[tilespmem:$0x10370] =	vst v1  }
0x1d4: {  	[tilespmem:$0x10380] =	vst v1  }
0x1d5: {  	[tilespmem:$0x10390] =	vst v1  }
0x1d6: {  	[tilespmem:$0x103A0] =	vst v1  }
0x1d7: {  	[tilespmem:$0x103B0] =	vst v1  }
0x1d8: {  	[tilespmem:$0x103C0] =	vst v1  }
0x1d9: {  	[tilespmem:$0x103D0] =	vst v1  }
0x1da: {  	[tilespmem:$0x103E0] =	vst v1  }
0x1db: {  	[tilespmem:$0x103F0] =	vst v1  }
0x1dc: {  	[tilespmem:$0x10400] =	vst v1  }
0x1dd: {  	[tilespmem:$0x10410] =	vst v1  }
0x1de: {  	[tilespmem:$0x10420] =	vst v1  }
0x1df: {  	[tilespmem:$0x10430] =	vst v1  }
0x1e0: {  	[tilespmem:$0x10440] =	vst v1  }
0x1e1: {  	[tilespmem:$0x10450] =	vst v1  }
0x1e2: {  	[tilespmem:$0x10460] =	vst v1  }
0x1e3: {  	[tilespmem:$0x10470] =	vst v1  }
0x1e4: {  	[tilespmem:$0x10480] =	vst v1  }
0x1e5: {  	[tilespmem:$0x10490] =	vst v1  }
0x1e6: {  	[tilespmem:$0x104A0] =	vst v1  }
0x1e7: {  	[tilespmem:$0x104B0] =	vst v1  }
0x1e8: {  	[tilespmem:$0x104C0] =	vst v1  }
0x1e9: {  	[tilespmem:$0x104D0] =	vst v1  }
0x1ea: {  	[tilespmem:$0x104E0] =	vst v1  }
0x1eb: {  	[tilespmem:$0x104F0] =	vst v1  }
0x1ec: {  	[tilespmem:$0x10500] =	vst v1  }
0x1ed: {  	[tilespmem:$0x10510] =	vst v1  }
0x1ee: {  	[tilespmem:$0x10520] =	vst v1  }
0x1ef: {  	[tilespmem:$0x10530] =	vst v1  }
0x1f0: {  	[tilespmem:$0x10540] =	vst v1  }
0x1f1: {  	[tilespmem:$0x10550] =	vst v1  }
0x1f2: {  	[tilespmem:$0x10560] =	vst v1  }
0x1f3: {  	[tilespmem:$0x10570] =	vst v1  }
0x1f4: {  	[tilespmem:$0x10580] =	vst v1  }
0x1f5: {  	[tilespmem:$0x10590] =	vst v1  }
0x1f6: {  	[tilespmem:$0x105A0] =	vst v1  }
0x1f7: {  	[tilespmem:$0x105B0] =	vst v1  }
0x1f8: {  	[tilespmem:$0x105C0] =	vst v1  }
0x1f9: {  	[tilespmem:$0x105D0] =	vst v1  }
0x1fa: {  	[tilespmem:$0x105E0] =	vst v1  }
0x1fb: {  	[tilespmem:$0x105F0] =	vst v1  }
0x1fc: {  	[tilespmem:$0x10600] =	vst v1  }
0x1fd: {  	[tilespmem:$0x10610] =	vst v1  }
0x1fe: {  	[tilespmem:$0x10620] =	vst v1  }
0x1ff: {  	[tilespmem:$0x10630] =	vst v1  }
0x200: {  	[tilespmem:$0x10640] =	vst v1  }
0x201: {  	[tilespmem:$0x10650] =	vst v1  }
0x202: {  	[tilespmem:$0x10660] =	vst v1  }
0x203: {  	[tilespmem:$0x10670] =	vst v1  }
0x204: {  	[tilespmem:$0x10680] =	vst v1  }
0x205: {  	[tilespmem:$0x10690] =	vst v1  }
0x206: {  	[tilespmem:$0x106A0] =	vst v1  }
0x207: {  	[tilespmem:$0x106B0] =	vst v1  }
0x208: {  	[tilespmem:$0x106C0] =	vst v1  }
0x209: {  	[tilespmem:$0x106D0] =	vst v1  }
0x20a: {  	[tilespmem:$0x106E0] =	vst v1  }
0x20b: {  	[tilespmem:$0x106F0] =	vst v1  }
0x20c: {  	[tilespmem:$0x10700] =	vst v1  }
0x20d: {  	[tilespmem:$0x10710] =	vst v1  }
0x20e: {  	[tilespmem:$0x10720] =	vst v1  }
0x20f: {  	[tilespmem:$0x10730] =	vst v1  }
0x210: {  	[tilespmem:$0x10740] =	vst v1  }
0x211: {  	[tilespmem:$0x10750] =	vst v1  }
0x212: {  	[tilespmem:$0x10760] =	vst v1  }
0x213: {  	[tilespmem:$0x10770] =	vst v1  }
0x214: {  	[tilespmem:$0x10780] =	vst v1  }
0x215: {  	[tilespmem:$0x10790] =	vst v1  }
0x216: {  	[tilespmem:$0x107A0] =	vst v1  }
0x217: {  	[tilespmem:$0x107B0] =	vst v1  }
0x218: {  	[tilespmem:$0x107C0] =	vst v1  }
0x219: {  	[tilespmem:$0x107D0] =	vst v1  }
0x21a: {  	[tilespmem:$0x107E0] =	vst v1  }
0x21b: {  	[tilespmem:$0x107F0] =	vst v1  }
0x21c: {  	[tilespmem:$0x10800] =	vst v1  }
0x21d: {  	[tilespmem:$0x10810] =	vst v1  }
0x21e: {  	[tilespmem:$0x10820] =	vst v1  }
0x21f: {  	[tilespmem:$0x10830] =	vst v1  }
0x220: {  	[tilespmem:$0x10840] =	vst v1  }
0x221: {  	[tilespmem:$0x10850] =	vst v1  }
0x222: {  	[tilespmem:$0x10860] =	vst v1  }
0x223: {  	[tilespmem:$0x10870] =	vst v1  }
0x224: {  	[tilespmem:$0x10880] =	vst v1  }
0x225: {  	[tilespmem:$0x10890] =	vst v1  }
0x226: {  	[tilespmem:$0x108A0] =	vst v1  }
0x227: {  	[tilespmem:$0x108B0] =	vst v1  }
0x228: {  	[tilespmem:$0x108C0] =	vst v1  }
0x229: {  	[tilespmem:$0x108D0] =	vst v1  }
0x22a: {  	[tilespmem:$0x108E0] =	vst v1  }
0x22b: {  	[tilespmem:$0x108F0] =	vst v1  }
0x22c: {  	[tilespmem:$0x10900] =	vst v1  }
0x22d: {  	[tilespmem:$0x10910] =	vst v1  }
0x22e: {  	[tilespmem:$0x10920] =	vst v1  }
0x22f: {  	[tilespmem:$0x10930] =	vst v1  }
0x230: {  	[tilespmem:$0x10940] =	vst v1  }
0x231: {  	[tilespmem:$0x10950] =	vst v1  }
0x232: {  	[tilespmem:$0x10960] =	vst v1  }
0x233: {  	[tilespmem:$0x10970] =	vst v1  }
0x234: {  	[tilespmem:$0x10980] =	vst v1  }
0x235: {  	[tilespmem:$0x10990] =	vst v1  }
0x236: {  	[tilespmem:$0x109A0] =	vst v1  }
0x237: {  	[tilespmem:$0x109B0] =	vst v1  }
0x238: {  	[tilespmem:$0x109C0] =	vst v1  }
0x239: {  	[tilespmem:$0x109D0] =	vst v1  }
0x23a: {  	[tilespmem:$0x109E0] =	vst v1  }
0x23b: {  	[tilespmem:$0x109F0] =	vst v1  }
0x23c: {  	[tilespmem:$0x10A00] =	vst v1  }
0x23d: {  	[tilespmem:$0x10A10] =	vst v1  }
0x23e: {  	[tilespmem:$0x10A20] =	vst v1  }
0x23f: {  	[tilespmem:$0x10A30] =	vst v1  }
0x240: {  	[tilespmem:$0x10A40] =	vst v1  }
0x241: {  	[tilespmem:$0x10A50] =	vst v1  }
0x242: {  	[tilespmem:$0x10A60] =	vst v1  }
0x243: {  	[tilespmem:$0x10A70] =	vst v1  }
0x244: {  	[tilespmem:$0x10A80] =	vst v1  }
0x245: {  	[tilespmem:$0x10A90] =	vst v1  }
0x246: {  	[tilespmem:$0x10AA0] =	vst v1  }
0x247: {  	[tilespmem:$0x10AB0] =	vst v1  }
0x248: {  	[tilespmem:$0x10AC0] =	vst v1  }
0x249: {  	[tilespmem:$0x10AD0] =	vst v1  }
0x24a: {  	[tilespmem:$0x10AE0] =	vst v1  }
0x24b: {  	[tilespmem:$0x10AF0] =	vst v1  }
0x24c: {  	[tilespmem:$0x10B00] =	vst v1  }
0x24d: {  	[tilespmem:$0x10B10] =	vst v1  }
0x24e: {  	[tilespmem:$0x10B20] =	vst v1  }
0x24f: {  	[tilespmem:$0x10B30] =	vst v1  }
0x250: {  	[tilespmem:$0x10B40] =	vst v1  }
0x251: {  	[tilespmem:$0x10B50] =	vst v1  }
0x252: {  	[tilespmem:$0x10B60] =	vst v1  }
0x253: {  	[tilespmem:$0x10B70] =	vst v1  }
0x254: {  	[tilespmem:$0x10B80] =	vst v1  }
0x255: {  	[tilespmem:$0x10B90] =	vst v1  }
0x256: {  	[tilespmem:$0x10BA0] =	vst v1  }
0x257: {  	[tilespmem:$0x10BB0] =	vst v1  }
0x258: {  	[tilespmem:$0x10BC0] =	vst v1  }
0x259: {  	[tilespmem:$0x10BD0] =	vst v1  }
0x25a: {  	[tilespmem:$0x10BE0] =	vst v1  }
0x25b: {  	[tilespmem:$0x10BF0] =	vst v1  }
0x25c: {  	[tilespmem:$0x10C00] =	vst v1  }
0x25d: {  	[tilespmem:$0x10C10] =	vst v1  }
0x25e: {  	[tilespmem:$0x10C20] =	vst v1  }
0x25f: {  	[tilespmem:$0x10C30] =	vst v1  }
0x260: {  	[tilespmem:$0x10C40] =	vst v1  }
0x261: {  	[tilespmem:$0x10C50] =	vst v1  }
0x262: {  	[tilespmem:$0x10C60] =	vst v1  }
0x263: {  	[tilespmem:$0x10C70] =	vst v1  }
0x264: {  	[tilespmem:$0x10C80] =	vst v1  }
0x265: {  	[tilespmem:$0x10C90] =	vst v1  }
0x266: {  	[tilespmem:$0x10CA0] =	vst v1  }
0x267: {  	[tilespmem:$0x10CB0] =	vst v1  }
0x268: {  	[tilespmem:$0x10CC0] =	vst v1  }
0x269: {  	[tilespmem:$0x10CD0] =	vst v1  }
0x26a: {  	[tilespmem:$0x10CE0] =	vst v1  }
0x26b: {  	[tilespmem:$0x10CF0] =	vst v1  }
0x26c: {  	[tilespmem:$0x10D00] =	vst v1  }
0x26d: {  	[tilespmem:$0x10D10] =	vst v1  }
0x26e: {  	[tilespmem:$0x10D20] =	vst v1  }
0x26f: {  	[tilespmem:$0x10D30] =	vst v1  }
0x270: {  	[tilespmem:$0x10D40] =	vst v1  }
0x271: {  	[tilespmem:$0x10D50] =	vst v1  }
0x272: {  	[tilespmem:$0x10D60] =	vst v1  }
0x273: {  	[tilespmem:$0x10D70] =	vst v1  }
0x274: {  	[tilespmem:$0x10D80] =	vst v1  }
0x275: {  	[tilespmem:$0x10D90] =	vst v1  }
0x276: {  	[tilespmem:$0x10DA0] =	vst v1  }
0x277: {  	[tilespmem:$0x10DB0] =	vst v1  }
0x278: {  	[tilespmem:$0x10DC0] =	vst v1  }
0x279: {  	[tilespmem:$0x10DD0] =	vst v1  }
0x27a: {  	[tilespmem:$0x10DE0] =	vst v1  }
0x27b: {  	[tilespmem:$0x10DF0] =	vst v1  }
0x27c: {  	[tilespmem:$0x10E00] =	vst v1  }
0x27d: {  	[tilespmem:$0x10E10] =	vst v1  }
0x27e: {  	[tilespmem:$0x10E20] =	vst v1  }
0x27f: {  	[tilespmem:$0x10E30] =	vst v1  }
0x280: {  	[tilespmem:$0x10E40] =	vst v1  }
0x281: {  	[tilespmem:$0x10E50] =	vst v1  }
0x282: {  	[tilespmem:$0x10E60] =	vst v1  }
0x283: {  	[tilespmem:$0x10E70] =	vst v1  }
0x284: {  	[tilespmem:$0x10E80] =	vst v1  }
0x285: {  	[tilespmem:$0x10E90] =	vst v1  }
0x286: {  	[tilespmem:$0x10EA0] =	vst v1  }
0x287: {  	[tilespmem:$0x10EB0] =	vst v1  }
0x288: {  	[tilespmem:$0x10EC0] =	vst v1  }
0x289: {  	[tilespmem:$0x10ED0] =	vst v1  }
0x28a: {  	[tilespmem:$0x10EE0] =	vst v1  }
0x28b: {  	[tilespmem:$0x10EF0] =	vst v1  }
0x28c: {  	[tilespmem:$0x10F00] =	vst v1  }
0x28d: {  	[tilespmem:$0x10F10] =	vst v1  }
0x28e: {  	[tilespmem:$0x10F20] =	vst v1  }
0x28f: {  	[tilespmem:$0x10F30] =	vst v1  }
0x290: {  	[tilespmem:$0x10F40] =	vst v1  }
0x291: {  	[tilespmem:$0x10F50] =	vst v1  }
0x292: {  	[tilespmem:$0x10F60] =	vst v1  }
0x293: {  	[tilespmem:$0x10F70] =	vst v1  }
0x294: {  	[tilespmem:$0x10F80] =	vst v1  }
0x295: {  	[tilespmem:$0x10F90] =	vst v1  }
0x296: {  	[tilespmem:$0x10FA0] =	vst v1  }
0x297: {  	[tilespmem:$0x10FB0] =	vst v1  }
0x298: {  	[tilespmem:$0x10FC0] =	vst v1  }
0x299: {  	[tilespmem:$0x10FD0] =	vst v1  }
0x29a: {  	[tilespmem:$0x10FE0] =	vst v1  }
0x29b: {  	[tilespmem:$0x10FF0] =	vst v1  }
0x29c: {  	[tilespmem:s4], [sflag:$0x1] =	stream.linear.gather [hbm4b:s5+s4], $0x4000, $0x38;
	[tilespmem:$0x11100] =	vst v63  }
0x29d: {  	_ = 	snop  }
0x29e: {  	[tilespmem:s13], [sflag:$0x1] =	stream.linear.gather [hbm4b:s6+s4], $0x4000, $0x38;
	[tilespmem:$0x11100] =	vst v63  }
0x29f: {  	_ = 	snop  }
0x2a0: {  	[tilespmem:s14], [sflag:$0x2] =	stream.linear.gather [hbm4b:s7+s4], $0x4000, $0x38;
	[tilespmem:$0x11100] =	vst v63  }
0x2a1: {  	s24 =	simm.s32 $0x0  }
0x2a2: {  	[tilespmem:s15], [sflag:$0x2] =	stream.linear.gather [hbm4b:s8+s4], $0x4000, $0x38;
	[tilespmem:$0x11100] =	vst v63  }
.LBB2_2:
0x2a3: {  	_ =	swait.ge [sflag:s16], $0x4000  }
0x2a4: {  	[sflag:s16] =	ssyncset.done $0x0  }
0x2a5: {  	[sflag:s16] =	ssyncadd.s32 $0xFFFFC000  }
0x2a6: {  	_ =	swait.ge [sflag:s16], $0x4000  }
0x2a7: {  	[sflag:s16] =	ssyncset.done $0x0  }
0x2a8: {  	s25 =	simm.s32 $0x0;
	[sflag:s16] =	ssyncadd.s32 $0xFFFFC000  }
.LBB2_3:
0x2a9: {  	s26 =	sshra.s32 s25, $0x2  }
0x2aa: {  	v33 =	vld [tilespmem:s26+$0x0];
	_ =	sdelay $0x4  }
0x2ab: {  	v33 =	vsub.f32 $0.0e+00, v33;
	_ =	sdelay $0x1  }
0x2ac: {  	v33 =	vmul.f32 $1.442695020e+00, v33;
	_ =	sdelay $0x1  }
0x2ad: {  	(erf) = vpow2.f32 v33;
	_ =	sdelay $0x8  }
0x2ae: {  	v33 =	vpop (erf)  }
0x2af: {  	v33 =	vadd.f32 $1.000000000e+00, v33;
	_ =	sdelay $0x1  }
0x2b0: {  	(erf) = vrcp.f32 v33;
	_ =	sdelay $0x8  }
0x2b1: {  	v33 =	vpop (erf)  }
0x2b2: {  	v34 =	vmul.f32 $1.500000000e+01, v33;
	_ =	sdelay $0x1  }
0x2b3: {  	v34 =	vtrunc.f32 v34  }
0x2b4: {  	v34 =	vcvt.f32.s32 v34;
	_ =	sdelay $0x1  }
0x2b5: {  	v35 =	vld [tilespmem:s26+$0x8000];
	vm0 =	vlt.s32 v34, $0xE  }
0x2b6: {  	v34 =	vnsel vm0, $0xE, v34  }
0x2b7: {  	v34 =	vshll.u32 v34, $0x4  }
0x2b8: {  	vm9 =	vgt.f32 v33, $0.0e+00;
	v34 =	vor.u32 v0, v34  }
0x2b9: {  	v34 =	vsel vm9, v34, v2  }
0x2ba: {  	v35 =	vcvt.s32.f32 v35;
	_ =	sdelay $0x1  }
0x2bb: {  	v33 =	vsub.f32 v33, v35;
	_ =	sdelay $0x1  }
0x2bc: {  	[tilespmem:v34+s17+$0x0] =	vst.idx.add.f32.msk $0xffff, v33  }
0x2bd: {  	v33 =	vld [tilespmem:s26+$0x10];
	_ =	sdelay $0x4  }
0x2be: {  	v33 =	vsub.f32 $0.0e+00, v33;
	_ =	sdelay $0x1  }
0x2bf: {  	v33 =	vmul.f32 $1.442695020e+00, v33;
	_ =	sdelay $0x1  }
0x2c0: {  	(erf) = vpow2.f32 v33;
	_ =	sdelay $0x8  }
0x2c1: {  	v33 =	vpop (erf)  }
0x2c2: {  	v33 =	vadd.f32 $1.000000000e+00, v33;
	_ =	sdelay $0x1  }
0x2c3: {  	(erf) = vrcp.f32 v33;
	_ =	sdelay $0x8  }
0x2c4: {  	v33 =	vpop (erf)  }
0x2c5: {  	v62 =	vmul.f32 $1.500000000e+01, v33;
	_ =	sdelay $0x1  }
0x2c6: {  	v34 =	vtrunc.f32 v62  }
0x2c7: {  	v34 =	vcvt.f32.s32 v34;
	_ =	sdelay $0x1  }
0x2c8: {  	v63 =	vld [tilespmem:s26+$0x8010];
	vm10 =	vlt.s32 v34, $0xE  }
0x2c9: {  	v34 =	vnsel vm10, $0xE, v34  }
0x2ca: {  	v34 =	vshll.u32 v34, $0x4  }
0x2cb: {  	vm11 =	vgt.f32 v33, $0.0e+00;
	v34 =	vadd.s32 v3, v34  }
0x2cc: {  	v34 =	vsel vm11, v34, v4  }
0x2cd: {  	v35 =	vcvt.s32.f32 v63;
	_ =	sdelay $0x1  }
0x2ce: {  	v33 =	vsub.f32 v33, v35;
	_ =	sdelay $0x1  }
0x2cf: {  	[tilespmem:v34+s17+$0x0] =	vst.idx.add.f32.msk $0xffff, v33  }
0x2d0: {  	v33 =	vld [tilespmem:s26+$0x20];
	_ =	sdelay $0x4  }
0x2d1: {  	v33 =	vsub.f32 $0.0e+00, v33;
	_ =	sdelay $0x1  }
0x2d2: {  	v33 =	vmul.f32 $1.442695020e+00, v33;
	_ =	sdelay $0x1  }
0x2d3: {  	(erf) = vpow2.f32 v33;
	_ =	sdelay $0x8  }
0x2d4: {  	v33 =	vpop (erf)  }
0x2d5: {  	v33 =	vadd.f32 $1.000000000e+00, v33;
	_ =	sdelay $0x1  }
0x2d6: {  	(erf) = vrcp.f32 v33;
	_ =	sdelay $0x8  }
0x2d7: {  	v33 =	vpop (erf)  }
0x2d8: {  	v36 =	vmul.f32 $1.500000000e+01, v33;
	_ =	sdelay $0x1  }
0x2d9: {  	v34 =	vtrunc.f32 v36  }
0x2da: {  	v34 =	vcvt.f32.s32 v34;
	_ =	sdelay $0x1  }
0x2db: {  	v37 =	vld [tilespmem:s26+$0x8020];
	vm12 =	vlt.s32 v34, $0xE  }
0x2dc: {  	v34 =	vnsel vm12, $0xE, v34  }
0x2dd: {  	v34 =	vshll.u32 v34, $0x4  }
0x2de: {  	vm13 =	vgt.f32 v33, $0.0e+00;
	v34 =	vadd.s32 v5, v34  }
0x2df: {  	v34 =	vsel vm13, v34, v6  }
0x2e0: {  	v35 =	vcvt.s32.f32 v37;
	_ =	sdelay $0x1  }
0x2e1: {  	v33 =	vsub.f32 v33, v35;
	_ =	sdelay $0x1  }
0x2e2: {  	[tilespmem:v34+s17+$0x0] =	vst.idx.add.f32.msk $0xffff, v33  }
0x2e3: {  	v33 =	vld [tilespmem:s26+$0x30];
	_ =	sdelay $0x4  }
0x2e4: {  	v33 =	vsub.f32 $0.0e+00, v33;
	_ =	sdelay $0x1  }
0x2e5: {  	v33 =	vmul.f32 $1.442695020e+00, v33;
	_ =	sdelay $0x1  }
0x2e6: {  	(erf) = vpow2.f32 v33;
	_ =	sdelay $0x8  }
0x2e7: {  	v33 =	vpop (erf)  }
0x2e8: {  	v33 =	vadd.f32 $1.000000000e+00, v33;
	_ =	sdelay $0x1  }
0x2e9: {  	(erf) = vrcp.f32 v33;
	_ =	sdelay $0x8  }
0x2ea: {  	v33 =	vpop (erf)  }
0x2eb: {  	v38 =	vmul.f32 $1.500000000e+01, v33;
	_ =	sdelay $0x1  }
0x2ec: {  	v34 =	vtrunc.f32 v38  }
0x2ed: {  	v34 =	vcvt.f32.s32 v34;
	_ =	sdelay $0x1  }
0x2ee: {  	v39 =	vld [tilespmem:s26+$0x8030];
	vm14 =	vlt.s32 v34, $0xE  }
0x2ef: {  	v34 =	vnsel vm14, $0xE, v34  }
0x2f0: {  	v34 =	vshll.u32 v34, $0x4  }
0x2f1: {  	vm15 =	vgt.f32 v33, $0.0e+00;
	v34 =	vadd.s32 v7, v34  }
0x2f2: {  	v34 =	vsel vm15, v34, v8  }
0x2f3: {  	v35 =	vcvt.s32.f32 v39;
	_ =	sdelay $0x1  }
0x2f4: {  	v33 =	vsub.f32 v33, v35;
	_ =	sdelay $0x1  }
0x2f5: {  	[tilespmem:v34+s17+$0x0] =	vst.idx.add.f32.msk $0xffff, v33  }
0x2f6: {  	v33 =	vld [tilespmem:s26+$0x40];
	_ =	sdelay $0x4  }
0x2f7: {  	v33 =	vsub.f32 $0.0e+00, v33;
	_ =	sdelay $0x1  }
0x2f8: {  	v33 =	vmul.f32 $1.442695020e+00, v33;
	_ =	sdelay $0x1  }
0x2f9: {  	(erf) = vpow2.f32 v33;
	_ =	sdelay $0x8  }
0x2fa: {  	v33 =	vpop (erf)  }
0x2fb: {  	v33 =	vadd.f32 $1.000000000e+00, v33;
	_ =	sdelay $0x1  }
0x2fc: {  	(erf) = vrcp.f32 v33;
	_ =	sdelay $0x8  }
0x2fd: {  	v33 =	vpop (erf)  }
0x2fe: {  	v40 =	vmul.f32 $1.500000000e+01, v33;
	_ =	sdelay $0x1  }
0x2ff: {  	v34 =	vtrunc.f32 v40  }
0x300: {  	v34 =	vcvt.f32.s32 v34;
	_ =	sdelay $0x1  }
0x301: {  	v41 =	vld [tilespmem:s26+$0x8040];
	vm4 =	vlt.s32 v34, $0xE  }
0x302: {  	v34 =	vnsel vm4, $0xE, v34  }
0x303: {  	v34 =	vshll.u32 v34, $0x4  }
0x304: {  	vm5 =	vgt.f32 v33, $0.0e+00;
	v34 =	vadd.s32 v9, v34  }
0x305: {  	v34 =	vsel vm5, v34, v10  }
0x306: {  	v35 =	vcvt.s32.f32 v41;
	_ =	sdelay $0x1  }
0x307: {  	v33 =	vsub.f32 v33, v35;
	_ =	sdelay $0x1  }
0x308: {  	[tilespmem:v34+s17+$0x0] =	vst.idx.add.f32.msk $0xffff, v33  }
0x309: {  	v33 =	vld [tilespmem:s26+$0x50];
	_ =	sdelay $0x4  }
0x30a: {  	v33 =	vsub.f32 $0.0e+00, v33;
	_ =	sdelay $0x1  }
0x30b: {  	v33 =	vmul.f32 $1.442695020e+00, v33;
	_ =	sdelay $0x1  }
0x30c: {  	(erf) = vpow2.f32 v33;
	_ =	sdelay $0x8  }
0x30d: {  	v33 =	vpop (erf)  }
0x30e: {  	v33 =	vadd.f32 $1.000000000e+00, v33;
	_ =	sdelay $0x1  }
0x30f: {  	(erf) = vrcp.f32 v33;
	_ =	sdelay $0x8  }
0x310: {  	v33 =	vpop (erf)  }
0x311: {  	v42 =	vmul.f32 $1.500000000e+01, v33;
	_ =	sdelay $0x1  }
0x312: {  	v34 =	vtrunc.f32 v42  }
0x313: {  	v34 =	vcvt.f32.s32 v34;
	_ =	sdelay $0x1  }
0x314: {  	v43 =	vld [tilespmem:s26+$0x8050];
	vm6 =	vlt.s32 v34, $0xE  }
0x315: {  	v34 =	vnsel vm6, $0xE, v34  }
0x316: {  	v34 =	vshll.u32 v34, $0x4  }
0x317: {  	vm7 =	vgt.f32 v33, $0.0e+00;
	v34 =	vadd.s32 v11, v34  }
0x318: {  	v34 =	vsel vm7, v34, v12  }
0x319: {  	v35 =	vcvt.s32.f32 v43;
	_ =	sdelay $0x1  }
0x31a: {  	v33 =	vsub.f32 v33, v35;
	_ =	sdelay $0x1  }
0x31b: {  	[tilespmem:v34+s17+$0x0] =	vst.idx.add.f32.msk $0xffff, v33  }
0x31c: {  	v33 =	vld [tilespmem:s26+$0x60];
	_ =	sdelay $0x4  }
0x31d: {  	v33 =	vsub.f32 $0.0e+00, v33;
	_ =	sdelay $0x1  }
0x31e: {  	v33 =	vmul.f32 $1.442695020e+00, v33;
	_ =	sdelay $0x1  }
0x31f: {  	(erf) = vpow2.f32 v33;
	_ =	sdelay $0x8  }
0x320: {  	v33 =	vpop (erf)  }
0x321: {  	v33 =	vadd.f32 $1.000000000e+00, v33;
	_ =	sdelay $0x1  }
0x322: {  	(erf) = vrcp.f32 v33;
	_ =	sdelay $0x8  }
0x323: {  	v33 =	vpop (erf)  }
0x324: {  	v44 =	vmul.f32 $1.500000000e+01, v33;
	_ =	sdelay $0x1  }
0x325: {  	v34 =	vtrunc.f32 v44  }
0x326: {  	v34 =	vcvt.f32.s32 v34;
	_ =	sdelay $0x1  }
0x327: {  	v45 =	vld [tilespmem:s26+$0x8060];
	vm8 =	vlt.s32 v34, $0xE  }
0x328: {  	v34 =	vnsel vm8, $0xE, v34  }
0x329: {  	v34 =	vshll.u32 v34, $0x4  }
0x32a: {  	vm9 =	vgt.f32 v33, $0.0e+00;
	v34 =	vadd.s32 v13, v34  }
0x32b: {  	v34 =	vsel vm9, v34, v14  }
0x32c: {  	v35 =	vcvt.s32.f32 v45;
	_ =	sdelay $0x1  }
0x32d: {  	v33 =	vsub.f32 v33, v35;
	_ =	sdelay $0x1  }
0x32e: {  	[tilespmem:v34+s17+$0x0] =	vst.idx.add.f32.msk $0xffff, v33  }
0x32f: {  	v33 =	vld [tilespmem:s26+$0x70];
	_ =	sdelay $0x4  }
0x330: {  	v33 =	vsub.f32 $0.0e+00, v33;
	_ =	sdelay $0x1  }
0x331: {  	v33 =	vmul.f32 $1.442695020e+00, v33;
	_ =	sdelay $0x1  }
0x332: {  	(erf) = vpow2.f32 v33;
	_ =	sdelay $0x8  }
0x333: {  	v33 =	vpop (erf)  }
0x334: {  	v33 =	vadd.f32 $1.000000000e+00, v33;
	_ =	sdelay $0x1  }
0x335: {  	(erf) = vrcp.f32 v33;
	_ =	sdelay $0x8  }
0x336: {  	v33 =	vpop (erf)  }
0x337: {  	v46 =	vmul.f32 $1.500000000e+01, v33;
	_ =	sdelay $0x1  }
0x338: {  	v34 =	vtrunc.f32 v46  }
0x339: {  	v34 =	vcvt.f32.s32 v34;
	_ =	sdelay $0x1  }
0x33a: {  	v47 =	vld [tilespmem:s26+$0x8070];
	vm10 =	vlt.s32 v34, $0xE  }
0x33b: {  	v34 =	vnsel vm10, $0xE, v34  }
0x33c: {  	v34 =	vshll.u32 v34, $0x4  }
0x33d: {  	vm11 =	vgt.f32 v33, $0.0e+00;
	v34 =	vadd.s32 v15, v34  }
0x33e: {  	v34 =	vsel vm11, v34, v16  }
0x33f: {  	v35 =	vcvt.s32.f32 v47;
	_ =	sdelay $0x1  }
0x340: {  	v33 =	vsub.f32 v33, v35;
	_ =	sdelay $0x1  }
0x341: {  	[tilespmem:v34+s17+$0x0] =	vst.idx.add.f32.msk $0xffff, v33  }
0x342: {  	v33 =	vld [tilespmem:s26+$0x80];
	_ =	sdelay $0x4  }
0x343: {  	v33 =	vsub.f32 $0.0e+00, v33;
	_ =	sdelay $0x1  }
0x344: {  	v33 =	vmul.f32 $1.442695020e+00, v33;
	_ =	sdelay $0x1  }
0x345: {  	(erf) = vpow2.f32 v33;
	_ =	sdelay $0x8  }
0x346: {  	v33 =	vpop (erf)  }
0x347: {  	v33 =	vadd.f32 $1.000000000e+00, v33;
	_ =	sdelay $0x1  }
0x348: {  	(erf) = vrcp.f32 v33;
	_ =	sdelay $0x8  }
0x349: {  	v33 =	vpop (erf)  }
0x34a: {  	v48 =	vmul.f32 $1.500000000e+01, v33;
	_ =	sdelay $0x1  }
0x34b: {  	v34 =	vtrunc.f32 v48  }
0x34c: {  	v34 =	vcvt.f32.s32 v34;
	_ =	sdelay $0x1  }
0x34d: {  	v49 =	vld [tilespmem:s26+$0x8080];
	vm12 =	vlt.s32 v34, $0xE  }
0x34e: {  	v34 =	vnsel vm12, $0xE, v34  }
0x34f: {  	v34 =	vshll.u32 v34, $0x4  }
0x350: {  	vm13 =	vgt.f32 v33, $0.0e+00;
	v34 =	vadd.s32 v17, v34  }
0x351: {  	v34 =	vsel vm13, v34, v18  }
0x352: {  	v35 =	vcvt.s32.f32 v49;
	_ =	sdelay $0x1  }
0x353: {  	v33 =	vsub.f32 v33, v35;
	_ =	sdelay $0x1  }
0x354: {  	[tilespmem:v34+s17+$0x0] =	vst.idx.add.f32.msk $0xffff, v33  }
0x355: {  	v33 =	vld [tilespmem:s26+$0x90];
	_ =	sdelay $0x4  }
0x356: {  	v33 =	vsub.f32 $0.0e+00, v33;
	_ =	sdelay $0x1  }
0x357: {  	v33 =	vmul.f32 $1.442695020e+00, v33;
	_ =	sdelay $0x1  }
0x358: {  	(erf) = vpow2.f32 v33;
	_ =	sdelay $0x8  }
0x359: {  	v33 =	vpop (erf)  }
0x35a: {  	v33 =	vadd.f32 $1.000000000e+00, v33;
	_ =	sdelay $0x1  }
0x35b: {  	(erf) = vrcp.f32 v33;
	_ =	sdelay $0x8  }
0x35c: {  	v33 =	vpop (erf)  }
0x35d: {  	v50 =	vmul.f32 $1.500000000e+01, v33;
	_ =	sdelay $0x1  }
0x35e: {  	v34 =	vtrunc.f32 v50  }
0x35f: {  	v34 =	vcvt.f32.s32 v34;
	_ =	sdelay $0x1  }
0x360: {  	v51 =	vld [tilespmem:s26+$0x8090];
	vm14 =	vlt.s32 v34, $0xE  }
0x361: {  	v34 =	vnsel vm14, $0xE, v34  }
0x362: {  	v34 =	vshll.u32 v34, $0x4  }
0x363: {  	vm15 =	vgt.f32 v33, $0.0e+00;
	v34 =	vadd.s32 v19, v34  }
0x364: {  	v34 =	vsel vm15, v34, v20  }
0x365: {  	v35 =	vcvt.s32.f32 v51;
	_ =	sdelay $0x1  }
0x366: {  	v33 =	vsub.f32 v33, v35;
	_ =	sdelay $0x1  }
0x367: {  	[tilespmem:v34+s17+$0x0] =	vst.idx.add.f32.msk $0xffff, v33  }
0x368: {  	v33 =	vld [tilespmem:s26+$0xA0];
	_ =	sdelay $0x4  }
0x369: {  	v33 =	vsub.f32 $0.0e+00, v33;
	_ =	sdelay $0x1  }
0x36a: {  	v33 =	vmul.f32 $1.442695020e+00, v33;
	_ =	sdelay $0x1  }
0x36b: {  	(erf) = vpow2.f32 v33;
	_ =	sdelay $0x8  }
0x36c: {  	v33 =	vpop (erf)  }
0x36d: {  	v33 =	vadd.f32 $1.000000000e+00, v33;
	_ =	sdelay $0x1  }
0x36e: {  	(erf) = vrcp.f32 v33;
	_ =	sdelay $0x8  }
0x36f: {  	v33 =	vpop (erf)  }
0x370: {  	v52 =	vmul.f32 $1.500000000e+01, v33;
	_ =	sdelay $0x1  }
0x371: {  	v34 =	vtrunc.f32 v52  }
0x372: {  	v34 =	vcvt.f32.s32 v34;
	_ =	sdelay $0x1  }
0x373: {  	v53 =	vld [tilespmem:s26+$0x80A0];
	vm4 =	vlt.s32 v34, $0xE  }
0x374: {  	v34 =	vnsel vm4, $0xE, v34  }
0x375: {  	v34 =	vshll.u32 v34, $0x4  }
0x376: {  	vm5 =	vgt.f32 v33, $0.0e+00;
	v34 =	vadd.s32 v21, v34  }
0x377: {  	v34 =	vsel vm5, v34, v22  }
0x378: {  	v35 =	vcvt.s32.f32 v53;
	_ =	sdelay $0x1  }
0x379: {  	v33 =	vsub.f32 v33, v35;
	_ =	sdelay $0x1  }
0x37a: {  	[tilespmem:v34+s17+$0x0] =	vst.idx.add.f32.msk $0xffff, v33  }
0x37b: {  	v33 =	vld [tilespmem:s26+$0xB0];
	_ =	sdelay $0x4  }
0x37c: {  	v33 =	vsub.f32 $0.0e+00, v33;
	_ =	sdelay $0x1  }
0x37d: {  	v33 =	vmul.f32 $1.442695020e+00, v33;
	_ =	sdelay $0x1  }
0x37e: {  	(erf) = vpow2.f32 v33;
	_ =	sdelay $0x8  }
0x37f: {  	v33 =	vpop (erf)  }
0x380: {  	v33 =	vadd.f32 $1.000000000e+00, v33;
	_ =	sdelay $0x1  }
0x381: {  	(erf) = vrcp.f32 v33;
	_ =	sdelay $0x8  }
0x382: {  	v33 =	vpop (erf)  }
0x383: {  	v54 =	vmul.f32 $1.500000000e+01, v33;
	_ =	sdelay $0x1  }
0x384: {  	v34 =	vtrunc.f32 v54  }
0x385: {  	v34 =	vcvt.f32.s32 v34;
	_ =	sdelay $0x1  }
0x386: {  	v55 =	vld [tilespmem:s26+$0x80B0];
	vm6 =	vlt.s32 v34, $0xE  }
0x387: {  	v34 =	vnsel vm6, $0xE, v34  }
0x388: {  	v34 =	vshll.u32 v34, $0x4  }
0x389: {  	vm7 =	vgt.f32 v33, $0.0e+00;
	v34 =	vadd.s32 v23, v34  }
0x38a: {  	v34 =	vsel vm7, v34, v24  }
0x38b: {  	v35 =	vcvt.s32.f32 v55;
	_ =	sdelay $0x1  }
0x38c: {  	v33 =	vsub.f32 v33, v35;
	_ =	sdelay $0x1  }
0x38d: {  	[tilespmem:v34+s17+$0x0] =	vst.idx.add.f32.msk $0xffff, v33  }
0x38e: {  	v33 =	vld [tilespmem:s26+$0xC0];
	_ =	sdelay $0x4  }
0x38f: {  	v33 =	vsub.f32 $0.0e+00, v33;
	_ =	sdelay $0x1  }
0x390: {  	v33 =	vmul.f32 $1.442695020e+00, v33;
	_ =	sdelay $0x1  }
0x391: {  	(erf) = vpow2.f32 v33;
	_ =	sdelay $0x8  }
0x392: {  	v33 =	vpop (erf)  }
0x393: {  	v33 =	vadd.f32 $1.000000000e+00, v33;
	_ =	sdelay $0x1  }
0x394: {  	(erf) = vrcp.f32 v33;
	_ =	sdelay $0x8  }
0x395: {  	v33 =	vpop (erf)  }
0x396: {  	v56 =	vmul.f32 $1.500000000e+01, v33;
	_ =	sdelay $0x1  }
0x397: {  	v34 =	vtrunc.f32 v56  }
0x398: {  	v34 =	vcvt.f32.s32 v34;
	_ =	sdelay $0x1  }
0x399: {  	v57 =	vld [tilespmem:s26+$0x80C0];
	vm8 =	vlt.s32 v34, $0xE  }
0x39a: {  	v34 =	vnsel vm8, $0xE, v34  }
0x39b: {  	v34 =	vshll.u32 v34, $0x4  }
0x39c: {  	vm9 =	vgt.f32 v33, $0.0e+00;
	v34 =	vadd.s32 v25, v34  }
0x39d: {  	v34 =	vsel vm9, v34, v26  }
0x39e: {  	v35 =	vcvt.s32.f32 v57;
	_ =	sdelay $0x1  }
0x39f: {  	v33 =	vsub.f32 v33, v35;
	_ =	sdelay $0x1  }
0x3a0: {  	[tilespmem:v34+s17+$0x0] =	vst.idx.add.f32.msk $0xffff, v33  }
0x3a1: {  	v33 =	vld [tilespmem:s26+$0xD0];
	_ =	sdelay $0x4  }
0x3a2: {  	v33 =	vsub.f32 $0.0e+00, v33;
	_ =	sdelay $0x1  }
0x3a3: {  	v33 =	vmul.f32 $1.442695020e+00, v33;
	_ =	sdelay $0x1  }
0x3a4: {  	(erf) = vpow2.f32 v33;
	_ =	sdelay $0x8  }
0x3a5: {  	v33 =	vpop (erf)  }
0x3a6: {  	v33 =	vadd.f32 $1.000000000e+00, v33;
	_ =	sdelay $0x1  }
0x3a7: {  	(erf) = vrcp.f32 v33;
	_ =	sdelay $0x8  }
0x3a8: {  	v33 =	vpop (erf)  }
0x3a9: {  	v58 =	vmul.f32 $1.500000000e+01, v33;
	_ =	sdelay $0x1  }
0x3aa: {  	v34 =	vtrunc.f32 v58  }
0x3ab: {  	v34 =	vcvt.f32.s32 v34;
	_ =	sdelay $0x1  }
0x3ac: {  	v59 =	vld [tilespmem:s26+$0x80D0];
	vm10 =	vlt.s32 v34, $0xE  }
0x3ad: {  	v34 =	vnsel vm10, $0xE, v34  }
0x3ae: {  	v34 =	vshll.u32 v34, $0x4  }
0x3af: {  	vm11 =	vgt.f32 v33, $0.0e+00;
	v34 =	vadd.s32 v27, v34  }
0x3b0: {  	v34 =	vsel vm11, v34, v28  }
0x3b1: {  	v35 =	vcvt.s32.f32 v59;
	_ =	sdelay $0x1  }
0x3b2: {  	v33 =	vsub.f32 v33, v35;
	_ =	sdelay $0x1  }
0x3b3: {  	[tilespmem:v34+s17+$0x0] =	vst.idx.add.f32.msk $0xffff, v33  }
0x3b4: {  	v33 =	vld [tilespmem:s26+$0xE0];
	_ =	sdelay $0x4  }
0x3b5: {  	v33 =	vsub.f32 $0.0e+00, v33;
	_ =	sdelay $0x1  }
0x3b6: {  	v33 =	vmul.f32 $1.442695020e+00, v33;
	_ =	sdelay $0x1  }
0x3b7: {  	(erf) = vpow2.f32 v33;
	_ =	sdelay $0x8  }
0x3b8: {  	v33 =	vpop (erf)  }
0x3b9: {  	v33 =	vadd.f32 $1.000000000e+00, v33;
	_ =	sdelay $0x1  }
0x3ba: {  	(erf) = vrcp.f32 v33;
	_ =	sdelay $0x8  }
0x3bb: {  	v33 =	vpop (erf)  }
0x3bc: {  	v60 =	vmul.f32 $1.500000000e+01, v33;
	_ =	sdelay $0x1  }
0x3bd: {  	v34 =	vtrunc.f32 v60  }
0x3be: {  	v34 =	vcvt.f32.s32 v34;
	_ =	sdelay $0x1  }
0x3bf: {  	v61 =	vld [tilespmem:s26+$0x80E0];
	vm12 =	vlt.s32 v34, $0xE  }
0x3c0: {  	v34 =	vnsel vm12, $0xE, v34  }
0x3c1: {  	v34 =	vshll.u32 v34, $0x4  }
0x3c2: {  	vm13 =	vgt.f32 v33, $0.0e+00;
	v34 =	vadd.s32 v29, v34  }
0x3c3: {  	v34 =	vsel vm13, v34, v30  }
0x3c4: {  	v35 =	vcvt.s32.f32 v61;
	_ =	sdelay $0x1  }
0x3c5: {  	v33 =	vsub.f32 v33, v35;
	_ =	sdelay $0x1  }
0x3c6: {  	[tilespmem:v34+s17+$0x0] =	vst.idx.add.f32.msk $0xffff, v33  }
0x3c7: {  	v33 =	vld [tilespmem:s26+$0xF0];
	_ =	sdelay $0x4  }
0x3c8: {  	v33 =	vsub.f32 $0.0e+00, v33;
	_ =	sdelay $0x1  }
0x3c9: {  	v33 =	vmul.f32 $1.442695020e+00, v33;
	_ =	sdelay $0x1  }
0x3ca: {  	(erf) = vpow2.f32 v33;
	_ =	sdelay $0x8  }
0x3cb: {  	v33 =	vpop (erf)  }
0x3cc: {  	v33 =	vadd.f32 $1.000000000e+00, v33;
	_ =	sdelay $0x1  }
0x3cd: {  	(erf) = vrcp.f32 v33;
	_ =	sdelay $0x8  }
0x3ce: {  	v33 =	vpop (erf)  }
0x3cf: {  	v62 =	vmul.f32 $1.500000000e+01, v33;
	_ =	sdelay $0x1  }
0x3d0: {  	v34 =	vtrunc.f32 v62  }
0x3d1: {  	v34 =	vcvt.f32.s32 v34;
	_ =	sdelay $0x1  }
0x3d2: {  	v63 =	vld [tilespmem:s26+$0x80F0];
	vm14 =	vlt.s32 v34, $0xE  }
0x3d3: {  	v34 =	vnsel vm14, $0xE, v34  }
0x3d4: {  	v34 =	vshll.u32 v34, $0x4  }
0x3d5: {  	vm15 =	vgt.f32 v33, $0.0e+00;
	v34 =	vadd.s32 v31, v34  }
0x3d6: {  	p0 =	sne.s32 s25, $0xFC00;
	v34 =	vsel vm15, v34, v32  }
.Ltmp2:
0x3d7: {  	v35 =	vcvt.s32.f32 v63;
	(pc) =	sbr.rel @p0 .LBB2_3-.Ltmp2, $3  }
0x3d8: {  	_ = 	snop  }
0x3d9: {  	v33 =	vsub.f32 v33, v35;
	_ =	sdelay $0x1  }
0x3da: {  	s25 =	sadd.s32 $0x400, s25;
	[tilespmem:v34+s17+$0x0] =	vst.idx.add.f32.msk $0xffff, v33  }
0x3db: {  	s25 =	sshll.u32 s24, $0xF;
	p0 =	seq.s32 s24, $0x2  }
0x3dc: {  	s26 =	sadd.s32 @!p0 s25, s9  }
0x3dd: {  	s26 =	sshrl.u32 @!p0 s26, $0x3  }
0x3de: {  	s29 =	simm.s32 @!p0 $0x0;
	s28 =	sadd.s32 @!p0 s1, s26  }
0x3df: {  	[tilespmem:s29], [sflag:$0x1] =	stream.linear.gather @!p0 [hbm4b:s28+s29], $0x4000, $0x38;
	[tilespmem:$0x11100] =	vst v63  }
0x3e0: {  	s26 =	sadd.s32 @!p0 s3, s26;
	s28 =	simm.s32 @!p0 $0x8000  }
0x3e1: {  	[tilespmem:s28], [sflag:$0x1] =	stream.linear.gather @!p0 [hbm4b:s26+s29], $0x4000, $0x38;
	[tilespmem:$0x11100] =	vst v63  }
0x3e2: {  	_ =	swait.ge [sflag:s18], $0x4000  }
0x3e3: {  	[sflag:s18] =	ssyncset.done $0x0  }
0x3e4: {  	[sflag:s18] =	ssyncadd.s32 $0xFFFFC000  }
0x3e5: {  	_ =	swait.ge [sflag:s18], $0x4000  }
0x3e6: {  	[sflag:s18] =	ssyncset.done $0x0  }
0x3e7: {  	s26 =	simm.s32 $0x0;
	[sflag:s18] =	ssyncadd.s32 $0xFFFFC000  }
.LBB2_5:
0x3e8: {  	s28 =	sshra.s32 s26, $0x2  }
0x3e9: {  	v33 =	vld [tilespmem:s28+$0x4000];
	_ =	sdelay $0x4  }
0x3ea: {  	v33 =	vsub.f32 $0.0e+00, v33;
	_ =	sdelay $0x1  }
0x3eb: {  	v33 =	vmul.f32 $1.442695020e+00, v33;
	_ =	sdelay $0x1  }
0x3ec: {  	(erf) = vpow2.f32 v33;
	_ =	sdelay $0x8  }
0x3ed: {  	v33 =	vpop (erf)  }
0x3ee: {  	v33 =	vadd.f32 $1.000000000e+00, v33;
	_ =	sdelay $0x1  }
0x3ef: {  	(erf) = vrcp.f32 v33;
	_ =	sdelay $0x8  }
0x3f0: {  	v33 =	vpop (erf)  }
0x3f1: {  	v34 =	vmul.f32 $1.500000000e+01, v33;
	_ =	sdelay $0x1  }
0x3f2: {  	v34 =	vtrunc.f32 v34  }
0x3f3: {  	v34 =	vcvt.f32.s32 v34;
	_ =	sdelay $0x1  }
0x3f4: {  	v35 =	vld [tilespmem:s28+$0xC000];
	vm0 =	vlt.s32 v34, $0xE  }
0x3f5: {  	v34 =	vnsel vm0, $0xE, v34  }
0x3f6: {  	v34 =	vshll.u32 v34, $0x4  }
0x3f7: {  	vm9 =	vgt.f32 v33, $0.0e+00;
	v34 =	vor.u32 v0, v34  }
0x3f8: {  	v34 =	vsel vm9, v34, v2  }
0x3f9: {  	v35 =	vcvt.s32.f32 v35;
	_ =	sdelay $0x1  }
0x3fa: {  	v33 =	vsub.f32 v33, v35;
	_ =	sdelay $0x1  }
0x3fb: {  	[tilespmem:v34+s17+$0x0] =	vst.idx.add.f32.msk $0xffff, v33  }
0x3fc: {  	v33 =	vld [tilespmem:s28+$0x4010];
	_ =	sdelay $0x4  }
0x3fd: {  	v33 =	vsub.f32 $0.0e+00, v33;
	_ =	sdelay $0x1  }
0x3fe: {  	v33 =	vmul.f32 $1.442695020e+00, v33;
	_ =	sdelay $0x1  }
0x3ff: {  	(erf) = vpow2.f32 v33;
	_ =	sdelay $0x8  }
0x400: {  	v33 =	vpop (erf)  }
0x401: {  	v33 =	vadd.f32 $1.000000000e+00, v33;
	_ =	sdelay $0x1  }
0x402: {  	(erf) = vrcp.f32 v33;
	_ =	sdelay $0x8  }
0x403: {  	v33 =	vpop (erf)  }
0x404: {  	v62 =	vmul.f32 $1.500000000e+01, v33;
	_ =	sdelay $0x1  }
0x405: {  	v34 =	vtrunc.f32 v62  }
0x406: {  	v34 =	vcvt.f32.s32 v34;
	_ =	sdelay $0x1  }
0x407: {  	v63 =	vld [tilespmem:s28+$0xC010];
	vm10 =	vlt.s32 v34, $0xE  }
0x408: {  	v34 =	vnsel vm10, $0xE, v34  }
0x409: {  	v34 =	vshll.u32 v34, $0x4  }
0x40a: {  	vm11 =	vgt.f32 v33, $0.0e+00;
	v34 =	vadd.s32 v3, v34  }
0x40b: {  	v34 =	vsel vm11, v34, v4  }
0x40c: {  	v35 =	vcvt.s32.f32 v63;
	_ =	sdelay $0x1  }
0x40d: {  	v33 =	vsub.f32 v33, v35;
	_ =	sdelay $0x1  }
0x40e: {  	[tilespmem:v34+s17+$0x0] =	vst.idx.add.f32.msk $0xffff, v33  }
0x40f: {  	v33 =	vld [tilespmem:s28+$0x4020];
	_ =	sdelay $0x4  }
0x410: {  	v33 =	vsub.f32 $0.0e+00, v33;
	_ =	sdelay $0x1  }
0x411: {  	v33 =	vmul.f32 $1.442695020e+00, v33;
	_ =	sdelay $0x1  }
0x412: {  	(erf) = vpow2.f32 v33;
	_ =	sdelay $0x8  }
0x413: {  	v33 =	vpop (erf)  }
0x414: {  	v33 =	vadd.f32 $1.000000000e+00, v33;
	_ =	sdelay $0x1  }
0x415: {  	(erf) = vrcp.f32 v33;
	_ =	sdelay $0x8  }
0x416: {  	v33 =	vpop (erf)  }
0x417: {  	v36 =	vmul.f32 $1.500000000e+01, v33;
	_ =	sdelay $0x1  }
0x418: {  	v34 =	vtrunc.f32 v36  }
0x419: {  	v34 =	vcvt.f32.s32 v34;
	_ =	sdelay $0x1  }
0x41a: {  	v37 =	vld [tilespmem:s28+$0xC020];
	vm12 =	vlt.s32 v34, $0xE  }
0x41b: {  	v34 =	vnsel vm12, $0xE, v34  }
0x41c: {  	v34 =	vshll.u32 v34, $0x4  }
0x41d: {  	vm13 =	vgt.f32 v33, $0.0e+00;
	v34 =	vadd.s32 v5, v34  }
0x41e: {  	v34 =	vsel vm13, v34, v6  }
0x41f: {  	v35 =	vcvt.s32.f32 v37;
	_ =	sdelay $0x1  }
0x420: {  	v33 =	vsub.f32 v33, v35;
	_ =	sdelay $0x1  }
0x421: {  	[tilespmem:v34+s17+$0x0] =	vst.idx.add.f32.msk $0xffff, v33  }
0x422: {  	v33 =	vld [tilespmem:s28+$0x4030];
	_ =	sdelay $0x4  }
0x423: {  	v33 =	vsub.f32 $0.0e+00, v33;
	_ =	sdelay $0x1  }
0x424: {  	v33 =	vmul.f32 $1.442695020e+00, v33;
	_ =	sdelay $0x1  }
0x425: {  	(erf) = vpow2.f32 v33;
	_ =	sdelay $0x8  }
0x426: {  	v33 =	vpop (erf)  }
0x427: {  	v33 =	vadd.f32 $1.000000000e+00, v33;
	_ =	sdelay $0x1  }
0x428: {  	(erf) = vrcp.f32 v33;
	_ =	sdelay $0x8  }
0x429: {  	v33 =	vpop (erf)  }
0x42a: {  	v38 =	vmul.f32 $1.500000000e+01, v33;
	_ =	sdelay $0x1  }
0x42b: {  	v34 =	vtrunc.f32 v38  }
0x42c: {  	v34 =	vcvt.f32.s32 v34;
	_ =	sdelay $0x1  }
0x42d: {  	v39 =	vld [tilespmem:s28+$0xC030];
	vm14 =	vlt.s32 v34, $0xE  }
0x42e: {  	v34 =	vnsel vm14, $0xE, v34  }
0x42f: {  	v34 =	vshll.u32 v34, $0x4  }
0x430: {  	vm15 =	vgt.f32 v33, $0.0e+00;
	v34 =	vadd.s32 v7, v34  }
0x431: {  	v34 =	vsel vm15, v34, v8  }
0x432: {  	v35 =	vcvt.s32.f32 v39;
	_ =	sdelay $0x1  }
0x433: {  	v33 =	vsub.f32 v33, v35;
	_ =	sdelay $0x1  }
0x434: {  	[tilespmem:v34+s17+$0x0] =	vst.idx.add.f32.msk $0xffff, v33  }
0x435: {  	v33 =	vld [tilespmem:s28+$0x4040];
	_ =	sdelay $0x4  }
0x436: {  	v33 =	vsub.f32 $0.0e+00, v33;
	_ =	sdelay $0x1  }
0x437: {  	v33 =	vmul.f32 $1.442695020e+00, v33;
	_ =	sdelay $0x1  }
0x438: {  	(erf) = vpow2.f32 v33;
	_ =	sdelay $0x8  }
0x439: {  	v33 =	vpop (erf)  }
0x43a: {  	v33 =	vadd.f32 $1.000000000e+00, v33;
	_ =	sdelay $0x1  }
0x43b: {  	(erf) = vrcp.f32 v33;
	_ =	sdelay $0x8  }
0x43c: {  	v33 =	vpop (erf)  }
0x43d: {  	v40 =	vmul.f32 $1.500000000e+01, v33;
	_ =	sdelay $0x1  }
0x43e: {  	v34 =	vtrunc.f32 v40  }
0x43f: {  	v34 =	vcvt.f32.s32 v34;
	_ =	sdelay $0x1  }
0x440: {  	v41 =	vld [tilespmem:s28+$0xC040];
	vm4 =	vlt.s32 v34, $0xE  }
0x441: {  	v34 =	vnsel vm4, $0xE, v34  }
0x442: {  	v34 =	vshll.u32 v34, $0x4  }
0x443: {  	vm5 =	vgt.f32 v33, $0.0e+00;
	v34 =	vadd.s32 v9, v34  }
0x444: {  	v34 =	vsel vm5, v34, v10  }
0x445: {  	v35 =	vcvt.s32.f32 v41;
	_ =	sdelay $0x1  }
0x446: {  	v33 =	vsub.f32 v33, v35;
	_ =	sdelay $0x1  }
0x447: {  	[tilespmem:v34+s17+$0x0] =	vst.idx.add.f32.msk $0xffff, v33  }
0x448: {  	v33 =	vld [tilespmem:s28+$0x4050];
	_ =	sdelay $0x4  }
0x449: {  	v33 =	vsub.f32 $0.0e+00, v33;
	_ =	sdelay $0x1  }
0x44a: {  	v33 =	vmul.f32 $1.442695020e+00, v33;
	_ =	sdelay $0x1  }
0x44b: {  	(erf) = vpow2.f32 v33;
	_ =	sdelay $0x8  }
0x44c: {  	v33 =	vpop (erf)  }
0x44d: {  	v33 =	vadd.f32 $1.000000000e+00, v33;
	_ =	sdelay $0x1  }
0x44e: {  	(erf) = vrcp.f32 v33;
	_ =	sdelay $0x8  }
0x44f: {  	v33 =	vpop (erf)  }
0x450: {  	v42 =	vmul.f32 $1.500000000e+01, v33;
	_ =	sdelay $0x1  }
0x451: {  	v34 =	vtrunc.f32 v42  }
0x452: {  	v34 =	vcvt.f32.s32 v34;
	_ =	sdelay $0x1  }
0x453: {  	v43 =	vld [tilespmem:s28+$0xC050];
	vm6 =	vlt.s32 v34, $0xE  }
0x454: {  	v34 =	vnsel vm6, $0xE, v34  }
0x455: {  	v34 =	vshll.u32 v34, $0x4  }
0x456: {  	vm7 =	vgt.f32 v33, $0.0e+00;
	v34 =	vadd.s32 v11, v34  }
0x457: {  	v34 =	vsel vm7, v34, v12  }
0x458: {  	v35 =	vcvt.s32.f32 v43;
	_ =	sdelay $0x1  }
0x459: {  	v33 =	vsub.f32 v33, v35;
	_ =	sdelay $0x1  }
0x45a: {  	[tilespmem:v34+s17+$0x0] =	vst.idx.add.f32.msk $0xffff, v33  }
0x45b: {  	v33 =	vld [tilespmem:s28+$0x4060];
	_ =	sdelay $0x4  }
0x45c: {  	v33 =	vsub.f32 $0.0e+00, v33;
	_ =	sdelay $0x1  }
0x45d: {  	v33 =	vmul.f32 $1.442695020e+00, v33;
	_ =	sdelay $0x1  }
0x45e: {  	(erf) = vpow2.f32 v33;
	_ =	sdelay $0x8  }
0x45f: {  	v33 =	vpop (erf)  }
0x460: {  	v33 =	vadd.f32 $1.000000000e+00, v33;
	_ =	sdelay $0x1  }
0x461: {  	(erf) = vrcp.f32 v33;
	_ =	sdelay $0x8  }
0x462: {  	v33 =	vpop (erf)  }
0x463: {  	v44 =	vmul.f32 $1.500000000e+01, v33;
	_ =	sdelay $0x1  }
0x464: {  	v34 =	vtrunc.f32 v44  }
0x465: {  	v34 =	vcvt.f32.s32 v34;
	_ =	sdelay $0x1  }
0x466: {  	v45 =	vld [tilespmem:s28+$0xC060];
	vm8 =	vlt.s32 v34, $0xE  }
0x467: {  	v34 =	vnsel vm8, $0xE, v34  }
0x468: {  	v34 =	vshll.u32 v34, $0x4  }
0x469: {  	vm9 =	vgt.f32 v33, $0.0e+00;
	v34 =	vadd.s32 v13, v34  }
0x46a: {  	v34 =	vsel vm9, v34, v14  }
0x46b: {  	v35 =	vcvt.s32.f32 v45;
	_ =	sdelay $0x1  }
0x46c: {  	v33 =	vsub.f32 v33, v35;
	_ =	sdelay $0x1  }
0x46d: {  	[tilespmem:v34+s17+$0x0] =	vst.idx.add.f32.msk $0xffff, v33  }
0x46e: {  	v33 =	vld [tilespmem:s28+$0x4070];
	_ =	sdelay $0x4  }
0x46f: {  	v33 =	vsub.f32 $0.0e+00, v33;
	_ =	sdelay $0x1  }
0x470: {  	v33 =	vmul.f32 $1.442695020e+00, v33;
	_ =	sdelay $0x1  }
0x471: {  	(erf) = vpow2.f32 v33;
	_ =	sdelay $0x8  }
0x472: {  	v33 =	vpop (erf)  }
0x473: {  	v33 =	vadd.f32 $1.000000000e+00, v33;
	_ =	sdelay $0x1  }
0x474: {  	(erf) = vrcp.f32 v33;
	_ =	sdelay $0x8  }
0x475: {  	v33 =	vpop (erf)  }
0x476: {  	v46 =	vmul.f32 $1.500000000e+01, v33;
	_ =	sdelay $0x1  }
0x477: {  	v34 =	vtrunc.f32 v46  }
0x478: {  	v34 =	vcvt.f32.s32 v34;
	_ =	sdelay $0x1  }
0x479: {  	v47 =	vld [tilespmem:s28+$0xC070];
	vm10 =	vlt.s32 v34, $0xE  }
0x47a: {  	v34 =	vnsel vm10, $0xE, v34  }
0x47b: {  	v34 =	vshll.u32 v34, $0x4  }
0x47c: {  	vm11 =	vgt.f32 v33, $0.0e+00;
	v34 =	vadd.s32 v15, v34  }
0x47d: {  	v34 =	vsel vm11, v34, v16  }
0x47e: {  	v35 =	vcvt.s32.f32 v47;
	_ =	sdelay $0x1  }
0x47f: {  	v33 =	vsub.f32 v33, v35;
	_ =	sdelay $0x1  }
0x480: {  	[tilespmem:v34+s17+$0x0] =	vst.idx.add.f32.msk $0xffff, v33  }
0x481: {  	v33 =	vld [tilespmem:s28+$0x4080];
	_ =	sdelay $0x4  }
0x482: {  	v33 =	vsub.f32 $0.0e+00, v33;
	_ =	sdelay $0x1  }
0x483: {  	v33 =	vmul.f32 $1.442695020e+00, v33;
	_ =	sdelay $0x1  }
0x484: {  	(erf) = vpow2.f32 v33;
	_ =	sdelay $0x8  }
0x485: {  	v33 =	vpop (erf)  }
0x486: {  	v33 =	vadd.f32 $1.000000000e+00, v33;
	_ =	sdelay $0x1  }
0x487: {  	(erf) = vrcp.f32 v33;
	_ =	sdelay $0x8  }
0x488: {  	v33 =	vpop (erf)  }
0x489: {  	v48 =	vmul.f32 $1.500000000e+01, v33;
	_ =	sdelay $0x1  }
0x48a: {  	v34 =	vtrunc.f32 v48  }
0x48b: {  	v34 =	vcvt.f32.s32 v34;
	_ =	sdelay $0x1  }
0x48c: {  	v49 =	vld [tilespmem:s28+$0xC080];
	vm12 =	vlt.s32 v34, $0xE  }
0x48d: {  	v34 =	vnsel vm12, $0xE, v34  }
0x48e: {  	v34 =	vshll.u32 v34, $0x4  }
0x48f: {  	vm13 =	vgt.f32 v33, $0.0e+00;
	v34 =	vadd.s32 v17, v34  }
0x490: {  	v34 =	vsel vm13, v34, v18  }
0x491: {  	v35 =	vcvt.s32.f32 v49;
	_ =	sdelay $0x1  }
0x492: {  	v33 =	vsub.f32 v33, v35;
	_ =	sdelay $0x1  }
0x493: {  	[tilespmem:v34+s17+$0x0] =	vst.idx.add.f32.msk $0xffff, v33  }
0x494: {  	v33 =	vld [tilespmem:s28+$0x4090];
	_ =	sdelay $0x4  }
0x495: {  	v33 =	vsub.f32 $0.0e+00, v33;
	_ =	sdelay $0x1  }
0x496: {  	v33 =	vmul.f32 $1.442695020e+00, v33;
	_ =	sdelay $0x1  }
0x497: {  	(erf) = vpow2.f32 v33;
	_ =	sdelay $0x8  }
0x498: {  	v33 =	vpop (erf)  }
0x499: {  	v33 =	vadd.f32 $1.000000000e+00, v33;
	_ =	sdelay $0x1  }
0x49a: {  	(erf) = vrcp.f32 v33;
	_ =	sdelay $0x8  }
0x49b: {  	v33 =	vpop (erf)  }
0x49c: {  	v50 =	vmul.f32 $1.500000000e+01, v33;
	_ =	sdelay $0x1  }
0x49d: {  	v34 =	vtrunc.f32 v50  }
0x49e: {  	v34 =	vcvt.f32.s32 v34;
	_ =	sdelay $0x1  }
0x49f: {  	v51 =	vld [tilespmem:s28+$0xC090];
	vm14 =	vlt.s32 v34, $0xE  }
0x4a0: {  	v34 =	vnsel vm14, $0xE, v34  }
0x4a1: {  	v34 =	vshll.u32 v34, $0x4  }
0x4a2: {  	vm15 =	vgt.f32 v33, $0.0e+00;
	v34 =	vadd.s32 v19, v34  }
0x4a3: {  	v34 =	vsel vm15, v34, v20  }
0x4a4: {  	v35 =	vcvt.s32.f32 v51;
	_ =	sdelay $0x1  }
0x4a5: {  	v33 =	vsub.f32 v33, v35;
	_ =	sdelay $0x1  }
0x4a6: {  	[tilespmem:v34+s17+$0x0] =	vst.idx.add.f32.msk $0xffff, v33  }
0x4a7: {  	v33 =	vld [tilespmem:s28+$0x40A0];
	_ =	sdelay $0x4  }
0x4a8: {  	v33 =	vsub.f32 $0.0e+00, v33;
	_ =	sdelay $0x1  }
0x4a9: {  	v33 =	vmul.f32 $1.442695020e+00, v33;
	_ =	sdelay $0x1  }
0x4aa: {  	(erf) = vpow2.f32 v33;
	_ =	sdelay $0x8  }
0x4ab: {  	v33 =	vpop (erf)  }
0x4ac: {  	v33 =	vadd.f32 $1.000000000e+00, v33;
	_ =	sdelay $0x1  }
0x4ad: {  	(erf) = vrcp.f32 v33;
	_ =	sdelay $0x8  }
0x4ae: {  	v33 =	vpop (erf)  }
0x4af: {  	v52 =	vmul.f32 $1.500000000e+01, v33;
	_ =	sdelay $0x1  }
0x4b0: {  	v34 =	vtrunc.f32 v52  }
0x4b1: {  	v34 =	vcvt.f32.s32 v34;
	_ =	sdelay $0x1  }
0x4b2: {  	v53 =	vld [tilespmem:s28+$0xC0A0];
	vm4 =	vlt.s32 v34, $0xE  }
0x4b3: {  	v34 =	vnsel vm4, $0xE, v34  }
0x4b4: {  	v34 =	vshll.u32 v34, $0x4  }
0x4b5: {  	vm5 =	vgt.f32 v33, $0.0e+00;
	v34 =	vadd.s32 v21, v34  }
0x4b6: {  	v34 =	vsel vm5, v34, v22  }
0x4b7: {  	v35 =	vcvt.s32.f32 v53;
	_ =	sdelay $0x1  }
0x4b8: {  	v33 =	vsub.f32 v33, v35;
	_ =	sdelay $0x1  }
0x4b9: {  	[tilespmem:v34+s17+$0x0] =	vst.idx.add.f32.msk $0xffff, v33  }
0x4ba: {  	v33 =	vld [tilespmem:s28+$0x40B0];
	_ =	sdelay $0x4  }
0x4bb: {  	v33 =	vsub.f32 $0.0e+00, v33;
	_ =	sdelay $0x1  }
0x4bc: {  	v33 =	vmul.f32 $1.442695020e+00, v33;
	_ =	sdelay $0x1  }
0x4bd: {  	(erf) = vpow2.f32 v33;
	_ =	sdelay $0x8  }
0x4be: {  	v33 =	vpop (erf)  }
0x4bf: {  	v33 =	vadd.f32 $1.000000000e+00, v33;
	_ =	sdelay $0x1  }
0x4c0: {  	(erf) = vrcp.f32 v33;
	_ =	sdelay $0x8  }
0x4c1: {  	v33 =	vpop (erf)  }
0x4c2: {  	v54 =	vmul.f32 $1.500000000e+01, v33;
	_ =	sdelay $0x1  }
0x4c3: {  	v34 =	vtrunc.f32 v54  }
0x4c4: {  	v34 =	vcvt.f32.s32 v34;
	_ =	sdelay $0x1  }
0x4c5: {  	v55 =	vld [tilespmem:s28+$0xC0B0];
	vm6 =	vlt.s32 v34, $0xE  }
0x4c6: {  	v34 =	vnsel vm6, $0xE, v34  }
0x4c7: {  	v34 =	vshll.u32 v34, $0x4  }
0x4c8: {  	vm7 =	vgt.f32 v33, $0.0e+00;
	v34 =	vadd.s32 v23, v34  }
0x4c9: {  	v34 =	vsel vm7, v34, v24  }
0x4ca: {  	v35 =	vcvt.s32.f32 v55;
	_ =	sdelay $0x1  }
0x4cb: {  	v33 =	vsub.f32 v33, v35;
	_ =	sdelay $0x1  }
0x4cc: {  	[tilespmem:v34+s17+$0x0] =	vst.idx.add.f32.msk $0xffff, v33  }
0x4cd: {  	v33 =	vld [tilespmem:s28+$0x40C0];
	_ =	sdelay $0x4  }
0x4ce: {  	v33 =	vsub.f32 $0.0e+00, v33;
	_ =	sdelay $0x1  }
0x4cf: {  	v33 =	vmul.f32 $1.442695020e+00, v33;
	_ =	sdelay $0x1  }
0x4d0: {  	(erf) = vpow2.f32 v33;
	_ =	sdelay $0x8  }
0x4d1: {  	v33 =	vpop (erf)  }
0x4d2: {  	v33 =	vadd.f32 $1.000000000e+00, v33;
	_ =	sdelay $0x1  }
0x4d3: {  	(erf) = vrcp.f32 v33;
	_ =	sdelay $0x8  }
0x4d4: {  	v33 =	vpop (erf)  }
0x4d5: {  	v56 =	vmul.f32 $1.500000000e+01, v33;
	_ =	sdelay $0x1  }
0x4d6: {  	v34 =	vtrunc.f32 v56  }
0x4d7: {  	v34 =	vcvt.f32.s32 v34;
	_ =	sdelay $0x1  }
0x4d8: {  	v57 =	vld [tilespmem:s28+$0xC0C0];
	vm8 =	vlt.s32 v34, $0xE  }
0x4d9: {  	v34 =	vnsel vm8, $0xE, v34  }
0x4da: {  	v34 =	vshll.u32 v34, $0x4  }
0x4db: {  	vm9 =	vgt.f32 v33, $0.0e+00;
	v34 =	vadd.s32 v25, v34  }
0x4dc: {  	v34 =	vsel vm9, v34, v26  }
0x4dd: {  	v35 =	vcvt.s32.f32 v57;
	_ =	sdelay $0x1  }
0x4de: {  	v33 =	vsub.f32 v33, v35;
	_ =	sdelay $0x1  }
0x4df: {  	[tilespmem:v34+s17+$0x0] =	vst.idx.add.f32.msk $0xffff, v33  }
0x4e0: {  	v33 =	vld [tilespmem:s28+$0x40D0];
	_ =	sdelay $0x4  }
0x4e1: {  	v33 =	vsub.f32 $0.0e+00, v33;
	_ =	sdelay $0x1  }
0x4e2: {  	v33 =	vmul.f32 $1.442695020e+00, v33;
	_ =	sdelay $0x1  }
0x4e3: {  	(erf) = vpow2.f32 v33;
	_ =	sdelay $0x8  }
0x4e4: {  	v33 =	vpop (erf)  }
0x4e5: {  	v33 =	vadd.f32 $1.000000000e+00, v33;
	_ =	sdelay $0x1  }
0x4e6: {  	(erf) = vrcp.f32 v33;
	_ =	sdelay $0x8  }
0x4e7: {  	v33 =	vpop (erf)  }
0x4e8: {  	v58 =	vmul.f32 $1.500000000e+01, v33;
	_ =	sdelay $0x1  }
0x4e9: {  	v34 =	vtrunc.f32 v58  }
0x4ea: {  	v34 =	vcvt.f32.s32 v34;
	_ =	sdelay $0x1  }
0x4eb: {  	v59 =	vld [tilespmem:s28+$0xC0D0];
	vm10 =	vlt.s32 v34, $0xE  }
0x4ec: {  	v34 =	vnsel vm10, $0xE, v34  }
0x4ed: {  	v34 =	vshll.u32 v34, $0x4  }
0x4ee: {  	vm11 =	vgt.f32 v33, $0.0e+00;
	v34 =	vadd.s32 v27, v34  }
0x4ef: {  	v34 =	vsel vm11, v34, v28  }
0x4f0: {  	v35 =	vcvt.s32.f32 v59;
	_ =	sdelay $0x1  }
0x4f1: {  	v33 =	vsub.f32 v33, v35;
	_ =	sdelay $0x1  }
0x4f2: {  	[tilespmem:v34+s17+$0x0] =	vst.idx.add.f32.msk $0xffff, v33  }
0x4f3: {  	v33 =	vld [tilespmem:s28+$0x40E0];
	_ =	sdelay $0x4  }
0x4f4: {  	v33 =	vsub.f32 $0.0e+00, v33;
	_ =	sdelay $0x1  }
0x4f5: {  	v33 =	vmul.f32 $1.442695020e+00, v33;
	_ =	sdelay $0x1  }
0x4f6: {  	(erf) = vpow2.f32 v33;
	_ =	sdelay $0x8  }
0x4f7: {  	v33 =	vpop (erf)  }
0x4f8: {  	v33 =	vadd.f32 $1.000000000e+00, v33;
	_ =	sdelay $0x1  }
0x4f9: {  	(erf) = vrcp.f32 v33;
	_ =	sdelay $0x8  }
0x4fa: {  	v33 =	vpop (erf)  }
0x4fb: {  	v60 =	vmul.f32 $1.500000000e+01, v33;
	_ =	sdelay $0x1  }
0x4fc: {  	v34 =	vtrunc.f32 v60  }
0x4fd: {  	v34 =	vcvt.f32.s32 v34;
	_ =	sdelay $0x1  }
0x4fe: {  	v61 =	vld [tilespmem:s28+$0xC0E0];
	vm12 =	vlt.s32 v34, $0xE  }
0x4ff: {  	v34 =	vnsel vm12, $0xE, v34  }
0x500: {  	v34 =	vshll.u32 v34, $0x4  }
0x501: {  	vm13 =	vgt.f32 v33, $0.0e+00;
	v34 =	vadd.s32 v29, v34  }
0x502: {  	v34 =	vsel vm13, v34, v30  }
0x503: {  	v35 =	vcvt.s32.f32 v61;
	_ =	sdelay $0x1  }
0x504: {  	v33 =	vsub.f32 v33, v35;
	_ =	sdelay $0x1  }
0x505: {  	[tilespmem:v34+s17+$0x0] =	vst.idx.add.f32.msk $0xffff, v33  }
0x506: {  	v33 =	vld [tilespmem:s28+$0x40F0];
	_ =	sdelay $0x4  }
0x507: {  	v33 =	vsub.f32 $0.0e+00, v33;
	_ =	sdelay $0x1  }
0x508: {  	v33 =	vmul.f32 $1.442695020e+00, v33;
	_ =	sdelay $0x1  }
0x509: {  	(erf) = vpow2.f32 v33;
	_ =	sdelay $0x8  }
0x50a: {  	v33 =	vpop (erf)  }
0x50b: {  	v33 =	vadd.f32 $1.000000000e+00, v33;
	_ =	sdelay $0x1  }
0x50c: {  	(erf) = vrcp.f32 v33;
	_ =	sdelay $0x8  }
0x50d: {  	v33 =	vpop (erf)  }
0x50e: {  	v62 =	vmul.f32 $1.500000000e+01, v33;
	_ =	sdelay $0x1  }
0x50f: {  	v34 =	vtrunc.f32 v62  }
0x510: {  	v34 =	vcvt.f32.s32 v34;
	_ =	sdelay $0x1  }
0x511: {  	v63 =	vld [tilespmem:s28+$0xC0F0];
	vm14 =	vlt.s32 v34, $0xE  }
0x512: {  	v34 =	vnsel vm14, $0xE, v34  }
0x513: {  	v34 =	vshll.u32 v34, $0x4  }
0x514: {  	vm15 =	vgt.f32 v33, $0.0e+00;
	v34 =	vadd.s32 v31, v34  }
0x515: {  	p1 =	sne.s32 s26, $0xFC00;
	v34 =	vsel vm15, v34, v32  }
.Ltmp3:
0x516: {  	v35 =	vcvt.s32.f32 v63;
	(pc) =	sbr.rel @p1 .LBB2_5-.Ltmp3, $3  }
0x517: {  	_ = 	snop  }
0x518: {  	v33 =	vsub.f32 v33, v35;
	_ =	sdelay $0x1  }
0x519: {  	s26 =	sadd.s32 $0x400, s26;
	[tilespmem:v34+s17+$0x0] =	vst.idx.add.f32.msk $0xffff, v33  }
.Ltmp4:
0x51a: {  	(pc) =	sbr.rel @p0 .LBB2_8-.Ltmp4, $1  }
0x51b: {  	_ =	sdelay $0x3  }
0x51c: {  	s25 =	sadd.s32 s25, s10  }
.Ltmp5:
0x51d: {  	s25 =	sshrl.u32 s25, $0x3;
	(pc) =	sbr.rel .LBB2_2-.Ltmp5, $4  }
0x51e: {  	s26 =	sadd.s32 s1, s25  }
0x51f: {  	[tilespmem:s14], [sflag:$0x2] =	stream.linear.gather [hbm4b:s26+s4], $0x4000, $0x38;
	[tilespmem:$0x11100] =	vst v63  }
0x520: {  	s24 =	sadd.s32 $0x1, s24;
	s25 =	sadd.s32 s3, s25  }
0x521: {  	[tilespmem:s15], [sflag:$0x2] =	stream.linear.gather [hbm4b:s25+s4], $0x4000, $0x38;
	[tilespmem:$0x11100] =	vst v63  }
.LBB2_9:
0x522: {  	_ =	sfence.sel $0x180000  }
0x523: {  	[bflag:$0x0] =	sbarrier.arrive $0xFFFF  }
0x524: {  	p0 =	sne.s32 s0, $0x0;
	_ =	strace $0x90000047  }
0x525: {  	s0 =	sadd.s32 @!p0 $0x100000, s2;
	[bflag:$0x2] =	sbarrier.arrive $0xFFFF  }
0x526: {  	[sflag:s0] =	ssyncadd.tile.s32 @!p0 $0x1;
	_ =	shalt  }
.Lfunc_end2:
_tile_overlayer_lowered:
.L_overlay_start_2:
0x527: {  	(tag) =	ssettag $0x2  }
0x528: {  	s0 =	rddreg [dreg:$0x0];
	s2 =	stileid.u32  }
0x529: {  	s1 =	rddreg [dreg:$0x1];
	p0 =	sne.s32 s2, $0x0  }
0x52a: {  	s3 =	rddreg [dreg:$0x2];
	[bflag:$0x3] =	sbarrier.arrive $0xFFFF;
	s2 =	simm.s32 @!p0 $0x1C03  }
0x52b: {  	[timem:s3], [sflag:s2] =	dma.local @!p0 [hbm:s0], s1  }
0x52c: {  	s0 =	simm.s32 @!p0 $0x3  }
0x52d: {  	_ =	swait.ge @!p0 [sflag:s0], s1  }
0x52e: {  	s1 =	ssub.s32 @!p0 $0x0, s1;
	[sflag:s0] =	ssyncset.done @!p0 $0x0  }
0x52f: {  	[sflag:s0] =	ssyncadd.s32 @!p0 s1  }
0x530: {  	[bflag:$0x3] =	sbarrier.arrive $0xFFFF  }
0x531: {  	_ =	shalt  }

</sc_bundles>
